<compile_context>
chip_gen: v7x
topology: tpu7x:2x2x1
jax: 0.10.2.dev20260603
libtpu: 0.0.44.dev20260713+nightly
codegen_flags: <defaults>
</compile_context>

<pallas_src>
import functools

import jax
import jax.numpy as jnp
from jax import lax
from jax.experimental import pallas as pl
from jax.experimental.pallas import tpu as pltpu
from jax.experimental.pallas import tpu_sc as plsc

_CONF = 0.05
_NMS_T = 0.5
_MAXC = 100
_MAXI = 300
_TOPK = 500
_NCLS = 80
_N5 = 5120
_NV5 = _N5 // 16
_NCAND = 512
_NVC = _NCAND // 16
_NW = 32


def _iota16():
    return lax.iota(jnp.int32, 16)


def _last(x):
    return jax.lax.squeeze(jax.lax.slice(x, (15,), (16,)), (0,))


def _sc_class(cls, bits_hbm, out_hbm, sb, bb, hist, gbuf, cs, cx1, cy1,
              cx2, cy2, car, ob):
    pltpu.sync_copy(bits_hbm.at[cls], sb)
    i16 = _iota16()
    ones16 = jnp.ones((16,), jnp.int32)

    def hist_pass(shift, psel_shift, psel_val):
        def zb(i, _):
            hist[pl.ds(i * 16, 16)] = jnp.zeros((16,), jnp.int32)
            return 0
        lax.fori_loop(0, 64, zb, 0)

        def hb(i, _):
            for u in range(4):
                b = sb[pl.ds((i * 4 + u) * 16, 16)]
                binv = (b >> shift) & 0x3FF
                if psel_shift is None:
                    plsc.addupdate_scatter(hist, [binv], ones16)
                else:
                    m = (b >> psel_shift) == jnp.full((16,), psel_val)
                    plsc.addupdate_scatter(hist, [binv], ones16, mask=m)
            return 0
        lax.fori_loop(0, 80, hb, 0)

        def cb(i, run):
            h = hist[pl.ds(i * 16, 16)]
            incl = plsc.cumsum(h) + jnp.full((16,), run)
            gbuf[pl.ds(i * 16, 16)] = incl
            return _last(incl)
        total = lax.fori_loop(0, 64, cb, jnp.int32(0))
        return total

    def find_bin(t, total):
        def fb(i, best):
            h = hist[pl.ds(i * 16, 16)]
            incl = gbuf[pl.ds(i * 16, 16)]
            suffix = jnp.full((16,), total) - incl + h
            binidx = jnp.full((16,), i * 16) + i16
            cand = jnp.where(suffix >= jnp.full((16,), t), binidx,
                             jnp.full((16,), -1))
            return jnp.maximum(best, cand)
        bestv = lax.fori_loop(0, 64, fb, jnp.full((16,), -1))
        bsel = jnp.max(bestv)
        inclb = jnp.max(plsc.load_gather(gbuf, [jnp.full((16,), bsel)]))
        return bsel, total - inclb

    t1 = jnp.int32(_TOPK)
    tot1 = hist_pass(20, None, None)
    b1, ab1 = find_bin(t1, tot1)
    t2 = t1 - ab1
    tot2 = hist_pass(10, 20, b1)
    b2, ab2 = find_bin(t2, tot2)
    t3 = t2 - ab2
    tot3 = hist_pass(0, 10, (b1 << 10) | b2)
    b3, ab3 = find_bin(t3, tot3)
    tau = (b1 << 20) | (b2 << 10) | b3
    budget = jnp.int32(_TOPK) - (ab1 + ab2 + ab3)

    def ib(i, _):
        cs[pl.ds(i * 16, 16)] = jnp.full((16,), -1.0, jnp.float32)
        return 0
    lax.fori_loop(0, _NVC, ib, 0)

    def ob_init(i, _):
        ob[pl.ds(i * 16, 16)] = jnp.full((16,), -jnp.inf, jnp.float32)
        return 0
    lax.fori_loop(0, 8, ob_init, 0)

    tauv = jnp.full((16,), tau)
    cnt_gt = ab1 + ab2 + ab3

    def comp(i, carry):
        off, tcar = carry
        for u in range(4):
            vi = i * 4 + u
            b = sb[pl.ds(vi * 16, 16)]
            gt = b > tauv
            tie = b == tauv
            packed = (jnp.where(gt, 1, 0) + jnp.where(tie, 65536, 0))
            cum = plsc.cumsum(packed)
            pos_gt = (cum & 0xFFFF) - 1 + jnp.full((16,), off)
            pos_tie = (cum >> 16) - 1 + jnp.full((16,), cnt_gt + tcar)
            pos = jnp.where(gt, pos_gt, pos_tie)
            mem = gt | (tie & (pos < _TOPK))
            idx = [pos]
            x1 = bb[0, pl.ds(vi * 16, 16)]
            y1 = bb[1, pl.ds(vi * 16, 16)]
            x2 = bb[2, pl.ds(vi * 16, 16)]
            y2 = bb[3, pl.ds(vi * 16, 16)]
            area = (jnp.maximum(x2 - x1, 0.0) * jnp.maximum(y2 - y1, 0.0))
            plsc.store_scatter(cs, idx, plsc.bitcast(b, jnp.float32),
                               mask=mem)
            plsc.store_scatter(cx1, idx, x1, mask=mem)
            plsc.store_scatter(cy1, idx, y1, mask=mem)
            plsc.store_scatter(cx2, idx, x2, mask=mem)
            plsc.store_scatter(cy2, idx, y2, mask=mem)
            plsc.store_scatter(car, idx, area, mask=mem)
            both = _last(cum)
            off = off + (both & 0xFFFF)
            tcar = tcar + (both >> 16)
        return off, tcar
    lax.fori_loop(0, _NV5 // 4, comp, (jnp.int32(0), jnp.int32(0)))

    def ab(j, c):
        best, bidx = c
        for u in range(4):
            jj = j * 4 + u
            v = cs[pl.ds(jj * 16, 16)]
            m = v > best
            best = jnp.where(m, v, best)
            bidx = jnp.where(m, jnp.full((16,), jj), bidx)
        return best, bidx
    best0, bidx0 = lax.fori_loop(
        0, _NVC // 4, ab,
        (jnp.full((16,), -2.0, jnp.float32), jnp.zeros((16,), jnp.int32)))

    def w_cond(carry):
        kept, go, _, _ = carry
        return go & (kept < _MAXC)

    def w_body(carry):
        kept, _, best, bidx = carry
        mv = jnp.max(best)
        go = mv > _CONF
        goi = jnp.where(go, 1, 0)
        gb = (jnp.full((16,), goi) > 0)
        mvb = jnp.full((16,), mv)
        fl = jnp.where(best == mvb, bidx * 16 + i16,
                       jnp.full((16,), 10 ** 6))
        flat = jnp.min(fl)
        fpv = jnp.full((16,), flat)
        fidx = [fpv]
        bx1 = plsc.load_gather(cx1, fidx)
        by1 = plsc.load_gather(cy1, fidx)
        bx2 = plsc.load_gather(cx2, fidx)
        by2 = plsc.load_gather(cy2, fidx)
        bar = plsc.load_gather(car, fidx)
        plsc.store_scatter(ob, [jnp.full((16,), kept)],
                           mvb, mask=(i16 == 0) & gb)

        def spb(j, c):
            nbest, nbidx = c
            for u in range(4):
                jj = j * 4 + u
                sl = pl.ds(jj * 16, 16)
                x1 = cx1[sl]
                y1 = cy1[sl]
                x2 = cx2[sl]
                y2 = cy2[sl]
                aj = car[sl]
                iw = jnp.maximum(jnp.minimum(x2, bx2) -
                                 jnp.maximum(x1, bx1), 0.0)
                ih = jnp.maximum(jnp.minimum(y2, by2) -
                                 jnp.maximum(y1, by1), 0.0)
                inter = iw * ih
                un = jnp.maximum(bar + aj - inter, 1e-9)
                sup = inter > _NMS_T * un
                isext = fpv == (jnp.full((16,), jj * 16) + i16)
                v = cs[sl]
                nv = jnp.where((sup | isext) & gb, -1.0, v)
                cs[sl] = nv
                m = nv > nbest
                nbest = jnp.where(m, nv, nbest)
                nbidx = jnp.where(m, jnp.full((16,), jj), nbidx)
            return nbest, nbidx
        nbest, nbidx = lax.fori_loop(
            0, _NVC // 4, spb,
            (jnp.full((16,), -2.0, jnp.float32), jnp.zeros((16,), jnp.int32)))

        return kept + goi, go, nbest, nbidx

    lax.while_loop(w_cond, w_body,
                   (jnp.int32(0), jnp.bool_(True), best0, bidx0))
    pltpu.sync_copy(ob, out_hbm.at[cls])


def _sc_body(bits_hbm, box_hbm, out_hbm, sb, bb, hist, gbuf, cs, cx1, cy1,
             cx2, cy2, car, ob):
    wid = lax.axis_index("s") * 2 + lax.axis_index("c")
    pltpu.sync_copy(box_hbm, bb)
    for trip in range(3):
        cls = wid + _NW * trip

        @pl.when(cls < _NCLS)
        def _():
            _sc_class(cls, bits_hbm, out_hbm, sb, bb, hist, gbuf, cs,
                      cx1, cy1, cx2, cy2, car, ob)


def _merge_body(pc_hbm, out_hbm, buf, ob2):
    wid = lax.axis_index("s") * 2 + lax.axis_index("c")

    @pl.when(wid == 0)
    def _():
        pltpu.sync_copy(pc_hbm, buf)
        i16 = _iota16()
        cvec = [jnp.full((16,), v * 16) + i16 for v in range(5)]

        def body(k, ptrs):
            heads = [plsc.load_gather(buf, [cvec[v], ptrs[v]])
                     for v in range(5)]
            hm = heads[0]
            for v in range(1, 5):
                hm = jnp.maximum(hm, heads[v])
            mv = jnp.max(hm)
            mvb = jnp.full((16,), mv)
            fl = jnp.full((16,), 10 ** 6)
            for v in range(5):
                fl = jnp.minimum(
                    fl, jnp.where(heads[v] == mvb, cvec[v],
                                  jnp.full((16,), 10 ** 6)))
            cbv = jnp.full((16,), jnp.min(fl))
            plsc.store_scatter(ob2, [jnp.full((16,), k)], mvb,
                               mask=(i16 == 0))
            new_ptrs = []
            for v in range(5):
                sel = cvec[v] == cbv
                new_ptrs.append(jnp.where(
                    sel, jnp.minimum(ptrs[v] + 1, 127), ptrs[v]))
            return tuple(new_ptrs)

        lax.fori_loop(0, _MAXI, body,
                      tuple(jnp.zeros((16,), jnp.int32) for _ in range(5)))
        pltpu.sync_copy(ob2, out_hbm)


def _finalize_kernel(v_ref, out_ref):
    v = v_ref[...]
    out_ref[...] = jnp.where(jnp.isfinite(v), v, 0.0)


@jax.jit
def kernel(scores, boxes):
    s = scores.reshape(-1, scores.shape[-1]).T
    st = jnp.concatenate(
        [s, jnp.zeros((_NCLS, _N5 - s.shape[1]), jnp.float32)], axis=1)
    bits = lax.bitcast_convert_type(st, jnp.int32)
    b = boxes.reshape(-1, 4).T
    bsoa = jnp.concatenate(
        [b, jnp.zeros((4, _N5 - b.shape[1]), jnp.float32)], axis=1)

    mesh = plsc.VectorSubcoreMesh(core_axis_name="c", subcore_axis_name="s",
                                  num_cores=2, num_subcores=16)
    sc_fn = pl.kernel(
        _sc_body,
        out_type=jax.ShapeDtypeStruct((_NCLS, 128), jnp.float32),
        mesh=mesh,
        compiler_params=pltpu.CompilerParams(needs_layout_passes=False),
        scratch_types=[
            pltpu.VMEM((_N5,), jnp.int32),
            pltpu.VMEM((4, _N5), jnp.float32),
            pltpu.VMEM((1024,), jnp.int32),
            pltpu.VMEM((1024,), jnp.int32),
            pltpu.VMEM((_NCAND,), jnp.float32),
            pltpu.VMEM((_NCAND,), jnp.float32),
            pltpu.VMEM((_NCAND,), jnp.float32),
            pltpu.VMEM((_NCAND,), jnp.float32),
            pltpu.VMEM((_NCAND,), jnp.float32),
            pltpu.VMEM((_NCAND,), jnp.float32),
            pltpu.VMEM((128,), jnp.float32),
        ],
    )
    per_class = sc_fn(bits, bsoa)

    merge_fn = pl.kernel(
        _merge_body,
        out_type=jax.ShapeDtypeStruct((512,), jnp.float32),
        mesh=mesh,
        compiler_params=pltpu.CompilerParams(needs_layout_passes=False),
        scratch_types=[
            pltpu.VMEM((_NCLS, 128), jnp.float32),
            pltpu.VMEM((512,), jnp.float32),
        ],
    )
    merged = merge_fn(per_class)

    out = pl.pallas_call(
        _finalize_kernel,
        out_shape=jax.ShapeDtypeStruct((4, 128), jnp.float32),
    )(merged.reshape(4, 128))
    return out.reshape(-1)[:_MAXI]

# --- scband reference (transcript-rebuilt; emitter-appended) ---
"""Pipeline reference for scband-nmswith-onnx-support-26706106647080 (READ-ONLY COPY).

The authoritative reference and input builder live on the scoring server;
editing this copy changes nothing except your own understanding.
"""

import jax, jax.numpy as jnp
import numpy as np

CONF_THRESH = 0.05
NMS_THRESH = 0.5
MAX_PER_CLASS = 100
MAX_PER_IMAGE = 300
PRE_NMS_TOPK = 500


def _iou_matrix(b):
    x1 = b[:, 0]; y1 = b[:, 1]; x2 = b[:, 2]; y2 = b[:, 3]
    area = jnp.maximum(x2 - x1, 0.0) * jnp.maximum(y2 - y1, 0.0)
    ix1 = jnp.maximum(x1[:, None], x1[None, :])
    iy1 = jnp.maximum(y1[:, None], y1[None, :])
    ix2 = jnp.minimum(x2[:, None], x2[None, :])
    iy2 = jnp.minimum(y2[:, None], y2[None, :])
    iw = jnp.maximum(ix2 - ix1, 0.0)
    ih = jnp.maximum(iy2 - iy1, 0.0)
    inter = iw * ih
    union = area[:, None] + area[None, :] - inter
    return inter / jnp.maximum(union, 1e-9)


def _per_class_nms(cls_scores, boxes):
    # cls_scores: [N], boxes: [N, 4]. Pre-filter to top PRE_NMS_TOPK candidates.
    top_s, top_i = jax.lax.top_k(cls_scores, PRE_NMS_TOPK)
    b = jnp.take(boxes, top_i, axis=0)
    iou = _iou_matrix(b)
    idx = jnp.arange(PRE_NMS_TOPK)

    def body(i, keep):
        active = keep[i]
        sup = (iou[i] > NMS_THRESH) & (idx > i)
        return jnp.where(active & sup, False, keep)

    keep = jax.lax.fori_loop(0, PRE_NMS_TOPK, body, jnp.ones((PRE_NMS_TOPK,), dtype=bool))
    rank = jnp.cumsum(keep.astype(jnp.int32)) - 1
    valid = keep & (rank < MAX_PER_CLASS) & (top_s > CONF_THRESH)
    return jnp.where(valid, top_s, -jnp.inf)


def setup_inputs(seed: int = 0) -> dict:
    key = jax.random.key(seed)
    k1, k2 = jax.random.split(key)
    scores = jax.random.uniform(k1, (1, 5000, 80), dtype=jnp.float32)
    boxes = jax.random.uniform(k2, (1, 5000, 4), dtype=jnp.float32)
    return {"scores": scores, "boxes": boxes}


def reference(scores, boxes):
    # Mirrors NMSWithOnnxSupport.forward: boxes reshaped to [1, -1, 4] inside cpu_nms;
    # returns only the surviving detection scores (padded to MAX_PER_IMAGE).
    s = scores.reshape(-1, scores.shape[-1])  # [N, C]
    b = boxes.reshape(-1, 4)                  # [N, 4]
    per_class = jax.vmap(_per_class_nms, in_axes=(1, None))(s, b)  # [C, PRE_NMS_TOPK]
    flat = per_class.reshape(-1)
    final, _ = jax.lax.top_k(flat, MAX_PER_IMAGE)
    return jnp.where(jnp.isfinite(final), final, 0.0)

if __name__ == "__main__":
    import jax
    _d = setup_inputs()
    print(jax.jit(kernel)(*tuple(_d.values())))

</pallas_src>

<mosaic_0001>
#map = affine_map<(d0, d1) -> (0, 0)>
#map1 = affine_map<(d0, d1) -> (0)>
module attributes {stable_mosaic.version = 14 : i64} {
  func.func @_merge_body(%arg0: i32, %arg1: i32, %arg2: memref<80x128xf32, #tpu.memory_space<hbm>>, %arg3: memref<512xf32, #tpu.memory_space<hbm>>, %arg4: memref<80x128xf32, #tpu.memory_space<vmem>>, %arg5: memref<512xf32, #tpu.memory_space<vmem>>) attributes {dimension_semantics = [#tpu.dimension_semantics<core_parallel>, #tpu.dimension_semantics<subcore_parallel>], iteration_bounds = array<i64: 2, 16>, scalar_prefetch = 0 : i64, scratch_operands = 2 : i64, tpu.core_type = #tpu.core_type<sc_vector_subcore>, window_params = [{transform_indices = #map}, {transform_indices = #map1}]} {
    %mul3A = arith.constant 2 : i32
    %mul3A_0 = arith.muli %arg1, %mul3A : i32
    %add3A = arith.addi %mul3A_0, %arg0 : i32
    %eq3A = arith.constant 0 : i32
    %eq3A_1 = arith.cmpi eq, %add3A, %eq3A : i32
    %convert_element_type3A = arith.extui %eq3A_1 : i1 to i32
    %cond3A = arith.constant 0 : i32
    %cond3A_2 = arith.cmpi ne, %convert_element_type3A, %cond3A : i32
    scf.if %cond3A_2 {
      "tpu.region"() ({
        %run_scoped3A = tpu.sem_alloc : memref<!tpu.dma_semaphore, #tpu.memory_space<semaphore_mem>>
        tpu.enqueue_dma source(%arg2 : memref<80x128xf32, #tpu.memory_space<hbm>>) target(%arg4 : memref<80x128xf32, #tpu.memory_space<vmem>>) target_semaphore(%run_scoped3A : memref<!tpu.dma_semaphore, #tpu.memory_space<semaphore_mem>>)
        tpu.wait_dma2 semaphore(%run_scoped3A : memref<!tpu.dma_semaphore, #tpu.memory_space<semaphore_mem>>) src(%arg2 : memref<80x128xf32, #tpu.memory_space<hbm>>) dst(%arg4 : memref<80x128xf32, #tpu.memory_space<vmem>>)
        tpu.yield
      }) : () -> ()
      %iota3A = tpu.iota {dimensions = array<i32: 0>} : vector<16xi32>
      %broadcast_in_dim3A = arith.constant 0 : i32
      %broadcast_in_dim3A_3 = vector.broadcast %broadcast_in_dim3A : i32 to vector<16xi32>
      %add3A_4 = arith.addi %broadcast_in_dim3A_3, %iota3A : vector<16xi32>
      %broadcast_in_dim3A_5 = arith.constant 16 : i32
      %broadcast_in_dim3A_6 = vector.broadcast %broadcast_in_dim3A_5 : i32 to vector<16xi32>
      %add3A_7 = arith.addi %broadcast_in_dim3A_6, %iota3A : vector<16xi32>
      %broadcast_in_dim3A_8 = arith.constant 32 : i32
      %broadcast_in_dim3A_9 = vector.broadcast %broadcast_in_dim3A_8 : i32 to vector<16xi32>
      %add3A_10 = arith.addi %broadcast_in_dim3A_9, %iota3A : vector<16xi32>
      %broadcast_in_dim3A_11 = arith.constant 48 : i32
      %broadcast_in_dim3A_12 = vector.broadcast %broadcast_in_dim3A_11 : i32 to vector<16xi32>
      %add3A_13 = arith.addi %broadcast_in_dim3A_12, %iota3A : vector<16xi32>
      %broadcast_in_dim3A_14 = arith.constant 64 : i32
      %broadcast_in_dim3A_15 = vector.broadcast %broadcast_in_dim3A_14 : i32 to vector<16xi32>
      %add3A_16 = arith.addi %broadcast_in_dim3A_15, %iota3A : vector<16xi32>
      %broadcast_in_dim3A_17 = arith.constant 0 : i32
      %broadcast_in_dim3A_18 = vector.broadcast %broadcast_in_dim3A_17 : i32 to vector<16xi32>
      %broadcast_in_dim3A_19 = arith.constant 0 : i32
      %broadcast_in_dim3A_20 = vector.broadcast %broadcast_in_dim3A_19 : i32 to vector<16xi32>
      %broadcast_in_dim3A_21 = arith.constant 0 : i32
      %broadcast_in_dim3A_22 = vector.broadcast %broadcast_in_dim3A_21 : i32 to vector<16xi32>
      %broadcast_in_dim3A_23 = arith.constant 0 : i32
      %broadcast_in_dim3A_24 = vector.broadcast %broadcast_in_dim3A_23 : i32 to vector<16xi32>
      %broadcast_in_dim3A_25 = arith.constant 0 : i32
      %broadcast_in_dim3A_26 = vector.broadcast %broadcast_in_dim3A_25 : i32 to vector<16xi32>
      %scan3A = arith.constant 0 : i32
      %scan3A_27 = arith.constant 300 : i32
      %scan3A_28 = arith.addi %scan3A, %scan3A_27 : i32
      %scan3A_29 = arith.constant 1 : i32
      %scan3A_30:5 = scf.for %scan3A_32 = %scan3A to %scan3A_28 step %scan3A_29 iter_args(%scan3A_33 = %broadcast_in_dim3A_18, %scan3A_34 = %broadcast_in_dim3A_20, %scan3A_35 = %broadcast_in_dim3A_22, %scan3A_36 = %broadcast_in_dim3A_24, %scan3A_37 = %broadcast_in_dim3A_26) -> (vector<16xi32>, vector<16xi32>, vector<16xi32>, vector<16xi32>, vector<16xi32>)  : i32 {
        %gather3A = tpu.vector_load_idx %arg4[%add3A_4, %scan3A_33] : memref<80x128xf32, #tpu.memory_space<vmem>>[vector<16xi32>, vector<16xi32>], vector<16xf32>,
        %gather3A_38 = tpu.vector_load_idx %arg4[%add3A_7, %scan3A_34] : memref<80x128xf32, #tpu.memory_space<vmem>>[vector<16xi32>, vector<16xi32>], vector<16xf32>,
        %gather3A_39 = tpu.vector_load_idx %arg4[%add3A_10, %scan3A_35] : memref<80x128xf32, #tpu.memory_space<vmem>>[vector<16xi32>, vector<16xi32>], vector<16xf32>,
        %gather3A_40 = tpu.vector_load_idx %arg4[%add3A_13, %scan3A_36] : memref<80x128xf32, #tpu.memory_space<vmem>>[vector<16xi32>, vector<16xi32>], vector<16xf32>,
        %gather3A_41 = tpu.vector_load_idx %arg4[%add3A_16, %scan3A_37] : memref<80x128xf32, #tpu.memory_space<vmem>>[vector<16xi32>, vector<16xi32>], vector<16xf32>,
        %max3A = arith.maximumf %gather3A, %gather3A_38 : vector<16xf32>
        %max3A_42 = arith.maximumf %max3A, %gather3A_39 : vector<16xf32>
        %max3A_43 = arith.maximumf %max3A_42, %gather3A_40 : vector<16xf32>
        %max3A_44 = arith.maximumf %max3A_43, %gather3A_41 : vector<16xf32>
        %reduce_max3A = arith.constant true
        %reduce_max3A_45 = vector.broadcast %reduce_max3A : i1 to vector<16xi1>
        %reduce_max3A_46 = tpu.scan <max>, %max3A_44 masked %reduce_max3A_45 : vector<16xf32>, vector<16xi1> -> vector<16xf32>
        %reduce_max3A_47 = vector.extract %reduce_max3A_46[15] : f32 from vector<16xf32>
        %broadcast_in_dim3A_48 = vector.broadcast %reduce_max3A_47 : f32 to vector<16xf32>
        %broadcast_in_dim3A_49 = arith.constant 1000000 : i32
        %broadcast_in_dim3A_50 = vector.broadcast %broadcast_in_dim3A_49 : i32 to vector<16xi32>
        %eq3A_51 = arith.cmpf oeq, %gather3A, %broadcast_in_dim3A_48 : vector<16xf32>
        %broadcast_in_dim3A_52 = arith.constant 1000000 : i32
        %broadcast_in_dim3A_53 = vector.broadcast %broadcast_in_dim3A_52 : i32 to vector<16xi32>
        %select_n3A = arith.select %eq3A_51, %add3A_4, %broadcast_in_dim3A_53 : vector<16xi1>, vector<16xi32>
        %min3A = arith.minsi %broadcast_in_dim3A_50, %select_n3A : vector<16xi32>
        %eq3A_54 = arith.cmpf oeq, %gather3A_38, %broadcast_in_dim3A_48 : vector<16xf32>
        %broadcast_in_dim3A_55 = arith.constant 1000000 : i32
        %broadcast_in_dim3A_56 = vector.broadcast %broadcast_in_dim3A_55 : i32 to vector<16xi32>
        %select_n3A_57 = arith.select %eq3A_54, %add3A_7, %broadcast_in_dim3A_56 : vector<16xi1>, vector<16xi32>
        %min3A_58 = arith.minsi %min3A, %select_n3A_57 : vector<16xi32>
        %eq3A_59 = arith.cmpf oeq, %gather3A_39, %broadcast_in_dim3A_48 : vector<16xf32>
        %broadcast_in_dim3A_60 = arith.constant 1000000 : i32
        %broadcast_in_dim3A_61 = vector.broadcast %broadcast_in_dim3A_60 : i32 to vector<16xi32>
        %select_n3A_62 = arith.select %eq3A_59, %add3A_10, %broadcast_in_dim3A_61 : vector<16xi1>, vector<16xi32>
        %min3A_63 = arith.minsi %min3A_58, %select_n3A_62 : vector<16xi32>
        %eq3A_64 = arith.cmpf oeq, %gather3A_40, %broadcast_in_dim3A_48 : vector<16xf32>
        %broadcast_in_dim3A_65 = arith.constant 1000000 : i32
        %broadcast_in_dim3A_66 = vector.broadcast %broadcast_in_dim3A_65 : i32 to vector<16xi32>
        %select_n3A_67 = arith.select %eq3A_64, %add3A_13, %broadcast_in_dim3A_66 : vector<16xi1>, vector<16xi32>
        %min3A_68 = arith.minsi %min3A_63, %select_n3A_67 : vector<16xi32>
        %eq3A_69 = arith.cmpf oeq, %gather3A_41, %broadcast_in_dim3A_48 : vector<16xf32>
        %broadcast_in_dim3A_70 = arith.constant 1000000 : i32
        %broadcast_in_dim3A_71 = vector.broadcast %broadcast_in_dim3A_70 : i32 to vector<16xi32>
        %select_n3A_72 = arith.select %eq3A_69, %add3A_16, %broadcast_in_dim3A_71 : vector<16xi1>, vector<16xi32>
        %min3A_73 = arith.minsi %min3A_68, %select_n3A_72 : vector<16xi32>
        %reduce_min3A = arith.constant true
        %reduce_min3A_74 = vector.broadcast %reduce_min3A : i1 to vector<16xi1>
        %reduce_min3A_75 = arith.constant -2147483648 : i32
        %reduce_min3A_76 = vector.broadcast %reduce_min3A_75 : i32 to vector<16xi32>
        %reduce_min3A_77 = arith.xori %min3A_73, %reduce_min3A_76 : vector<16xi32>
        %reduce_min3A_78 = tpu.scan <min>, %reduce_min3A_77 masked %reduce_min3A_74 : vector<16xi32>, vector<16xi1> -> vector<16xi32>
        %reduce_min3A_79 = arith.xori %reduce_min3A_78, %reduce_min3A_76 : vector<16xi32>
        %reduce_min3A_80 = vector.extract %reduce_min3A_79[15] : i32 from vector<16xi32>
        %broadcast_in_dim3A_81 = vector.broadcast %reduce_min3A_80 : i32 to vector<16xi32>
        %broadcast_in_dim3A_82 = vector.broadcast %scan3A_32 : i32 to vector<16xi32>
        %eq3A_83 = arith.constant 0 : i32
        %eq3A_84 = vector.broadcast %eq3A_83 : i32 to vector<16xi32>
        %eq3A_85 = arith.cmpi eq, %iota3A, %eq3A_84 : vector<16xi32>
        tpu.vector_store_idx %arg5[%broadcast_in_dim3A_82], %broadcast_in_dim3A_48 masked %eq3A_85 : memref<512xf32, #tpu.memory_space<vmem>>[vector<16xi32>], vector<16xf32>, vector<16xi1>
        %eq3A_86 = arith.cmpi eq, %add3A_4, %broadcast_in_dim3A_81 : vector<16xi32>
        %add3A_87 = arith.constant 1 : i32
        %add3A_88 = vector.broadcast %add3A_87 : i32 to vector<16xi32>
        %add3A_89 = arith.addi %scan3A_33, %add3A_88 : vector<16xi32>
        %min3A_90 = arith.constant 127 : i32
        %min3A_91 = vector.broadcast %min3A_90 : i32 to vector<16xi32>
        %min3A_92 = arith.minsi %add3A_89, %min3A_91 : vector<16xi32>
        %select_n3A_93 = arith.select %eq3A_86, %min3A_92, %scan3A_33 : vector<16xi1>, vector<16xi32>
        %eq3A_94 = arith.cmpi eq, %add3A_7, %broadcast_in_dim3A_81 : vector<16xi32>
        %add3A_95 = arith.constant 1 : i32
        %add3A_96 = vector.broadcast %add3A_95 : i32 to vector<16xi32>
        %add3A_97 = arith.addi %scan3A_34, %add3A_96 : vector<16xi32>
        %min3A_98 = arith.constant 127 : i32
        %min3A_99 = vector.broadcast %min3A_98 : i32 to vector<16xi32>
        %min3A_100 = arith.minsi %add3A_97, %min3A_99 : vector<16xi32>
        %select_n3A_101 = arith.select %eq3A_94, %min3A_100, %scan3A_34 : vector<16xi1>, vector<16xi32>
        %eq3A_102 = arith.cmpi eq, %add3A_10, %broadcast_in_dim3A_81 : vector<16xi32>
        %add3A_103 = arith.constant 1 : i32
        %add3A_104 = vector.broadcast %add3A_103 : i32 to vector<16xi32>
        %add3A_105 = arith.addi %scan3A_35, %add3A_104 : vector<16xi32>
        %min3A_106 = arith.constant 127 : i32
        %min3A_107 = vector.broadcast %min3A_106 : i32 to vector<16xi32>
        %min3A_108 = arith.minsi %add3A_105, %min3A_107 : vector<16xi32>
        %select_n3A_109 = arith.select %eq3A_102, %min3A_108, %scan3A_35 : vector<16xi1>, vector<16xi32>
        %eq3A_110 = arith.cmpi eq, %add3A_13, %broadcast_in_dim3A_81 : vector<16xi32>
        %add3A_111 = arith.constant 1 : i32
        %add3A_112 = vector.broadcast %add3A_111 : i32 to vector<16xi32>
        %add3A_113 = arith.addi %scan3A_36, %add3A_112 : vector<16xi32>
        %min3A_114 = arith.constant 127 : i32
        %min3A_115 = vector.broadcast %min3A_114 : i32 to vector<16xi32>
        %min3A_116 = arith.minsi %add3A_113, %min3A_115 : vector<16xi32>
        %select_n3A_117 = arith.select %eq3A_110, %min3A_116, %scan3A_36 : vector<16xi1>, vector<16xi32>
        %eq3A_118 = arith.cmpi eq, %add3A_16, %broadcast_in_dim3A_81 : vector<16xi32>
        %add3A_119 = arith.constant 1 : i32
        %add3A_120 = vector.broadcast %add3A_119 : i32 to vector<16xi32>
        %add3A_121 = arith.addi %scan3A_37, %add3A_120 : vector<16xi32>
        %min3A_122 = arith.constant 127 : i32
        %min3A_123 = vector.broadcast %min3A_122 : i32 to vector<16xi32>
        %min3A_124 = arith.minsi %add3A_121, %min3A_123 : vector<16xi32>
        %select_n3A_125 = arith.select %eq3A_118, %min3A_124, %scan3A_37 : vector<16xi1>, vector<16xi32>
        scf.yield %select_n3A_93, %select_n3A_101, %select_n3A_109, %select_n3A_117, %select_n3A_125 : vector<16xi32>, vector<16xi32>, vector<16xi32>, vector<16xi32>, vector<16xi32>
      }
      %scan3A_31 = arith.constant 300 : i32
      "tpu.region"() ({
        %run_scoped3A = tpu.sem_alloc : memref<!tpu.dma_semaphore, #tpu.memory_space<semaphore_mem>>
        tpu.enqueue_dma source(%arg5 : memref<512xf32, #tpu.memory_space<vmem>>) target(%arg3 : memref<512xf32, #tpu.memory_space<hbm>>) target_semaphore(%run_scoped3A : memref<!tpu.dma_semaphore, #tpu.memory_space<semaphore_mem>>)
        tpu.wait_dma2 semaphore(%run_scoped3A : memref<!tpu.dma_semaphore, #tpu.memory_space<semaphore_mem>>) src(%arg5 : memref<512xf32, #tpu.memory_space<vmem>>) dst(%arg3 : memref<512xf32, #tpu.memory_space<hbm>>)
        tpu.yield
      }) : () -> ()
    } else {
    }
    return
  }
}

#map = affine_map<(d0, d1) -> (0, 0)>
module attributes {stable_mosaic.version = 14 : i64} {
  func.func @_sc_body(%arg0: i32, %arg1: i32, %arg2: memref<80x5120xi32, #tpu.memory_space<hbm>>, %arg3: memref<4x5120xf32, #tpu.memory_space<hbm>>, %arg4: memref<80x128xf32, #tpu.memory_space<hbm>>, %arg5: memref<5120xi32, #tpu.memory_space<vmem>>, %arg6: memref<4x5120xf32, #tpu.memory_space<vmem>>, %arg7: memref<1024xi32, #tpu.memory_space<vmem>>, %arg8: memref<1024xi32, #tpu.memory_space<vmem>>, %arg9: memref<512xf32, #tpu.memory_space<vmem>>, %arg10: memref<512xf32, #tpu.memory_space<vmem>>, %arg11: memref<512xf32, #tpu.memory_space<vmem>>, %arg12: memref<512xf32, #tpu.memory_space<vmem>>, %arg13: memref<512xf32, #tpu.memory_space<vmem>>, %arg14: memref<512xf32, #tpu.memory_space<vmem>>, %arg15: memref<128xf32, #tpu.memory_space<vmem>>) attributes {dimension_semantics = [#tpu.dimension_semantics<core_parallel>, #tpu.dimension_semantics<subcore_parallel>], iteration_bounds = array<i64: 2, 16>, scalar_prefetch = 0 : i64, scratch_operands = 11 : i64, tpu.core_type = #tpu.core_type<sc_vector_subcore>, window_params = [{transform_indices = #map}, {transform_indices = #map}, {transform_indices = #map}]} {
    %mul3A = arith.constant 2 : i32
    %mul3A_0 = arith.muli %arg1, %mul3A : i32
    %add3A = arith.addi %mul3A_0, %arg0 : i32
    "tpu.region"() ({
      %run_scoped3A = tpu.sem_alloc : memref<!tpu.dma_semaphore, #tpu.memory_space<semaphore_mem>>
      tpu.enqueue_dma source(%arg3 : memref<4x5120xf32, #tpu.memory_space<hbm>>) target(%arg6 : memref<4x5120xf32, #tpu.memory_space<vmem>>) target_semaphore(%run_scoped3A : memref<!tpu.dma_semaphore, #tpu.memory_space<semaphore_mem>>)
      tpu.wait_dma2 semaphore(%run_scoped3A : memref<!tpu.dma_semaphore, #tpu.memory_space<semaphore_mem>>) src(%arg3 : memref<4x5120xf32, #tpu.memory_space<hbm>>) dst(%arg6 : memref<4x5120xf32, #tpu.memory_space<vmem>>)
      tpu.yield
    }) : () -> ()
    %add3A_1 = arith.constant 0 : i32
    %add3A_2 = arith.addi %add3A, %add3A_1 : i32
    %lt3A = arith.constant 80 : i32
    %lt3A_3 = arith.cmpi slt, %add3A_2, %lt3A : i32
    %convert_element_type3A = arith.extui %lt3A_3 : i1 to i32
    %cond3A = arith.constant 0 : i32
    %cond3A_4 = arith.cmpi ne, %convert_element_type3A, %cond3A : i32
    scf.if %cond3A_4 {
      "tpu.region"() ({
        %run_scoped3A = tpu.sem_alloc : memref<!tpu.dma_semaphore, #tpu.memory_space<semaphore_mem>>
        %dma_start3A = arith.constant 0 : i32
        %dma_start3A_212 = tpu.memref_slice %arg2[%add3A_2, %dma_start3A] : memref<80x5120xi32, #tpu.memory_space<hbm>> -> memref<1x5120xi32, #tpu.memory_space<hbm>>
        %dma_start3A_213 = tpu.memref_squeeze %dma_start3A_212 : memref<1x5120xi32, #tpu.memory_space<hbm>> -> memref<5120xi32, #tpu.memory_space<hbm>>
        %dma_start3A_214 = arith.constant 0 : i32
        %dma_start3A_215 = tpu.memref_slice %arg2[%add3A_2, %dma_start3A_214] : memref<80x5120xi32, #tpu.memory_space<hbm>> -> memref<1x5120xi32, #tpu.memory_space<hbm>>
        %dma_start3A_216 = tpu.memref_squeeze %dma_start3A_215 : memref<1x5120xi32, #tpu.memory_space<hbm>> -> memref<5120xi32, #tpu.memory_space<hbm>>
        tpu.enqueue_dma source(%dma_start3A_216 : memref<5120xi32, #tpu.memory_space<hbm>>) target(%arg5 : memref<5120xi32, #tpu.memory_space<vmem>>) target_semaphore(%run_scoped3A : memref<!tpu.dma_semaphore, #tpu.memory_space<semaphore_mem>>)
        %dma_wait3A = arith.constant 0 : i32
        %dma_wait3A_217 = tpu.memref_slice %arg2[%add3A_2, %dma_wait3A] : memref<80x5120xi32, #tpu.memory_space<hbm>> -> memref<1x5120xi32, #tpu.memory_space<hbm>>
        %dma_wait3A_218 = tpu.memref_squeeze %dma_wait3A_217 : memref<1x5120xi32, #tpu.memory_space<hbm>> -> memref<5120xi32, #tpu.memory_space<hbm>>
        %dma_wait3A_219 = arith.constant 0 : i32
        %dma_wait3A_220 = tpu.memref_slice %arg2[%add3A_2, %dma_wait3A_219] : memref<80x5120xi32, #tpu.memory_space<hbm>> -> memref<1x5120xi32, #tpu.memory_space<hbm>>
        %dma_wait3A_221 = tpu.memref_squeeze %dma_wait3A_220 : memref<1x5120xi32, #tpu.memory_space<hbm>> -> memref<5120xi32, #tpu.memory_space<hbm>>
        tpu.wait_dma2 semaphore(%run_scoped3A : memref<!tpu.dma_semaphore, #tpu.memory_space<semaphore_mem>>) src(%dma_wait3A_221 : memref<5120xi32, #tpu.memory_space<hbm>>) dst(%arg5 : memref<5120xi32, #tpu.memory_space<vmem>>)
        tpu.yield
      }) : () -> ()
      %iota3A = tpu.iota {dimensions = array<i32: 0>} : vector<16xi32>
      %broadcast_in_dim3A = arith.constant 1 : i32
      %broadcast_in_dim3A_19 = vector.broadcast %broadcast_in_dim3A : i32 to vector<16xi32>
      %scan3A = arith.constant 0 : i32
      %scan3A_20 = arith.constant 0 : i32
      %scan3A_21 = arith.constant 64 : i32
      %scan3A_22 = arith.addi %scan3A_20, %scan3A_21 : i32
      %scan3A_23 = arith.constant 1 : i32
      %scan3A_24 = scf.for %scan3A_212 = %scan3A_20 to %scan3A_22 step %scan3A_23 iter_args(%scan3A_213 = %scan3A) -> (i32)  : i32 {
        %broadcast_in_dim3A_214 = arith.constant 0 : i32
        %broadcast_in_dim3A_215 = vector.broadcast %broadcast_in_dim3A_214 : i32 to vector<16xi32>
        %mul3A_216 = arith.constant 16 : i32
        %mul3A_217 = arith.muli %scan3A_212, %mul3A_216 : i32
        %swap3A = arith.index_cast %mul3A_217 : i32 to index
        %swap3A_218 = tpu.vector_load %arg7[%swap3A] {strides = array<i32>} : memref<1024xi32, #tpu.memory_space<vmem>>, vector<16xi32>,
        tpu.vector_store %arg7[%swap3A], %broadcast_in_dim3A_215 {strides = array<i32>} : memref<1024xi32, #tpu.memory_space<vmem>>, vector<16xi32>,
        %scan3A_219 = arith.constant 0 : i32
        scf.yield %scan3A_219 : i32
      }
      %scan3A_25 = arith.constant 64 : i32
      %scan3A_26 = arith.constant 0 : i32
      %scan3A_27 = arith.constant 0 : i32
      %scan3A_28 = arith.constant 80 : i32
      %scan3A_29 = arith.addi %scan3A_27, %scan3A_28 : i32
      %scan3A_30 = arith.constant 1 : i32
      %scan3A_31 = scf.for %scan3A_212 = %scan3A_27 to %scan3A_29 step %scan3A_30 iter_args(%scan3A_213 = %scan3A_26) -> (i32)  : i32 {
        %mul3A_214 = arith.constant 4 : i32
        %mul3A_215 = arith.muli %scan3A_212, %mul3A_214 : i32
        %add3A_216 = arith.constant 0 : i32
        %add3A_217 = arith.addi %mul3A_215, %add3A_216 : i32
        %mul3A_218 = arith.constant 16 : i32
        %mul3A_219 = arith.muli %add3A_217, %mul3A_218 : i32
        %get3A = arith.index_cast %mul3A_219 : i32 to index
        %get3A_220 = tpu.vector_load %arg5[%get3A] {strides = array<i32>} : memref<5120xi32, #tpu.memory_space<vmem>>, vector<16xi32>,
        %shift_right_arithmetic3A = arith.constant 20 : i32
        %shift_right_arithmetic3A_221 = vector.broadcast %shift_right_arithmetic3A : i32 to vector<16xi32>
        %shift_right_arithmetic3A_222 = arith.shrsi %get3A_220, %shift_right_arithmetic3A_221 : vector<16xi32>
        %and3A = arith.constant 1023 : i32
        %and3A_223 = vector.broadcast %and3A : i32 to vector<16xi32>
        %and3A_224 = arith.andi %shift_right_arithmetic3A_222, %and3A_223 : vector<16xi32>
        tpu.vector_store_idx %arg7[%and3A_224], %broadcast_in_dim3A_19 {add = true} : memref<1024xi32, #tpu.memory_space<vmem>>[vector<16xi32>], vector<16xi32>,
        %mul3A_225 = arith.constant 4 : i32
        %mul3A_226 = arith.muli %scan3A_212, %mul3A_225 : i32
        %add3A_227 = arith.constant 1 : i32
        %add3A_228 = arith.addi %mul3A_226, %add3A_227 : i32
        %mul3A_229 = arith.constant 16 : i32
        %mul3A_230 = arith.muli %add3A_228, %mul3A_229 : i32
        %get3A_231 = arith.index_cast %mul3A_230 : i32 to index
        %get3A_232 = tpu.vector_load %arg5[%get3A_231] {strides = array<i32>} : memref<5120xi32, #tpu.memory_space<vmem>>, vector<16xi32>,
        %shift_right_arithmetic3A_233 = arith.constant 20 : i32
        %shift_right_arithmetic3A_234 = vector.broadcast %shift_right_arithmetic3A_233 : i32 to vector<16xi32>
        %shift_right_arithmetic3A_235 = arith.shrsi %get3A_232, %shift_right_arithmetic3A_234 : vector<16xi32>
        %and3A_236 = arith.constant 1023 : i32
        %and3A_237 = vector.broadcast %and3A_236 : i32 to vector<16xi32>
        %and3A_238 = arith.andi %shift_right_arithmetic3A_235, %and3A_237 : vector<16xi32>
        tpu.vector_store_idx %arg7[%and3A_238], %broadcast_in_dim3A_19 {add = true} : memref<1024xi32, #tpu.memory_space<vmem>>[vector<16xi32>], vector<16xi32>,
        %mul3A_239 = arith.constant 4 : i32
        %mul3A_240 = arith.muli %scan3A_212, %mul3A_239 : i32
        %add3A_241 = arith.constant 2 : i32
        %add3A_242 = arith.addi %mul3A_240, %add3A_241 : i32
        %mul3A_243 = arith.constant 16 : i32
        %mul3A_244 = arith.muli %add3A_242, %mul3A_243 : i32
        %get3A_245 = arith.index_cast %mul3A_244 : i32 to index
        %get3A_246 = tpu.vector_load %arg5[%get3A_245] {strides = array<i32>} : memref<5120xi32, #tpu.memory_space<vmem>>, vector<16xi32>,
        %shift_right_arithmetic3A_247 = arith.constant 20 : i32
        %shift_right_arithmetic3A_248 = vector.broadcast %shift_right_arithmetic3A_247 : i32 to vector<16xi32>
        %shift_right_arithmetic3A_249 = arith.shrsi %get3A_246, %shift_right_arithmetic3A_248 : vector<16xi32>
        %and3A_250 = arith.constant 1023 : i32
        %and3A_251 = vector.broadcast %and3A_250 : i32 to vector<16xi32>
        %and3A_252 = arith.andi %shift_right_arithmetic3A_249, %and3A_251 : vector<16xi32>
        tpu.vector_store_idx %arg7[%and3A_252], %broadcast_in_dim3A_19 {add = true} : memref<1024xi32, #tpu.memory_space<vmem>>[vector<16xi32>], vector<16xi32>,
        %mul3A_253 = arith.constant 4 : i32
        %mul3A_254 = arith.muli %scan3A_212, %mul3A_253 : i32
        %add3A_255 = arith.constant 3 : i32
        %add3A_256 = arith.addi %mul3A_254, %add3A_255 : i32
        %mul3A_257 = arith.constant 16 : i32
        %mul3A_258 = arith.muli %add3A_256, %mul3A_257 : i32
        %get3A_259 = arith.index_cast %mul3A_258 : i32 to index
        %get3A_260 = tpu.vector_load %arg5[%get3A_259] {strides = array<i32>} : memref<5120xi32, #tpu.memory_space<vmem>>, vector<16xi32>,
        %shift_right_arithmetic3A_261 = arith.constant 20 : i32
        %shift_right_arithmetic3A_262 = vector.broadcast %shift_right_arithmetic3A_261 : i32 to vector<16xi32>
        %shift_right_arithmetic3A_263 = arith.shrsi %get3A_260, %shift_right_arithmetic3A_262 : vector<16xi32>
        %and3A_264 = arith.constant 1023 : i32
        %and3A_265 = vector.broadcast %and3A_264 : i32 to vector<16xi32>
        %and3A_266 = arith.andi %shift_right_arithmetic3A_263, %and3A_265 : vector<16xi32>
        tpu.vector_store_idx %arg7[%and3A_266], %broadcast_in_dim3A_19 {add = true} : memref<1024xi32, #tpu.memory_space<vmem>>[vector<16xi32>], vector<16xi32>,
        %scan3A_267 = arith.constant 0 : i32
        scf.yield %scan3A_267 : i32
      }
      %scan3A_32 = arith.constant 80 : i32
      %scan3A_33 = arith.constant 0 : i32
      %scan3A_34 = arith.constant 0 : i32
      %scan3A_35 = arith.constant 64 : i32
      %scan3A_36 = arith.addi %scan3A_34, %scan3A_35 : i32
      %scan3A_37 = arith.constant 1 : i32
      %scan3A_38 = scf.for %scan3A_212 = %scan3A_34 to %scan3A_36 step %scan3A_37 iter_args(%scan3A_213 = %scan3A_33) -> (i32)  : i32 {
        %mul3A_214 = arith.constant 16 : i32
        %mul3A_215 = arith.muli %scan3A_212, %mul3A_214 : i32
        %get3A = arith.index_cast %mul3A_215 : i32 to index
        %get3A_216 = tpu.vector_load %arg7[%get3A] {strides = array<i32>} : memref<1024xi32, #tpu.memory_space<vmem>>, vector<16xi32>,
        %broadcast_in_dim3A_217 = arith.constant true
        %broadcast_in_dim3A_218 = vector.broadcast %broadcast_in_dim3A_217 : i1 to vector<16xi1>
        %masked_cumsum3A = tpu.scan <sum>, %get3A_216 masked %broadcast_in_dim3A_218 : vector<16xi32>, vector<16xi1> -> vector<16xi32>
        %broadcast_in_dim3A_219 = vector.broadcast %scan3A_213 : i32 to vector<16xi32>
        %add3A_220 = arith.addi %masked_cumsum3A, %broadcast_in_dim3A_219 : vector<16xi32>
        %mul3A_221 = arith.constant 16 : i32
        %mul3A_222 = arith.muli %scan3A_212, %mul3A_221 : i32
        %swap3A = arith.index_cast %mul3A_222 : i32 to index
        %swap3A_223 = tpu.vector_load %arg8[%swap3A] {strides = array<i32>} : memref<1024xi32, #tpu.memory_space<vmem>>, vector<16xi32>,
        tpu.vector_store %arg8[%swap3A], %add3A_220 {strides = array<i32>} : memref<1024xi32, #tpu.memory_space<vmem>>, vector<16xi32>,
        %slice3A = vector.extract_strided_slice %add3A_220 {offsets = [15], sizes = [1], strides = [1]} : vector<16xi32> to vector<1xi32>
        %squeeze3A = vector.extract %slice3A[0] : i32 from vector<1xi32>
        scf.yield %squeeze3A : i32
      }
      %scan3A_39 = arith.constant 64 : i32
      %broadcast_in_dim3A_40 = arith.constant -1 : i32
      %broadcast_in_dim3A_41 = vector.broadcast %broadcast_in_dim3A_40 : i32 to vector<16xi32>
      %scan3A_42 = arith.constant 500 : i32
      %scan3A_43 = arith.constant 0 : i32
      %scan3A_44 = arith.constant 64 : i32
      %scan3A_45 = arith.addi %scan3A_43, %scan3A_44 : i32
      %scan3A_46 = arith.constant 1 : i32
      %scan3A_47 = scf.for %scan3A_212 = %scan3A_43 to %scan3A_45 step %scan3A_46 iter_args(%scan3A_213 = %broadcast_in_dim3A_41) -> (vector<16xi32>)  : i32 {
        %mul3A_214 = arith.constant 16 : i32
        %mul3A_215 = arith.muli %scan3A_212, %mul3A_214 : i32
        %get3A = arith.index_cast %mul3A_215 : i32 to index
        %get3A_216 = tpu.vector_load %arg7[%get3A] {strides = array<i32>} : memref<1024xi32, #tpu.memory_space<vmem>>, vector<16xi32>,
        %mul3A_217 = arith.constant 16 : i32
        %mul3A_218 = arith.muli %scan3A_212, %mul3A_217 : i32
        %get3A_219 = arith.index_cast %mul3A_218 : i32 to index
        %get3A_220 = tpu.vector_load %arg8[%get3A_219] {strides = array<i32>} : memref<1024xi32, #tpu.memory_space<vmem>>, vector<16xi32>,
        %broadcast_in_dim3A_221 = vector.broadcast %scan3A_38 : i32 to vector<16xi32>
        %sub3A_222 = arith.subi %broadcast_in_dim3A_221, %get3A_220 : vector<16xi32>
        %add3A_223 = arith.addi %sub3A_222, %get3A_216 : vector<16xi32>
        %mul3A_224 = arith.constant 16 : i32
        %mul3A_225 = arith.muli %scan3A_212, %mul3A_224 : i32
        %broadcast_in_dim3A_226 = vector.broadcast %mul3A_225 : i32 to vector<16xi32>
        %add3A_227 = arith.addi %broadcast_in_dim3A_226, %iota3A : vector<16xi32>
        %broadcast_in_dim3A_228 = vector.broadcast %scan3A_42 : i32 to vector<16xi32>
        %ge3A = arith.cmpi sge, %add3A_223, %broadcast_in_dim3A_228 : vector<16xi32>
        %broadcast_in_dim3A_229 = arith.constant -1 : i32
        %broadcast_in_dim3A_230 = vector.broadcast %broadcast_in_dim3A_229 : i32 to vector<16xi32>
        %select_n3A = arith.select %ge3A, %add3A_227, %broadcast_in_dim3A_230 : vector<16xi1>, vector<16xi32>
        %max3A = arith.maxsi %scan3A_213, %select_n3A : vector<16xi32>
        scf.yield %max3A : vector<16xi32>
      }
      %scan3A_48 = arith.constant 64 : i32
      %reduce_max3A = arith.constant true
      %reduce_max3A_49 = vector.broadcast %reduce_max3A : i1 to vector<16xi1>
      %reduce_max3A_50 = arith.constant -2147483648 : i32
      %reduce_max3A_51 = vector.broadcast %reduce_max3A_50 : i32 to vector<16xi32>
      %reduce_max3A_52 = arith.xori %scan3A_47, %reduce_max3A_51 : vector<16xi32>
      %reduce_max3A_53 = tpu.scan <max>, %reduce_max3A_52 masked %reduce_max3A_49 : vector<16xi32>, vector<16xi1> -> vector<16xi32>
      %reduce_max3A_54 = arith.xori %reduce_max3A_53, %reduce_max3A_51 : vector<16xi32>
      %reduce_max3A_55 = vector.extract %reduce_max3A_54[15] : i32 from vector<16xi32>
      %broadcast_in_dim3A_56 = vector.broadcast %reduce_max3A_55 : i32 to vector<16xi32>
      %gather3A = tpu.vector_load_idx %arg8[%broadcast_in_dim3A_56] : memref<1024xi32, #tpu.memory_space<vmem>>[vector<16xi32>], vector<16xi32>,
      %reduce_max3A_57 = arith.constant true
      %reduce_max3A_58 = vector.broadcast %reduce_max3A_57 : i1 to vector<16xi1>
      %reduce_max3A_59 = arith.constant -2147483648 : i32
      %reduce_max3A_60 = vector.broadcast %reduce_max3A_59 : i32 to vector<16xi32>
      %reduce_max3A_61 = arith.xori %gather3A, %reduce_max3A_60 : vector<16xi32>
      %reduce_max3A_62 = tpu.scan <max>, %reduce_max3A_61 masked %reduce_max3A_58 : vector<16xi32>, vector<16xi1> -> vector<16xi32>
      %reduce_max3A_63 = arith.xori %reduce_max3A_62, %reduce_max3A_60 : vector<16xi32>
      %reduce_max3A_64 = vector.extract %reduce_max3A_63[15] : i32 from vector<16xi32>
      %sub3A = arith.subi %scan3A_38, %reduce_max3A_64 : i32
      %sub3A_65 = arith.constant 500 : i32
      %sub3A_66 = arith.subi %sub3A_65, %sub3A : i32
      %scan3A_67 = arith.constant 0 : i32
      %scan3A_68 = arith.constant 0 : i32
      %scan3A_69 = arith.constant 64 : i32
      %scan3A_70 = arith.addi %scan3A_68, %scan3A_69 : i32
      %scan3A_71 = arith.constant 1 : i32
      %scan3A_72 = scf.for %scan3A_212 = %scan3A_68 to %scan3A_70 step %scan3A_71 iter_args(%scan3A_213 = %scan3A_67) -> (i32)  : i32 {
        %broadcast_in_dim3A_214 = arith.constant 0 : i32
        %broadcast_in_dim3A_215 = vector.broadcast %broadcast_in_dim3A_214 : i32 to vector<16xi32>
        %mul3A_216 = arith.constant 16 : i32
        %mul3A_217 = arith.muli %scan3A_212, %mul3A_216 : i32
        %swap3A = arith.index_cast %mul3A_217 : i32 to index
        %swap3A_218 = tpu.vector_load %arg7[%swap3A] {strides = array<i32>} : memref<1024xi32, #tpu.memory_space<vmem>>, vector<16xi32>,
        tpu.vector_store %arg7[%swap3A], %broadcast_in_dim3A_215 {strides = array<i32>} : memref<1024xi32, #tpu.memory_space<vmem>>, vector<16xi32>,
        %scan3A_219 = arith.constant 0 : i32
        scf.yield %scan3A_219 : i32
      }
      %scan3A_73 = arith.constant 64 : i32
      %scan3A_74 = arith.constant 0 : i32
      %scan3A_75 = arith.constant 0 : i32
      %scan3A_76 = arith.constant 80 : i32
      %scan3A_77 = arith.addi %scan3A_75, %scan3A_76 : i32
      %scan3A_78 = arith.constant 1 : i32
      %scan3A_79 = scf.for %scan3A_212 = %scan3A_75 to %scan3A_77 step %scan3A_78 iter_args(%scan3A_213 = %scan3A_74) -> (i32)  : i32 {
        %mul3A_214 = arith.constant 4 : i32
        %mul3A_215 = arith.muli %scan3A_212, %mul3A_214 : i32
        %add3A_216 = arith.constant 0 : i32
        %add3A_217 = arith.addi %mul3A_215, %add3A_216 : i32
        %mul3A_218 = arith.constant 16 : i32
        %mul3A_219 = arith.muli %add3A_217, %mul3A_218 : i32
        %get3A = arith.index_cast %mul3A_219 : i32 to index
        %get3A_220 = tpu.vector_load %arg5[%get3A] {strides = array<i32>} : memref<5120xi32, #tpu.memory_space<vmem>>, vector<16xi32>,
        %shift_right_arithmetic3A = arith.constant 10 : i32
        %shift_right_arithmetic3A_221 = vector.broadcast %shift_right_arithmetic3A : i32 to vector<16xi32>
        %shift_right_arithmetic3A_222 = arith.shrsi %get3A_220, %shift_right_arithmetic3A_221 : vector<16xi32>
        %and3A = arith.constant 1023 : i32
        %and3A_223 = vector.broadcast %and3A : i32 to vector<16xi32>
        %and3A_224 = arith.andi %shift_right_arithmetic3A_222, %and3A_223 : vector<16xi32>
        %shift_right_arithmetic3A_225 = arith.constant 20 : i32
        %shift_right_arithmetic3A_226 = vector.broadcast %shift_right_arithmetic3A_225 : i32 to vector<16xi32>
        %shift_right_arithmetic3A_227 = arith.shrsi %get3A_220, %shift_right_arithmetic3A_226 : vector<16xi32>
        %broadcast_in_dim3A_228 = vector.broadcast %reduce_max3A_55 : i32 to vector<16xi32>
        %eq3A = arith.cmpi eq, %shift_right_arithmetic3A_227, %broadcast_in_dim3A_228 : vector<16xi32>
        tpu.vector_store_idx %arg7[%and3A_224], %broadcast_in_dim3A_19 masked %eq3A {add = true} : memref<1024xi32, #tpu.memory_space<vmem>>[vector<16xi32>], vector<16xi32>, vector<16xi1>
        %mul3A_229 = arith.constant 4 : i32
        %mul3A_230 = arith.muli %scan3A_212, %mul3A_229 : i32
        %add3A_231 = arith.constant 1 : i32
        %add3A_232 = arith.addi %mul3A_230, %add3A_231 : i32
        %mul3A_233 = arith.constant 16 : i32
        %mul3A_234 = arith.muli %add3A_232, %mul3A_233 : i32
        %get3A_235 = arith.index_cast %mul3A_234 : i32 to index
        %get3A_236 = tpu.vector_load %arg5[%get3A_235] {strides = array<i32>} : memref<5120xi32, #tpu.memory_space<vmem>>, vector<16xi32>,
        %shift_right_arithmetic3A_237 = arith.constant 10 : i32
        %shift_right_arithmetic3A_238 = vector.broadcast %shift_right_arithmetic3A_237 : i32 to vector<16xi32>
        %shift_right_arithmetic3A_239 = arith.shrsi %get3A_236, %shift_right_arithmetic3A_238 : vector<16xi32>
        %and3A_240 = arith.constant 1023 : i32
        %and3A_241 = vector.broadcast %and3A_240 : i32 to vector<16xi32>
        %and3A_242 = arith.andi %shift_right_arithmetic3A_239, %and3A_241 : vector<16xi32>
        %shift_right_arithmetic3A_243 = arith.constant 20 : i32
        %shift_right_arithmetic3A_244 = vector.broadcast %shift_right_arithmetic3A_243 : i32 to vector<16xi32>
        %shift_right_arithmetic3A_245 = arith.shrsi %get3A_236, %shift_right_arithmetic3A_244 : vector<16xi32>
        %broadcast_in_dim3A_246 = vector.broadcast %reduce_max3A_55 : i32 to vector<16xi32>
        %eq3A_247 = arith.cmpi eq, %shift_right_arithmetic3A_245, %broadcast_in_dim3A_246 : vector<16xi32>
        tpu.vector_store_idx %arg7[%and3A_242], %broadcast_in_dim3A_19 masked %eq3A_247 {add = true} : memref<1024xi32, #tpu.memory_space<vmem>>[vector<16xi32>], vector<16xi32>, vector<16xi1>
        %mul3A_248 = arith.constant 4 : i32
        %mul3A_249 = arith.muli %scan3A_212, %mul3A_248 : i32
        %add3A_250 = arith.constant 2 : i32
        %add3A_251 = arith.addi %mul3A_249, %add3A_250 : i32
        %mul3A_252 = arith.constant 16 : i32
        %mul3A_253 = arith.muli %add3A_251, %mul3A_252 : i32
        %get3A_254 = arith.index_cast %mul3A_253 : i32 to index
        %get3A_255 = tpu.vector_load %arg5[%get3A_254] {strides = array<i32>} : memref<5120xi32, #tpu.memory_space<vmem>>, vector<16xi32>,
        %shift_right_arithmetic3A_256 = arith.constant 10 : i32
        %shift_right_arithmetic3A_257 = vector.broadcast %shift_right_arithmetic3A_256 : i32 to vector<16xi32>
        %shift_right_arithmetic3A_258 = arith.shrsi %get3A_255, %shift_right_arithmetic3A_257 : vector<16xi32>
        %and3A_259 = arith.constant 1023 : i32
        %and3A_260 = vector.broadcast %and3A_259 : i32 to vector<16xi32>
        %and3A_261 = arith.andi %shift_right_arithmetic3A_258, %and3A_260 : vector<16xi32>
        %shift_right_arithmetic3A_262 = arith.constant 20 : i32
        %shift_right_arithmetic3A_263 = vector.broadcast %shift_right_arithmetic3A_262 : i32 to vector<16xi32>
        %shift_right_arithmetic3A_264 = arith.shrsi %get3A_255, %shift_right_arithmetic3A_263 : vector<16xi32>
        %broadcast_in_dim3A_265 = vector.broadcast %reduce_max3A_55 : i32 to vector<16xi32>
        %eq3A_266 = arith.cmpi eq, %shift_right_arithmetic3A_264, %broadcast_in_dim3A_265 : vector<16xi32>
        tpu.vector_store_idx %arg7[%and3A_261], %broadcast_in_dim3A_19 masked %eq3A_266 {add = true} : memref<1024xi32, #tpu.memory_space<vmem>>[vector<16xi32>], vector<16xi32>, vector<16xi1>
        %mul3A_267 = arith.constant 4 : i32
        %mul3A_268 = arith.muli %scan3A_212, %mul3A_267 : i32
        %add3A_269 = arith.constant 3 : i32
        %add3A_270 = arith.addi %mul3A_268, %add3A_269 : i32
        %mul3A_271 = arith.constant 16 : i32
        %mul3A_272 = arith.muli %add3A_270, %mul3A_271 : i32
        %get3A_273 = arith.index_cast %mul3A_272 : i32 to index
        %get3A_274 = tpu.vector_load %arg5[%get3A_273] {strides = array<i32>} : memref<5120xi32, #tpu.memory_space<vmem>>, vector<16xi32>,
        %shift_right_arithmetic3A_275 = arith.constant 10 : i32
        %shift_right_arithmetic3A_276 = vector.broadcast %shift_right_arithmetic3A_275 : i32 to vector<16xi32>
        %shift_right_arithmetic3A_277 = arith.shrsi %get3A_274, %shift_right_arithmetic3A_276 : vector<16xi32>
        %and3A_278 = arith.constant 1023 : i32
        %and3A_279 = vector.broadcast %and3A_278 : i32 to vector<16xi32>
        %and3A_280 = arith.andi %shift_right_arithmetic3A_277, %and3A_279 : vector<16xi32>
        %shift_right_arithmetic3A_281 = arith.constant 20 : i32
        %shift_right_arithmetic3A_282 = vector.broadcast %shift_right_arithmetic3A_281 : i32 to vector<16xi32>
        %shift_right_arithmetic3A_283 = arith.shrsi %get3A_274, %shift_right_arithmetic3A_282 : vector<16xi32>
        %broadcast_in_dim3A_284 = vector.broadcast %reduce_max3A_55 : i32 to vector<16xi32>
        %eq3A_285 = arith.cmpi eq, %shift_right_arithmetic3A_283, %broadcast_in_dim3A_284 : vector<16xi32>
        tpu.vector_store_idx %arg7[%and3A_280], %broadcast_in_dim3A_19 masked %eq3A_285 {add = true} : memref<1024xi32, #tpu.memory_space<vmem>>[vector<16xi32>], vector<16xi32>, vector<16xi1>
        %scan3A_286 = arith.constant 0 : i32
        scf.yield %scan3A_286 : i32
      }
      %scan3A_80 = arith.constant 80 : i32
      %scan3A_81 = arith.constant 0 : i32
      %scan3A_82 = arith.constant 0 : i32
      %scan3A_83 = arith.constant 64 : i32
      %scan3A_84 = arith.addi %scan3A_82, %scan3A_83 : i32
      %scan3A_85 = arith.constant 1 : i32
      %scan3A_86 = scf.for %scan3A_212 = %scan3A_82 to %scan3A_84 step %scan3A_85 iter_args(%scan3A_213 = %scan3A_81) -> (i32)  : i32 {
        %mul3A_214 = arith.constant 16 : i32
        %mul3A_215 = arith.muli %scan3A_212, %mul3A_214 : i32
        %get3A = arith.index_cast %mul3A_215 : i32 to index
        %get3A_216 = tpu.vector_load %arg7[%get3A] {strides = array<i32>} : memref<1024xi32, #tpu.memory_space<vmem>>, vector<16xi32>,
        %broadcast_in_dim3A_217 = arith.constant true
        %broadcast_in_dim3A_218 = vector.broadcast %broadcast_in_dim3A_217 : i1 to vector<16xi1>
        %masked_cumsum3A = tpu.scan <sum>, %get3A_216 masked %broadcast_in_dim3A_218 : vector<16xi32>, vector<16xi1> -> vector<16xi32>
        %broadcast_in_dim3A_219 = vector.broadcast %scan3A_213 : i32 to vector<16xi32>
        %add3A_220 = arith.addi %masked_cumsum3A, %broadcast_in_dim3A_219 : vector<16xi32>
        %mul3A_221 = arith.constant 16 : i32
        %mul3A_222 = arith.muli %scan3A_212, %mul3A_221 : i32
        %swap3A = arith.index_cast %mul3A_222 : i32 to index
        %swap3A_223 = tpu.vector_load %arg8[%swap3A] {strides = array<i32>} : memref<1024xi32, #tpu.memory_space<vmem>>, vector<16xi32>,
        tpu.vector_store %arg8[%swap3A], %add3A_220 {strides = array<i32>} : memref<1024xi32, #tpu.memory_space<vmem>>, vector<16xi32>,
        %slice3A = vector.extract_strided_slice %add3A_220 {offsets = [15], sizes = [1], strides = [1]} : vector<16xi32> to vector<1xi32>
        %squeeze3A = vector.extract %slice3A[0] : i32 from vector<1xi32>
        scf.yield %squeeze3A : i32
      }
      %scan3A_87 = arith.constant 64 : i32
      %broadcast_in_dim3A_88 = arith.constant -1 : i32
      %broadcast_in_dim3A_89 = vector.broadcast %broadcast_in_dim3A_88 : i32 to vector<16xi32>
      %scan3A_90 = arith.constant 0 : i32
      %scan3A_91 = arith.constant 64 : i32
      %scan3A_92 = arith.addi %scan3A_90, %scan3A_91 : i32
      %scan3A_93 = arith.constant 1 : i32
      %scan3A_94 = scf.for %scan3A_212 = %scan3A_90 to %scan3A_92 step %scan3A_93 iter_args(%scan3A_213 = %broadcast_in_dim3A_89) -> (vector<16xi32>)  : i32 {
        %mul3A_214 = arith.constant 16 : i32
        %mul3A_215 = arith.muli %scan3A_212, %mul3A_214 : i32
        %get3A = arith.index_cast %mul3A_215 : i32 to index
        %get3A_216 = tpu.vector_load %arg7[%get3A] {strides = array<i32>} : memref<1024xi32, #tpu.memory_space<vmem>>, vector<16xi32>,
        %mul3A_217 = arith.constant 16 : i32
        %mul3A_218 = arith.muli %scan3A_212, %mul3A_217 : i32
        %get3A_219 = arith.index_cast %mul3A_218 : i32 to index
        %get3A_220 = tpu.vector_load %arg8[%get3A_219] {strides = array<i32>} : memref<1024xi32, #tpu.memory_space<vmem>>, vector<16xi32>,
        %broadcast_in_dim3A_221 = vector.broadcast %scan3A_86 : i32 to vector<16xi32>
        %sub3A_222 = arith.subi %broadcast_in_dim3A_221, %get3A_220 : vector<16xi32>
        %add3A_223 = arith.addi %sub3A_222, %get3A_216 : vector<16xi32>
        %mul3A_224 = arith.constant 16 : i32
        %mul3A_225 = arith.muli %scan3A_212, %mul3A_224 : i32
        %broadcast_in_dim3A_226 = vector.broadcast %mul3A_225 : i32 to vector<16xi32>
        %add3A_227 = arith.addi %broadcast_in_dim3A_226, %iota3A : vector<16xi32>
        %broadcast_in_dim3A_228 = vector.broadcast %sub3A_66 : i32 to vector<16xi32>
        %ge3A = arith.cmpi sge, %add3A_223, %broadcast_in_dim3A_228 : vector<16xi32>
        %broadcast_in_dim3A_229 = arith.constant -1 : i32
        %broadcast_in_dim3A_230 = vector.broadcast %broadcast_in_dim3A_229 : i32 to vector<16xi32>
        %select_n3A = arith.select %ge3A, %add3A_227, %broadcast_in_dim3A_230 : vector<16xi1>, vector<16xi32>
        %max3A = arith.maxsi %scan3A_213, %select_n3A : vector<16xi32>
        scf.yield %max3A : vector<16xi32>
      }
      %scan3A_95 = arith.constant 64 : i32
      %reduce_max3A_96 = arith.constant true
      %reduce_max3A_97 = vector.broadcast %reduce_max3A_96 : i1 to vector<16xi1>
      %reduce_max3A_98 = arith.constant -2147483648 : i32
      %reduce_max3A_99 = vector.broadcast %reduce_max3A_98 : i32 to vector<16xi32>
      %reduce_max3A_100 = arith.xori %scan3A_94, %reduce_max3A_99 : vector<16xi32>
      %reduce_max3A_101 = tpu.scan <max>, %reduce_max3A_100 masked %reduce_max3A_97 : vector<16xi32>, vector<16xi1> -> vector<16xi32>
      %reduce_max3A_102 = arith.xori %reduce_max3A_101, %reduce_max3A_99 : vector<16xi32>
      %reduce_max3A_103 = vector.extract %reduce_max3A_102[15] : i32 from vector<16xi32>
      %broadcast_in_dim3A_104 = vector.broadcast %reduce_max3A_103 : i32 to vector<16xi32>
      %gather3A_105 = tpu.vector_load_idx %arg8[%broadcast_in_dim3A_104] : memref<1024xi32, #tpu.memory_space<vmem>>[vector<16xi32>], vector<16xi32>,
      %reduce_max3A_106 = arith.constant true
      %reduce_max3A_107 = vector.broadcast %reduce_max3A_106 : i1 to vector<16xi1>
      %reduce_max3A_108 = arith.constant -2147483648 : i32
      %reduce_max3A_109 = vector.broadcast %reduce_max3A_108 : i32 to vector<16xi32>
      %reduce_max3A_110 = arith.xori %gather3A_105, %reduce_max3A_109 : vector<16xi32>
      %reduce_max3A_111 = tpu.scan <max>, %reduce_max3A_110 masked %reduce_max3A_107 : vector<16xi32>, vector<16xi1> -> vector<16xi32>
      %reduce_max3A_112 = arith.xori %reduce_max3A_111, %reduce_max3A_109 : vector<16xi32>
      %reduce_max3A_113 = vector.extract %reduce_max3A_112[15] : i32 from vector<16xi32>
      %sub3A_114 = arith.subi %scan3A_86, %reduce_max3A_113 : i32
      %sub3A_115 = arith.subi %sub3A_66, %sub3A_114 : i32
      %shift_left3A = arith.constant 10 : i32
      %shift_left3A_116 = arith.shli %reduce_max3A_55, %shift_left3A : i32
      %or3A = arith.ori %shift_left3A_116, %reduce_max3A_103 : i32
      %scan3A_117 = arith.constant 0 : i32
      %scan3A_118 = arith.constant 0 : i32
      %scan3A_119 = arith.constant 64 : i32
      %scan3A_120 = arith.addi %scan3A_118, %scan3A_119 : i32
      %scan3A_121 = arith.constant 1 : i32
      %scan3A_122 = scf.for %scan3A_212 = %scan3A_118 to %scan3A_120 step %scan3A_121 iter_args(%scan3A_213 = %scan3A_117) -> (i32)  : i32 {
        %broadcast_in_dim3A_214 = arith.constant 0 : i32
        %broadcast_in_dim3A_215 = vector.broadcast %broadcast_in_dim3A_214 : i32 to vector<16xi32>
        %mul3A_216 = arith.constant 16 : i32
        %mul3A_217 = arith.muli %scan3A_212, %mul3A_216 : i32
        %swap3A = arith.index_cast %mul3A_217 : i32 to index
        %swap3A_218 = tpu.vector_load %arg7[%swap3A] {strides = array<i32>} : memref<1024xi32, #tpu.memory_space<vmem>>, vector<16xi32>,
        tpu.vector_store %arg7[%swap3A], %broadcast_in_dim3A_215 {strides = array<i32>} : memref<1024xi32, #tpu.memory_space<vmem>>, vector<16xi32>,
        %scan3A_219 = arith.constant 0 : i32
        scf.yield %scan3A_219 : i32
      }
      %scan3A_123 = arith.constant 64 : i32
      %scan3A_124 = arith.constant 0 : i32
      %scan3A_125 = arith.constant 0 : i32
      %scan3A_126 = arith.constant 80 : i32
      %scan3A_127 = arith.addi %scan3A_125, %scan3A_126 : i32
      %scan3A_128 = arith.constant 1 : i32
      %scan3A_129 = scf.for %scan3A_212 = %scan3A_125 to %scan3A_127 step %scan3A_128 iter_args(%scan3A_213 = %scan3A_124) -> (i32)  : i32 {
        %mul3A_214 = arith.constant 4 : i32
        %mul3A_215 = arith.muli %scan3A_212, %mul3A_214 : i32
        %add3A_216 = arith.constant 0 : i32
        %add3A_217 = arith.addi %mul3A_215, %add3A_216 : i32
        %mul3A_218 = arith.constant 16 : i32
        %mul3A_219 = arith.muli %add3A_217, %mul3A_218 : i32
        %get3A = arith.index_cast %mul3A_219 : i32 to index
        %get3A_220 = tpu.vector_load %arg5[%get3A] {strides = array<i32>} : memref<5120xi32, #tpu.memory_space<vmem>>, vector<16xi32>,
        %shift_right_arithmetic3A = arith.constant 0 : i32
        %shift_right_arithmetic3A_221 = vector.broadcast %shift_right_arithmetic3A : i32 to vector<16xi32>
        %shift_right_arithmetic3A_222 = arith.shrsi %get3A_220, %shift_right_arithmetic3A_221 : vector<16xi32>
        %and3A = arith.constant 1023 : i32
        %and3A_223 = vector.broadcast %and3A : i32 to vector<16xi32>
        %and3A_224 = arith.andi %shift_right_arithmetic3A_222, %and3A_223 : vector<16xi32>
        %shift_right_arithmetic3A_225 = arith.constant 10 : i32
        %shift_right_arithmetic3A_226 = vector.broadcast %shift_right_arithmetic3A_225 : i32 to vector<16xi32>
        %shift_right_arithmetic3A_227 = arith.shrsi %get3A_220, %shift_right_arithmetic3A_226 : vector<16xi32>
        %broadcast_in_dim3A_228 = vector.broadcast %or3A : i32 to vector<16xi32>
        %eq3A = arith.cmpi eq, %shift_right_arithmetic3A_227, %broadcast_in_dim3A_228 : vector<16xi32>
        tpu.vector_store_idx %arg7[%and3A_224], %broadcast_in_dim3A_19 masked %eq3A {add = true} : memref<1024xi32, #tpu.memory_space<vmem>>[vector<16xi32>], vector<16xi32>, vector<16xi1>
        %mul3A_229 = arith.constant 4 : i32
        %mul3A_230 = arith.muli %scan3A_212, %mul3A_229 : i32
        %add3A_231 = arith.constant 1 : i32
        %add3A_232 = arith.addi %mul3A_230, %add3A_231 : i32
        %mul3A_233 = arith.constant 16 : i32
        %mul3A_234 = arith.muli %add3A_232, %mul3A_233 : i32
        %get3A_235 = arith.index_cast %mul3A_234 : i32 to index
        %get3A_236 = tpu.vector_load %arg5[%get3A_235] {strides = array<i32>} : memref<5120xi32, #tpu.memory_space<vmem>>, vector<16xi32>,
        %shift_right_arithmetic3A_237 = arith.constant 0 : i32
        %shift_right_arithmetic3A_238 = vector.broadcast %shift_right_arithmetic3A_237 : i32 to vector<16xi32>
        %shift_right_arithmetic3A_239 = arith.shrsi %get3A_236, %shift_right_arithmetic3A_238 : vector<16xi32>
        %and3A_240 = arith.constant 1023 : i32
        %and3A_241 = vector.broadcast %and3A_240 : i32 to vector<16xi32>
        %and3A_242 = arith.andi %shift_right_arithmetic3A_239, %and3A_241 : vector<16xi32>
        %shift_right_arithmetic3A_243 = arith.constant 10 : i32
        %shift_right_arithmetic3A_244 = vector.broadcast %shift_right_arithmetic3A_243 : i32 to vector<16xi32>
        %shift_right_arithmetic3A_245 = arith.shrsi %get3A_236, %shift_right_arithmetic3A_244 : vector<16xi32>
        %broadcast_in_dim3A_246 = vector.broadcast %or3A : i32 to vector<16xi32>
        %eq3A_247 = arith.cmpi eq, %shift_right_arithmetic3A_245, %broadcast_in_dim3A_246 : vector<16xi32>
        tpu.vector_store_idx %arg7[%and3A_242], %broadcast_in_dim3A_19 masked %eq3A_247 {add = true} : memref<1024xi32, #tpu.memory_space<vmem>>[vector<16xi32>], vector<16xi32>, vector<16xi1>
        %mul3A_248 = arith.constant 4 : i32
        %mul3A_249 = arith.muli %scan3A_212, %mul3A_248 : i32
        %add3A_250 = arith.constant 2 : i32
        %add3A_251 = arith.addi %mul3A_249, %add3A_250 : i32
        %mul3A_252 = arith.constant 16 : i32
        %mul3A_253 = arith.muli %add3A_251, %mul3A_252 : i32
        %get3A_254 = arith.index_cast %mul3A_253 : i32 to index
        %get3A_255 = tpu.vector_load %arg5[%get3A_254] {strides = array<i32>} : memref<5120xi32, #tpu.memory_space<vmem>>, vector<16xi32>,
        %shift_right_arithmetic3A_256 = arith.constant 0 : i32
        %shift_right_arithmetic3A_257 = vector.broadcast %shift_right_arithmetic3A_256 : i32 to vector<16xi32>
        %shift_right_arithmetic3A_258 = arith.shrsi %get3A_255, %shift_right_arithmetic3A_257 : vector<16xi32>
        %and3A_259 = arith.constant 1023 : i32
        %and3A_260 = vector.broadcast %and3A_259 : i32 to vector<16xi32>
        %and3A_261 = arith.andi %shift_right_arithmetic3A_258, %and3A_260 : vector<16xi32>
        %shift_right_arithmetic3A_262 = arith.constant 10 : i32
        %shift_right_arithmetic3A_263 = vector.broadcast %shift_right_arithmetic3A_262 : i32 to vector<16xi32>
        %shift_right_arithmetic3A_264 = arith.shrsi %get3A_255, %shift_right_arithmetic3A_263 : vector<16xi32>
        %broadcast_in_dim3A_265 = vector.broadcast %or3A : i32 to vector<16xi32>
        %eq3A_266 = arith.cmpi eq, %shift_right_arithmetic3A_264, %broadcast_in_dim3A_265 : vector<16xi32>
        tpu.vector_store_idx %arg7[%and3A_261], %broadcast_in_dim3A_19 masked %eq3A_266 {add = true} : memref<1024xi32, #tpu.memory_space<vmem>>[vector<16xi32>], vector<16xi32>, vector<16xi1>
        %mul3A_267 = arith.constant 4 : i32
        %mul3A_268 = arith.muli %scan3A_212, %mul3A_267 : i32
        %add3A_269 = arith.constant 3 : i32
        %add3A_270 = arith.addi %mul3A_268, %add3A_269 : i32
        %mul3A_271 = arith.constant 16 : i32
        %mul3A_272 = arith.muli %add3A_270, %mul3A_271 : i32
        %get3A_273 = arith.index_cast %mul3A_272 : i32 to index
        %get3A_274 = tpu.vector_load %arg5[%get3A_273] {strides = array<i32>} : memref<5120xi32, #tpu.memory_space<vmem>>, vector<16xi32>,
        %shift_right_arithmetic3A_275 = arith.constant 0 : i32
        %shift_right_arithmetic3A_276 = vector.broadcast %shift_right_arithmetic3A_275 : i32 to vector<16xi32>
        %shift_right_arithmetic3A_277 = arith.shrsi %get3A_274, %shift_right_arithmetic3A_276 : vector<16xi32>
        %and3A_278 = arith.constant 1023 : i32
        %and3A_279 = vector.broadcast %and3A_278 : i32 to vector<16xi32>
        %and3A_280 = arith.andi %shift_right_arithmetic3A_277, %and3A_279 : vector<16xi32>
        %shift_right_arithmetic3A_281 = arith.constant 10 : i32
        %shift_right_arithmetic3A_282 = vector.broadcast %shift_right_arithmetic3A_281 : i32 to vector<16xi32>
        %shift_right_arithmetic3A_283 = arith.shrsi %get3A_274, %shift_right_arithmetic3A_282 : vector<16xi32>
        %broadcast_in_dim3A_284 = vector.broadcast %or3A : i32 to vector<16xi32>
        %eq3A_285 = arith.cmpi eq, %shift_right_arithmetic3A_283, %broadcast_in_dim3A_284 : vector<16xi32>
        tpu.vector_store_idx %arg7[%and3A_280], %broadcast_in_dim3A_19 masked %eq3A_285 {add = true} : memref<1024xi32, #tpu.memory_space<vmem>>[vector<16xi32>], vector<16xi32>, vector<16xi1>
        %scan3A_286 = arith.constant 0 : i32
        scf.yield %scan3A_286 : i32
      }
      %scan3A_130 = arith.constant 80 : i32
      %scan3A_131 = arith.constant 0 : i32
      %scan3A_132 = arith.constant 0 : i32
      %scan3A_133 = arith.constant 64 : i32
      %scan3A_134 = arith.addi %scan3A_132, %scan3A_133 : i32
      %scan3A_135 = arith.constant 1 : i32
      %scan3A_136 = scf.for %scan3A_212 = %scan3A_132 to %scan3A_134 step %scan3A_135 iter_args(%scan3A_213 = %scan3A_131) -> (i32)  : i32 {
        %mul3A_214 = arith.constant 16 : i32
        %mul3A_215 = arith.muli %scan3A_212, %mul3A_214 : i32
        %get3A = arith.index_cast %mul3A_215 : i32 to index
        %get3A_216 = tpu.vector_load %arg7[%get3A] {strides = array<i32>} : memref<1024xi32, #tpu.memory_space<vmem>>, vector<16xi32>,
        %broadcast_in_dim3A_217 = arith.constant true
        %broadcast_in_dim3A_218 = vector.broadcast %broadcast_in_dim3A_217 : i1 to vector<16xi1>
        %masked_cumsum3A = tpu.scan <sum>, %get3A_216 masked %broadcast_in_dim3A_218 : vector<16xi32>, vector<16xi1> -> vector<16xi32>
        %broadcast_in_dim3A_219 = vector.broadcast %scan3A_213 : i32 to vector<16xi32>
        %add3A_220 = arith.addi %masked_cumsum3A, %broadcast_in_dim3A_219 : vector<16xi32>
        %mul3A_221 = arith.constant 16 : i32
        %mul3A_222 = arith.muli %scan3A_212, %mul3A_221 : i32
        %swap3A = arith.index_cast %mul3A_222 : i32 to index
        %swap3A_223 = tpu.vector_load %arg8[%swap3A] {strides = array<i32>} : memref<1024xi32, #tpu.memory_space<vmem>>, vector<16xi32>,
        tpu.vector_store %arg8[%swap3A], %add3A_220 {strides = array<i32>} : memref<1024xi32, #tpu.memory_space<vmem>>, vector<16xi32>,
        %slice3A = vector.extract_strided_slice %add3A_220 {offsets = [15], sizes = [1], strides = [1]} : vector<16xi32> to vector<1xi32>
        %squeeze3A = vector.extract %slice3A[0] : i32 from vector<1xi32>
        scf.yield %squeeze3A : i32
      }
      %scan3A_137 = arith.constant 64 : i32
      %broadcast_in_dim3A_138 = arith.constant -1 : i32
      %broadcast_in_dim3A_139 = vector.broadcast %broadcast_in_dim3A_138 : i32 to vector<16xi32>
      %scan3A_140 = arith.constant 0 : i32
      %scan3A_141 = arith.constant 64 : i32
      %scan3A_142 = arith.addi %scan3A_140, %scan3A_141 : i32
      %scan3A_143 = arith.constant 1 : i32
      %scan3A_144 = scf.for %scan3A_212 = %scan3A_140 to %scan3A_142 step %scan3A_143 iter_args(%scan3A_213 = %broadcast_in_dim3A_139) -> (vector<16xi32>)  : i32 {
        %mul3A_214 = arith.constant 16 : i32
        %mul3A_215 = arith.muli %scan3A_212, %mul3A_214 : i32
        %get3A = arith.index_cast %mul3A_215 : i32 to index
        %get3A_216 = tpu.vector_load %arg7[%get3A] {strides = array<i32>} : memref<1024xi32, #tpu.memory_space<vmem>>, vector<16xi32>,
        %mul3A_217 = arith.constant 16 : i32
        %mul3A_218 = arith.muli %scan3A_212, %mul3A_217 : i32
        %get3A_219 = arith.index_cast %mul3A_218 : i32 to index
        %get3A_220 = tpu.vector_load %arg8[%get3A_219] {strides = array<i32>} : memref<1024xi32, #tpu.memory_space<vmem>>, vector<16xi32>,
        %broadcast_in_dim3A_221 = vector.broadcast %scan3A_136 : i32 to vector<16xi32>
        %sub3A_222 = arith.subi %broadcast_in_dim3A_221, %get3A_220 : vector<16xi32>
        %add3A_223 = arith.addi %sub3A_222, %get3A_216 : vector<16xi32>
        %mul3A_224 = arith.constant 16 : i32
        %mul3A_225 = arith.muli %scan3A_212, %mul3A_224 : i32
        %broadcast_in_dim3A_226 = vector.broadcast %mul3A_225 : i32 to vector<16xi32>
        %add3A_227 = arith.addi %broadcast_in_dim3A_226, %iota3A : vector<16xi32>
        %broadcast_in_dim3A_228 = vector.broadcast %sub3A_115 : i32 to vector<16xi32>
        %ge3A = arith.cmpi sge, %add3A_223, %broadcast_in_dim3A_228 : vector<16xi32>
        %broadcast_in_dim3A_229 = arith.constant -1 : i32
        %broadcast_in_dim3A_230 = vector.broadcast %broadcast_in_dim3A_229 : i32 to vector<16xi32>
        %select_n3A = arith.select %ge3A, %add3A_227, %broadcast_in_dim3A_230 : vector<16xi1>, vector<16xi32>
        %max3A = arith.maxsi %scan3A_213, %select_n3A : vector<16xi32>
        scf.yield %max3A : vector<16xi32>
      }
      %scan3A_145 = arith.constant 64 : i32
      %reduce_max3A_146 = arith.constant true
      %reduce_max3A_147 = vector.broadcast %reduce_max3A_146 : i1 to vector<16xi1>
      %reduce_max3A_148 = arith.constant -2147483648 : i32
      %reduce_max3A_149 = vector.broadcast %reduce_max3A_148 : i32 to vector<16xi32>
      %reduce_max3A_150 = arith.xori %scan3A_144, %reduce_max3A_149 : vector<16xi32>
      %reduce_max3A_151 = tpu.scan <max>, %reduce_max3A_150 masked %reduce_max3A_147 : vector<16xi32>, vector<16xi1> -> vector<16xi32>
      %reduce_max3A_152 = arith.xori %reduce_max3A_151, %reduce_max3A_149 : vector<16xi32>
      %reduce_max3A_153 = vector.extract %reduce_max3A_152[15] : i32 from vector<16xi32>
      %broadcast_in_dim3A_154 = vector.broadcast %reduce_max3A_153 : i32 to vector<16xi32>
      %gather3A_155 = tpu.vector_load_idx %arg8[%broadcast_in_dim3A_154] : memref<1024xi32, #tpu.memory_space<vmem>>[vector<16xi32>], vector<16xi32>,
      %reduce_max3A_156 = arith.constant true
      %reduce_max3A_157 = vector.broadcast %reduce_max3A_156 : i1 to vector<16xi1>
      %reduce_max3A_158 = arith.constant -2147483648 : i32
      %reduce_max3A_159 = vector.broadcast %reduce_max3A_158 : i32 to vector<16xi32>
      %reduce_max3A_160 = arith.xori %gather3A_155, %reduce_max3A_159 : vector<16xi32>
      %reduce_max3A_161 = tpu.scan <max>, %reduce_max3A_160 masked %reduce_max3A_157 : vector<16xi32>, vector<16xi1> -> vector<16xi32>
      %reduce_max3A_162 = arith.xori %reduce_max3A_161, %reduce_max3A_159 : vector<16xi32>
      %reduce_max3A_163 = vector.extract %reduce_max3A_162[15] : i32 from vector<16xi32>
      %sub3A_164 = arith.subi %scan3A_136, %reduce_max3A_163 : i32
      %shift_left3A_165 = arith.constant 20 : i32
      %shift_left3A_166 = arith.shli %reduce_max3A_55, %shift_left3A_165 : i32
      %shift_left3A_167 = arith.constant 10 : i32
      %shift_left3A_168 = arith.shli %reduce_max3A_103, %shift_left3A_167 : i32
      %or3A_169 = arith.ori %shift_left3A_166, %shift_left3A_168 : i32
      %or3A_170 = arith.ori %or3A_169, %reduce_max3A_153 : i32
      %add3A_171 = arith.addi %sub3A, %sub3A_114 : i32
      %add3A_172 = arith.addi %add3A_171, %sub3A_164 : i32
      %sub3A_173 = arith.constant 500 : i32
      %sub3A_174 = arith.subi %sub3A_173, %add3A_172 : i32
      %scan3A_175 = arith.constant 0 : i32
      %scan3A_176 = arith.constant 0 : i32
      %scan3A_177 = arith.constant 32 : i32
      %scan3A_178 = arith.addi %scan3A_176, %scan3A_177 : i32
      %scan3A_179 = arith.constant 1 : i32
      %scan3A_180 = scf.for %scan3A_212 = %scan3A_176 to %scan3A_178 step %scan3A_179 iter_args(%scan3A_213 = %scan3A_175) -> (i32)  : i32 {
        %broadcast_in_dim3A_214 = arith.constant -1.000000e+00 : f32
        %broadcast_in_dim3A_215 = vector.broadcast %broadcast_in_dim3A_214 : f32 to vector<16xf32>
        %mul3A_216 = arith.constant 16 : i32
        %mul3A_217 = arith.muli %scan3A_212, %mul3A_216 : i32
        %swap3A = arith.index_cast %mul3A_217 : i32 to index
        %swap3A_218 = tpu.vector_load %arg9[%swap3A] {strides = array<i32>} : memref<512xf32, #tpu.memory_space<vmem>>, vector<16xf32>,
        tpu.vector_store %arg9[%swap3A], %broadcast_in_dim3A_215 {strides = array<i32>} : memref<512xf32, #tpu.memory_space<vmem>>, vector<16xf32>,
        %scan3A_219 = arith.constant 0 : i32
        scf.yield %scan3A_219 : i32
      }
      %scan3A_181 = arith.constant 32 : i32
      %scan3A_182 = arith.constant 0 : i32
      %scan3A_183 = arith.constant 0 : i32
      %scan3A_184 = arith.constant 8 : i32
      %scan3A_185 = arith.addi %scan3A_183, %scan3A_184 : i32
      %scan3A_186 = arith.constant 1 : i32
      %scan3A_187 = scf.for %scan3A_212 = %scan3A_183 to %scan3A_185 step %scan3A_186 iter_args(%scan3A_213 = %scan3A_182) -> (i32)  : i32 {
        %broadcast_in_dim3A_214 = arith.constant 0xFF800000 : f32
        %broadcast_in_dim3A_215 = vector.broadcast %broadcast_in_dim3A_214 : f32 to vector<16xf32>
        %mul3A_216 = arith.constant 16 : i32
        %mul3A_217 = arith.muli %scan3A_212, %mul3A_216 : i32
        %swap3A = arith.index_cast %mul3A_217 : i32 to index
        %swap3A_218 = tpu.vector_load %arg15[%swap3A] {strides = array<i32>} : memref<128xf32, #tpu.memory_space<vmem>>, vector<16xf32>,
        tpu.vector_store %arg15[%swap3A], %broadcast_in_dim3A_215 {strides = array<i32>} : memref<128xf32, #tpu.memory_space<vmem>>, vector<16xf32>,
        %scan3A_219 = arith.constant 0 : i32
        scf.yield %scan3A_219 : i32
      }
      %scan3A_188 = arith.constant 8 : i32
      %broadcast_in_dim3A_189 = vector.broadcast %or3A_170 : i32 to vector<16xi32>
      %add3A_190 = arith.addi %sub3A, %sub3A_114 : i32
      %add3A_191 = arith.addi %add3A_190, %sub3A_164 : i32
      %scan3A_192 = arith.constant 0 : i32
      %scan3A_193 = arith.constant 0 : i32
      %scan3A_194 = arith.constant 0 : i32
      %scan3A_195 = arith.constant 80 : i32
      %scan3A_196 = arith.addi %scan3A_194, %scan3A_195 : i32
      %scan3A_197 = arith.constant 1 : i32
      %scan3A_198:2 = scf.for %scan3A_212 = %scan3A_194 to %scan3A_196 step %scan3A_197 iter_args(%scan3A_213 = %scan3A_192, %scan3A_214 = %scan3A_193) -> (i32, i32)  : i32 {
        %mul3A_215 = arith.constant 4 : i32
        %mul3A_216 = arith.muli %scan3A_212, %mul3A_215 : i32
        %add3A_217 = arith.constant 0 : i32
        %add3A_218 = arith.addi %mul3A_216, %add3A_217 : i32
        %mul3A_219 = arith.constant 16 : i32
        %mul3A_220 = arith.muli %add3A_218, %mul3A_219 : i32
        %get3A = arith.index_cast %mul3A_220 : i32 to index
        %get3A_221 = tpu.vector_load %arg5[%get3A] {strides = array<i32>} : memref<5120xi32, #tpu.memory_space<vmem>>, vector<16xi32>,
        %gt3A = arith.cmpi sgt, %get3A_221, %broadcast_in_dim3A_189 : vector<16xi32>
        %eq3A = arith.cmpi eq, %get3A_221, %broadcast_in_dim3A_189 : vector<16xi32>
        %jit3A = arith.constant 1 : i32
        %jit3A_222 = arith.constant 0 : i32
        %broadcast_in_dim3A_223 = vector.broadcast %jit3A : i32 to vector<16xi32>
        %broadcast_in_dim3A_224 = vector.broadcast %jit3A_222 : i32 to vector<16xi32>
        %select_n3A = arith.select %gt3A, %broadcast_in_dim3A_223, %broadcast_in_dim3A_224 : vector<16xi1>, vector<16xi32>
        %jit3A_225 = arith.constant 65536 : i32
        %jit3A_226 = arith.constant 0 : i32
        %broadcast_in_dim3A_227 = vector.broadcast %jit3A_225 : i32 to vector<16xi32>
        %broadcast_in_dim3A_228 = vector.broadcast %jit3A_226 : i32 to vector<16xi32>
        %select_n3A_229 = arith.select %eq3A, %broadcast_in_dim3A_227, %broadcast_in_dim3A_228 : vector<16xi1>, vector<16xi32>
        %add3A_230 = arith.addi %select_n3A, %select_n3A_229 : vector<16xi32>
        %broadcast_in_dim3A_231 = arith.constant true
        %broadcast_in_dim3A_232 = vector.broadcast %broadcast_in_dim3A_231 : i1 to vector<16xi1>
        %masked_cumsum3A = tpu.scan <sum>, %add3A_230 masked %broadcast_in_dim3A_232 : vector<16xi32>, vector<16xi1> -> vector<16xi32>
        %and3A = arith.constant 65535 : i32
        %and3A_233 = vector.broadcast %and3A : i32 to vector<16xi32>
        %and3A_234 = arith.andi %masked_cumsum3A, %and3A_233 : vector<16xi32>
        %sub3A_235 = arith.constant 1 : i32
        %sub3A_236 = vector.broadcast %sub3A_235 : i32 to vector<16xi32>
        %sub3A_237 = arith.subi %and3A_234, %sub3A_236 : vector<16xi32>
        %broadcast_in_dim3A_238 = vector.broadcast %scan3A_213 : i32 to vector<16xi32>
        %add3A_239 = arith.addi %sub3A_237, %broadcast_in_dim3A_238 : vector<16xi32>
        %shift_right_arithmetic3A = arith.constant 16 : i32
        %shift_right_arithmetic3A_240 = vector.broadcast %shift_right_arithmetic3A : i32 to vector<16xi32>
        %shift_right_arithmetic3A_241 = arith.shrsi %masked_cumsum3A, %shift_right_arithmetic3A_240 : vector<16xi32>
        %sub3A_242 = arith.constant 1 : i32
        %sub3A_243 = vector.broadcast %sub3A_242 : i32 to vector<16xi32>
        %sub3A_244 = arith.subi %shift_right_arithmetic3A_241, %sub3A_243 : vector<16xi32>
        %add3A_245 = arith.addi %add3A_191, %scan3A_214 : i32
        %broadcast_in_dim3A_246 = vector.broadcast %add3A_245 : i32 to vector<16xi32>
        %add3A_247 = arith.addi %sub3A_244, %broadcast_in_dim3A_246 : vector<16xi32>
        %select_n3A_248 = arith.select %gt3A, %add3A_239, %add3A_247 : vector<16xi1>, vector<16xi32>
        %lt3A_249 = arith.constant 500 : i32
        %lt3A_250 = vector.broadcast %lt3A_249 : i32 to vector<16xi32>
        %lt3A_251 = arith.cmpi slt, %select_n3A_248, %lt3A_250 : vector<16xi32>
        %and3A_252 = arith.andi %eq3A, %lt3A_251 : vector<16xi1>
        %or3A_253 = arith.ori %gt3A, %and3A_252 : vector<16xi1>
        %mul3A_254 = arith.constant 16 : i32
        %mul3A_255 = arith.muli %add3A_218, %mul3A_254 : i32
        %get3A_256 = arith.constant 0 : i32
        %get3A_257 = arith.index_cast %get3A_256 : i32 to index
        %get3A_258 = arith.index_cast %mul3A_255 : i32 to index
        %get3A_259 = tpu.vector_load %arg6[%get3A_257, %get3A_258] {strides = array<i32>} : memref<4x5120xf32, #tpu.memory_space<vmem>>, vector<16xf32>,
        %mul3A_260 = arith.constant 16 : i32
        %mul3A_261 = arith.muli %add3A_218, %mul3A_260 : i32
        %get3A_262 = arith.constant 1 : i32
        %get3A_263 = arith.index_cast %get3A_262 : i32 to index
        %get3A_264 = arith.index_cast %mul3A_261 : i32 to index
        %get3A_265 = tpu.vector_load %arg6[%get3A_263, %get3A_264] {strides = array<i32>} : memref<4x5120xf32, #tpu.memory_space<vmem>>, vector<16xf32>,
        %mul3A_266 = arith.constant 16 : i32
        %mul3A_267 = arith.muli %add3A_218, %mul3A_266 : i32
        %get3A_268 = arith.constant 2 : i32
        %get3A_269 = arith.index_cast %get3A_268 : i32 to index
        %get3A_270 = arith.index_cast %mul3A_267 : i32 to index
        %get3A_271 = tpu.vector_load %arg6[%get3A_269, %get3A_270] {strides = array<i32>} : memref<4x5120xf32, #tpu.memory_space<vmem>>, vector<16xf32>,
        %mul3A_272 = arith.constant 16 : i32
        %mul3A_273 = arith.muli %add3A_218, %mul3A_272 : i32
        %get3A_274 = arith.constant 3 : i32
        %get3A_275 = arith.index_cast %get3A_274 : i32 to index
        %get3A_276 = arith.index_cast %mul3A_273 : i32 to index
        %get3A_277 = tpu.vector_load %arg6[%get3A_275, %get3A_276] {strides = array<i32>} : memref<4x5120xf32, #tpu.memory_space<vmem>>, vector<16xf32>,
        %sub3A_278 = arith.subf %get3A_271, %get3A_259 : vector<16xf32>
        %max3A = arith.constant 0.000000e+00 : f32
        %max3A_279 = vector.broadcast %max3A : f32 to vector<16xf32>
        %max3A_280 = arith.maximumf %sub3A_278, %max3A_279 : vector<16xf32>
        %sub3A_281 = arith.subf %get3A_277, %get3A_265 : vector<16xf32>
        %max3A_282 = arith.constant 0.000000e+00 : f32
        %max3A_283 = vector.broadcast %max3A_282 : f32 to vector<16xf32>
        %max3A_284 = arith.maximumf %sub3A_281, %max3A_283 : vector<16xf32>
        %mul3A_285 = arith.mulf %max3A_280, %max3A_284 : vector<16xf32>
        %bitcast3A = vector.bitcast %get3A_221 : vector<16xi32> to vector<16xf32>
        tpu.vector_store_idx %arg9[%select_n3A_248], %bitcast3A masked %or3A_253 : memref<512xf32, #tpu.memory_space<vmem>>[vector<16xi32>], vector<16xf32>, vector<16xi1>
        tpu.vector_store_idx %arg10[%select_n3A_248], %get3A_259 masked %or3A_253 : memref<512xf32, #tpu.memory_space<vmem>>[vector<16xi32>], vector<16xf32>, vector<16xi1>
        tpu.vector_store_idx %arg11[%select_n3A_248], %get3A_265 masked %or3A_253 : memref<512xf32, #tpu.memory_space<vmem>>[vector<16xi32>], vector<16xf32>, vector<16xi1>
        tpu.vector_store_idx %arg12[%select_n3A_248], %get3A_271 masked %or3A_253 : memref<512xf32, #tpu.memory_space<vmem>>[vector<16xi32>], vector<16xf32>, vector<16xi1>
        tpu.vector_store_idx %arg13[%select_n3A_248], %get3A_277 masked %or3A_253 : memref<512xf32, #tpu.memory_space<vmem>>[vector<16xi32>], vector<16xf32>, vector<16xi1>
        tpu.vector_store_idx %arg14[%select_n3A_248], %mul3A_285 masked %or3A_253 : memref<512xf32, #tpu.memory_space<vmem>>[vector<16xi32>], vector<16xf32>, vector<16xi1>
        %slice3A = vector.extract_strided_slice %masked_cumsum3A {offsets = [15], sizes = [1], strides = [1]} : vector<16xi32> to vector<1xi32>
        %squeeze3A = vector.extract %slice3A[0] : i32 from vector<1xi32>
        %and3A_286 = arith.constant 65535 : i32
        %and3A_287 = arith.andi %squeeze3A, %and3A_286 : i32
        %add3A_288 = arith.addi %scan3A_213, %and3A_287 : i32
        %shift_right_arithmetic3A_289 = arith.constant 16 : i32
        %shift_right_arithmetic3A_290 = arith.shrsi %squeeze3A, %shift_right_arithmetic3A_289 : i32
        %add3A_291 = arith.addi %scan3A_214, %shift_right_arithmetic3A_290 : i32
        %mul3A_292 = arith.constant 4 : i32
        %mul3A_293 = arith.muli %scan3A_212, %mul3A_292 : i32
        %add3A_294 = arith.constant 1 : i32
        %add3A_295 = arith.addi %mul3A_293, %add3A_294 : i32
        %mul3A_296 = arith.constant 16 : i32
        %mul3A_297 = arith.muli %add3A_295, %mul3A_296 : i32
        %get3A_298 = arith.index_cast %mul3A_297 : i32 to index
        %get3A_299 = tpu.vector_load %arg5[%get3A_298] {strides = array<i32>} : memref<5120xi32, #tpu.memory_space<vmem>>, vector<16xi32>,
        %gt3A_300 = arith.cmpi sgt, %get3A_299, %broadcast_in_dim3A_189 : vector<16xi32>
        %eq3A_301 = arith.cmpi eq, %get3A_299, %broadcast_in_dim3A_189 : vector<16xi32>
        %jit3A_302 = arith.constant 1 : i32
        %jit3A_303 = arith.constant 0 : i32
        %broadcast_in_dim3A_304 = vector.broadcast %jit3A_302 : i32 to vector<16xi32>
        %broadcast_in_dim3A_305 = vector.broadcast %jit3A_303 : i32 to vector<16xi32>
        %select_n3A_306 = arith.select %gt3A_300, %broadcast_in_dim3A_304, %broadcast_in_dim3A_305 : vector<16xi1>, vector<16xi32>
        %jit3A_307 = arith.constant 65536 : i32
        %jit3A_308 = arith.constant 0 : i32
        %broadcast_in_dim3A_309 = vector.broadcast %jit3A_307 : i32 to vector<16xi32>
        %broadcast_in_dim3A_310 = vector.broadcast %jit3A_308 : i32 to vector<16xi32>
        %select_n3A_311 = arith.select %eq3A_301, %broadcast_in_dim3A_309, %broadcast_in_dim3A_310 : vector<16xi1>, vector<16xi32>
        %add3A_312 = arith.addi %select_n3A_306, %select_n3A_311 : vector<16xi32>
        %broadcast_in_dim3A_313 = arith.constant true
        %broadcast_in_dim3A_314 = vector.broadcast %broadcast_in_dim3A_313 : i1 to vector<16xi1>
        %masked_cumsum3A_315 = tpu.scan <sum>, %add3A_312 masked %broadcast_in_dim3A_314 : vector<16xi32>, vector<16xi1> -> vector<16xi32>
        %and3A_316 = arith.constant 65535 : i32
        %and3A_317 = vector.broadcast %and3A_316 : i32 to vector<16xi32>
        %and3A_318 = arith.andi %masked_cumsum3A_315, %and3A_317 : vector<16xi32>
        %sub3A_319 = arith.constant 1 : i32
        %sub3A_320 = vector.broadcast %sub3A_319 : i32 to vector<16xi32>
        %sub3A_321 = arith.subi %and3A_318, %sub3A_320 : vector<16xi32>
        %broadcast_in_dim3A_322 = vector.broadcast %add3A_288 : i32 to vector<16xi32>
        %add3A_323 = arith.addi %sub3A_321, %broadcast_in_dim3A_322 : vector<16xi32>
        %shift_right_arithmetic3A_324 = arith.constant 16 : i32
        %shift_right_arithmetic3A_325 = vector.broadcast %shift_right_arithmetic3A_324 : i32 to vector<16xi32>
        %shift_right_arithmetic3A_326 = arith.shrsi %masked_cumsum3A_315, %shift_right_arithmetic3A_325 : vector<16xi32>
        %sub3A_327 = arith.constant 1 : i32
        %sub3A_328 = vector.broadcast %sub3A_327 : i32 to vector<16xi32>
        %sub3A_329 = arith.subi %shift_right_arithmetic3A_326, %sub3A_328 : vector<16xi32>
        %add3A_330 = arith.addi %add3A_191, %add3A_291 : i32
        %broadcast_in_dim3A_331 = vector.broadcast %add3A_330 : i32 to vector<16xi32>
        %add3A_332 = arith.addi %sub3A_329, %broadcast_in_dim3A_331 : vector<16xi32>
        %select_n3A_333 = arith.select %gt3A_300, %add3A_323, %add3A_332 : vector<16xi1>, vector<16xi32>
        %lt3A_334 = arith.constant 500 : i32
        %lt3A_335 = vector.broadcast %lt3A_334 : i32 to vector<16xi32>
        %lt3A_336 = arith.cmpi slt, %select_n3A_333, %lt3A_335 : vector<16xi32>
        %and3A_337 = arith.andi %eq3A_301, %lt3A_336 : vector<16xi1>
        %or3A_338 = arith.ori %gt3A_300, %and3A_337 : vector<16xi1>
        %mul3A_339 = arith.constant 16 : i32
        %mul3A_340 = arith.muli %add3A_295, %mul3A_339 : i32
        %get3A_341 = arith.constant 0 : i32
        %get3A_342 = arith.index_cast %get3A_341 : i32 to index
        %get3A_343 = arith.index_cast %mul3A_340 : i32 to index
        %get3A_344 = tpu.vector_load %arg6[%get3A_342, %get3A_343] {strides = array<i32>} : memref<4x5120xf32, #tpu.memory_space<vmem>>, vector<16xf32>,
        %mul3A_345 = arith.constant 16 : i32
        %mul3A_346 = arith.muli %add3A_295, %mul3A_345 : i32
        %get3A_347 = arith.constant 1 : i32
        %get3A_348 = arith.index_cast %get3A_347 : i32 to index
        %get3A_349 = arith.index_cast %mul3A_346 : i32 to index
        %get3A_350 = tpu.vector_load %arg6[%get3A_348, %get3A_349] {strides = array<i32>} : memref<4x5120xf32, #tpu.memory_space<vmem>>, vector<16xf32>,
        %mul3A_351 = arith.constant 16 : i32
        %mul3A_352 = arith.muli %add3A_295, %mul3A_351 : i32
        %get3A_353 = arith.constant 2 : i32
        %get3A_354 = arith.index_cast %get3A_353 : i32 to index
        %get3A_355 = arith.index_cast %mul3A_352 : i32 to index
        %get3A_356 = tpu.vector_load %arg6[%get3A_354, %get3A_355] {strides = array<i32>} : memref<4x5120xf32, #tpu.memory_space<vmem>>, vector<16xf32>,
        %mul3A_357 = arith.constant 16 : i32
        %mul3A_358 = arith.muli %add3A_295, %mul3A_357 : i32
        %get3A_359 = arith.constant 3 : i32
        %get3A_360 = arith.index_cast %get3A_359 : i32 to index
        %get3A_361 = arith.index_cast %mul3A_358 : i32 to index
        %get3A_362 = tpu.vector_load %arg6[%get3A_360, %get3A_361] {strides = array<i32>} : memref<4x5120xf32, #tpu.memory_space<vmem>>, vector<16xf32>,
        %sub3A_363 = arith.subf %get3A_356, %get3A_344 : vector<16xf32>
        %max3A_364 = arith.constant 0.000000e+00 : f32
        %max3A_365 = vector.broadcast %max3A_364 : f32 to vector<16xf32>
        %max3A_366 = arith.maximumf %sub3A_363, %max3A_365 : vector<16xf32>
        %sub3A_367 = arith.subf %get3A_362, %get3A_350 : vector<16xf32>
        %max3A_368 = arith.constant 0.000000e+00 : f32
        %max3A_369 = vector.broadcast %max3A_368 : f32 to vector<16xf32>
        %max3A_370 = arith.maximumf %sub3A_367, %max3A_369 : vector<16xf32>
        %mul3A_371 = arith.mulf %max3A_366, %max3A_370 : vector<16xf32>
        %bitcast3A_372 = vector.bitcast %get3A_299 : vector<16xi32> to vector<16xf32>
        tpu.vector_store_idx %arg9[%select_n3A_333], %bitcast3A_372 masked %or3A_338 : memref<512xf32, #tpu.memory_space<vmem>>[vector<16xi32>], vector<16xf32>, vector<16xi1>
        tpu.vector_store_idx %arg10[%select_n3A_333], %get3A_344 masked %or3A_338 : memref<512xf32, #tpu.memory_space<vmem>>[vector<16xi32>], vector<16xf32>, vector<16xi1>
        tpu.vector_store_idx %arg11[%select_n3A_333], %get3A_350 masked %or3A_338 : memref<512xf32, #tpu.memory_space<vmem>>[vector<16xi32>], vector<16xf32>, vector<16xi1>
        tpu.vector_store_idx %arg12[%select_n3A_333], %get3A_356 masked %or3A_338 : memref<512xf32, #tpu.memory_space<vmem>>[vector<16xi32>], vector<16xf32>, vector<16xi1>
        tpu.vector_store_idx %arg13[%select_n3A_333], %get3A_362 masked %or3A_338 : memref<512xf32, #tpu.memory_space<vmem>>[vector<16xi32>], vector<16xf32>, vector<16xi1>
        tpu.vector_store_idx %arg14[%select_n3A_333], %mul3A_371 masked %or3A_338 : memref<512xf32, #tpu.memory_space<vmem>>[vector<16xi32>], vector<16xf32>, vector<16xi1>
        %slice3A_373 = vector.extract_strided_slice %masked_cumsum3A_315 {offsets = [15], sizes = [1], strides = [1]} : vector<16xi32> to vector<1xi32>
        %squeeze3A_374 = vector.extract %slice3A_373[0] : i32 from vector<1xi32>
        %and3A_375 = arith.constant 65535 : i32
        %and3A_376 = arith.andi %squeeze3A_374, %and3A_375 : i32
        %add3A_377 = arith.addi %add3A_288, %and3A_376 : i32
        %shift_right_arithmetic3A_378 = arith.constant 16 : i32
        %shift_right_arithmetic3A_379 = arith.shrsi %squeeze3A_374, %shift_right_arithmetic3A_378 : i32
        %add3A_380 = arith.addi %add3A_291, %shift_right_arithmetic3A_379 : i32
        %mul3A_381 = arith.constant 4 : i32
        %mul3A_382 = arith.muli %scan3A_212, %mul3A_381 : i32
        %add3A_383 = arith.constant 2 : i32
        %add3A_384 = arith.addi %mul3A_382, %add3A_383 : i32
        %mul3A_385 = arith.constant 16 : i32
        %mul3A_386 = arith.muli %add3A_384, %mul3A_385 : i32
        %get3A_387 = arith.index_cast %mul3A_386 : i32 to index
        %get3A_388 = tpu.vector_load %arg5[%get3A_387] {strides = array<i32>} : memref<5120xi32, #tpu.memory_space<vmem>>, vector<16xi32>,
        %gt3A_389 = arith.cmpi sgt, %get3A_388, %broadcast_in_dim3A_189 : vector<16xi32>
        %eq3A_390 = arith.cmpi eq, %get3A_388, %broadcast_in_dim3A_189 : vector<16xi32>
        %jit3A_391 = arith.constant 1 : i32
        %jit3A_392 = arith.constant 0 : i32
        %broadcast_in_dim3A_393 = vector.broadcast %jit3A_391 : i32 to vector<16xi32>
        %broadcast_in_dim3A_394 = vector.broadcast %jit3A_392 : i32 to vector<16xi32>
        %select_n3A_395 = arith.select %gt3A_389, %broadcast_in_dim3A_393, %broadcast_in_dim3A_394 : vector<16xi1>, vector<16xi32>
        %jit3A_396 = arith.constant 65536 : i32
        %jit3A_397 = arith.constant 0 : i32
        %broadcast_in_dim3A_398 = vector.broadcast %jit3A_396 : i32 to vector<16xi32>
        %broadcast_in_dim3A_399 = vector.broadcast %jit3A_397 : i32 to vector<16xi32>
        %select_n3A_400 = arith.select %eq3A_390, %broadcast_in_dim3A_398, %broadcast_in_dim3A_399 : vector<16xi1>, vector<16xi32>
        %add3A_401 = arith.addi %select_n3A_395, %select_n3A_400 : vector<16xi32>
        %broadcast_in_dim3A_402 = arith.constant true
        %broadcast_in_dim3A_403 = vector.broadcast %broadcast_in_dim3A_402 : i1 to vector<16xi1>
        %masked_cumsum3A_404 = tpu.scan <sum>, %add3A_401 masked %broadcast_in_dim3A_403 : vector<16xi32>, vector<16xi1> -> vector<16xi32>
        %and3A_405 = arith.constant 65535 : i32
        %and3A_406 = vector.broadcast %and3A_405 : i32 to vector<16xi32>
        %and3A_407 = arith.andi %masked_cumsum3A_404, %and3A_406 : vector<16xi32>
        %sub3A_408 = arith.constant 1 : i32
        %sub3A_409 = vector.broadcast %sub3A_408 : i32 to vector<16xi32>
        %sub3A_410 = arith.subi %and3A_407, %sub3A_409 : vector<16xi32>
        %broadcast_in_dim3A_411 = vector.broadcast %add3A_377 : i32 to vector<16xi32>
        %add3A_412 = arith.addi %sub3A_410, %broadcast_in_dim3A_411 : vector<16xi32>
        %shift_right_arithmetic3A_413 = arith.constant 16 : i32
        %shift_right_arithmetic3A_414 = vector.broadcast %shift_right_arithmetic3A_413 : i32 to vector<16xi32>
        %shift_right_arithmetic3A_415 = arith.shrsi %masked_cumsum3A_404, %shift_right_arithmetic3A_414 : vector<16xi32>
        %sub3A_416 = arith.constant 1 : i32
        %sub3A_417 = vector.broadcast %sub3A_416 : i32 to vector<16xi32>
        %sub3A_418 = arith.subi %shift_right_arithmetic3A_415, %sub3A_417 : vector<16xi32>
        %add3A_419 = arith.addi %add3A_191, %add3A_380 : i32
        %broadcast_in_dim3A_420 = vector.broadcast %add3A_419 : i32 to vector<16xi32>
        %add3A_421 = arith.addi %sub3A_418, %broadcast_in_dim3A_420 : vector<16xi32>
        %select_n3A_422 = arith.select %gt3A_389, %add3A_412, %add3A_421 : vector<16xi1>, vector<16xi32>
        %lt3A_423 = arith.constant 500 : i32
        %lt3A_424 = vector.broadcast %lt3A_423 : i32 to vector<16xi32>
        %lt3A_425 = arith.cmpi slt, %select_n3A_422, %lt3A_424 : vector<16xi32>
        %and3A_426 = arith.andi %eq3A_390, %lt3A_425 : vector<16xi1>
        %or3A_427 = arith.ori %gt3A_389, %and3A_426 : vector<16xi1>
        %mul3A_428 = arith.constant 16 : i32
        %mul3A_429 = arith.muli %add3A_384, %mul3A_428 : i32
        %get3A_430 = arith.constant 0 : i32
        %get3A_431 = arith.index_cast %get3A_430 : i32 to index
        %get3A_432 = arith.index_cast %mul3A_429 : i32 to index
        %get3A_433 = tpu.vector_load %arg6[%get3A_431, %get3A_432] {strides = array<i32>} : memref<4x5120xf32, #tpu.memory_space<vmem>>, vector<16xf32>,
        %mul3A_434 = arith.constant 16 : i32
        %mul3A_435 = arith.muli %add3A_384, %mul3A_434 : i32
        %get3A_436 = arith.constant 1 : i32
        %get3A_437 = arith.index_cast %get3A_436 : i32 to index
        %get3A_438 = arith.index_cast %mul3A_435 : i32 to index
        %get3A_439 = tpu.vector_load %arg6[%get3A_437, %get3A_438] {strides = array<i32>} : memref<4x5120xf32, #tpu.memory_space<vmem>>, vector<16xf32>,
        %mul3A_440 = arith.constant 16 : i32
        %mul3A_441 = arith.muli %add3A_384, %mul3A_440 : i32
        %get3A_442 = arith.constant 2 : i32
        %get3A_443 = arith.index_cast %get3A_442 : i32 to index
        %get3A_444 = arith.index_cast %mul3A_441 : i32 to index
        %get3A_445 = tpu.vector_load %arg6[%get3A_443, %get3A_444] {strides = array<i32>} : memref<4x5120xf32, #tpu.memory_space<vmem>>, vector<16xf32>,
        %mul3A_446 = arith.constant 16 : i32
        %mul3A_447 = arith.muli %add3A_384, %mul3A_446 : i32
        %get3A_448 = arith.constant 3 : i32
        %get3A_449 = arith.index_cast %get3A_448 : i32 to index
        %get3A_450 = arith.index_cast %mul3A_447 : i32 to index
        %get3A_451 = tpu.vector_load %arg6[%get3A_449, %get3A_450] {strides = array<i32>} : memref<4x5120xf32, #tpu.memory_space<vmem>>, vector<16xf32>,
        %sub3A_452 = arith.subf %get3A_445, %get3A_433 : vector<16xf32>
        %max3A_453 = arith.constant 0.000000e+00 : f32
        %max3A_454 = vector.broadcast %max3A_453 : f32 to vector<16xf32>
        %max3A_455 = arith.maximumf %sub3A_452, %max3A_454 : vector<16xf32>
        %sub3A_456 = arith.subf %get3A_451, %get3A_439 : vector<16xf32>
        %max3A_457 = arith.constant 0.000000e+00 : f32
        %max3A_458 = vector.broadcast %max3A_457 : f32 to vector<16xf32>
        %max3A_459 = arith.maximumf %sub3A_456, %max3A_458 : vector<16xf32>
        %mul3A_460 = arith.mulf %max3A_455, %max3A_459 : vector<16xf32>
        %bitcast3A_461 = vector.bitcast %get3A_388 : vector<16xi32> to vector<16xf32>
        tpu.vector_store_idx %arg9[%select_n3A_422], %bitcast3A_461 masked %or3A_427 : memref<512xf32, #tpu.memory_space<vmem>>[vector<16xi32>], vector<16xf32>, vector<16xi1>
        tpu.vector_store_idx %arg10[%select_n3A_422], %get3A_433 masked %or3A_427 : memref<512xf32, #tpu.memory_space<vmem>>[vector<16xi32>], vector<16xf32>, vector<16xi1>
        tpu.vector_store_idx %arg11[%select_n3A_422], %get3A_439 masked %or3A_427 : memref<512xf32, #tpu.memory_space<vmem>>[vector<16xi32>], vector<16xf32>, vector<16xi1>
        tpu.vector_store_idx %arg12[%select_n3A_422], %get3A_445 masked %or3A_427 : memref<512xf32, #tpu.memory_space<vmem>>[vector<16xi32>], vector<16xf32>, vector<16xi1>
        tpu.vector_store_idx %arg13[%select_n3A_422], %get3A_451 masked %or3A_427 : memref<512xf32, #tpu.memory_space<vmem>>[vector<16xi32>], vector<16xf32>, vector<16xi1>
        tpu.vector_store_idx %arg14[%select_n3A_422], %mul3A_460 masked %or3A_427 : memref<512xf32, #tpu.memory_space<vmem>>[vector<16xi32>], vector<16xf32>, vector<16xi1>
        %slice3A_462 = vector.extract_strided_slice %masked_cumsum3A_404 {offsets = [15], sizes = [1], strides = [1]} : vector<16xi32> to vector<1xi32>
        %squeeze3A_463 = vector.extract %slice3A_462[0] : i32 from vector<1xi32>
        %and3A_464 = arith.constant 65535 : i32
        %and3A_465 = arith.andi %squeeze3A_463, %and3A_464 : i32
        %add3A_466 = arith.addi %add3A_377, %and3A_465 : i32
        %shift_right_arithmetic3A_467 = arith.constant 16 : i32
        %shift_right_arithmetic3A_468 = arith.shrsi %squeeze3A_463, %shift_right_arithmetic3A_467 : i32
        %add3A_469 = arith.addi %add3A_380, %shift_right_arithmetic3A_468 : i32
        %mul3A_470 = arith.constant 4 : i32
        %mul3A_471 = arith.muli %scan3A_212, %mul3A_470 : i32
        %add3A_472 = arith.constant 3 : i32
        %add3A_473 = arith.addi %mul3A_471, %add3A_472 : i32
        %mul3A_474 = arith.constant 16 : i32
        %mul3A_475 = arith.muli %add3A_473, %mul3A_474 : i32
        %get3A_476 = arith.index_cast %mul3A_475 : i32 to index
        %get3A_477 = tpu.vector_load %arg5[%get3A_476] {strides = array<i32>} : memref<5120xi32, #tpu.memory_space<vmem>>, vector<16xi32>,
        %gt3A_478 = arith.cmpi sgt, %get3A_477, %broadcast_in_dim3A_189 : vector<16xi32>
        %eq3A_479 = arith.cmpi eq, %get3A_477, %broadcast_in_dim3A_189 : vector<16xi32>
        %jit3A_480 = arith.constant 1 : i32
        %jit3A_481 = arith.constant 0 : i32
        %broadcast_in_dim3A_482 = vector.broadcast %jit3A_480 : i32 to vector<16xi32>
        %broadcast_in_dim3A_483 = vector.broadcast %jit3A_481 : i32 to vector<16xi32>
        %select_n3A_484 = arith.select %gt3A_478, %broadcast_in_dim3A_482, %broadcast_in_dim3A_483 : vector<16xi1>, vector<16xi32>
        %jit3A_485 = arith.constant 65536 : i32
        %jit3A_486 = arith.constant 0 : i32
        %broadcast_in_dim3A_487 = vector.broadcast %jit3A_485 : i32 to vector<16xi32>
        %broadcast_in_dim3A_488 = vector.broadcast %jit3A_486 : i32 to vector<16xi32>
        %select_n3A_489 = arith.select %eq3A_479, %broadcast_in_dim3A_487, %broadcast_in_dim3A_488 : vector<16xi1>, vector<16xi32>
        %add3A_490 = arith.addi %select_n3A_484, %select_n3A_489 : vector<16xi32>
        %broadcast_in_dim3A_491 = arith.constant true
        %broadcast_in_dim3A_492 = vector.broadcast %broadcast_in_dim3A_491 : i1 to vector<16xi1>
        %masked_cumsum3A_493 = tpu.scan <sum>, %add3A_490 masked %broadcast_in_dim3A_492 : vector<16xi32>, vector<16xi1> -> vector<16xi32>
        %and3A_494 = arith.constant 65535 : i32
        %and3A_495 = vector.broadcast %and3A_494 : i32 to vector<16xi32>
        %and3A_496 = arith.andi %masked_cumsum3A_493, %and3A_495 : vector<16xi32>
        %sub3A_497 = arith.constant 1 : i32
        %sub3A_498 = vector.broadcast %sub3A_497 : i32 to vector<16xi32>
        %sub3A_499 = arith.subi %and3A_496, %sub3A_498 : vector<16xi32>
        %broadcast_in_dim3A_500 = vector.broadcast %add3A_466 : i32 to vector<16xi32>
        %add3A_501 = arith.addi %sub3A_499, %broadcast_in_dim3A_500 : vector<16xi32>
        %shift_right_arithmetic3A_502 = arith.constant 16 : i32
        %shift_right_arithmetic3A_503 = vector.broadcast %shift_right_arithmetic3A_502 : i32 to vector<16xi32>
        %shift_right_arithmetic3A_504 = arith.shrsi %masked_cumsum3A_493, %shift_right_arithmetic3A_503 : vector<16xi32>
        %sub3A_505 = arith.constant 1 : i32
        %sub3A_506 = vector.broadcast %sub3A_505 : i32 to vector<16xi32>
        %sub3A_507 = arith.subi %shift_right_arithmetic3A_504, %sub3A_506 : vector<16xi32>
        %add3A_508 = arith.addi %add3A_191, %add3A_469 : i32
        %broadcast_in_dim3A_509 = vector.broadcast %add3A_508 : i32 to vector<16xi32>
        %add3A_510 = arith.addi %sub3A_507, %broadcast_in_dim3A_509 : vector<16xi32>
        %select_n3A_511 = arith.select %gt3A_478, %add3A_501, %add3A_510 : vector<16xi1>, vector<16xi32>
        %lt3A_512 = arith.constant 500 : i32
        %lt3A_513 = vector.broadcast %lt3A_512 : i32 to vector<16xi32>
        %lt3A_514 = arith.cmpi slt, %select_n3A_511, %lt3A_513 : vector<16xi32>
        %and3A_515 = arith.andi %eq3A_479, %lt3A_514 : vector<16xi1>
        %or3A_516 = arith.ori %gt3A_478, %and3A_515 : vector<16xi1>
        %mul3A_517 = arith.constant 16 : i32
        %mul3A_518 = arith.muli %add3A_473, %mul3A_517 : i32
        %get3A_519 = arith.constant 0 : i32
        %get3A_520 = arith.index_cast %get3A_519 : i32 to index
        %get3A_521 = arith.index_cast %mul3A_518 : i32 to index
        %get3A_522 = tpu.vector_load %arg6[%get3A_520, %get3A_521] {strides = array<i32>} : memref<4x5120xf32, #tpu.memory_space<vmem>>, vector<16xf32>,
        %mul3A_523 = arith.constant 16 : i32
        %mul3A_524 = arith.muli %add3A_473, %mul3A_523 : i32
        %get3A_525 = arith.constant 1 : i32
        %get3A_526 = arith.index_cast %get3A_525 : i32 to index
        %get3A_527 = arith.index_cast %mul3A_524 : i32 to index
        %get3A_528 = tpu.vector_load %arg6[%get3A_526, %get3A_527] {strides = array<i32>} : memref<4x5120xf32, #tpu.memory_space<vmem>>, vector<16xf32>,
        %mul3A_529 = arith.constant 16 : i32
        %mul3A_530 = arith.muli %add3A_473, %mul3A_529 : i32
        %get3A_531 = arith.constant 2 : i32
        %get3A_532 = arith.index_cast %get3A_531 : i32 to index
        %get3A_533 = arith.index_cast %mul3A_530 : i32 to index
        %get3A_534 = tpu.vector_load %arg6[%get3A_532, %get3A_533] {strides = array<i32>} : memref<4x5120xf32, #tpu.memory_space<vmem>>, vector<16xf32>,
        %mul3A_535 = arith.constant 16 : i32
        %mul3A_536 = arith.muli %add3A_473, %mul3A_535 : i32
        %get3A_537 = arith.constant 3 : i32
        %get3A_538 = arith.index_cast %get3A_537 : i32 to index
        %get3A_539 = arith.index_cast %mul3A_536 : i32 to index
        %get3A_540 = tpu.vector_load %arg6[%get3A_538, %get3A_539] {strides = array<i32>} : memref<4x5120xf32, #tpu.memory_space<vmem>>, vector<16xf32>,
        %sub3A_541 = arith.subf %get3A_534, %get3A_522 : vector<16xf32>
        %max3A_542 = arith.constant 0.000000e+00 : f32
        %max3A_543 = vector.broadcast %max3A_542 : f32 to vector<16xf32>
        %max3A_544 = arith.maximumf %sub3A_541, %max3A_543 : vector<16xf32>
        %sub3A_545 = arith.subf %get3A_540, %get3A_528 : vector<16xf32>
        %max3A_546 = arith.constant 0.000000e+00 : f32
        %max3A_547 = vector.broadcast %max3A_546 : f32 to vector<16xf32>
        %max3A_548 = arith.maximumf %sub3A_545, %max3A_547 : vector<16xf32>
        %mul3A_549 = arith.mulf %max3A_544, %max3A_548 : vector<16xf32>
        %bitcast3A_550 = vector.bitcast %get3A_477 : vector<16xi32> to vector<16xf32>
        tpu.vector_store_idx %arg9[%select_n3A_511], %bitcast3A_550 masked %or3A_516 : memref<512xf32, #tpu.memory_space<vmem>>[vector<16xi32>], vector<16xf32>, vector<16xi1>
        tpu.vector_store_idx %arg10[%select_n3A_511], %get3A_522 masked %or3A_516 : memref<512xf32, #tpu.memory_space<vmem>>[vector<16xi32>], vector<16xf32>, vector<16xi1>
        tpu.vector_store_idx %arg11[%select_n3A_511], %get3A_528 masked %or3A_516 : memref<512xf32, #tpu.memory_space<vmem>>[vector<16xi32>], vector<16xf32>, vector<16xi1>
        tpu.vector_store_idx %arg12[%select_n3A_511], %get3A_534 masked %or3A_516 : memref<512xf32, #tpu.memory_space<vmem>>[vector<16xi32>], vector<16xf32>, vector<16xi1>
        tpu.vector_store_idx %arg13[%select_n3A_511], %get3A_540 masked %or3A_516 : memref<512xf32, #tpu.memory_space<vmem>>[vector<16xi32>], vector<16xf32>, vector<16xi1>
        tpu.vector_store_idx %arg14[%select_n3A_511], %mul3A_549 masked %or3A_516 : memref<512xf32, #tpu.memory_space<vmem>>[vector<16xi32>], vector<16xf32>, vector<16xi1>
        %slice3A_551 = vector.extract_strided_slice %masked_cumsum3A_493 {offsets = [15], sizes = [1], strides = [1]} : vector<16xi32> to vector<1xi32>
        %squeeze3A_552 = vector.extract %slice3A_551[0] : i32 from vector<1xi32>
        %and3A_553 = arith.constant 65535 : i32
        %and3A_554 = arith.andi %squeeze3A_552, %and3A_553 : i32
        %add3A_555 = arith.addi %add3A_466, %and3A_554 : i32
        %shift_right_arithmetic3A_556 = arith.constant 16 : i32
        %shift_right_arithmetic3A_557 = arith.shrsi %squeeze3A_552, %shift_right_arithmetic3A_556 : i32
        %add3A_558 = arith.addi %add3A_469, %shift_right_arithmetic3A_557 : i32
        scf.yield %add3A_555, %add3A_558 : i32, i32
      }
      %scan3A_199 = arith.constant 80 : i32
      %broadcast_in_dim3A_200 = arith.constant -2.000000e+00 : f32
      %broadcast_in_dim3A_201 = vector.broadcast %broadcast_in_dim3A_200 : f32 to vector<16xf32>
      %broadcast_in_dim3A_202 = arith.constant 0 : i32
      %broadcast_in_dim3A_203 = vector.broadcast %broadcast_in_dim3A_202 : i32 to vector<16xi32>
      %scan3A_204 = arith.constant 0 : i32
      %scan3A_205 = arith.constant 8 : i32
      %scan3A_206 = arith.addi %scan3A_204, %scan3A_205 : i32
      %scan3A_207 = arith.constant 1 : i32
      %scan3A_208:2 = scf.for %scan3A_212 = %scan3A_204 to %scan3A_206 step %scan3A_207 iter_args(%scan3A_213 = %broadcast_in_dim3A_201, %scan3A_214 = %broadcast_in_dim3A_203) -> (vector<16xf32>, vector<16xi32>)  : i32 {
        %mul3A_215 = arith.constant 4 : i32
        %mul3A_216 = arith.muli %scan3A_212, %mul3A_215 : i32
        %add3A_217 = arith.constant 0 : i32
        %add3A_218 = arith.addi %mul3A_216, %add3A_217 : i32
        %mul3A_219 = arith.constant 16 : i32
        %mul3A_220 = arith.muli %add3A_218, %mul3A_219 : i32
        %get3A = arith.index_cast %mul3A_220 : i32 to index
        %get3A_221 = tpu.vector_load %arg9[%get3A] {strides = array<i32>} : memref<512xf32, #tpu.memory_space<vmem>>, vector<16xf32>,
        %gt3A = arith.cmpf ogt, %get3A_221, %scan3A_213 : vector<16xf32>
        %select_n3A = arith.select %gt3A, %get3A_221, %scan3A_213 : vector<16xi1>, vector<16xf32>
        %broadcast_in_dim3A_222 = vector.broadcast %add3A_218 : i32 to vector<16xi32>
        %select_n3A_223 = arith.select %gt3A, %broadcast_in_dim3A_222, %scan3A_214 : vector<16xi1>, vector<16xi32>
        %mul3A_224 = arith.constant 4 : i32
        %mul3A_225 = arith.muli %scan3A_212, %mul3A_224 : i32
        %add3A_226 = arith.constant 1 : i32
        %add3A_227 = arith.addi %mul3A_225, %add3A_226 : i32
        %mul3A_228 = arith.constant 16 : i32
        %mul3A_229 = arith.muli %add3A_227, %mul3A_228 : i32
        %get3A_230 = arith.index_cast %mul3A_229 : i32 to index
        %get3A_231 = tpu.vector_load %arg9[%get3A_230] {strides = array<i32>} : memref<512xf32, #tpu.memory_space<vmem>>, vector<16xf32>,
        %gt3A_232 = arith.cmpf ogt, %get3A_231, %select_n3A : vector<16xf32>
        %select_n3A_233 = arith.select %gt3A_232, %get3A_231, %select_n3A : vector<16xi1>, vector<16xf32>
        %broadcast_in_dim3A_234 = vector.broadcast %add3A_227 : i32 to vector<16xi32>
        %select_n3A_235 = arith.select %gt3A_232, %broadcast_in_dim3A_234, %select_n3A_223 : vector<16xi1>, vector<16xi32>
        %mul3A_236 = arith.constant 4 : i32
        %mul3A_237 = arith.muli %scan3A_212, %mul3A_236 : i32
        %add3A_238 = arith.constant 2 : i32
        %add3A_239 = arith.addi %mul3A_237, %add3A_238 : i32
        %mul3A_240 = arith.constant 16 : i32
        %mul3A_241 = arith.muli %add3A_239, %mul3A_240 : i32
        %get3A_242 = arith.index_cast %mul3A_241 : i32 to index
        %get3A_243 = tpu.vector_load %arg9[%get3A_242] {strides = array<i32>} : memref<512xf32, #tpu.memory_space<vmem>>, vector<16xf32>,
        %gt3A_244 = arith.cmpf ogt, %get3A_243, %select_n3A_233 : vector<16xf32>
        %select_n3A_245 = arith.select %gt3A_244, %get3A_243, %select_n3A_233 : vector<16xi1>, vector<16xf32>
        %broadcast_in_dim3A_246 = vector.broadcast %add3A_239 : i32 to vector<16xi32>
        %select_n3A_247 = arith.select %gt3A_244, %broadcast_in_dim3A_246, %select_n3A_235 : vector<16xi1>, vector<16xi32>
        %mul3A_248 = arith.constant 4 : i32
        %mul3A_249 = arith.muli %scan3A_212, %mul3A_248 : i32
        %add3A_250 = arith.constant 3 : i32
        %add3A_251 = arith.addi %mul3A_249, %add3A_250 : i32
        %mul3A_252 = arith.constant 16 : i32
        %mul3A_253 = arith.muli %add3A_251, %mul3A_252 : i32
        %get3A_254 = arith.index_cast %mul3A_253 : i32 to index
        %get3A_255 = tpu.vector_load %arg9[%get3A_254] {strides = array<i32>} : memref<512xf32, #tpu.memory_space<vmem>>, vector<16xf32>,
        %gt3A_256 = arith.cmpf ogt, %get3A_255, %select_n3A_245 : vector<16xf32>
        %select_n3A_257 = arith.select %gt3A_256, %get3A_255, %select_n3A_245 : vector<16xi1>, vector<16xf32>
        %broadcast_in_dim3A_258 = vector.broadcast %add3A_251 : i32 to vector<16xi32>
        %select_n3A_259 = arith.select %gt3A_256, %broadcast_in_dim3A_258, %select_n3A_247 : vector<16xi1>, vector<16xi32>
        scf.yield %select_n3A_257, %select_n3A_259 : vector<16xf32>, vector<16xi32>
      }
      %scan3A_209 = arith.constant 8 : i32
      %while3A = arith.constant 0 : i32
      %while3A_210 = arith.constant true
      %while3A_211:4 = scf.while (%while3A_212 = %while3A, %while3A_213 = %while3A_210, %while3A_214 = %scan3A_208#0, %while3A_215 = %scan3A_208#1) : (i32, i1, vector<16xf32>, vector<16xi32>) -> (i32, i1, vector<16xf32>, vector<16xi32>) {
        %lt3A_216 = arith.constant 100 : i32
        %lt3A_217 = arith.cmpi slt, %while3A_212, %lt3A_216 : i32
        %and3A = arith.andi %while3A_213, %lt3A_217 : i1
        scf.condition(%and3A) %while3A_212, %while3A_213, %while3A_214, %while3A_215 : i32, i1, vector<16xf32>, vector<16xi32>
      } do {
      ^bb0(%while3A_212: i32, %while3A_213: i1, %while3A_214: vector<16xf32>, %while3A_215: vector<16xi32>):
        %reduce_max3A_216 = arith.constant true
        %reduce_max3A_217 = vector.broadcast %reduce_max3A_216 : i1 to vector<16xi1>
        %reduce_max3A_218 = tpu.scan <max>, %while3A_214 masked %reduce_max3A_217 : vector<16xf32>, vector<16xi1> -> vector<16xf32>
        %reduce_max3A_219 = vector.extract %reduce_max3A_218[15] : f32 from vector<16xf32>
        %gt3A = arith.constant 5.000000e-02 : f32
        %gt3A_220 = arith.cmpf ogt, %reduce_max3A_219, %gt3A : f32
        %jit3A = arith.constant 1 : i32
        %jit3A_221 = arith.constant 0 : i32
        %select_n3A = arith.select %gt3A_220, %jit3A, %jit3A_221 : i32
        %broadcast_in_dim3A_222 = vector.broadcast %select_n3A : i32 to vector<16xi32>
        %gt3A_223 = arith.constant 0 : i32
        %gt3A_224 = vector.broadcast %gt3A_223 : i32 to vector<16xi32>
        %gt3A_225 = arith.cmpi sgt, %broadcast_in_dim3A_222, %gt3A_224 : vector<16xi32>
        %broadcast_in_dim3A_226 = vector.broadcast %reduce_max3A_219 : f32 to vector<16xf32>
        %eq3A = arith.cmpf oeq, %while3A_214, %broadcast_in_dim3A_226 : vector<16xf32>
        %mul3A_227 = arith.constant 16 : i32
        %mul3A_228 = vector.broadcast %mul3A_227 : i32 to vector<16xi32>
        %mul3A_229 = arith.muli %while3A_215, %mul3A_228 : vector<16xi32>
        %add3A_230 = arith.addi %mul3A_229, %iota3A : vector<16xi32>
        %broadcast_in_dim3A_231 = arith.constant 1000000 : i32
        %broadcast_in_dim3A_232 = vector.broadcast %broadcast_in_dim3A_231 : i32 to vector<16xi32>
        %select_n3A_233 = arith.select %eq3A, %add3A_230, %broadcast_in_dim3A_232 : vector<16xi1>, vector<16xi32>
        %reduce_min3A = arith.constant true
        %reduce_min3A_234 = vector.broadcast %reduce_min3A : i1 to vector<16xi1>
        %reduce_min3A_235 = arith.constant -2147483648 : i32
        %reduce_min3A_236 = vector.broadcast %reduce_min3A_235 : i32 to vector<16xi32>
        %reduce_min3A_237 = arith.xori %select_n3A_233, %reduce_min3A_236 : vector<16xi32>
        %reduce_min3A_238 = tpu.scan <min>, %reduce_min3A_237 masked %reduce_min3A_234 : vector<16xi32>, vector<16xi1> -> vector<16xi32>
        %reduce_min3A_239 = arith.xori %reduce_min3A_238, %reduce_min3A_236 : vector<16xi32>
        %reduce_min3A_240 = vector.extract %reduce_min3A_239[15] : i32 from vector<16xi32>
        %broadcast_in_dim3A_241 = vector.broadcast %reduce_min3A_240 : i32 to vector<16xi32>
        %gather3A_242 = tpu.vector_load_idx %arg10[%broadcast_in_dim3A_241] : memref<512xf32, #tpu.memory_space<vmem>>[vector<16xi32>], vector<16xf32>,
        %gather3A_243 = tpu.vector_load_idx %arg11[%broadcast_in_dim3A_241] : memref<512xf32, #tpu.memory_space<vmem>>[vector<16xi32>], vector<16xf32>,
        %gather3A_244 = tpu.vector_load_idx %arg12[%broadcast_in_dim3A_241] : memref<512xf32, #tpu.memory_space<vmem>>[vector<16xi32>], vector<16xf32>,
        %gather3A_245 = tpu.vector_load_idx %arg13[%broadcast_in_dim3A_241] : memref<512xf32, #tpu.memory_space<vmem>>[vector<16xi32>], vector<16xf32>,
        %gather3A_246 = tpu.vector_load_idx %arg14[%broadcast_in_dim3A_241] : memref<512xf32, #tpu.memory_space<vmem>>[vector<16xi32>], vector<16xf32>,
        %broadcast_in_dim3A_247 = vector.broadcast %while3A_212 : i32 to vector<16xi32>
        %eq3A_248 = arith.constant 0 : i32
        %eq3A_249 = vector.broadcast %eq3A_248 : i32 to vector<16xi32>
        %eq3A_250 = arith.cmpi eq, %iota3A, %eq3A_249 : vector<16xi32>
        %and3A = arith.andi %eq3A_250, %gt3A_225 : vector<16xi1>
        tpu.vector_store_idx %arg15[%broadcast_in_dim3A_247], %broadcast_in_dim3A_226 masked %and3A : memref<128xf32, #tpu.memory_space<vmem>>[vector<16xi32>], vector<16xf32>, vector<16xi1>
        %broadcast_in_dim3A_251 = arith.constant -2.000000e+00 : f32
        %broadcast_in_dim3A_252 = vector.broadcast %broadcast_in_dim3A_251 : f32 to vector<16xf32>
        %broadcast_in_dim3A_253 = arith.constant 0 : i32
        %broadcast_in_dim3A_254 = vector.broadcast %broadcast_in_dim3A_253 : i32 to vector<16xi32>
        %scan3A_255 = arith.constant 0 : i32
        %scan3A_256 = arith.constant 8 : i32
        %scan3A_257 = arith.addi %scan3A_255, %scan3A_256 : i32
        %scan3A_258 = arith.constant 1 : i32
        %scan3A_259:2 = scf.for %scan3A_262 = %scan3A_255 to %scan3A_257 step %scan3A_258 iter_args(%scan3A_263 = %broadcast_in_dim3A_252, %scan3A_264 = %broadcast_in_dim3A_254) -> (vector<16xf32>, vector<16xi32>)  : i32 {
          %mul3A_265 = arith.constant 4 : i32
          %mul3A_266 = arith.muli %scan3A_262, %mul3A_265 : i32
          %add3A_267 = arith.constant 0 : i32
          %add3A_268 = arith.addi %mul3A_266, %add3A_267 : i32
          %mul3A_269 = arith.constant 16 : i32
          %mul3A_270 = arith.muli %add3A_268, %mul3A_269 : i32
          %get3A = arith.index_cast %mul3A_270 : i32 to index
          %get3A_271 = tpu.vector_load %arg10[%get3A] {strides = array<i32>} : memref<512xf32, #tpu.memory_space<vmem>>, vector<16xf32>,
          %get3A_272 = arith.index_cast %mul3A_270 : i32 to index
          %get3A_273 = tpu.vector_load %arg11[%get3A_272] {strides = array<i32>} : memref<512xf32, #tpu.memory_space<vmem>>, vector<16xf32>,
          %get3A_274 = arith.index_cast %mul3A_270 : i32 to index
          %get3A_275 = tpu.vector_load %arg12[%get3A_274] {strides = array<i32>} : memref<512xf32, #tpu.memory_space<vmem>>, vector<16xf32>,
          %get3A_276 = arith.index_cast %mul3A_270 : i32 to index
          %get3A_277 = tpu.vector_load %arg13[%get3A_276] {strides = array<i32>} : memref<512xf32, #tpu.memory_space<vmem>>, vector<16xf32>,
          %get3A_278 = arith.index_cast %mul3A_270 : i32 to index
          %get3A_279 = tpu.vector_load %arg14[%get3A_278] {strides = array<i32>} : memref<512xf32, #tpu.memory_space<vmem>>, vector<16xf32>,
          %min3A = arith.minimumf %get3A_275, %gather3A_244 : vector<16xf32>
          %max3A = arith.maximumf %get3A_271, %gather3A_242 : vector<16xf32>
          %sub3A_280 = arith.subf %min3A, %max3A : vector<16xf32>
          %max3A_281 = arith.constant 0.000000e+00 : f32
          %max3A_282 = vector.broadcast %max3A_281 : f32 to vector<16xf32>
          %max3A_283 = arith.maximumf %sub3A_280, %max3A_282 : vector<16xf32>
          %min3A_284 = arith.minimumf %get3A_277, %gather3A_245 : vector<16xf32>
          %max3A_285 = arith.maximumf %get3A_273, %gather3A_243 : vector<16xf32>
          %sub3A_286 = arith.subf %min3A_284, %max3A_285 : vector<16xf32>
          %max3A_287 = arith.constant 0.000000e+00 : f32
          %max3A_288 = vector.broadcast %max3A_287 : f32 to vector<16xf32>
          %max3A_289 = arith.maximumf %sub3A_286, %max3A_288 : vector<16xf32>
          %mul3A_290 = arith.mulf %max3A_283, %max3A_289 : vector<16xf32>
          %add3A_291 = arith.addf %gather3A_246, %get3A_279 : vector<16xf32>
          %sub3A_292 = arith.subf %add3A_291, %mul3A_290 : vector<16xf32>
          %max3A_293 = arith.constant 9.99999971E-10 : f32
          %max3A_294 = vector.broadcast %max3A_293 : f32 to vector<16xf32>
          %max3A_295 = arith.maximumf %sub3A_292, %max3A_294 : vector<16xf32>
          %mul3A_296 = arith.constant 5.000000e-01 : f32
          %mul3A_297 = vector.broadcast %mul3A_296 : f32 to vector<16xf32>
          %mul3A_298 = arith.mulf %mul3A_297, %max3A_295 : vector<16xf32>
          %gt3A_299 = arith.cmpf ogt, %mul3A_290, %mul3A_298 : vector<16xf32>
          %mul3A_300 = arith.constant 16 : i32
          %mul3A_301 = arith.muli %add3A_268, %mul3A_300 : i32
          %broadcast_in_dim3A_302 = vector.broadcast %mul3A_301 : i32 to vector<16xi32>
          %add3A_303 = arith.addi %broadcast_in_dim3A_302, %iota3A : vector<16xi32>
          %eq3A_304 = arith.cmpi eq, %broadcast_in_dim3A_241, %add3A_303 : vector<16xi32>
          %get3A_305 = arith.index_cast %mul3A_270 : i32 to index
          %get3A_306 = tpu.vector_load %arg9[%get3A_305] {strides = array<i32>} : memref<512xf32, #tpu.memory_space<vmem>>, vector<16xf32>,
          %or3A_307 = arith.ori %gt3A_299, %eq3A_304 : vector<16xi1>
          %and3A_308 = arith.andi %or3A_307, %gt3A_225 : vector<16xi1>
          %jit3A_309 = arith.constant -1.000000e+00 : f32
          %broadcast_in_dim3A_310 = vector.broadcast %jit3A_309 : f32 to vector<16xf32>
          %select_n3A_311 = arith.select %and3A_308, %broadcast_in_dim3A_310, %get3A_306 : vector<16xi1>, vector<16xf32>
          %swap3A = arith.index_cast %mul3A_270 : i32 to index
          %swap3A_312 = tpu.vector_load %arg9[%swap3A] {strides = array<i32>} : memref<512xf32, #tpu.memory_space<vmem>>, vector<16xf32>,
          tpu.vector_store %arg9[%swap3A], %select_n3A_311 {strides = array<i32>} : memref<512xf32, #tpu.memory_space<vmem>>, vector<16xf32>,
          %gt3A_313 = arith.cmpf ogt, %select_n3A_311, %scan3A_263 : vector<16xf32>
          %select_n3A_314 = arith.select %gt3A_313, %select_n3A_311, %scan3A_263 : vector<16xi1>, vector<16xf32>
          %broadcast_in_dim3A_315 = vector.broadcast %add3A_268 : i32 to vector<16xi32>
          %select_n3A_316 = arith.select %gt3A_313, %broadcast_in_dim3A_315, %scan3A_264 : vector<16xi1>, vector<16xi32>
          %mul3A_317 = arith.constant 4 : i32
          %mul3A_318 = arith.muli %scan3A_262, %mul3A_317 : i32
          %add3A_319 = arith.constant 1 : i32
          %add3A_320 = arith.addi %mul3A_318, %add3A_319 : i32
          %mul3A_321 = arith.constant 16 : i32
          %mul3A_322 = arith.muli %add3A_320, %mul3A_321 : i32
          %get3A_323 = arith.index_cast %mul3A_322 : i32 to index
          %get3A_324 = tpu.vector_load %arg10[%get3A_323] {strides = array<i32>} : memref<512xf32, #tpu.memory_space<vmem>>, vector<16xf32>,
          %get3A_325 = arith.index_cast %mul3A_322 : i32 to index
          %get3A_326 = tpu.vector_load %arg11[%get3A_325] {strides = array<i32>} : memref<512xf32, #tpu.memory_space<vmem>>, vector<16xf32>,
          %get3A_327 = arith.index_cast %mul3A_322 : i32 to index
          %get3A_328 = tpu.vector_load %arg12[%get3A_327] {strides = array<i32>} : memref<512xf32, #tpu.memory_space<vmem>>, vector<16xf32>,
          %get3A_329 = arith.index_cast %mul3A_322 : i32 to index
          %get3A_330 = tpu.vector_load %arg13[%get3A_329] {strides = array<i32>} : memref<512xf32, #tpu.memory_space<vmem>>, vector<16xf32>,
          %get3A_331 = arith.index_cast %mul3A_322 : i32 to index
          %get3A_332 = tpu.vector_load %arg14[%get3A_331] {strides = array<i32>} : memref<512xf32, #tpu.memory_space<vmem>>, vector<16xf32>,
          %min3A_333 = arith.minimumf %get3A_328, %gather3A_244 : vector<16xf32>
          %max3A_334 = arith.maximumf %get3A_324, %gather3A_242 : vector<16xf32>
          %sub3A_335 = arith.subf %min3A_333, %max3A_334 : vector<16xf32>
          %max3A_336 = arith.constant 0.000000e+00 : f32
          %max3A_337 = vector.broadcast %max3A_336 : f32 to vector<16xf32>
          %max3A_338 = arith.maximumf %sub3A_335, %max3A_337 : vector<16xf32>
          %min3A_339 = arith.minimumf %get3A_330, %gather3A_245 : vector<16xf32>
          %max3A_340 = arith.maximumf %get3A_326, %gather3A_243 : vector<16xf32>
          %sub3A_341 = arith.subf %min3A_339, %max3A_340 : vector<16xf32>
          %max3A_342 = arith.constant 0.000000e+00 : f32
          %max3A_343 = vector.broadcast %max3A_342 : f32 to vector<16xf32>
          %max3A_344 = arith.maximumf %sub3A_341, %max3A_343 : vector<16xf32>
          %mul3A_345 = arith.mulf %max3A_338, %max3A_344 : vector<16xf32>
          %add3A_346 = arith.addf %gather3A_246, %get3A_332 : vector<16xf32>
          %sub3A_347 = arith.subf %add3A_346, %mul3A_345 : vector<16xf32>
          %max3A_348 = arith.constant 9.99999971E-10 : f32
          %max3A_349 = vector.broadcast %max3A_348 : f32 to vector<16xf32>
          %max3A_350 = arith.maximumf %sub3A_347, %max3A_349 : vector<16xf32>
          %mul3A_351 = arith.constant 5.000000e-01 : f32
          %mul3A_352 = vector.broadcast %mul3A_351 : f32 to vector<16xf32>
          %mul3A_353 = arith.mulf %mul3A_352, %max3A_350 : vector<16xf32>
          %gt3A_354 = arith.cmpf ogt, %mul3A_345, %mul3A_353 : vector<16xf32>
          %mul3A_355 = arith.constant 16 : i32
          %mul3A_356 = arith.muli %add3A_320, %mul3A_355 : i32
          %broadcast_in_dim3A_357 = vector.broadcast %mul3A_356 : i32 to vector<16xi32>
          %add3A_358 = arith.addi %broadcast_in_dim3A_357, %iota3A : vector<16xi32>
          %eq3A_359 = arith.cmpi eq, %broadcast_in_dim3A_241, %add3A_358 : vector<16xi32>
          %get3A_360 = arith.index_cast %mul3A_322 : i32 to index
          %get3A_361 = tpu.vector_load %arg9[%get3A_360] {strides = array<i32>} : memref<512xf32, #tpu.memory_space<vmem>>, vector<16xf32>,
          %or3A_362 = arith.ori %gt3A_354, %eq3A_359 : vector<16xi1>
          %and3A_363 = arith.andi %or3A_362, %gt3A_225 : vector<16xi1>
          %jit3A_364 = arith.constant -1.000000e+00 : f32
          %broadcast_in_dim3A_365 = vector.broadcast %jit3A_364 : f32 to vector<16xf32>
          %select_n3A_366 = arith.select %and3A_363, %broadcast_in_dim3A_365, %get3A_361 : vector<16xi1>, vector<16xf32>
          %swap3A_367 = arith.index_cast %mul3A_322 : i32 to index
          %swap3A_368 = tpu.vector_load %arg9[%swap3A_367] {strides = array<i32>} : memref<512xf32, #tpu.memory_space<vmem>>, vector<16xf32>,
          tpu.vector_store %arg9[%swap3A_367], %select_n3A_366 {strides = array<i32>} : memref<512xf32, #tpu.memory_space<vmem>>, vector<16xf32>,
          %gt3A_369 = arith.cmpf ogt, %select_n3A_366, %select_n3A_314 : vector<16xf32>
          %select_n3A_370 = arith.select %gt3A_369, %select_n3A_366, %select_n3A_314 : vector<16xi1>, vector<16xf32>
          %broadcast_in_dim3A_371 = vector.broadcast %add3A_320 : i32 to vector<16xi32>
          %select_n3A_372 = arith.select %gt3A_369, %broadcast_in_dim3A_371, %select_n3A_316 : vector<16xi1>, vector<16xi32>
          %mul3A_373 = arith.constant 4 : i32
          %mul3A_374 = arith.muli %scan3A_262, %mul3A_373 : i32
          %add3A_375 = arith.constant 2 : i32
          %add3A_376 = arith.addi %mul3A_374, %add3A_375 : i32
          %mul3A_377 = arith.constant 16 : i32
          %mul3A_378 = arith.muli %add3A_376, %mul3A_377 : i32
          %get3A_379 = arith.index_cast %mul3A_378 : i32 to index
          %get3A_380 = tpu.vector_load %arg10[%get3A_379] {strides = array<i32>} : memref<512xf32, #tpu.memory_space<vmem>>, vector<16xf32>,
          %get3A_381 = arith.index_cast %mul3A_378 : i32 to index
          %get3A_382 = tpu.vector_load %arg11[%get3A_381] {strides = array<i32>} : memref<512xf32, #tpu.memory_space<vmem>>, vector<16xf32>,
          %get3A_383 = arith.index_cast %mul3A_378 : i32 to index
          %get3A_384 = tpu.vector_load %arg12[%get3A_383] {strides = array<i32>} : memref<512xf32, #tpu.memory_space<vmem>>, vector<16xf32>,
          %get3A_385 = arith.index_cast %mul3A_378 : i32 to index
          %get3A_386 = tpu.vector_load %arg13[%get3A_385] {strides = array<i32>} : memref<512xf32, #tpu.memory_space<vmem>>, vector<16xf32>,
          %get3A_387 = arith.index_cast %mul3A_378 : i32 to index
          %get3A_388 = tpu.vector_load %arg14[%get3A_387] {strides = array<i32>} : memref<512xf32, #tpu.memory_space<vmem>>, vector<16xf32>,
          %min3A_389 = arith.minimumf %get3A_384, %gather3A_244 : vector<16xf32>
          %max3A_390 = arith.maximumf %get3A_380, %gather3A_242 : vector<16xf32>
          %sub3A_391 = arith.subf %min3A_389, %max3A_390 : vector<16xf32>
          %max3A_392 = arith.constant 0.000000e+00 : f32
          %max3A_393 = vector.broadcast %max3A_392 : f32 to vector<16xf32>
          %max3A_394 = arith.maximumf %sub3A_391, %max3A_393 : vector<16xf32>
          %min3A_395 = arith.minimumf %get3A_386, %gather3A_245 : vector<16xf32>
          %max3A_396 = arith.maximumf %get3A_382, %gather3A_243 : vector<16xf32>
          %sub3A_397 = arith.subf %min3A_395, %max3A_396 : vector<16xf32>
          %max3A_398 = arith.constant 0.000000e+00 : f32
          %max3A_399 = vector.broadcast %max3A_398 : f32 to vector<16xf32>
          %max3A_400 = arith.maximumf %sub3A_397, %max3A_399 : vector<16xf32>
          %mul3A_401 = arith.mulf %max3A_394, %max3A_400 : vector<16xf32>
          %add3A_402 = arith.addf %gather3A_246, %get3A_388 : vector<16xf32>
          %sub3A_403 = arith.subf %add3A_402, %mul3A_401 : vector<16xf32>
          %max3A_404 = arith.constant 9.99999971E-10 : f32
          %max3A_405 = vector.broadcast %max3A_404 : f32 to vector<16xf32>
          %max3A_406 = arith.maximumf %sub3A_403, %max3A_405 : vector<16xf32>
          %mul3A_407 = arith.constant 5.000000e-01 : f32
          %mul3A_408 = vector.broadcast %mul3A_407 : f32 to vector<16xf32>
          %mul3A_409 = arith.mulf %mul3A_408, %max3A_406 : vector<16xf32>
          %gt3A_410 = arith.cmpf ogt, %mul3A_401, %mul3A_409 : vector<16xf32>
          %mul3A_411 = arith.constant 16 : i32
          %mul3A_412 = arith.muli %add3A_376, %mul3A_411 : i32
          %broadcast_in_dim3A_413 = vector.broadcast %mul3A_412 : i32 to vector<16xi32>
          %add3A_414 = arith.addi %broadcast_in_dim3A_413, %iota3A : vector<16xi32>
          %eq3A_415 = arith.cmpi eq, %broadcast_in_dim3A_241, %add3A_414 : vector<16xi32>
          %get3A_416 = arith.index_cast %mul3A_378 : i32 to index
          %get3A_417 = tpu.vector_load %arg9[%get3A_416] {strides = array<i32>} : memref<512xf32, #tpu.memory_space<vmem>>, vector<16xf32>,
          %or3A_418 = arith.ori %gt3A_410, %eq3A_415 : vector<16xi1>
          %and3A_419 = arith.andi %or3A_418, %gt3A_225 : vector<16xi1>
          %jit3A_420 = arith.constant -1.000000e+00 : f32
          %broadcast_in_dim3A_421 = vector.broadcast %jit3A_420 : f32 to vector<16xf32>
          %select_n3A_422 = arith.select %and3A_419, %broadcast_in_dim3A_421, %get3A_417 : vector<16xi1>, vector<16xf32>
          %swap3A_423 = arith.index_cast %mul3A_378 : i32 to index
          %swap3A_424 = tpu.vector_load %arg9[%swap3A_423] {strides = array<i32>} : memref<512xf32, #tpu.memory_space<vmem>>, vector<16xf32>,
          tpu.vector_store %arg9[%swap3A_423], %select_n3A_422 {strides = array<i32>} : memref<512xf32, #tpu.memory_space<vmem>>, vector<16xf32>,
          %gt3A_425 = arith.cmpf ogt, %select_n3A_422, %select_n3A_370 : vector<16xf32>
          %select_n3A_426 = arith.select %gt3A_425, %select_n3A_422, %select_n3A_370 : vector<16xi1>, vector<16xf32>
          %broadcast_in_dim3A_427 = vector.broadcast %add3A_376 : i32 to vector<16xi32>
          %select_n3A_428 = arith.select %gt3A_425, %broadcast_in_dim3A_427, %select_n3A_372 : vector<16xi1>, vector<16xi32>
          %mul3A_429 = arith.constant 4 : i32
          %mul3A_430 = arith.muli %scan3A_262, %mul3A_429 : i32
          %add3A_431 = arith.constant 3 : i32
          %add3A_432 = arith.addi %mul3A_430, %add3A_431 : i32
          %mul3A_433 = arith.constant 16 : i32
          %mul3A_434 = arith.muli %add3A_432, %mul3A_433 : i32
          %get3A_435 = arith.index_cast %mul3A_434 : i32 to index
          %get3A_436 = tpu.vector_load %arg10[%get3A_435] {strides = array<i32>} : memref<512xf32, #tpu.memory_space<vmem>>, vector<16xf32>,
          %get3A_437 = arith.index_cast %mul3A_434 : i32 to index
          %get3A_438 = tpu.vector_load %arg11[%get3A_437] {strides = array<i32>} : memref<512xf32, #tpu.memory_space<vmem>>, vector<16xf32>,
          %get3A_439 = arith.index_cast %mul3A_434 : i32 to index
          %get3A_440 = tpu.vector_load %arg12[%get3A_439] {strides = array<i32>} : memref<512xf32, #tpu.memory_space<vmem>>, vector<16xf32>,
          %get3A_441 = arith.index_cast %mul3A_434 : i32 to index
          %get3A_442 = tpu.vector_load %arg13[%get3A_441] {strides = array<i32>} : memref<512xf32, #tpu.memory_space<vmem>>, vector<16xf32>,
          %get3A_443 = arith.index_cast %mul3A_434 : i32 to index
          %get3A_444 = tpu.vector_load %arg14[%get3A_443] {strides = array<i32>} : memref<512xf32, #tpu.memory_space<vmem>>, vector<16xf32>,
          %min3A_445 = arith.minimumf %get3A_440, %gather3A_244 : vector<16xf32>
          %max3A_446 = arith.maximumf %get3A_436, %gather3A_242 : vector<16xf32>
          %sub3A_447 = arith.subf %min3A_445, %max3A_446 : vector<16xf32>
          %max3A_448 = arith.constant 0.000000e+00 : f32
          %max3A_449 = vector.broadcast %max3A_448 : f32 to vector<16xf32>
          %max3A_450 = arith.maximumf %sub3A_447, %max3A_449 : vector<16xf32>
          %min3A_451 = arith.minimumf %get3A_442, %gather3A_245 : vector<16xf32>
          %max3A_452 = arith.maximumf %get3A_438, %gather3A_243 : vector<16xf32>
          %sub3A_453 = arith.subf %min3A_451, %max3A_452 : vector<16xf32>
          %max3A_454 = arith.constant 0.000000e+00 : f32
          %max3A_455 = vector.broadcast %max3A_454 : f32 to vector<16xf32>
          %max3A_456 = arith.maximumf %sub3A_453, %max3A_455 : vector<16xf32>
          %mul3A_457 = arith.mulf %max3A_450, %max3A_456 : vector<16xf32>
          %add3A_458 = arith.addf %gather3A_246, %get3A_444 : vector<16xf32>
          %sub3A_459 = arith.subf %add3A_458, %mul3A_457 : vector<16xf32>
          %max3A_460 = arith.constant 9.99999971E-10 : f32
          %max3A_461 = vector.broadcast %max3A_460 : f32 to vector<16xf32>
          %max3A_462 = arith.maximumf %sub3A_459, %max3A_461 : vector<16xf32>
          %mul3A_463 = arith.constant 5.000000e-01 : f32
          %mul3A_464 = vector.broadcast %mul3A_463 : f32 to vector<16xf32>
          %mul3A_465 = arith.mulf %mul3A_464, %max3A_462 : vector<16xf32>
          %gt3A_466 = arith.cmpf ogt, %mul3A_457, %mul3A_465 : vector<16xf32>
          %mul3A_467 = arith.constant 16 : i32
          %mul3A_468 = arith.muli %add3A_432, %mul3A_467 : i32
          %broadcast_in_dim3A_469 = vector.broadcast %mul3A_468 : i32 to vector<16xi32>
          %add3A_470 = arith.addi %broadcast_in_dim3A_469, %iota3A : vector<16xi32>
          %eq3A_471 = arith.cmpi eq, %broadcast_in_dim3A_241, %add3A_470 : vector<16xi32>
          %get3A_472 = arith.index_cast %mul3A_434 : i32 to index
          %get3A_473 = tpu.vector_load %arg9[%get3A_472] {strides = array<i32>} : memref<512xf32, #tpu.memory_space<vmem>>, vector<16xf32>,
          %or3A_474 = arith.ori %gt3A_466, %eq3A_471 : vector<16xi1>
          %and3A_475 = arith.andi %or3A_474, %gt3A_225 : vector<16xi1>
          %jit3A_476 = arith.constant -1.000000e+00 : f32
          %broadcast_in_dim3A_477 = vector.broadcast %jit3A_476 : f32 to vector<16xf32>
          %select_n3A_478 = arith.select %and3A_475, %broadcast_in_dim3A_477, %get3A_473 : vector<16xi1>, vector<16xf32>
          %swap3A_479 = arith.index_cast %mul3A_434 : i32 to index
          %swap3A_480 = tpu.vector_load %arg9[%swap3A_479] {strides = array<i32>} : memref<512xf32, #tpu.memory_space<vmem>>, vector<16xf32>,
          tpu.vector_store %arg9[%swap3A_479], %select_n3A_478 {strides = array<i32>} : memref<512xf32, #tpu.memory_space<vmem>>, vector<16xf32>,
          %gt3A_481 = arith.cmpf ogt, %select_n3A_478, %select_n3A_426 : vector<16xf32>
          %select_n3A_482 = arith.select %gt3A_481, %select_n3A_478, %select_n3A_426 : vector<16xi1>, vector<16xf32>
          %broadcast_in_dim3A_483 = vector.broadcast %add3A_432 : i32 to vector<16xi32>
          %select_n3A_484 = arith.select %gt3A_481, %broadcast_in_dim3A_483, %select_n3A_428 : vector<16xi1>, vector<16xi32>
          scf.yield %select_n3A_482, %select_n3A_484 : vector<16xf32>, vector<16xi32>
        }
        %scan3A_260 = arith.constant 8 : i32
        %add3A_261 = arith.addi %while3A_212, %select_n3A : i32
        scf.yield %add3A_261, %gt3A_220, %scan3A_259#0, %scan3A_259#1 : i32, i1, vector<16xf32>, vector<16xi32>
      }
      "tpu.region"() ({
        %run_scoped3A = tpu.sem_alloc : memref<!tpu.dma_semaphore, #tpu.memory_space<semaphore_mem>>
        %dma_start3A = arith.constant 0 : i32
        %dma_start3A_212 = tpu.memref_slice %arg4[%add3A_2, %dma_start3A] : memref<80x128xf32, #tpu.memory_space<hbm>> -> memref<1x128xf32, #tpu.memory_space<hbm>>
        %dma_start3A_213 = tpu.memref_squeeze %dma_start3A_212 : memref<1x128xf32, #tpu.memory_space<hbm>> -> memref<128xf32, #tpu.memory_space<hbm>>
        %dma_start3A_214 = arith.constant 0 : i32
        %dma_start3A_215 = tpu.memref_slice %arg4[%add3A_2, %dma_start3A_214] : memref<80x128xf32, #tpu.memory_space<hbm>> -> memref<1x128xf32, #tpu.memory_space<hbm>>
        %dma_start3A_216 = tpu.memref_squeeze %dma_start3A_215 : memref<1x128xf32, #tpu.memory_space<hbm>> -> memref<128xf32, #tpu.memory_space<hbm>>
        tpu.enqueue_dma source(%arg15 : memref<128xf32, #tpu.memory_space<vmem>>) target(%dma_start3A_216 : memref<128xf32, #tpu.memory_space<hbm>>) target_semaphore(%run_scoped3A : memref<!tpu.dma_semaphore, #tpu.memory_space<semaphore_mem>>)
        %dma_wait3A = arith.constant 0 : i32
        %dma_wait3A_217 = tpu.memref_slice %arg4[%add3A_2, %dma_wait3A] : memref<80x128xf32, #tpu.memory_space<hbm>> -> memref<1x128xf32, #tpu.memory_space<hbm>>
        %dma_wait3A_218 = tpu.memref_squeeze %dma_wait3A_217 : memref<1x128xf32, #tpu.memory_space<hbm>> -> memref<128xf32, #tpu.memory_space<hbm>>
        %dma_wait3A_219 = arith.constant 0 : i32
        %dma_wait3A_220 = tpu.memref_slice %arg4[%add3A_2, %dma_wait3A_219] : memref<80x128xf32, #tpu.memory_space<hbm>> -> memref<1x128xf32, #tpu.memory_space<hbm>>
        %dma_wait3A_221 = tpu.memref_squeeze %dma_wait3A_220 : memref<1x128xf32, #tpu.memory_space<hbm>> -> memref<128xf32, #tpu.memory_space<hbm>>
        tpu.wait_dma2 semaphore(%run_scoped3A : memref<!tpu.dma_semaphore, #tpu.memory_space<semaphore_mem>>) src(%arg15 : memref<128xf32, #tpu.memory_space<vmem>>) dst(%dma_wait3A_221 : memref<128xf32, #tpu.memory_space<hbm>>)
        tpu.yield
      }) : () -> ()
    } else {
    }
    %add3A_5 = arith.constant 32 : i32
    %add3A_6 = arith.addi %add3A, %add3A_5 : i32
    %lt3A_7 = arith.constant 80 : i32
    %lt3A_8 = arith.cmpi slt, %add3A_6, %lt3A_7 : i32
    %convert_element_type3A_9 = arith.extui %lt3A_8 : i1 to i32
    %cond3A_10 = arith.constant 0 : i32
    %cond3A_11 = arith.cmpi ne, %convert_element_type3A_9, %cond3A_10 : i32
    scf.if %cond3A_11 {
      "tpu.region"() ({
        %run_scoped3A = tpu.sem_alloc : memref<!tpu.dma_semaphore, #tpu.memory_space<semaphore_mem>>
        %dma_start3A = arith.constant 0 : i32
        %dma_start3A_212 = tpu.memref_slice %arg2[%add3A_6, %dma_start3A] : memref<80x5120xi32, #tpu.memory_space<hbm>> -> memref<1x5120xi32, #tpu.memory_space<hbm>>
        %dma_start3A_213 = tpu.memref_squeeze %dma_start3A_212 : memref<1x5120xi32, #tpu.memory_space<hbm>> -> memref<5120xi32, #tpu.memory_space<hbm>>
        %dma_start3A_214 = arith.constant 0 : i32
        %dma_start3A_215 = tpu.memref_slice %arg2[%add3A_6, %dma_start3A_214] : memref<80x5120xi32, #tpu.memory_space<hbm>> -> memref<1x5120xi32, #tpu.memory_space<hbm>>
        %dma_start3A_216 = tpu.memref_squeeze %dma_start3A_215 : memref<1x5120xi32, #tpu.memory_space<hbm>> -> memref<5120xi32, #tpu.memory_space<hbm>>
        tpu.enqueue_dma source(%dma_start3A_216 : memref<5120xi32, #tpu.memory_space<hbm>>) target(%arg5 : memref<5120xi32, #tpu.memory_space<vmem>>) target_semaphore(%run_scoped3A : memref<!tpu.dma_semaphore, #tpu.memory_space<semaphore_mem>>)
        %dma_wait3A = arith.constant 0 : i32
        %dma_wait3A_217 = tpu.memref_slice %arg2[%add3A_6, %dma_wait3A] : memref<80x5120xi32, #tpu.memory_space<hbm>> -> memref<1x5120xi32, #tpu.memory_space<hbm>>
        %dma_wait3A_218 = tpu.memref_squeeze %dma_wait3A_217 : memref<1x5120xi32, #tpu.memory_space<hbm>> -> memref<5120xi32, #tpu.memory_space<hbm>>
        %dma_wait3A_219 = arith.constant 0 : i32
        %dma_wait3A_220 = tpu.memref_slice %arg2[%add3A_6, %dma_wait3A_219] : memref<80x5120xi32, #tpu.memory_space<hbm>> -> memref<1x5120xi32, #tpu.memory_space<hbm>>
        %dma_wait3A_221 = tpu.memref_squeeze %dma_wait3A_220 : memref<1x5120xi32, #tpu.memory_space<hbm>> -> memref<5120xi32, #tpu.memory_space<hbm>>
        tpu.wait_dma2 semaphore(%run_scoped3A : memref<!tpu.dma_semaphore, #tpu.memory_space<semaphore_mem>>) src(%dma_wait3A_221 : memref<5120xi32, #tpu.memory_space<hbm>>) dst(%arg5 : memref<5120xi32, #tpu.memory_space<vmem>>)
        tpu.yield
      }) : () -> ()
      %iota3A = tpu.iota {dimensions = array<i32: 0>} : vector<16xi32>
      %broadcast_in_dim3A = arith.constant 1 : i32
      %broadcast_in_dim3A_19 = vector.broadcast %broadcast_in_dim3A : i32 to vector<16xi32>
      %scan3A = arith.constant 0 : i32
      %scan3A_20 = arith.constant 0 : i32
      %scan3A_21 = arith.constant 64 : i32
      %scan3A_22 = arith.addi %scan3A_20, %scan3A_21 : i32
      %scan3A_23 = arith.constant 1 : i32
      %scan3A_24 = scf.for %scan3A_212 = %scan3A_20 to %scan3A_22 step %scan3A_23 iter_args(%scan3A_213 = %scan3A) -> (i32)  : i32 {
        %broadcast_in_dim3A_214 = arith.constant 0 : i32
        %broadcast_in_dim3A_215 = vector.broadcast %broadcast_in_dim3A_214 : i32 to vector<16xi32>
        %mul3A_216 = arith.constant 16 : i32
        %mul3A_217 = arith.muli %scan3A_212, %mul3A_216 : i32
        %swap3A = arith.index_cast %mul3A_217 : i32 to index
        %swap3A_218 = tpu.vector_load %arg7[%swap3A] {strides = array<i32>} : memref<1024xi32, #tpu.memory_space<vmem>>, vector<16xi32>,
        tpu.vector_store %arg7[%swap3A], %broadcast_in_dim3A_215 {strides = array<i32>} : memref<1024xi32, #tpu.memory_space<vmem>>, vector<16xi32>,
        %scan3A_219 = arith.constant 0 : i32
        scf.yield %scan3A_219 : i32
      }
      %scan3A_25 = arith.constant 64 : i32
      %scan3A_26 = arith.constant 0 : i32
      %scan3A_27 = arith.constant 0 : i32
      %scan3A_28 = arith.constant 80 : i32
      %scan3A_29 = arith.addi %scan3A_27, %scan3A_28 : i32
      %scan3A_30 = arith.constant 1 : i32
      %scan3A_31 = scf.for %scan3A_212 = %scan3A_27 to %scan3A_29 step %scan3A_30 iter_args(%scan3A_213 = %scan3A_26) -> (i32)  : i32 {
        %mul3A_214 = arith.constant 4 : i32
        %mul3A_215 = arith.muli %scan3A_212, %mul3A_214 : i32
        %add3A_216 = arith.constant 0 : i32
        %add3A_217 = arith.addi %mul3A_215, %add3A_216 : i32
        %mul3A_218 = arith.constant 16 : i32
        %mul3A_219 = arith.muli %add3A_217, %mul3A_218 : i32
        %get3A = arith.index_cast %mul3A_219 : i32 to index
        %get3A_220 = tpu.vector_load %arg5[%get3A] {strides = array<i32>} : memref<5120xi32, #tpu.memory_space<vmem>>, vector<16xi32>,
        %shift_right_arithmetic3A = arith.constant 20 : i32
        %shift_right_arithmetic3A_221 = vector.broadcast %shift_right_arithmetic3A : i32 to vector<16xi32>
        %shift_right_arithmetic3A_222 = arith.shrsi %get3A_220, %shift_right_arithmetic3A_221 : vector<16xi32>
        %and3A = arith.constant 1023 : i32
        %and3A_223 = vector.broadcast %and3A : i32 to vector<16xi32>
        %and3A_224 = arith.andi %shift_right_arithmetic3A_222, %and3A_223 : vector<16xi32>
        tpu.vector_store_idx %arg7[%and3A_224], %broadcast_in_dim3A_19 {add = true} : memref<1024xi32, #tpu.memory_space<vmem>>[vector<16xi32>], vector<16xi32>,
        %mul3A_225 = arith.constant 4 : i32
        %mul3A_226 = arith.muli %scan3A_212, %mul3A_225 : i32
        %add3A_227 = arith.constant 1 : i32
        %add3A_228 = arith.addi %mul3A_226, %add3A_227 : i32
        %mul3A_229 = arith.constant 16 : i32
        %mul3A_230 = arith.muli %add3A_228, %mul3A_229 : i32
        %get3A_231 = arith.index_cast %mul3A_230 : i32 to index
        %get3A_232 = tpu.vector_load %arg5[%get3A_231] {strides = array<i32>} : memref<5120xi32, #tpu.memory_space<vmem>>, vector<16xi32>,
        %shift_right_arithmetic3A_233 = arith.constant 20 : i32
        %shift_right_arithmetic3A_234 = vector.broadcast %shift_right_arithmetic3A_233 : i32 to vector<16xi32>
        %shift_right_arithmetic3A_235 = arith.shrsi %get3A_232, %shift_right_arithmetic3A_234 : vector<16xi32>
        %and3A_236 = arith.constant 1023 : i32
        %and3A_237 = vector.broadcast %and3A_236 : i32 to vector<16xi32>
        %and3A_238 = arith.andi %shift_right_arithmetic3A_235, %and3A_237 : vector<16xi32>
        tpu.vector_store_idx %arg7[%and3A_238], %broadcast_in_dim3A_19 {add = true} : memref<1024xi32, #tpu.memory_space<vmem>>[vector<16xi32>], vector<16xi32>,
        %mul3A_239 = arith.constant 4 : i32
        %mul3A_240 = arith.muli %scan3A_212, %mul3A_239 : i32
        %add3A_241 = arith.constant 2 : i32
        %add3A_242 = arith.addi %mul3A_240, %add3A_241 : i32
        %mul3A_243 = arith.constant 16 : i32
        %mul3A_244 = arith.muli %add3A_242, %mul3A_243 : i32
        %get3A_245 = arith.index_cast %mul3A_244 : i32 to index
        %get3A_246 = tpu.vector_load %arg5[%get3A_245] {strides = array<i32>} : memref<5120xi32, #tpu.memory_space<vmem>>, vector<16xi32>,
        %shift_right_arithmetic3A_247 = arith.constant 20 : i32
        %shift_right_arithmetic3A_248 = vector.broadcast %shift_right_arithmetic3A_247 : i32 to vector<16xi32>
        %shift_right_arithmetic3A_249 = arith.shrsi %get3A_246, %shift_right_arithmetic3A_248 : vector<16xi32>
        %and3A_250 = arith.constant 1023 : i32
        %and3A_251 = vector.broadcast %and3A_250 : i32 to vector<16xi32>
        %and3A_252 = arith.andi %shift_right_arithmetic3A_249, %and3A_251 : vector<16xi32>
        tpu.vector_store_idx %arg7[%and3A_252], %broadcast_in_dim3A_19 {add = true} : memref<1024xi32, #tpu.memory_space<vmem>>[vector<16xi32>], vector<16xi32>,
        %mul3A_253 = arith.constant 4 : i32
        %mul3A_254 = arith.muli %scan3A_212, %mul3A_253 : i32
        %add3A_255 = arith.constant 3 : i32
        %add3A_256 = arith.addi %mul3A_254, %add3A_255 : i32
        %mul3A_257 = arith.constant 16 : i32
        %mul3A_258 = arith.muli %add3A_256, %mul3A_257 : i32
        %get3A_259 = arith.index_cast %mul3A_258 : i32 to index
        %get3A_260 = tpu.vector_load %arg5[%get3A_259] {strides = array<i32>} : memref<5120xi32, #tpu.memory_space<vmem>>, vector<16xi32>,
        %shift_right_arithmetic3A_261 = arith.constant 20 : i32
        %shift_right_arithmetic3A_262 = vector.broadcast %shift_right_arithmetic3A_261 : i32 to vector<16xi32>
        %shift_right_arithmetic3A_263 = arith.shrsi %get3A_260, %shift_right_arithmetic3A_262 : vector<16xi32>
        %and3A_264 = arith.constant 1023 : i32
        %and3A_265 = vector.broadcast %and3A_264 : i32 to vector<16xi32>
        %and3A_266 = arith.andi %shift_right_arithmetic3A_263, %and3A_265 : vector<16xi32>
        tpu.vector_store_idx %arg7[%and3A_266], %broadcast_in_dim3A_19 {add = true} : memref<1024xi32, #tpu.memory_space<vmem>>[vector<16xi32>], vector<16xi32>,
        %scan3A_267 = arith.constant 0 : i32
        scf.yield %scan3A_267 : i32
      }
      %scan3A_32 = arith.constant 80 : i32
      %scan3A_33 = arith.constant 0 : i32
      %scan3A_34 = arith.constant 0 : i32
      %scan3A_35 = arith.constant 64 : i32
      %scan3A_36 = arith.addi %scan3A_34, %scan3A_35 : i32
      %scan3A_37 = arith.constant 1 : i32
      %scan3A_38 = scf.for %scan3A_212 = %scan3A_34 to %scan3A_36 step %scan3A_37 iter_args(%scan3A_213 = %scan3A_33) -> (i32)  : i32 {
        %mul3A_214 = arith.constant 16 : i32
        %mul3A_215 = arith.muli %scan3A_212, %mul3A_214 : i32
        %get3A = arith.index_cast %mul3A_215 : i32 to index
        %get3A_216 = tpu.vector_load %arg7[%get3A] {strides = array<i32>} : memref<1024xi32, #tpu.memory_space<vmem>>, vector<16xi32>,
        %broadcast_in_dim3A_217 = arith.constant true
        %broadcast_in_dim3A_218 = vector.broadcast %broadcast_in_dim3A_217 : i1 to vector<16xi1>
        %masked_cumsum3A = tpu.scan <sum>, %get3A_216 masked %broadcast_in_dim3A_218 : vector<16xi32>, vector<16xi1> -> vector<16xi32>
        %broadcast_in_dim3A_219 = vector.broadcast %scan3A_213 : i32 to vector<16xi32>
        %add3A_220 = arith.addi %masked_cumsum3A, %broadcast_in_dim3A_219 : vector<16xi32>
        %mul3A_221 = arith.constant 16 : i32
        %mul3A_222 = arith.muli %scan3A_212, %mul3A_221 : i32
        %swap3A = arith.index_cast %mul3A_222 : i32 to index
        %swap3A_223 = tpu.vector_load %arg8[%swap3A] {strides = array<i32>} : memref<1024xi32, #tpu.memory_space<vmem>>, vector<16xi32>,
        tpu.vector_store %arg8[%swap3A], %add3A_220 {strides = array<i32>} : memref<1024xi32, #tpu.memory_space<vmem>>, vector<16xi32>,
        %slice3A = vector.extract_strided_slice %add3A_220 {offsets = [15], sizes = [1], strides = [1]} : vector<16xi32> to vector<1xi32>
        %squeeze3A = vector.extract %slice3A[0] : i32 from vector<1xi32>
        scf.yield %squeeze3A : i32
      }
      %scan3A_39 = arith.constant 64 : i32
      %broadcast_in_dim3A_40 = arith.constant -1 : i32
      %broadcast_in_dim3A_41 = vector.broadcast %broadcast_in_dim3A_40 : i32 to vector<16xi32>
      %scan3A_42 = arith.constant 500 : i32
      %scan3A_43 = arith.constant 0 : i32
      %scan3A_44 = arith.constant 64 : i32
      %scan3A_45 = arith.addi %scan3A_43, %scan3A_44 : i32
      %scan3A_46 = arith.constant 1 : i32
      %scan3A_47 = scf.for %scan3A_212 = %scan3A_43 to %scan3A_45 step %scan3A_46 iter_args(%scan3A_213 = %broadcast_in_dim3A_41) -> (vector<16xi32>)  : i32 {
        %mul3A_214 = arith.constant 16 : i32
        %mul3A_215 = arith.muli %scan3A_212, %mul3A_214 : i32
        %get3A = arith.index_cast %mul3A_215 : i32 to index
        %get3A_216 = tpu.vector_load %arg7[%get3A] {strides = array<i32>} : memref<1024xi32, #tpu.memory_space<vmem>>, vector<16xi32>,
        %mul3A_217 = arith.constant 16 : i32
        %mul3A_218 = arith.muli %scan3A_212, %mul3A_217 : i32
        %get3A_219 = arith.index_cast %mul3A_218 : i32 to index
        %get3A_220 = tpu.vector_load %arg8[%get3A_219] {strides = array<i32>} : memref<1024xi32, #tpu.memory_space<vmem>>, vector<16xi32>,
        %broadcast_in_dim3A_221 = vector.broadcast %scan3A_38 : i32 to vector<16xi32>
        %sub3A_222 = arith.subi %broadcast_in_dim3A_221, %get3A_220 : vector<16xi32>
        %add3A_223 = arith.addi %sub3A_222, %get3A_216 : vector<16xi32>
        %mul3A_224 = arith.constant 16 : i32
        %mul3A_225 = arith.muli %scan3A_212, %mul3A_224 : i32
        %broadcast_in_dim3A_226 = vector.broadcast %mul3A_225 : i32 to vector<16xi32>
        %add3A_227 = arith.addi %broadcast_in_dim3A_226, %iota3A : vector<16xi32>
        %broadcast_in_dim3A_228 = vector.broadcast %scan3A_42 : i32 to vector<16xi32>
        %ge3A = arith.cmpi sge, %add3A_223, %broadcast_in_dim3A_228 : vector<16xi32>
        %broadcast_in_dim3A_229 = arith.constant -1 : i32
        %broadcast_in_dim3A_230 = vector.broadcast %broadcast_in_dim3A_229 : i32 to vector<16xi32>
        %select_n3A = arith.select %ge3A, %add3A_227, %broadcast_in_dim3A_230 : vector<16xi1>, vector<16xi32>
        %max3A = arith.maxsi %scan3A_213, %select_n3A : vector<16xi32>
        scf.yield %max3A : vector<16xi32>
      }
      %scan3A_48 = arith.constant 64 : i32
      %reduce_max3A = arith.constant true
      %reduce_max3A_49 = vector.broadcast %reduce_max3A : i1 to vector<16xi1>
      %reduce_max3A_50 = arith.constant -2147483648 : i32
      %reduce_max3A_51 = vector.broadcast %reduce_max3A_50 : i32 to vector<16xi32>
      %reduce_max3A_52 = arith.xori %scan3A_47, %reduce_max3A_51 : vector<16xi32>
      %reduce_max3A_53 = tpu.scan <max>, %reduce_max3A_52 masked %reduce_max3A_49 : vector<16xi32>, vector<16xi1> -> vector<16xi32>
      %reduce_max3A_54 = arith.xori %reduce_max3A_53, %reduce_max3A_51 : vector<16xi32>
      %reduce_max3A_55 = vector.extract %reduce_max3A_54[15] : i32 from vector<16xi32>
      %broadcast_in_dim3A_56 = vector.broadcast %reduce_max3A_55 : i32 to vector<16xi32>
      %gather3A = tpu.vector_load_idx %arg8[%broadcast_in_dim3A_56] : memref<1024xi32, #tpu.memory_space<vmem>>[vector<16xi32>], vector<16xi32>,
      %reduce_max3A_57 = arith.constant true
      %reduce_max3A_58 = vector.broadcast %reduce_max3A_57 : i1 to vector<16xi1>
      %reduce_max3A_59 = arith.constant -2147483648 : i32
      %reduce_max3A_60 = vector.broadcast %reduce_max3A_59 : i32 to vector<16xi32>
      %reduce_max3A_61 = arith.xori %gather3A, %reduce_max3A_60 : vector<16xi32>
      %reduce_max3A_62 = tpu.scan <max>, %reduce_max3A_61 masked %reduce_max3A_58 : vector<16xi32>, vector<16xi1> -> vector<16xi32>
      %reduce_max3A_63 = arith.xori %reduce_max3A_62, %reduce_max3A_60 : vector<16xi32>
      %reduce_max3A_64 = vector.extract %reduce_max3A_63[15] : i32 from vector<16xi32>
      %sub3A = arith.subi %scan3A_38, %reduce_max3A_64 : i32
      %sub3A_65 = arith.constant 500 : i32
      %sub3A_66 = arith.subi %sub3A_65, %sub3A : i32
      %scan3A_67 = arith.constant 0 : i32
      %scan3A_68 = arith.constant 0 : i32
      %scan3A_69 = arith.constant 64 : i32
      %scan3A_70 = arith.addi %scan3A_68, %scan3A_69 : i32
      %scan3A_71 = arith.constant 1 : i32
      %scan3A_72 = scf.for %scan3A_212 = %scan3A_68 to %scan3A_70 step %scan3A_71 iter_args(%scan3A_213 = %scan3A_67) -> (i32)  : i32 {
        %broadcast_in_dim3A_214 = arith.constant 0 : i32
        %broadcast_in_dim3A_215 = vector.broadcast %broadcast_in_dim3A_214 : i32 to vector<16xi32>
        %mul3A_216 = arith.constant 16 : i32
        %mul3A_217 = arith.muli %scan3A_212, %mul3A_216 : i32
        %swap3A = arith.index_cast %mul3A_217 : i32 to index
        %swap3A_218 = tpu.vector_load %arg7[%swap3A] {strides = array<i32>} : memref<1024xi32, #tpu.memory_space<vmem>>, vector<16xi32>,
        tpu.vector_store %arg7[%swap3A], %broadcast_in_dim3A_215 {strides = array<i32>} : memref<1024xi32, #tpu.memory_space<vmem>>, vector<16xi32>,
        %scan3A_219 = arith.constant 0 : i32
        scf.yield %scan3A_219 : i32
      }
      %scan3A_73 = arith.constant 64 : i32
      %scan3A_74 = arith.constant 0 : i32
      %scan3A_75 = arith.constant 0 : i32
      %scan3A_76 = arith.constant 80 : i32
      %scan3A_77 = arith.addi %scan3A_75, %scan3A_76 : i32
      %scan3A_78 = arith.constant 1 : i32
      %scan3A_79 = scf.for %scan3A_212 = %scan3A_75 to %scan3A_77 step %scan3A_78 iter_args(%scan3A_213 = %scan3A_74) -> (i32)  : i32 {
        %mul3A_214 = arith.constant 4 : i32
        %mul3A_215 = arith.muli %scan3A_212, %mul3A_214 : i32
        %add3A_216 = arith.constant 0 : i32
        %add3A_217 = arith.addi %mul3A_215, %add3A_216 : i32
        %mul3A_218 = arith.constant 16 : i32
        %mul3A_219 = arith.muli %add3A_217, %mul3A_218 : i32
        %get3A = arith.index_cast %mul3A_219 : i32 to index
        %get3A_220 = tpu.vector_load %arg5[%get3A] {strides = array<i32>} : memref<5120xi32, #tpu.memory_space<vmem>>, vector<16xi32>,
        %shift_right_arithmetic3A = arith.constant 10 : i32
        %shift_right_arithmetic3A_221 = vector.broadcast %shift_right_arithmetic3A : i32 to vector<16xi32>
        %shift_right_arithmetic3A_222 = arith.shrsi %get3A_220, %shift_right_arithmetic3A_221 : vector<16xi32>
        %and3A = arith.constant 1023 : i32
        %and3A_223 = vector.broadcast %and3A : i32 to vector<16xi32>
        %and3A_224 = arith.andi %shift_right_arithmetic3A_222, %and3A_223 : vector<16xi32>
        %shift_right_arithmetic3A_225 = arith.constant 20 : i32
        %shift_right_arithmetic3A_226 = vector.broadcast %shift_right_arithmetic3A_225 : i32 to vector<16xi32>
        %shift_right_arithmetic3A_227 = arith.shrsi %get3A_220, %shift_right_arithmetic3A_226 : vector<16xi32>
        %broadcast_in_dim3A_228 = vector.broadcast %reduce_max3A_55 : i32 to vector<16xi32>
        %eq3A = arith.cmpi eq, %shift_right_arithmetic3A_227, %broadcast_in_dim3A_228 : vector<16xi32>
        tpu.vector_store_idx %arg7[%and3A_224], %broadcast_in_dim3A_19 masked %eq3A {add = true} : memref<1024xi32, #tpu.memory_space<vmem>>[vector<16xi32>], vector<16xi32>, vector<16xi1>
        %mul3A_229 = arith.constant 4 : i32
        %mul3A_230 = arith.muli %scan3A_212, %mul3A_229 : i32
        %add3A_231 = arith.constant 1 : i32
        %add3A_232 = arith.addi %mul3A_230, %add3A_231 : i32
        %mul3A_233 = arith.constant 16 : i32
        %mul3A_234 = arith.muli %add3A_232, %mul3A_233 : i32
        %get3A_235 = arith.index_cast %mul3A_234 : i32 to index
        %get3A_236 = tpu.vector_load %arg5[%get3A_235] {strides = array<i32>} : memref<5120xi32, #tpu.memory_space<vmem>>, vector<16xi32>,
        %shift_right_arithmetic3A_237 = arith.constant 10 : i32
        %shift_right_arithmetic3A_238 = vector.broadcast %shift_right_arithmetic3A_237 : i32 to vector<16xi32>
        %shift_right_arithmetic3A_239 = arith.shrsi %get3A_236, %shift_right_arithmetic3A_238 : vector<16xi32>
        %and3A_240 = arith.constant 1023 : i32
        %and3A_241 = vector.broadcast %and3A_240 : i32 to vector<16xi32>
        %and3A_242 = arith.andi %shift_right_arithmetic3A_239, %and3A_241 : vector<16xi32>
        %shift_right_arithmetic3A_243 = arith.constant 20 : i32
        %shift_right_arithmetic3A_244 = vector.broadcast %shift_right_arithmetic3A_243 : i32 to vector<16xi32>
        %shift_right_arithmetic3A_245 = arith.shrsi %get3A_236, %shift_right_arithmetic3A_244 : vector<16xi32>
        %broadcast_in_dim3A_246 = vector.broadcast %reduce_max3A_55 : i32 to vector<16xi32>
        %eq3A_247 = arith.cmpi eq, %shift_right_arithmetic3A_245, %broadcast_in_dim3A_246 : vector<16xi32>
        tpu.vector_store_idx %arg7[%and3A_242], %broadcast_in_dim3A_19 masked %eq3A_247 {add = true} : memref<1024xi32, #tpu.memory_space<vmem>>[vector<16xi32>], vector<16xi32>, vector<16xi1>
        %mul3A_248 = arith.constant 4 : i32
        %mul3A_249 = arith.muli %scan3A_212, %mul3A_248 : i32
        %add3A_250 = arith.constant 2 : i32
        %add3A_251 = arith.addi %mul3A_249, %add3A_250 : i32
        %mul3A_252 = arith.constant 16 : i32
        %mul3A_253 = arith.muli %add3A_251, %mul3A_252 : i32
        %get3A_254 = arith.index_cast %mul3A_253 : i32 to index
        %get3A_255 = tpu.vector_load %arg5[%get3A_254] {strides = array<i32>} : memref<5120xi32, #tpu.memory_space<vmem>>, vector<16xi32>,
        %shift_right_arithmetic3A_256 = arith.constant 10 : i32
        %shift_right_arithmetic3A_257 = vector.broadcast %shift_right_arithmetic3A_256 : i32 to vector<16xi32>
        %shift_right_arithmetic3A_258 = arith.shrsi %get3A_255, %shift_right_arithmetic3A_257 : vector<16xi32>
        %and3A_259 = arith.constant 1023 : i32
        %and3A_260 = vector.broadcast %and3A_259 : i32 to vector<16xi32>
        %and3A_261 = arith.andi %shift_right_arithmetic3A_258, %and3A_260 : vector<16xi32>
        %shift_right_arithmetic3A_262 = arith.constant 20 : i32
        %shift_right_arithmetic3A_263 = vector.broadcast %shift_right_arithmetic3A_262 : i32 to vector<16xi32>
        %shift_right_arithmetic3A_264 = arith.shrsi %get3A_255, %shift_right_arithmetic3A_263 : vector<16xi32>
        %broadcast_in_dim3A_265 = vector.broadcast %reduce_max3A_55 : i32 to vector<16xi32>
        %eq3A_266 = arith.cmpi eq, %shift_right_arithmetic3A_264, %broadcast_in_dim3A_265 : vector<16xi32>
        tpu.vector_store_idx %arg7[%and3A_261], %broadcast_in_dim3A_19 masked %eq3A_266 {add = true} : memref<1024xi32, #tpu.memory_space<vmem>>[vector<16xi32>], vector<16xi32>, vector<16xi1>
        %mul3A_267 = arith.constant 4 : i32
        %mul3A_268 = arith.muli %scan3A_212, %mul3A_267 : i32
        %add3A_269 = arith.constant 3 : i32
        %add3A_270 = arith.addi %mul3A_268, %add3A_269 : i32
        %mul3A_271 = arith.constant 16 : i32
        %mul3A_272 = arith.muli %add3A_270, %mul3A_271 : i32
        %get3A_273 = arith.index_cast %mul3A_272 : i32 to index
        %get3A_274 = tpu.vector_load %arg5[%get3A_273] {strides = array<i32>} : memref<5120xi32, #tpu.memory_space<vmem>>, vector<16xi32>,
        %shift_right_arithmetic3A_275 = arith.constant 10 : i32
        %shift_right_arithmetic3A_276 = vector.broadcast %shift_right_arithmetic3A_275 : i32 to vector<16xi32>
        %shift_right_arithmetic3A_277 = arith.shrsi %get3A_274, %shift_right_arithmetic3A_276 : vector<16xi32>
        %and3A_278 = arith.constant 1023 : i32
        %and3A_279 = vector.broadcast %and3A_278 : i32 to vector<16xi32>
        %and3A_280 = arith.andi %shift_right_arithmetic3A_277, %and3A_279 : vector<16xi32>
        %shift_right_arithmetic3A_281 = arith.constant 20 : i32
        %shift_right_arithmetic3A_282 = vector.broadcast %shift_right_arithmetic3A_281 : i32 to vector<16xi32>
        %shift_right_arithmetic3A_283 = arith.shrsi %get3A_274, %shift_right_arithmetic3A_282 : vector<16xi32>
        %broadcast_in_dim3A_284 = vector.broadcast %reduce_max3A_55 : i32 to vector<16xi32>
        %eq3A_285 = arith.cmpi eq, %shift_right_arithmetic3A_283, %broadcast_in_dim3A_284 : vector<16xi32>
        tpu.vector_store_idx %arg7[%and3A_280], %broadcast_in_dim3A_19 masked %eq3A_285 {add = true} : memref<1024xi32, #tpu.memory_space<vmem>>[vector<16xi32>], vector<16xi32>, vector<16xi1>
        %scan3A_286 = arith.constant 0 : i32
        scf.yield %scan3A_286 : i32
      }
      %scan3A_80 = arith.constant 80 : i32
      %scan3A_81 = arith.constant 0 : i32
      %scan3A_82 = arith.constant 0 : i32
      %scan3A_83 = arith.constant 64 : i32
      %scan3A_84 = arith.addi %scan3A_82, %scan3A_83 : i32
      %scan3A_85 = arith.constant 1 : i32
      %scan3A_86 = scf.for %scan3A_212 = %scan3A_82 to %scan3A_84 step %scan3A_85 iter_args(%scan3A_213 = %scan3A_81) -> (i32)  : i32 {
        %mul3A_214 = arith.constant 16 : i32
        %mul3A_215 = arith.muli %scan3A_212, %mul3A_214 : i32
        %get3A = arith.index_cast %mul3A_215 : i32 to index
        %get3A_216 = tpu.vector_load %arg7[%get3A] {strides = array<i32>} : memref<1024xi32, #tpu.memory_space<vmem>>, vector<16xi32>,
        %broadcast_in_dim3A_217 = arith.constant true
        %broadcast_in_dim3A_218 = vector.broadcast %broadcast_in_dim3A_217 : i1 to vector<16xi1>
        %masked_cumsum3A = tpu.scan <sum>, %get3A_216 masked %broadcast_in_dim3A_218 : vector<16xi32>, vector<16xi1> -> vector<16xi32>
        %broadcast_in_dim3A_219 = vector.broadcast %scan3A_213 : i32 to vector<16xi32>
        %add3A_220 = arith.addi %masked_cumsum3A, %broadcast_in_dim3A_219 : vector<16xi32>
        %mul3A_221 = arith.constant 16 : i32
        %mul3A_222 = arith.muli %scan3A_212, %mul3A_221 : i32
        %swap3A = arith.index_cast %mul3A_222 : i32 to index
        %swap3A_223 = tpu.vector_load %arg8[%swap3A] {strides = array<i32>} : memref<1024xi32, #tpu.memory_space<vmem>>, vector<16xi32>,
        tpu.vector_store %arg8[%swap3A], %add3A_220 {strides = array<i32>} : memref<1024xi32, #tpu.memory_space<vmem>>, vector<16xi32>,
        %slice3A = vector.extract_strided_slice %add3A_220 {offsets = [15], sizes = [1], strides = [1]} : vector<16xi32> to vector<1xi32>
        %squeeze3A = vector.extract %slice3A[0] : i32 from vector<1xi32>
        scf.yield %squeeze3A : i32
      }
      %scan3A_87 = arith.constant 64 : i32
      %broadcast_in_dim3A_88 = arith.constant -1 : i32
      %broadcast_in_dim3A_89 = vector.broadcast %broadcast_in_dim3A_88 : i32 to vector<16xi32>
      %scan3A_90 = arith.constant 0 : i32
      %scan3A_91 = arith.constant 64 : i32
      %scan3A_92 = arith.addi %scan3A_90, %scan3A_91 : i32
      %scan3A_93 = arith.constant 1 : i32
      %scan3A_94 = scf.for %scan3A_212 = %scan3A_90 to %scan3A_92 step %scan3A_93 iter_args(%scan3A_213 = %broadcast_in_dim3A_89) -> (vector<16xi32>)  : i32 {
        %mul3A_214 = arith.constant 16 : i32
        %mul3A_215 = arith.muli %scan3A_212, %mul3A_214 : i32
        %get3A = arith.index_cast %mul3A_215 : i32 to index
        %get3A_216 = tpu.vector_load %arg7[%get3A] {strides = array<i32>} : memref<1024xi32, #tpu.memory_space<vmem>>, vector<16xi32>,
        %mul3A_217 = arith.constant 16 : i32
        %mul3A_218 = arith.muli %scan3A_212, %mul3A_217 : i32
        %get3A_219 = arith.index_cast %mul3A_218 : i32 to index
        %get3A_220 = tpu.vector_load %arg8[%get3A_219] {strides = array<i32>} : memref<1024xi32, #tpu.memory_space<vmem>>, vector<16xi32>,
        %broadcast_in_dim3A_221 = vector.broadcast %scan3A_86 : i32 to vector<16xi32>
        %sub3A_222 = arith.subi %broadcast_in_dim3A_221, %get3A_220 : vector<16xi32>
        %add3A_223 = arith.addi %sub3A_222, %get3A_216 : vector<16xi32>
        %mul3A_224 = arith.constant 16 : i32
        %mul3A_225 = arith.muli %scan3A_212, %mul3A_224 : i32
        %broadcast_in_dim3A_226 = vector.broadcast %mul3A_225 : i32 to vector<16xi32>
        %add3A_227 = arith.addi %broadcast_in_dim3A_226, %iota3A : vector<16xi32>
        %broadcast_in_dim3A_228 = vector.broadcast %sub3A_66 : i32 to vector<16xi32>
        %ge3A = arith.cmpi sge, %add3A_223, %broadcast_in_dim3A_228 : vector<16xi32>
        %broadcast_in_dim3A_229 = arith.constant -1 : i32
        %broadcast_in_dim3A_230 = vector.broadcast %broadcast_in_dim3A_229 : i32 to vector<16xi32>
        %select_n3A = arith.select %ge3A, %add3A_227, %broadcast_in_dim3A_230 : vector<16xi1>, vector<16xi32>
        %max3A = arith.maxsi %scan3A_213, %select_n3A : vector<16xi32>
        scf.yield %max3A : vector<16xi32>
      }
      %scan3A_95 = arith.constant 64 : i32
      %reduce_max3A_96 = arith.constant true
      %reduce_max3A_97 = vector.broadcast %reduce_max3A_96 : i1 to vector<16xi1>
      %reduce_max3A_98 = arith.constant -2147483648 : i32
      %reduce_max3A_99 = vector.broadcast %reduce_max3A_98 : i32 to vector<16xi32>
      %reduce_max3A_100 = arith.xori %scan3A_94, %reduce_max3A_99 : vector<16xi32>
      %reduce_max3A_101 = tpu.scan <max>, %reduce_max3A_100 masked %reduce_max3A_97 : vector<16xi32>, vector<16xi1> -> vector<16xi32>
      %reduce_max3A_102 = arith.xori %reduce_max3A_101, %reduce_max3A_99 : vector<16xi32>
      %reduce_max3A_103 = vector.extract %reduce_max3A_102[15] : i32 from vector<16xi32>
      %broadcast_in_dim3A_104 = vector.broadcast %reduce_max3A_103 : i32 to vector<16xi32>
      %gather3A_105 = tpu.vector_load_idx %arg8[%broadcast_in_dim3A_104] : memref<1024xi32, #tpu.memory_space<vmem>>[vector<16xi32>], vector<16xi32>,
      %reduce_max3A_106 = arith.constant true
      %reduce_max3A_107 = vector.broadcast %reduce_max3A_106 : i1 to vector<16xi1>
      %reduce_max3A_108 = arith.constant -2147483648 : i32
      %reduce_max3A_109 = vector.broadcast %reduce_max3A_108 : i32 to vector<16xi32>
      %reduce_max3A_110 = arith.xori %gather3A_105, %reduce_max3A_109 : vector<16xi32>
      %reduce_max3A_111 = tpu.scan <max>, %reduce_max3A_110 masked %reduce_max3A_107 : vector<16xi32>, vector<16xi1> -> vector<16xi32>
      %reduce_max3A_112 = arith.xori %reduce_max3A_111, %reduce_max3A_109 : vector<16xi32>
      %reduce_max3A_113 = vector.extract %reduce_max3A_112[15] : i32 from vector<16xi32>
      %sub3A_114 = arith.subi %scan3A_86, %reduce_max3A_113 : i32
      %sub3A_115 = arith.subi %sub3A_66, %sub3A_114 : i32
      %shift_left3A = arith.constant 10 : i32
      %shift_left3A_116 = arith.shli %reduce_max3A_55, %shift_left3A : i32
      %or3A = arith.ori %shift_left3A_116, %reduce_max3A_103 : i32
      %scan3A_117 = arith.constant 0 : i32
      %scan3A_118 = arith.constant 0 : i32
      %scan3A_119 = arith.constant 64 : i32
      %scan3A_120 = arith.addi %scan3A_118, %scan3A_119 : i32
      %scan3A_121 = arith.constant 1 : i32
      %scan3A_122 = scf.for %scan3A_212 = %scan3A_118 to %scan3A_120 step %scan3A_121 iter_args(%scan3A_213 = %scan3A_117) -> (i32)  : i32 {
        %broadcast_in_dim3A_214 = arith.constant 0 : i32
        %broadcast_in_dim3A_215 = vector.broadcast %broadcast_in_dim3A_214 : i32 to vector<16xi32>
        %mul3A_216 = arith.constant 16 : i32
        %mul3A_217 = arith.muli %scan3A_212, %mul3A_216 : i32
        %swap3A = arith.index_cast %mul3A_217 : i32 to index
        %swap3A_218 = tpu.vector_load %arg7[%swap3A] {strides = array<i32>} : memref<1024xi32, #tpu.memory_space<vmem>>, vector<16xi32>,
        tpu.vector_store %arg7[%swap3A], %broadcast_in_dim3A_215 {strides = array<i32>} : memref<1024xi32, #tpu.memory_space<vmem>>, vector<16xi32>,
        %scan3A_219 = arith.constant 0 : i32
        scf.yield %scan3A_219 : i32
      }
      %scan3A_123 = arith.constant 64 : i32
      %scan3A_124 = arith.constant 0 : i32
      %scan3A_125 = arith.constant 0 : i32
      %scan3A_126 = arith.constant 80 : i32
      %scan3A_127 = arith.addi %scan3A_125, %scan3A_126 : i32
      %scan3A_128 = arith.constant 1 : i32
      %scan3A_129 = scf.for %scan3A_212 = %scan3A_125 to %scan3A_127 step %scan3A_128 iter_args(%scan3A_213 = %scan3A_124) -> (i32)  : i32 {
        %mul3A_214 = arith.constant 4 : i32
        %mul3A_215 = arith.muli %scan3A_212, %mul3A_214 : i32
        %add3A_216 = arith.constant 0 : i32
        %add3A_217 = arith.addi %mul3A_215, %add3A_216 : i32
        %mul3A_218 = arith.constant 16 : i32
        %mul3A_219 = arith.muli %add3A_217, %mul3A_218 : i32
        %get3A = arith.index_cast %mul3A_219 : i32 to index
        %get3A_220 = tpu.vector_load %arg5[%get3A] {strides = array<i32>} : memref<5120xi32, #tpu.memory_space<vmem>>, vector<16xi32>,
        %shift_right_arithmetic3A = arith.constant 0 : i32
        %shift_right_arithmetic3A_221 = vector.broadcast %shift_right_arithmetic3A : i32 to vector<16xi32>
        %shift_right_arithmetic3A_222 = arith.shrsi %get3A_220, %shift_right_arithmetic3A_221 : vector<16xi32>
        %and3A = arith.constant 1023 : i32
        %and3A_223 = vector.broadcast %and3A : i32 to vector<16xi32>
        %and3A_224 = arith.andi %shift_right_arithmetic3A_222, %and3A_223 : vector<16xi32>
        %shift_right_arithmetic3A_225 = arith.constant 10 : i32
        %shift_right_arithmetic3A_226 = vector.broadcast %shift_right_arithmetic3A_225 : i32 to vector<16xi32>
        %shift_right_arithmetic3A_227 = arith.shrsi %get3A_220, %shift_right_arithmetic3A_226 : vector<16xi32>
        %broadcast_in_dim3A_228 = vector.broadcast %or3A : i32 to vector<16xi32>
        %eq3A = arith.cmpi eq, %shift_right_arithmetic3A_227, %broadcast_in_dim3A_228 : vector<16xi32>
        tpu.vector_store_idx %arg7[%and3A_224], %broadcast_in_dim3A_19 masked %eq3A {add = true} : memref<1024xi32, #tpu.memory_space<vmem>>[vector<16xi32>], vector<16xi32>, vector<16xi1>
        %mul3A_229 = arith.constant 4 : i32
        %mul3A_230 = arith.muli %scan3A_212, %mul3A_229 : i32
        %add3A_231 = arith.constant 1 : i32
        %add3A_232 = arith.addi %mul3A_230, %add3A_231 : i32
        %mul3A_233 = arith.constant 16 : i32
        %mul3A_234 = arith.muli %add3A_232, %mul3A_233 : i32
        %get3A_235 = arith.index_cast %mul3A_234 : i32 to index
        %get3A_236 = tpu.vector_load %arg5[%get3A_235] {strides = array<i32>} : memref<5120xi32, #tpu.memory_space<vmem>>, vector<16xi32>,
        %shift_right_arithmetic3A_237 = arith.constant 0 : i32
        %shift_right_arithmetic3A_238 = vector.broadcast %shift_right_arithmetic3A_237 : i32 to vector<16xi32>
        %shift_right_arithmetic3A_239 = arith.shrsi %get3A_236, %shift_right_arithmetic3A_238 : vector<16xi32>
        %and3A_240 = arith.constant 1023 : i32
        %and3A_241 = vector.broadcast %and3A_240 : i32 to vector<16xi32>
        %and3A_242 = arith.andi %shift_right_arithmetic3A_239, %and3A_241 : vector<16xi32>
        %shift_right_arithmetic3A_243 = arith.constant 10 : i32
        %shift_right_arithmetic3A_244 = vector.broadcast %shift_right_arithmetic3A_243 : i32 to vector<16xi32>
        %shift_right_arithmetic3A_245 = arith.shrsi %get3A_236, %shift_right_arithmetic3A_244 : vector<16xi32>
        %broadcast_in_dim3A_246 = vector.broadcast %or3A : i32 to vector<16xi32>
        %eq3A_247 = arith.cmpi eq, %shift_right_arithmetic3A_245, %broadcast_in_dim3A_246 : vector<16xi32>
        tpu.vector_store_idx %arg7[%and3A_242], %broadcast_in_dim3A_19 masked %eq3A_247 {add = true} : memref<1024xi32, #tpu.memory_space<vmem>>[vector<16xi32>], vector<16xi32>, vector<16xi1>
        %mul3A_248 = arith.constant 4 : i32
        %mul3A_249 = arith.muli %scan3A_212, %mul3A_248 : i32
        %add3A_250 = arith.constant 2 : i32
        %add3A_251 = arith.addi %mul3A_249, %add3A_250 : i32
        %mul3A_252 = arith.constant 16 : i32
        %mul3A_253 = arith.muli %add3A_251, %mul3A_252 : i32
        %get3A_254 = arith.index_cast %mul3A_253 : i32 to index
        %get3A_255 = tpu.vector_load %arg5[%get3A_254] {strides = array<i32>} : memref<5120xi32, #tpu.memory_space<vmem>>, vector<16xi32>,
        %shift_right_arithmetic3A_256 = arith.constant 0 : i32
        %shift_right_arithmetic3A_257 = vector.broadcast %shift_right_arithmetic3A_256 : i32 to vector<16xi32>
        %shift_right_arithmetic3A_258 = arith.shrsi %get3A_255, %shift_right_arithmetic3A_257 : vector<16xi32>
        %and3A_259 = arith.constant 1023 : i32
        %and3A_260 = vector.broadcast %and3A_259 : i32 to vector<16xi32>
        %and3A_261 = arith.andi %shift_right_arithmetic3A_258, %and3A_260 : vector<16xi32>
        %shift_right_arithmetic3A_262 = arith.constant 10 : i32
        %shift_right_arithmetic3A_263 = vector.broadcast %shift_right_arithmetic3A_262 : i32 to vector<16xi32>
        %shift_right_arithmetic3A_264 = arith.shrsi %get3A_255, %shift_right_arithmetic3A_263 : vector<16xi32>
        %broadcast_in_dim3A_265 = vector.broadcast %or3A : i32 to vector<16xi32>
        %eq3A_266 = arith.cmpi eq, %shift_right_arithmetic3A_264, %broadcast_in_dim3A_265 : vector<16xi32>
        tpu.vector_store_idx %arg7[%and3A_261], %broadcast_in_dim3A_19 masked %eq3A_266 {add = true} : memref<1024xi32, #tpu.memory_space<vmem>>[vector<16xi32>], vector<16xi32>, vector<16xi1>
        %mul3A_267 = arith.constant 4 : i32
        %mul3A_268 = arith.muli %scan3A_212, %mul3A_267 : i32
        %add3A_269 = arith.constant 3 : i32
        %add3A_270 = arith.addi %mul3A_268, %add3A_269 : i32
        %mul3A_271 = arith.constant 16 : i32
        %mul3A_272 = arith.muli %add3A_270, %mul3A_271 : i32
        %get3A_273 = arith.index_cast %mul3A_272 : i32 to index
        %get3A_274 = tpu.vector_load %arg5[%get3A_273] {strides = array<i32>} : memref<5120xi32, #tpu.memory_space<vmem>>, vector<16xi32>,
        %shift_right_arithmetic3A_275 = arith.constant 0 : i32
        %shift_right_arithmetic3A_276 = vector.broadcast %shift_right_arithmetic3A_275 : i32 to vector<16xi32>
        %shift_right_arithmetic3A_277 = arith.shrsi %get3A_274, %shift_right_arithmetic3A_276 : vector<16xi32>
        %and3A_278 = arith.constant 1023 : i32
        %and3A_279 = vector.broadcast %and3A_278 : i32 to vector<16xi32>
        %and3A_280 = arith.andi %shift_right_arithmetic3A_277, %and3A_279 : vector<16xi32>
        %shift_right_arithmetic3A_281 = arith.constant 10 : i32
        %shift_right_arithmetic3A_282 = vector.broadcast %shift_right_arithmetic3A_281 : i32 to vector<16xi32>
        %shift_right_arithmetic3A_283 = arith.shrsi %get3A_274, %shift_right_arithmetic3A_282 : vector<16xi32>
        %broadcast_in_dim3A_284 = vector.broadcast %or3A : i32 to vector<16xi32>
        %eq3A_285 = arith.cmpi eq, %shift_right_arithmetic3A_283, %broadcast_in_dim3A_284 : vector<16xi32>
        tpu.vector_store_idx %arg7[%and3A_280], %broadcast_in_dim3A_19 masked %eq3A_285 {add = true} : memref<1024xi32, #tpu.memory_space<vmem>>[vector<16xi32>], vector<16xi32>, vector<16xi1>
        %scan3A_286 = arith.constant 0 : i32
        scf.yield %scan3A_286 : i32
      }
      %scan3A_130 = arith.constant 80 : i32
      %scan3A_131 = arith.constant 0 : i32
      %scan3A_132 = arith.constant 0 : i32
      %scan3A_133 = arith.constant 64 : i32
      %scan3A_134 = arith.addi %scan3A_132, %scan3A_133 : i32
      %scan3A_135 = arith.constant 1 : i32
      %scan3A_136 = scf.for %scan3A_212 = %scan3A_132 to %scan3A_134 step %scan3A_135 iter_args(%scan3A_213 = %scan3A_131) -> (i32)  : i32 {
        %mul3A_214 = arith.constant 16 : i32
        %mul3A_215 = arith.muli %scan3A_212, %mul3A_214 : i32
        %get3A = arith.index_cast %mul3A_215 : i32 to index
        %get3A_216 = tpu.vector_load %arg7[%get3A] {strides = array<i32>} : memref<1024xi32, #tpu.memory_space<vmem>>, vector<16xi32>,
        %broadcast_in_dim3A_217 = arith.constant true
        %broadcast_in_dim3A_218 = vector.broadcast %broadcast_in_dim3A_217 : i1 to vector<16xi1>
        %masked_cumsum3A = tpu.scan <sum>, %get3A_216 masked %broadcast_in_dim3A_218 : vector<16xi32>, vector<16xi1> -> vector<16xi32>
        %broadcast_in_dim3A_219 = vector.broadcast %scan3A_213 : i32 to vector<16xi32>
        %add3A_220 = arith.addi %masked_cumsum3A, %broadcast_in_dim3A_219 : vector<16xi32>
        %mul3A_221 = arith.constant 16 : i32
        %mul3A_222 = arith.muli %scan3A_212, %mul3A_221 : i32
        %swap3A = arith.index_cast %mul3A_222 : i32 to index
        %swap3A_223 = tpu.vector_load %arg8[%swap3A] {strides = array<i32>} : memref<1024xi32, #tpu.memory_space<vmem>>, vector<16xi32>,
        tpu.vector_store %arg8[%swap3A], %add3A_220 {strides = array<i32>} : memref<1024xi32, #tpu.memory_space<vmem>>, vector<16xi32>,
        %slice3A = vector.extract_strided_slice %add3A_220 {offsets = [15], sizes = [1], strides = [1]} : vector<16xi32> to vector<1xi32>
        %squeeze3A = vector.extract %slice3A[0] : i32 from vector<1xi32>
        scf.yield %squeeze3A : i32
      }
      %scan3A_137 = arith.constant 64 : i32
      %broadcast_in_dim3A_138 = arith.constant -1 : i32
      %broadcast_in_dim3A_139 = vector.broadcast %broadcast_in_dim3A_138 : i32 to vector<16xi32>
      %scan3A_140 = arith.constant 0 : i32
      %scan3A_141 = arith.constant 64 : i32
      %scan3A_142 = arith.addi %scan3A_140, %scan3A_141 : i32
      %scan3A_143 = arith.constant 1 : i32
      %scan3A_144 = scf.for %scan3A_212 = %scan3A_140 to %scan3A_142 step %scan3A_143 iter_args(%scan3A_213 = %broadcast_in_dim3A_139) -> (vector<16xi32>)  : i32 {
        %mul3A_214 = arith.constant 16 : i32
        %mul3A_215 = arith.muli %scan3A_212, %mul3A_214 : i32
        %get3A = arith.index_cast %mul3A_215 : i32 to index
        %get3A_216 = tpu.vector_load %arg7[%get3A] {strides = array<i32>} : memref<1024xi32, #tpu.memory_space<vmem>>, vector<16xi32>,
        %mul3A_217 = arith.constant 16 : i32
        %mul3A_218 = arith.muli %scan3A_212, %mul3A_217 : i32
        %get3A_219 = arith.index_cast %mul3A_218 : i32 to index
        %get3A_220 = tpu.vector_load %arg8[%get3A_219] {strides = array<i32>} : memref<1024xi32, #tpu.memory_space<vmem>>, vector<16xi32>,
        %broadcast_in_dim3A_221 = vector.broadcast %scan3A_136 : i32 to vector<16xi32>
        %sub3A_222 = arith.subi %broadcast_in_dim3A_221, %get3A_220 : vector<16xi32>
        %add3A_223 = arith.addi %sub3A_222, %get3A_216 : vector<16xi32>
        %mul3A_224 = arith.constant 16 : i32
        %mul3A_225 = arith.muli %scan3A_212, %mul3A_224 : i32
        %broadcast_in_dim3A_226 = vector.broadcast %mul3A_225 : i32 to vector<16xi32>
        %add3A_227 = arith.addi %broadcast_in_dim3A_226, %iota3A : vector<16xi32>
        %broadcast_in_dim3A_228 = vector.broadcast %sub3A_115 : i32 to vector<16xi32>
        %ge3A = arith.cmpi sge, %add3A_223, %broadcast_in_dim3A_228 : vector<16xi32>
        %broadcast_in_dim3A_229 = arith.constant -1 : i32
        %broadcast_in_dim3A_230 = vector.broadcast %broadcast_in_dim3A_229 : i32 to vector<16xi32>
        %select_n3A = arith.select %ge3A, %add3A_227, %broadcast_in_dim3A_230 : vector<16xi1>, vector<16xi32>
        %max3A = arith.maxsi %scan3A_213, %select_n3A : vector<16xi32>
        scf.yield %max3A : vector<16xi32>
      }
      %scan3A_145 = arith.constant 64 : i32
      %reduce_max3A_146 = arith.constant true
      %reduce_max3A_147 = vector.broadcast %reduce_max3A_146 : i1 to vector<16xi1>
      %reduce_max3A_148 = arith.constant -2147483648 : i32
      %reduce_max3A_149 = vector.broadcast %reduce_max3A_148 : i32 to vector<16xi32>
      %reduce_max3A_150 = arith.xori %scan3A_144, %reduce_max3A_149 : vector<16xi32>
      %reduce_max3A_151 = tpu.scan <max>, %reduce_max3A_150 masked %reduce_max3A_147 : vector<16xi32>, vector<16xi1> -> vector<16xi32>
      %reduce_max3A_152 = arith.xori %reduce_max3A_151, %reduce_max3A_149 : vector<16xi32>
      %reduce_max3A_153 = vector.extract %reduce_max3A_152[15] : i32 from vector<16xi32>
      %broadcast_in_dim3A_154 = vector.broadcast %reduce_max3A_153 : i32 to vector<16xi32>
      %gather3A_155 = tpu.vector_load_idx %arg8[%broadcast_in_dim3A_154] : memref<1024xi32, #tpu.memory_space<vmem>>[vector<16xi32>], vector<16xi32>,
      %reduce_max3A_156 = arith.constant true
      %reduce_max3A_157 = vector.broadcast %reduce_max3A_156 : i1 to vector<16xi1>
      %reduce_max3A_158 = arith.constant -2147483648 : i32
      %reduce_max3A_159 = vector.broadcast %reduce_max3A_158 : i32 to vector<16xi32>
      %reduce_max3A_160 = arith.xori %gather3A_155, %reduce_max3A_159 : vector<16xi32>
      %reduce_max3A_161 = tpu.scan <max>, %reduce_max3A_160 masked %reduce_max3A_157 : vector<16xi32>, vector<16xi1> -> vector<16xi32>
      %reduce_max3A_162 = arith.xori %reduce_max3A_161, %reduce_max3A_159 : vector<16xi32>
      %reduce_max3A_163 = vector.extract %reduce_max3A_162[15] : i32 from vector<16xi32>
      %sub3A_164 = arith.subi %scan3A_136, %reduce_max3A_163 : i32
      %shift_left3A_165 = arith.constant 20 : i32
      %shift_left3A_166 = arith.shli %reduce_max3A_55, %shift_left3A_165 : i32
      %shift_left3A_167 = arith.constant 10 : i32
      %shift_left3A_168 = arith.shli %reduce_max3A_103, %shift_left3A_167 : i32
      %or3A_169 = arith.ori %shift_left3A_166, %shift_left3A_168 : i32
      %or3A_170 = arith.ori %or3A_169, %reduce_max3A_153 : i32
      %add3A_171 = arith.addi %sub3A, %sub3A_114 : i32
      %add3A_172 = arith.addi %add3A_171, %sub3A_164 : i32
      %sub3A_173 = arith.constant 500 : i32
      %sub3A_174 = arith.subi %sub3A_173, %add3A_172 : i32
      %scan3A_175 = arith.constant 0 : i32
      %scan3A_176 = arith.constant 0 : i32
      %scan3A_177 = arith.constant 32 : i32
      %scan3A_178 = arith.addi %scan3A_176, %scan3A_177 : i32
      %scan3A_179 = arith.constant 1 : i32
      %scan3A_180 = scf.for %scan3A_212 = %scan3A_176 to %scan3A_178 step %scan3A_179 iter_args(%scan3A_213 = %scan3A_175) -> (i32)  : i32 {
        %broadcast_in_dim3A_214 = arith.constant -1.000000e+00 : f32
        %broadcast_in_dim3A_215 = vector.broadcast %broadcast_in_dim3A_214 : f32 to vector<16xf32>
        %mul3A_216 = arith.constant 16 : i32
        %mul3A_217 = arith.muli %scan3A_212, %mul3A_216 : i32
        %swap3A = arith.index_cast %mul3A_217 : i32 to index
        %swap3A_218 = tpu.vector_load %arg9[%swap3A] {strides = array<i32>} : memref<512xf32, #tpu.memory_space<vmem>>, vector<16xf32>,
        tpu.vector_store %arg9[%swap3A], %broadcast_in_dim3A_215 {strides = array<i32>} : memref<512xf32, #tpu.memory_space<vmem>>, vector<16xf32>,
        %scan3A_219 = arith.constant 0 : i32
        scf.yield %scan3A_219 : i32
      }
      %scan3A_181 = arith.constant 32 : i32
      %scan3A_182 = arith.constant 0 : i32
      %scan3A_183 = arith.constant 0 : i32
      %scan3A_184 = arith.constant 8 : i32
      %scan3A_185 = arith.addi %scan3A_183, %scan3A_184 : i32
      %scan3A_186 = arith.constant 1 : i32
      %scan3A_187 = scf.for %scan3A_212 = %scan3A_183 to %scan3A_185 step %scan3A_186 iter_args(%scan3A_213 = %scan3A_182) -> (i32)  : i32 {
        %broadcast_in_dim3A_214 = arith.constant 0xFF800000 : f32
        %broadcast_in_dim3A_215 = vector.broadcast %broadcast_in_dim3A_214 : f32 to vector<16xf32>
        %mul3A_216 = arith.constant 16 : i32
        %mul3A_217 = arith.muli %scan3A_212, %mul3A_216 : i32
        %swap3A = arith.index_cast %mul3A_217 : i32 to index
        %swap3A_218 = tpu.vector_load %arg15[%swap3A] {strides = array<i32>} : memref<128xf32, #tpu.memory_space<vmem>>, vector<16xf32>,
        tpu.vector_store %arg15[%swap3A], %broadcast_in_dim3A_215 {strides = array<i32>} : memref<128xf32, #tpu.memory_space<vmem>>, vector<16xf32>,
        %scan3A_219 = arith.constant 0 : i32
        scf.yield %scan3A_219 : i32
      }
      %scan3A_188 = arith.constant 8 : i32
      %broadcast_in_dim3A_189 = vector.broadcast %or3A_170 : i32 to vector<16xi32>
      %add3A_190 = arith.addi %sub3A, %sub3A_114 : i32
      %add3A_191 = arith.addi %add3A_190, %sub3A_164 : i32
      %scan3A_192 = arith.constant 0 : i32
      %scan3A_193 = arith.constant 0 : i32
      %scan3A_194 = arith.constant 0 : i32
      %scan3A_195 = arith.constant 80 : i32
      %scan3A_196 = arith.addi %scan3A_194, %scan3A_195 : i32
      %scan3A_197 = arith.constant 1 : i32
      %scan3A_198:2 = scf.for %scan3A_212 = %scan3A_194 to %scan3A_196 step %scan3A_197 iter_args(%scan3A_213 = %scan3A_192, %scan3A_214 = %scan3A_193) -> (i32, i32)  : i32 {
        %mul3A_215 = arith.constant 4 : i32
        %mul3A_216 = arith.muli %scan3A_212, %mul3A_215 : i32
        %add3A_217 = arith.constant 0 : i32
        %add3A_218 = arith.addi %mul3A_216, %add3A_217 : i32
        %mul3A_219 = arith.constant 16 : i32
        %mul3A_220 = arith.muli %add3A_218, %mul3A_219 : i32
        %get3A = arith.index_cast %mul3A_220 : i32 to index
        %get3A_221 = tpu.vector_load %arg5[%get3A] {strides = array<i32>} : memref<5120xi32, #tpu.memory_space<vmem>>, vector<16xi32>,
        %gt3A = arith.cmpi sgt, %get3A_221, %broadcast_in_dim3A_189 : vector<16xi32>
        %eq3A = arith.cmpi eq, %get3A_221, %broadcast_in_dim3A_189 : vector<16xi32>
        %jit3A = arith.constant 1 : i32
        %jit3A_222 = arith.constant 0 : i32
        %broadcast_in_dim3A_223 = vector.broadcast %jit3A : i32 to vector<16xi32>
        %broadcast_in_dim3A_224 = vector.broadcast %jit3A_222 : i32 to vector<16xi32>
        %select_n3A = arith.select %gt3A, %broadcast_in_dim3A_223, %broadcast_in_dim3A_224 : vector<16xi1>, vector<16xi32>
        %jit3A_225 = arith.constant 65536 : i32
        %jit3A_226 = arith.constant 0 : i32
        %broadcast_in_dim3A_227 = vector.broadcast %jit3A_225 : i32 to vector<16xi32>
        %broadcast_in_dim3A_228 = vector.broadcast %jit3A_226 : i32 to vector<16xi32>
        %select_n3A_229 = arith.select %eq3A, %broadcast_in_dim3A_227, %broadcast_in_dim3A_228 : vector<16xi1>, vector<16xi32>
        %add3A_230 = arith.addi %select_n3A, %select_n3A_229 : vector<16xi32>
        %broadcast_in_dim3A_231 = arith.constant true
        %broadcast_in_dim3A_232 = vector.broadcast %broadcast_in_dim3A_231 : i1 to vector<16xi1>
        %masked_cumsum3A = tpu.scan <sum>, %add3A_230 masked %broadcast_in_dim3A_232 : vector<16xi32>, vector<16xi1> -> vector<16xi32>
        %and3A = arith.constant 65535 : i32
        %and3A_233 = vector.broadcast %and3A : i32 to vector<16xi32>
        %and3A_234 = arith.andi %masked_cumsum3A, %and3A_233 : vector<16xi32>
        %sub3A_235 = arith.constant 1 : i32
        %sub3A_236 = vector.broadcast %sub3A_235 : i32 to vector<16xi32>
        %sub3A_237 = arith.subi %and3A_234, %sub3A_236 : vector<16xi32>
        %broadcast_in_dim3A_238 = vector.broadcast %scan3A_213 : i32 to vector<16xi32>
        %add3A_239 = arith.addi %sub3A_237, %broadcast_in_dim3A_238 : vector<16xi32>
        %shift_right_arithmetic3A = arith.constant 16 : i32
        %shift_right_arithmetic3A_240 = vector.broadcast %shift_right_arithmetic3A : i32 to vector<16xi32>
        %shift_right_arithmetic3A_241 = arith.shrsi %masked_cumsum3A, %shift_right_arithmetic3A_240 : vector<16xi32>
        %sub3A_242 = arith.constant 1 : i32
        %sub3A_243 = vector.broadcast %sub3A_242 : i32 to vector<16xi32>
        %sub3A_244 = arith.subi %shift_right_arithmetic3A_241, %sub3A_243 : vector<16xi32>
        %add3A_245 = arith.addi %add3A_191, %scan3A_214 : i32
        %broadcast_in_dim3A_246 = vector.broadcast %add3A_245 : i32 to vector<16xi32>
        %add3A_247 = arith.addi %sub3A_244, %broadcast_in_dim3A_246 : vector<16xi32>
        %select_n3A_248 = arith.select %gt3A, %add3A_239, %add3A_247 : vector<16xi1>, vector<16xi32>
        %lt3A_249 = arith.constant 500 : i32
        %lt3A_250 = vector.broadcast %lt3A_249 : i32 to vector<16xi32>
        %lt3A_251 = arith.cmpi slt, %select_n3A_248, %lt3A_250 : vector<16xi32>
        %and3A_252 = arith.andi %eq3A, %lt3A_251 : vector<16xi1>
        %or3A_253 = arith.ori %gt3A, %and3A_252 : vector<16xi1>
        %mul3A_254 = arith.constant 16 : i32
        %mul3A_255 = arith.muli %add3A_218, %mul3A_254 : i32
        %get3A_256 = arith.constant 0 : i32
        %get3A_257 = arith.index_cast %get3A_256 : i32 to index
        %get3A_258 = arith.index_cast %mul3A_255 : i32 to index
        %get3A_259 = tpu.vector_load %arg6[%get3A_257, %get3A_258] {strides = array<i32>} : memref<4x5120xf32, #tpu.memory_space<vmem>>, vector<16xf32>,
        %mul3A_260 = arith.constant 16 : i32
        %mul3A_261 = arith.muli %add3A_218, %mul3A_260 : i32
        %get3A_262 = arith.constant 1 : i32
        %get3A_263 = arith.index_cast %get3A_262 : i32 to index
        %get3A_264 = arith.index_cast %mul3A_261 : i32 to index
        %get3A_265 = tpu.vector_load %arg6[%get3A_263, %get3A_264] {strides = array<i32>} : memref<4x5120xf32, #tpu.memory_space<vmem>>, vector<16xf32>,
        %mul3A_266 = arith.constant 16 : i32
        %mul3A_267 = arith.muli %add3A_218, %mul3A_266 : i32
        %get3A_268 = arith.constant 2 : i32
        %get3A_269 = arith.index_cast %get3A_268 : i32 to index
        %get3A_270 = arith.index_cast %mul3A_267 : i32 to index
        %get3A_271 = tpu.vector_load %arg6[%get3A_269, %get3A_270] {strides = array<i32>} : memref<4x5120xf32, #tpu.memory_space<vmem>>, vector<16xf32>,
        %mul3A_272 = arith.constant 16 : i32
        %mul3A_273 = arith.muli %add3A_218, %mul3A_272 : i32
        %get3A_274 = arith.constant 3 : i32
        %get3A_275 = arith.index_cast %get3A_274 : i32 to index
        %get3A_276 = arith.index_cast %mul3A_273 : i32 to index
        %get3A_277 = tpu.vector_load %arg6[%get3A_275, %get3A_276] {strides = array<i32>} : memref<4x5120xf32, #tpu.memory_space<vmem>>, vector<16xf32>,
        %sub3A_278 = arith.subf %get3A_271, %get3A_259 : vector<16xf32>
        %max3A = arith.constant 0.000000e+00 : f32
        %max3A_279 = vector.broadcast %max3A : f32 to vector<16xf32>
        %max3A_280 = arith.maximumf %sub3A_278, %max3A_279 : vector<16xf32>
        %sub3A_281 = arith.subf %get3A_277, %get3A_265 : vector<16xf32>
        %max3A_282 = arith.constant 0.000000e+00 : f32
        %max3A_283 = vector.broadcast %max3A_282 : f32 to vector<16xf32>
        %max3A_284 = arith.maximumf %sub3A_281, %max3A_283 : vector<16xf32>
        %mul3A_285 = arith.mulf %max3A_280, %max3A_284 : vector<16xf32>
        %bitcast3A = vector.bitcast %get3A_221 : vector<16xi32> to vector<16xf32>
        tpu.vector_store_idx %arg9[%select_n3A_248], %bitcast3A masked %or3A_253 : memref<512xf32, #tpu.memory_space<vmem>>[vector<16xi32>], vector<16xf32>, vector<16xi1>
        tpu.vector_store_idx %arg10[%select_n3A_248], %get3A_259 masked %or3A_253 : memref<512xf32, #tpu.memory_space<vmem>>[vector<16xi32>], vector<16xf32>, vector<16xi1>
        tpu.vector_store_idx %arg11[%select_n3A_248], %get3A_265 masked %or3A_253 : memref<512xf32, #tpu.memory_space<vmem>>[vector<16xi32>], vector<16xf32>, vector<16xi1>
        tpu.vector_store_idx %arg12[%select_n3A_248], %get3A_271 masked %or3A_253 : memref<512xf32, #tpu.memory_space<vmem>>[vector<16xi32>], vector<16xf32>, vector<16xi1>
        tpu.vector_store_idx %arg13[%select_n3A_248], %get3A_277 masked %or3A_253 : memref<512xf32, #tpu.memory_space<vmem>>[vector<16xi32>], vector<16xf32>, vector<16xi1>
        tpu.vector_store_idx %arg14[%select_n3A_248], %mul3A_285 masked %or3A_253 : memref<512xf32, #tpu.memory_space<vmem>>[vector<16xi32>], vector<16xf32>, vector<16xi1>
        %slice3A = vector.extract_strided_slice %masked_cumsum3A {offsets = [15], sizes = [1], strides = [1]} : vector<16xi32> to vector<1xi32>
        %squeeze3A = vector.extract %slice3A[0] : i32 from vector<1xi32>
        %and3A_286 = arith.constant 65535 : i32
        %and3A_287 = arith.andi %squeeze3A, %and3A_286 : i32
        %add3A_288 = arith.addi %scan3A_213, %and3A_287 : i32
        %shift_right_arithmetic3A_289 = arith.constant 16 : i32
        %shift_right_arithmetic3A_290 = arith.shrsi %squeeze3A, %shift_right_arithmetic3A_289 : i32
        %add3A_291 = arith.addi %scan3A_214, %shift_right_arithmetic3A_290 : i32
        %mul3A_292 = arith.constant 4 : i32
        %mul3A_293 = arith.muli %scan3A_212, %mul3A_292 : i32
        %add3A_294 = arith.constant 1 : i32
        %add3A_295 = arith.addi %mul3A_293, %add3A_294 : i32
        %mul3A_296 = arith.constant 16 : i32
        %mul3A_297 = arith.muli %add3A_295, %mul3A_296 : i32
        %get3A_298 = arith.index_cast %mul3A_297 : i32 to index
        %get3A_299 = tpu.vector_load %arg5[%get3A_298] {strides = array<i32>} : memref<5120xi32, #tpu.memory_space<vmem>>, vector<16xi32>,
        %gt3A_300 = arith.cmpi sgt, %get3A_299, %broadcast_in_dim3A_189 : vector<16xi32>
        %eq3A_301 = arith.cmpi eq, %get3A_299, %broadcast_in_dim3A_189 : vector<16xi32>
        %jit3A_302 = arith.constant 1 : i32
        %jit3A_303 = arith.constant 0 : i32
        %broadcast_in_dim3A_304 = vector.broadcast %jit3A_302 : i32 to vector<16xi32>
        %broadcast_in_dim3A_305 = vector.broadcast %jit3A_303 : i32 to vector<16xi32>
        %select_n3A_306 = arith.select %gt3A_300, %broadcast_in_dim3A_304, %broadcast_in_dim3A_305 : vector<16xi1>, vector<16xi32>
        %jit3A_307 = arith.constant 65536 : i32
        %jit3A_308 = arith.constant 0 : i32
        %broadcast_in_dim3A_309 = vector.broadcast %jit3A_307 : i32 to vector<16xi32>
        %broadcast_in_dim3A_310 = vector.broadcast %jit3A_308 : i32 to vector<16xi32>
        %select_n3A_311 = arith.select %eq3A_301, %broadcast_in_dim3A_309, %broadcast_in_dim3A_310 : vector<16xi1>, vector<16xi32>
        %add3A_312 = arith.addi %select_n3A_306, %select_n3A_311 : vector<16xi32>
        %broadcast_in_dim3A_313 = arith.constant true
        %broadcast_in_dim3A_314 = vector.broadcast %broadcast_in_dim3A_313 : i1 to vector<16xi1>
        %masked_cumsum3A_315 = tpu.scan <sum>, %add3A_312 masked %broadcast_in_dim3A_314 : vector<16xi32>, vector<16xi1> -> vector<16xi32>
        %and3A_316 = arith.constant 65535 : i32
        %and3A_317 = vector.broadcast %and3A_316 : i32 to vector<16xi32>
        %and3A_318 = arith.andi %masked_cumsum3A_315, %and3A_317 : vector<16xi32>
        %sub3A_319 = arith.constant 1 : i32
        %sub3A_320 = vector.broadcast %sub3A_319 : i32 to vector<16xi32>
        %sub3A_321 = arith.subi %and3A_318, %sub3A_320 : vector<16xi32>
        %broadcast_in_dim3A_322 = vector.broadcast %add3A_288 : i32 to vector<16xi32>
        %add3A_323 = arith.addi %sub3A_321, %broadcast_in_dim3A_322 : vector<16xi32>
        %shift_right_arithmetic3A_324 = arith.constant 16 : i32
        %shift_right_arithmetic3A_325 = vector.broadcast %shift_right_arithmetic3A_324 : i32 to vector<16xi32>
        %shift_right_arithmetic3A_326 = arith.shrsi %masked_cumsum3A_315, %shift_right_arithmetic3A_325 : vector<16xi32>
        %sub3A_327 = arith.constant 1 : i32
        %sub3A_328 = vector.broadcast %sub3A_327 : i32 to vector<16xi32>
        %sub3A_329 = arith.subi %shift_right_arithmetic3A_326, %sub3A_328 : vector<16xi32>
        %add3A_330 = arith.addi %add3A_191, %add3A_291 : i32
        %broadcast_in_dim3A_331 = vector.broadcast %add3A_330 : i32 to vector<16xi32>
        %add3A_332 = arith.addi %sub3A_329, %broadcast_in_dim3A_331 : vector<16xi32>
        %select_n3A_333 = arith.select %gt3A_300, %add3A_323, %add3A_332 : vector<16xi1>, vector<16xi32>
        %lt3A_334 = arith.constant 500 : i32
        %lt3A_335 = vector.broadcast %lt3A_334 : i32 to vector<16xi32>
        %lt3A_336 = arith.cmpi slt, %select_n3A_333, %lt3A_335 : vector<16xi32>
        %and3A_337 = arith.andi %eq3A_301, %lt3A_336 : vector<16xi1>
        %or3A_338 = arith.ori %gt3A_300, %and3A_337 : vector<16xi1>
        %mul3A_339 = arith.constant 16 : i32
        %mul3A_340 = arith.muli %add3A_295, %mul3A_339 : i32
        %get3A_341 = arith.constant 0 : i32
        %get3A_342 = arith.index_cast %get3A_341 : i32 to index
        %get3A_343 = arith.index_cast %mul3A_340 : i32 to index
        %get3A_344 = tpu.vector_load %arg6[%get3A_342, %get3A_343] {strides = array<i32>} : memref<4x5120xf32, #tpu.memory_space<vmem>>, vector<16xf32>,
        %mul3A_345 = arith.constant 16 : i32
        %mul3A_346 = arith.muli %add3A_295, %mul3A_345 : i32
        %get3A_347 = arith.constant 1 : i32
        %get3A_348 = arith.index_cast %get3A_347 : i32 to index
        %get3A_349 = arith.index_cast %mul3A_346 : i32 to index
        %get3A_350 = tpu.vector_load %arg6[%get3A_348, %get3A_349] {strides = array<i32>} : memref<4x5120xf32, #tpu.memory_space<vmem>>, vector<16xf32>,
        %mul3A_351 = arith.constant 16 : i32
        %mul3A_352 = arith.muli %add3A_295, %mul3A_351 : i32
        %get3A_353 = arith.constant 2 : i32
        %get3A_354 = arith.index_cast %get3A_353 : i32 to index
        %get3A_355 = arith.index_cast %mul3A_352 : i32 to index
        %get3A_356 = tpu.vector_load %arg6[%get3A_354, %get3A_355] {strides = array<i32>} : memref<4x5120xf32, #tpu.memory_space<vmem>>, vector<16xf32>,
        %mul3A_357 = arith.constant 16 : i32
        %mul3A_358 = arith.muli %add3A_295, %mul3A_357 : i32
        %get3A_359 = arith.constant 3 : i32
        %get3A_360 = arith.index_cast %get3A_359 : i32 to index
        %get3A_361 = arith.index_cast %mul3A_358 : i32 to index
        %get3A_362 = tpu.vector_load %arg6[%get3A_360, %get3A_361] {strides = array<i32>} : memref<4x5120xf32, #tpu.memory_space<vmem>>, vector<16xf32>,
        %sub3A_363 = arith.subf %get3A_356, %get3A_344 : vector<16xf32>
        %max3A_364 = arith.constant 0.000000e+00 : f32
        %max3A_365 = vector.broadcast %max3A_364 : f32 to vector<16xf32>
        %max3A_366 = arith.maximumf %sub3A_363, %max3A_365 : vector<16xf32>
        %sub3A_367 = arith.subf %get3A_362, %get3A_350 : vector<16xf32>
        %max3A_368 = arith.constant 0.000000e+00 : f32
        %max3A_369 = vector.broadcast %max3A_368 : f32 to vector<16xf32>
        %max3A_370 = arith.maximumf %sub3A_367, %max3A_369 : vector<16xf32>
        %mul3A_371 = arith.mulf %max3A_366, %max3A_370 : vector<16xf32>
        %bitcast3A_372 = vector.bitcast %get3A_299 : vector<16xi32> to vector<16xf32>
        tpu.vector_store_idx %arg9[%select_n3A_333], %bitcast3A_372 masked %or3A_338 : memref<512xf32, #tpu.memory_space<vmem>>[vector<16xi32>], vector<16xf32>, vector<16xi1>
        tpu.vector_store_idx %arg10[%select_n3A_333], %get3A_344 masked %or3A_338 : memref<512xf32, #tpu.memory_space<vmem>>[vector<16xi32>], vector<16xf32>, vector<16xi1>
        tpu.vector_store_idx %arg11[%select_n3A_333], %get3A_350 masked %or3A_338 : memref<512xf32, #tpu.memory_space<vmem>>[vector<16xi32>], vector<16xf32>, vector<16xi1>
        tpu.vector_store_idx %arg12[%select_n3A_333], %get3A_356 masked %or3A_338 : memref<512xf32, #tpu.memory_space<vmem>>[vector<16xi32>], vector<16xf32>, vector<16xi1>
        tpu.vector_store_idx %arg13[%select_n3A_333], %get3A_362 masked %or3A_338 : memref<512xf32, #tpu.memory_space<vmem>>[vector<16xi32>], vector<16xf32>, vector<16xi1>
        tpu.vector_store_idx %arg14[%select_n3A_333], %mul3A_371 masked %or3A_338 : memref<512xf32, #tpu.memory_space<vmem>>[vector<16xi32>], vector<16xf32>, vector<16xi1>
        %slice3A_373 = vector.extract_strided_slice %masked_cumsum3A_315 {offsets = [15], sizes = [1], strides = [1]} : vector<16xi32> to vector<1xi32>
        %squeeze3A_374 = vector.extract %slice3A_373[0] : i32 from vector<1xi32>
        %and3A_375 = arith.constant 65535 : i32
        %and3A_376 = arith.andi %squeeze3A_374, %and3A_375 : i32
        %add3A_377 = arith.addi %add3A_288, %and3A_376 : i32
        %shift_right_arithmetic3A_378 = arith.constant 16 : i32
        %shift_right_arithmetic3A_379 = arith.shrsi %squeeze3A_374, %shift_right_arithmetic3A_378 : i32
        %add3A_380 = arith.addi %add3A_291, %shift_right_arithmetic3A_379 : i32
        %mul3A_381 = arith.constant 4 : i32
        %mul3A_382 = arith.muli %scan3A_212, %mul3A_381 : i32
        %add3A_383 = arith.constant 2 : i32
        %add3A_384 = arith.addi %mul3A_382, %add3A_383 : i32
        %mul3A_385 = arith.constant 16 : i32
        %mul3A_386 = arith.muli %add3A_384, %mul3A_385 : i32
        %get3A_387 = arith.index_cast %mul3A_386 : i32 to index
        %get3A_388 = tpu.vector_load %arg5[%get3A_387] {strides = array<i32>} : memref<5120xi32, #tpu.memory_space<vmem>>, vector<16xi32>,
        %gt3A_389 = arith.cmpi sgt, %get3A_388, %broadcast_in_dim3A_189 : vector<16xi32>
        %eq3A_390 = arith.cmpi eq, %get3A_388, %broadcast_in_dim3A_189 : vector<16xi32>
        %jit3A_391 = arith.constant 1 : i32
        %jit3A_392 = arith.constant 0 : i32
        %broadcast_in_dim3A_393 = vector.broadcast %jit3A_391 : i32 to vector<16xi32>
        %broadcast_in_dim3A_394 = vector.broadcast %jit3A_392 : i32 to vector<16xi32>
        %select_n3A_395 = arith.select %gt3A_389, %broadcast_in_dim3A_393, %broadcast_in_dim3A_394 : vector<16xi1>, vector<16xi32>
        %jit3A_396 = arith.constant 65536 : i32
        %jit3A_397 = arith.constant 0 : i32
        %broadcast_in_dim3A_398 = vector.broadcast %jit3A_396 : i32 to vector<16xi32>
        %broadcast_in_dim3A_399 = vector.broadcast %jit3A_397 : i32 to vector<16xi32>
        %select_n3A_400 = arith.select %eq3A_390, %broadcast_in_dim3A_398, %broadcast_in_dim3A_399 : vector<16xi1>, vector<16xi32>
        %add3A_401 = arith.addi %select_n3A_395, %select_n3A_400 : vector<16xi32>
        %broadcast_in_dim3A_402 = arith.constant true
        %broadcast_in_dim3A_403 = vector.broadcast %broadcast_in_dim3A_402 : i1 to vector<16xi1>
        %masked_cumsum3A_404 = tpu.scan <sum>, %add3A_401 masked %broadcast_in_dim3A_403 : vector<16xi32>, vector<16xi1> -> vector<16xi32>
        %and3A_405 = arith.constant 65535 : i32
        %and3A_406 = vector.broadcast %and3A_405 : i32 to vector<16xi32>
        %and3A_407 = arith.andi %masked_cumsum3A_404, %and3A_406 : vector<16xi32>
        %sub3A_408 = arith.constant 1 : i32
        %sub3A_409 = vector.broadcast %sub3A_408 : i32 to vector<16xi32>
        %sub3A_410 = arith.subi %and3A_407, %sub3A_409 : vector<16xi32>
        %broadcast_in_dim3A_411 = vector.broadcast %add3A_377 : i32 to vector<16xi32>
        %add3A_412 = arith.addi %sub3A_410, %broadcast_in_dim3A_411 : vector<16xi32>
        %shift_right_arithmetic3A_413 = arith.constant 16 : i32
        %shift_right_arithmetic3A_414 = vector.broadcast %shift_right_arithmetic3A_413 : i32 to vector<16xi32>
        %shift_right_arithmetic3A_415 = arith.shrsi %masked_cumsum3A_404, %shift_right_arithmetic3A_414 : vector<16xi32>
        %sub3A_416 = arith.constant 1 : i32
        %sub3A_417 = vector.broadcast %sub3A_416 : i32 to vector<16xi32>
        %sub3A_418 = arith.subi %shift_right_arithmetic3A_415, %sub3A_417 : vector<16xi32>
        %add3A_419 = arith.addi %add3A_191, %add3A_380 : i32
        %broadcast_in_dim3A_420 = vector.broadcast %add3A_419 : i32 to vector<16xi32>
        %add3A_421 = arith.addi %sub3A_418, %broadcast_in_dim3A_420 : vector<16xi32>
        %select_n3A_422 = arith.select %gt3A_389, %add3A_412, %add3A_421 : vector<16xi1>, vector<16xi32>
        %lt3A_423 = arith.constant 500 : i32
        %lt3A_424 = vector.broadcast %lt3A_423 : i32 to vector<16xi32>
        %lt3A_425 = arith.cmpi slt, %select_n3A_422, %lt3A_424 : vector<16xi32>
        %and3A_426 = arith.andi %eq3A_390, %lt3A_425 : vector<16xi1>
        %or3A_427 = arith.ori %gt3A_389, %and3A_426 : vector<16xi1>
        %mul3A_428 = arith.constant 16 : i32
        %mul3A_429 = arith.muli %add3A_384, %mul3A_428 : i32
        %get3A_430 = arith.constant 0 : i32
        %get3A_431 = arith.index_cast %get3A_430 : i32 to index
        %get3A_432 = arith.index_cast %mul3A_429 : i32 to index
        %get3A_433 = tpu.vector_load %arg6[%get3A_431, %get3A_432] {strides = array<i32>} : memref<4x5120xf32, #tpu.memory_space<vmem>>, vector<16xf32>,
        %mul3A_434 = arith.constant 16 : i32
        %mul3A_435 = arith.muli %add3A_384, %mul3A_434 : i32
        %get3A_436 = arith.constant 1 : i32
        %get3A_437 = arith.index_cast %get3A_436 : i32 to index
        %get3A_438 = arith.index_cast %mul3A_435 : i32 to index
        %get3A_439 = tpu.vector_load %arg6[%get3A_437, %get3A_438] {strides = array<i32>} : memref<4x5120xf32, #tpu.memory_space<vmem>>, vector<16xf32>,
        %mul3A_440 = arith.constant 16 : i32
        %mul3A_441 = arith.muli %add3A_384, %mul3A_440 : i32
        %get3A_442 = arith.constant 2 : i32
        %get3A_443 = arith.index_cast %get3A_442 : i32 to index
        %get3A_444 = arith.index_cast %mul3A_441 : i32 to index
        %get3A_445 = tpu.vector_load %arg6[%get3A_443, %get3A_444] {strides = array<i32>} : memref<4x5120xf32, #tpu.memory_space<vmem>>, vector<16xf32>,
        %mul3A_446 = arith.constant 16 : i32
        %mul3A_447 = arith.muli %add3A_384, %mul3A_446 : i32
        %get3A_448 = arith.constant 3 : i32
        %get3A_449 = arith.index_cast %get3A_448 : i32 to index
        %get3A_450 = arith.index_cast %mul3A_447 : i32 to index
        %get3A_451 = tpu.vector_load %arg6[%get3A_449, %get3A_450] {strides = array<i32>} : memref<4x5120xf32, #tpu.memory_space<vmem>>, vector<16xf32>,
        %sub3A_452 = arith.subf %get3A_445, %get3A_433 : vector<16xf32>
        %max3A_453 = arith.constant 0.000000e+00 : f32
        %max3A_454 = vector.broadcast %max3A_453 : f32 to vector<16xf32>
        %max3A_455 = arith.maximumf %sub3A_452, %max3A_454 : vector<16xf32>
        %sub3A_456 = arith.subf %get3A_451, %get3A_439 : vector<16xf32>
        %max3A_457 = arith.constant 0.000000e+00 : f32
        %max3A_458 = vector.broadcast %max3A_457 : f32 to vector<16xf32>
        %max3A_459 = arith.maximumf %sub3A_456, %max3A_458 : vector<16xf32>
        %mul3A_460 = arith.mulf %max3A_455, %max3A_459 : vector<16xf32>
        %bitcast3A_461 = vector.bitcast %get3A_388 : vector<16xi32> to vector<16xf32>
        tpu.vector_store_idx %arg9[%select_n3A_422], %bitcast3A_461 masked %or3A_427 : memref<512xf32, #tpu.memory_space<vmem>>[vector<16xi32>], vector<16xf32>, vector<16xi1>
        tpu.vector_store_idx %arg10[%select_n3A_422], %get3A_433 masked %or3A_427 : memref<512xf32, #tpu.memory_space<vmem>>[vector<16xi32>], vector<16xf32>, vector<16xi1>
        tpu.vector_store_idx %arg11[%select_n3A_422], %get3A_439 masked %or3A_427 : memref<512xf32, #tpu.memory_space<vmem>>[vector<16xi32>], vector<16xf32>, vector<16xi1>
        tpu.vector_store_idx %arg12[%select_n3A_422], %get3A_445 masked %or3A_427 : memref<512xf32, #tpu.memory_space<vmem>>[vector<16xi32>], vector<16xf32>, vector<16xi1>
        tpu.vector_store_idx %arg13[%select_n3A_422], %get3A_451 masked %or3A_427 : memref<512xf32, #tpu.memory_space<vmem>>[vector<16xi32>], vector<16xf32>, vector<16xi1>
        tpu.vector_store_idx %arg14[%select_n3A_422], %mul3A_460 masked %or3A_427 : memref<512xf32, #tpu.memory_space<vmem>>[vector<16xi32>], vector<16xf32>, vector<16xi1>
        %slice3A_462 = vector.extract_strided_slice %masked_cumsum3A_404 {offsets = [15], sizes = [1], strides = [1]} : vector<16xi32> to vector<1xi32>
        %squeeze3A_463 = vector.extract %slice3A_462[0] : i32 from vector<1xi32>
        %and3A_464 = arith.constant 65535 : i32
        %and3A_465 = arith.andi %squeeze3A_463, %and3A_464 : i32
        %add3A_466 = arith.addi %add3A_377, %and3A_465 : i32
        %shift_right_arithmetic3A_467 = arith.constant 16 : i32
        %shift_right_arithmetic3A_468 = arith.shrsi %squeeze3A_463, %shift_right_arithmetic3A_467 : i32
        %add3A_469 = arith.addi %add3A_380, %shift_right_arithmetic3A_468 : i32
        %mul3A_470 = arith.constant 4 : i32
        %mul3A_471 = arith.muli %scan3A_212, %mul3A_470 : i32
        %add3A_472 = arith.constant 3 : i32
        %add3A_473 = arith.addi %mul3A_471, %add3A_472 : i32
        %mul3A_474 = arith.constant 16 : i32
        %mul3A_475 = arith.muli %add3A_473, %mul3A_474 : i32
        %get3A_476 = arith.index_cast %mul3A_475 : i32 to index
        %get3A_477 = tpu.vector_load %arg5[%get3A_476] {strides = array<i32>} : memref<5120xi32, #tpu.memory_space<vmem>>, vector<16xi32>,
        %gt3A_478 = arith.cmpi sgt, %get3A_477, %broadcast_in_dim3A_189 : vector<16xi32>
        %eq3A_479 = arith.cmpi eq, %get3A_477, %broadcast_in_dim3A_189 : vector<16xi32>
        %jit3A_480 = arith.constant 1 : i32
        %jit3A_481 = arith.constant 0 : i32
        %broadcast_in_dim3A_482 = vector.broadcast %jit3A_480 : i32 to vector<16xi32>
        %broadcast_in_dim3A_483 = vector.broadcast %jit3A_481 : i32 to vector<16xi32>
        %select_n3A_484 = arith.select %gt3A_478, %broadcast_in_dim3A_482, %broadcast_in_dim3A_483 : vector<16xi1>, vector<16xi32>
        %jit3A_485 = arith.constant 65536 : i32
        %jit3A_486 = arith.constant 0 : i32
        %broadcast_in_dim3A_487 = vector.broadcast %jit3A_485 : i32 to vector<16xi32>
        %broadcast_in_dim3A_488 = vector.broadcast %jit3A_486 : i32 to vector<16xi32>
        %select_n3A_489 = arith.select %eq3A_479, %broadcast_in_dim3A_487, %broadcast_in_dim3A_488 : vector<16xi1>, vector<16xi32>
        %add3A_490 = arith.addi %select_n3A_484, %select_n3A_489 : vector<16xi32>
        %broadcast_in_dim3A_491 = arith.constant true
        %broadcast_in_dim3A_492 = vector.broadcast %broadcast_in_dim3A_491 : i1 to vector<16xi1>
        %masked_cumsum3A_493 = tpu.scan <sum>, %add3A_490 masked %broadcast_in_dim3A_492 : vector<16xi32>, vector<16xi1> -> vector<16xi32>
        %and3A_494 = arith.constant 65535 : i32
        %and3A_495 = vector.broadcast %and3A_494 : i32 to vector<16xi32>
        %and3A_496 = arith.andi %masked_cumsum3A_493, %and3A_495 : vector<16xi32>
        %sub3A_497 = arith.constant 1 : i32
        %sub3A_498 = vector.broadcast %sub3A_497 : i32 to vector<16xi32>
        %sub3A_499 = arith.subi %and3A_496, %sub3A_498 : vector<16xi32>
        %broadcast_in_dim3A_500 = vector.broadcast %add3A_466 : i32 to vector<16xi32>
        %add3A_501 = arith.addi %sub3A_499, %broadcast_in_dim3A_500 : vector<16xi32>
        %shift_right_arithmetic3A_502 = arith.constant 16 : i32
        %shift_right_arithmetic3A_503 = vector.broadcast %shift_right_arithmetic3A_502 : i32 to vector<16xi32>
        %shift_right_arithmetic3A_504 = arith.shrsi %masked_cumsum3A_493, %shift_right_arithmetic3A_503 : vector<16xi32>
        %sub3A_505 = arith.constant 1 : i32
        %sub3A_506 = vector.broadcast %sub3A_505 : i32 to vector<16xi32>
        %sub3A_507 = arith.subi %shift_right_arithmetic3A_504, %sub3A_506 : vector<16xi32>
        %add3A_508 = arith.addi %add3A_191, %add3A_469 : i32
        %broadcast_in_dim3A_509 = vector.broadcast %add3A_508 : i32 to vector<16xi32>
        %add3A_510 = arith.addi %sub3A_507, %broadcast_in_dim3A_509 : vector<16xi32>
        %select_n3A_511 = arith.select %gt3A_478, %add3A_501, %add3A_510 : vector<16xi1>, vector<16xi32>
        %lt3A_512 = arith.constant 500 : i32
        %lt3A_513 = vector.broadcast %lt3A_512 : i32 to vector<16xi32>
        %lt3A_514 = arith.cmpi slt, %select_n3A_511, %lt3A_513 : vector<16xi32>
        %and3A_515 = arith.andi %eq3A_479, %lt3A_514 : vector<16xi1>
        %or3A_516 = arith.ori %gt3A_478, %and3A_515 : vector<16xi1>
        %mul3A_517 = arith.constant 16 : i32
        %mul3A_518 = arith.muli %add3A_473, %mul3A_517 : i32
        %get3A_519 = arith.constant 0 : i32
        %get3A_520 = arith.index_cast %get3A_519 : i32 to index
        %get3A_521 = arith.index_cast %mul3A_518 : i32 to index
        %get3A_522 = tpu.vector_load %arg6[%get3A_520, %get3A_521] {strides = array<i32>} : memref<4x5120xf32, #tpu.memory_space<vmem>>, vector<16xf32>,
        %mul3A_523 = arith.constant 16 : i32
        %mul3A_524 = arith.muli %add3A_473, %mul3A_523 : i32
        %get3A_525 = arith.constant 1 : i32
        %get3A_526 = arith.index_cast %get3A_525 : i32 to index
        %get3A_527 = arith.index_cast %mul3A_524 : i32 to index
        %get3A_528 = tpu.vector_load %arg6[%get3A_526, %get3A_527] {strides = array<i32>} : memref<4x5120xf32, #tpu.memory_space<vmem>>, vector<16xf32>,
        %mul3A_529 = arith.constant 16 : i32
        %mul3A_530 = arith.muli %add3A_473, %mul3A_529 : i32
        %get3A_531 = arith.constant 2 : i32
        %get3A_532 = arith.index_cast %get3A_531 : i32 to index
        %get3A_533 = arith.index_cast %mul3A_530 : i32 to index
        %get3A_534 = tpu.vector_load %arg6[%get3A_532, %get3A_533] {strides = array<i32>} : memref<4x5120xf32, #tpu.memory_space<vmem>>, vector<16xf32>,
        %mul3A_535 = arith.constant 16 : i32
        %mul3A_536 = arith.muli %add3A_473, %mul3A_535 : i32
        %get3A_537 = arith.constant 3 : i32
        %get3A_538 = arith.index_cast %get3A_537 : i32 to index
        %get3A_539 = arith.index_cast %mul3A_536 : i32 to index
        %get3A_540 = tpu.vector_load %arg6[%get3A_538, %get3A_539] {strides = array<i32>} : memref<4x5120xf32, #tpu.memory_space<vmem>>, vector<16xf32>,
        %sub3A_541 = arith.subf %get3A_534, %get3A_522 : vector<16xf32>
        %max3A_542 = arith.constant 0.000000e+00 : f32
        %max3A_543 = vector.broadcast %max3A_542 : f32 to vector<16xf32>
        %max3A_544 = arith.maximumf %sub3A_541, %max3A_543 : vector<16xf32>
        %sub3A_545 = arith.subf %get3A_540, %get3A_528 : vector<16xf32>
        %max3A_546 = arith.constant 0.000000e+00 : f32
        %max3A_547 = vector.broadcast %max3A_546 : f32 to vector<16xf32>
        %max3A_548 = arith.maximumf %sub3A_545, %max3A_547 : vector<16xf32>
        %mul3A_549 = arith.mulf %max3A_544, %max3A_548 : vector<16xf32>
        %bitcast3A_550 = vector.bitcast %get3A_477 : vector<16xi32> to vector<16xf32>
        tpu.vector_store_idx %arg9[%select_n3A_511], %bitcast3A_550 masked %or3A_516 : memref<512xf32, #tpu.memory_space<vmem>>[vector<16xi32>], vector<16xf32>, vector<16xi1>
        tpu.vector_store_idx %arg10[%select_n3A_511], %get3A_522 masked %or3A_516 : memref<512xf32, #tpu.memory_space<vmem>>[vector<16xi32>], vector<16xf32>, vector<16xi1>
        tpu.vector_store_idx %arg11[%select_n3A_511], %get3A_528 masked %or3A_516 : memref<512xf32, #tpu.memory_space<vmem>>[vector<16xi32>], vector<16xf32>, vector<16xi1>
        tpu.vector_store_idx %arg12[%select_n3A_511], %get3A_534 masked %or3A_516 : memref<512xf32, #tpu.memory_space<vmem>>[vector<16xi32>], vector<16xf32>, vector<16xi1>
        tpu.vector_store_idx %arg13[%select_n3A_511], %get3A_540 masked %or3A_516 : memref<512xf32, #tpu.memory_space<vmem>>[vector<16xi32>], vector<16xf32>, vector<16xi1>
        tpu.vector_store_idx %arg14[%select_n3A_511], %mul3A_549 masked %or3A_516 : memref<512xf32, #tpu.memory_space<vmem>>[vector<16xi32>], vector<16xf32>, vector<16xi1>
        %slice3A_551 = vector.extract_strided_slice %masked_cumsum3A_493 {offsets = [15], sizes = [1], strides = [1]} : vector<16xi32> to vector<1xi32>
        %squeeze3A_552 = vector.extract %slice3A_551[0] : i32 from vector<1xi32>
        %and3A_553 = arith.constant 65535 : i32
        %and3A_554 = arith.andi %squeeze3A_552, %and3A_553 : i32
        %add3A_555 = arith.addi %add3A_466, %and3A_554 : i32
        %shift_right_arithmetic3A_556 = arith.constant 16 : i32
        %shift_right_arithmetic3A_557 = arith.shrsi %squeeze3A_552, %shift_right_arithmetic3A_556 : i32
        %add3A_558 = arith.addi %add3A_469, %shift_right_arithmetic3A_557 : i32
        scf.yield %add3A_555, %add3A_558 : i32, i32
      }
      %scan3A_199 = arith.constant 80 : i32
      %broadcast_in_dim3A_200 = arith.constant -2.000000e+00 : f32
      %broadcast_in_dim3A_201 = vector.broadcast %broadcast_in_dim3A_200 : f32 to vector<16xf32>
      %broadcast_in_dim3A_202 = arith.constant 0 : i32
      %broadcast_in_dim3A_203 = vector.broadcast %broadcast_in_dim3A_202 : i32 to vector<16xi32>
      %scan3A_204 = arith.constant 0 : i32
      %scan3A_205 = arith.constant 8 : i32
      %scan3A_206 = arith.addi %scan3A_204, %scan3A_205 : i32
      %scan3A_207 = arith.constant 1 : i32
      %scan3A_208:2 = scf.for %scan3A_212 = %scan3A_204 to %scan3A_206 step %scan3A_207 iter_args(%scan3A_213 = %broadcast_in_dim3A_201, %scan3A_214 = %broadcast_in_dim3A_203) -> (vector<16xf32>, vector<16xi32>)  : i32 {
        %mul3A_215 = arith.constant 4 : i32
        %mul3A_216 = arith.muli %scan3A_212, %mul3A_215 : i32
        %add3A_217 = arith.constant 0 : i32
        %add3A_218 = arith.addi %mul3A_216, %add3A_217 : i32
        %mul3A_219 = arith.constant 16 : i32
        %mul3A_220 = arith.muli %add3A_218, %mul3A_219 : i32
        %get3A = arith.index_cast %mul3A_220 : i32 to index
        %get3A_221 = tpu.vector_load %arg9[%get3A] {strides = array<i32>} : memref<512xf32, #tpu.memory_space<vmem>>, vector<16xf32>,
        %gt3A = arith.cmpf ogt, %get3A_221, %scan3A_213 : vector<16xf32>
        %select_n3A = arith.select %gt3A, %get3A_221, %scan3A_213 : vector<16xi1>, vector<16xf32>
        %broadcast_in_dim3A_222 = vector.broadcast %add3A_218 : i32 to vector<16xi32>
        %select_n3A_223 = arith.select %gt3A, %broadcast_in_dim3A_222, %scan3A_214 : vector<16xi1>, vector<16xi32>
        %mul3A_224 = arith.constant 4 : i32
        %mul3A_225 = arith.muli %scan3A_212, %mul3A_224 : i32
        %add3A_226 = arith.constant 1 : i32
        %add3A_227 = arith.addi %mul3A_225, %add3A_226 : i32
        %mul3A_228 = arith.constant 16 : i32
        %mul3A_229 = arith.muli %add3A_227, %mul3A_228 : i32
        %get3A_230 = arith.index_cast %mul3A_229 : i32 to index
        %get3A_231 = tpu.vector_load %arg9[%get3A_230] {strides = array<i32>} : memref<512xf32, #tpu.memory_space<vmem>>, vector<16xf32>,
        %gt3A_232 = arith.cmpf ogt, %get3A_231, %select_n3A : vector<16xf32>
        %select_n3A_233 = arith.select %gt3A_232, %get3A_231, %select_n3A : vector<16xi1>, vector<16xf32>
        %broadcast_in_dim3A_234 = vector.broadcast %add3A_227 : i32 to vector<16xi32>
        %select_n3A_235 = arith.select %gt3A_232, %broadcast_in_dim3A_234, %select_n3A_223 : vector<16xi1>, vector<16xi32>
        %mul3A_236 = arith.constant 4 : i32
        %mul3A_237 = arith.muli %scan3A_212, %mul3A_236 : i32
        %add3A_238 = arith.constant 2 : i32
        %add3A_239 = arith.addi %mul3A_237, %add3A_238 : i32
        %mul3A_240 = arith.constant 16 : i32
        %mul3A_241 = arith.muli %add3A_239, %mul3A_240 : i32
        %get3A_242 = arith.index_cast %mul3A_241 : i32 to index
        %get3A_243 = tpu.vector_load %arg9[%get3A_242] {strides = array<i32>} : memref<512xf32, #tpu.memory_space<vmem>>, vector<16xf32>,
        %gt3A_244 = arith.cmpf ogt, %get3A_243, %select_n3A_233 : vector<16xf32>
        %select_n3A_245 = arith.select %gt3A_244, %get3A_243, %select_n3A_233 : vector<16xi1>, vector<16xf32>
        %broadcast_in_dim3A_246 = vector.broadcast %add3A_239 : i32 to vector<16xi32>
        %select_n3A_247 = arith.select %gt3A_244, %broadcast_in_dim3A_246, %select_n3A_235 : vector<16xi1>, vector<16xi32>
        %mul3A_248 = arith.constant 4 : i32
        %mul3A_249 = arith.muli %scan3A_212, %mul3A_248 : i32
        %add3A_250 = arith.constant 3 : i32
        %add3A_251 = arith.addi %mul3A_249, %add3A_250 : i32
        %mul3A_252 = arith.constant 16 : i32
        %mul3A_253 = arith.muli %add3A_251, %mul3A_252 : i32
        %get3A_254 = arith.index_cast %mul3A_253 : i32 to index
        %get3A_255 = tpu.vector_load %arg9[%get3A_254] {strides = array<i32>} : memref<512xf32, #tpu.memory_space<vmem>>, vector<16xf32>,
        %gt3A_256 = arith.cmpf ogt, %get3A_255, %select_n3A_245 : vector<16xf32>
        %select_n3A_257 = arith.select %gt3A_256, %get3A_255, %select_n3A_245 : vector<16xi1>, vector<16xf32>
        %broadcast_in_dim3A_258 = vector.broadcast %add3A_251 : i32 to vector<16xi32>
        %select_n3A_259 = arith.select %gt3A_256, %broadcast_in_dim3A_258, %select_n3A_247 : vector<16xi1>, vector<16xi32>
        scf.yield %select_n3A_257, %select_n3A_259 : vector<16xf32>, vector<16xi32>
      }
      %scan3A_209 = arith.constant 8 : i32
      %while3A = arith.constant 0 : i32
      %while3A_210 = arith.constant true
      %while3A_211:4 = scf.while (%while3A_212 = %while3A, %while3A_213 = %while3A_210, %while3A_214 = %scan3A_208#0, %while3A_215 = %scan3A_208#1) : (i32, i1, vector<16xf32>, vector<16xi32>) -> (i32, i1, vector<16xf32>, vector<16xi32>) {
        %lt3A_216 = arith.constant 100 : i32
        %lt3A_217 = arith.cmpi slt, %while3A_212, %lt3A_216 : i32
        %and3A = arith.andi %while3A_213, %lt3A_217 : i1
        scf.condition(%and3A) %while3A_212, %while3A_213, %while3A_214, %while3A_215 : i32, i1, vector<16xf32>, vector<16xi32>
      } do {
      ^bb0(%while3A_212: i32, %while3A_213: i1, %while3A_214: vector<16xf32>, %while3A_215: vector<16xi32>):
        %reduce_max3A_216 = arith.constant true
        %reduce_max3A_217 = vector.broadcast %reduce_max3A_216 : i1 to vector<16xi1>
        %reduce_max3A_218 = tpu.scan <max>, %while3A_214 masked %reduce_max3A_217 : vector<16xf32>, vector<16xi1> -> vector<16xf32>
        %reduce_max3A_219 = vector.extract %reduce_max3A_218[15] : f32 from vector<16xf32>
        %gt3A = arith.constant 5.000000e-02 : f32
        %gt3A_220 = arith.cmpf ogt, %reduce_max3A_219, %gt3A : f32
        %jit3A = arith.constant 1 : i32
        %jit3A_221 = arith.constant 0 : i32
        %select_n3A = arith.select %gt3A_220, %jit3A, %jit3A_221 : i32
        %broadcast_in_dim3A_222 = vector.broadcast %select_n3A : i32 to vector<16xi32>
        %gt3A_223 = arith.constant 0 : i32
        %gt3A_224 = vector.broadcast %gt3A_223 : i32 to vector<16xi32>
        %gt3A_225 = arith.cmpi sgt, %broadcast_in_dim3A_222, %gt3A_224 : vector<16xi32>
        %broadcast_in_dim3A_226 = vector.broadcast %reduce_max3A_219 : f32 to vector<16xf32>
        %eq3A = arith.cmpf oeq, %while3A_214, %broadcast_in_dim3A_226 : vector<16xf32>
        %mul3A_227 = arith.constant 16 : i32
        %mul3A_228 = vector.broadcast %mul3A_227 : i32 to vector<16xi32>
        %mul3A_229 = arith.muli %while3A_215, %mul3A_228 : vector<16xi32>
        %add3A_230 = arith.addi %mul3A_229, %iota3A : vector<16xi32>
        %broadcast_in_dim3A_231 = arith.constant 1000000 : i32
        %broadcast_in_dim3A_232 = vector.broadcast %broadcast_in_dim3A_231 : i32 to vector<16xi32>
        %select_n3A_233 = arith.select %eq3A, %add3A_230, %broadcast_in_dim3A_232 : vector<16xi1>, vector<16xi32>
        %reduce_min3A = arith.constant true
        %reduce_min3A_234 = vector.broadcast %reduce_min3A : i1 to vector<16xi1>
        %reduce_min3A_235 = arith.constant -2147483648 : i32
        %reduce_min3A_236 = vector.broadcast %reduce_min3A_235 : i32 to vector<16xi32>
        %reduce_min3A_237 = arith.xori %select_n3A_233, %reduce_min3A_236 : vector<16xi32>
        %reduce_min3A_238 = tpu.scan <min>, %reduce_min3A_237 masked %reduce_min3A_234 : vector<16xi32>, vector<16xi1> -> vector<16xi32>
        %reduce_min3A_239 = arith.xori %reduce_min3A_238, %reduce_min3A_236 : vector<16xi32>
        %reduce_min3A_240 = vector.extract %reduce_min3A_239[15] : i32 from vector<16xi32>
        %broadcast_in_dim3A_241 = vector.broadcast %reduce_min3A_240 : i32 to vector<16xi32>
        %gather3A_242 = tpu.vector_load_idx %arg10[%broadcast_in_dim3A_241] : memref<512xf32, #tpu.memory_space<vmem>>[vector<16xi32>], vector<16xf32>,
        %gather3A_243 = tpu.vector_load_idx %arg11[%broadcast_in_dim3A_241] : memref<512xf32, #tpu.memory_space<vmem>>[vector<16xi32>], vector<16xf32>,
        %gather3A_244 = tpu.vector_load_idx %arg12[%broadcast_in_dim3A_241] : memref<512xf32, #tpu.memory_space<vmem>>[vector<16xi32>], vector<16xf32>,
        %gather3A_245 = tpu.vector_load_idx %arg13[%broadcast_in_dim3A_241] : memref<512xf32, #tpu.memory_space<vmem>>[vector<16xi32>], vector<16xf32>,
        %gather3A_246 = tpu.vector_load_idx %arg14[%broadcast_in_dim3A_241] : memref<512xf32, #tpu.memory_space<vmem>>[vector<16xi32>], vector<16xf32>,
        %broadcast_in_dim3A_247 = vector.broadcast %while3A_212 : i32 to vector<16xi32>
        %eq3A_248 = arith.constant 0 : i32
        %eq3A_249 = vector.broadcast %eq3A_248 : i32 to vector<16xi32>
        %eq3A_250 = arith.cmpi eq, %iota3A, %eq3A_249 : vector<16xi32>
        %and3A = arith.andi %eq3A_250, %gt3A_225 : vector<16xi1>
        tpu.vector_store_idx %arg15[%broadcast_in_dim3A_247], %broadcast_in_dim3A_226 masked %and3A : memref<128xf32, #tpu.memory_space<vmem>>[vector<16xi32>], vector<16xf32>, vector<16xi1>
        %broadcast_in_dim3A_251 = arith.constant -2.000000e+00 : f32
        %broadcast_in_dim3A_252 = vector.broadcast %broadcast_in_dim3A_251 : f32 to vector<16xf32>
        %broadcast_in_dim3A_253 = arith.constant 0 : i32
        %broadcast_in_dim3A_254 = vector.broadcast %broadcast_in_dim3A_253 : i32 to vector<16xi32>
        %scan3A_255 = arith.constant 0 : i32
        %scan3A_256 = arith.constant 8 : i32
        %scan3A_257 = arith.addi %scan3A_255, %scan3A_256 : i32
        %scan3A_258 = arith.constant 1 : i32
        %scan3A_259:2 = scf.for %scan3A_262 = %scan3A_255 to %scan3A_257 step %scan3A_258 iter_args(%scan3A_263 = %broadcast_in_dim3A_252, %scan3A_264 = %broadcast_in_dim3A_254) -> (vector<16xf32>, vector<16xi32>)  : i32 {
          %mul3A_265 = arith.constant 4 : i32
          %mul3A_266 = arith.muli %scan3A_262, %mul3A_265 : i32
          %add3A_267 = arith.constant 0 : i32
          %add3A_268 = arith.addi %mul3A_266, %add3A_267 : i32
          %mul3A_269 = arith.constant 16 : i32
          %mul3A_270 = arith.muli %add3A_268, %mul3A_269 : i32
          %get3A = arith.index_cast %mul3A_270 : i32 to index
          %get3A_271 = tpu.vector_load %arg10[%get3A] {strides = array<i32>} : memref<512xf32, #tpu.memory_space<vmem>>, vector<16xf32>,
          %get3A_272 = arith.index_cast %mul3A_270 : i32 to index
          %get3A_273 = tpu.vector_load %arg11[%get3A_272] {strides = array<i32>} : memref<512xf32, #tpu.memory_space<vmem>>, vector<16xf32>,
          %get3A_274 = arith.index_cast %mul3A_270 : i32 to index
          %get3A_275 = tpu.vector_load %arg12[%get3A_274] {strides = array<i32>} : memref<512xf32, #tpu.memory_space<vmem>>, vector<16xf32>,
          %get3A_276 = arith.index_cast %mul3A_270 : i32 to index
          %get3A_277 = tpu.vector_load %arg13[%get3A_276] {strides = array<i32>} : memref<512xf32, #tpu.memory_space<vmem>>, vector<16xf32>,
          %get3A_278 = arith.index_cast %mul3A_270 : i32 to index
          %get3A_279 = tpu.vector_load %arg14[%get3A_278] {strides = array<i32>} : memref<512xf32, #tpu.memory_space<vmem>>, vector<16xf32>,
          %min3A = arith.minimumf %get3A_275, %gather3A_244 : vector<16xf32>
          %max3A = arith.maximumf %get3A_271, %gather3A_242 : vector<16xf32>
          %sub3A_280 = arith.subf %min3A, %max3A : vector<16xf32>
          %max3A_281 = arith.constant 0.000000e+00 : f32
          %max3A_282 = vector.broadcast %max3A_281 : f32 to vector<16xf32>
          %max3A_283 = arith.maximumf %sub3A_280, %max3A_282 : vector<16xf32>
          %min3A_284 = arith.minimumf %get3A_277, %gather3A_245 : vector<16xf32>
          %max3A_285 = arith.maximumf %get3A_273, %gather3A_243 : vector<16xf32>
          %sub3A_286 = arith.subf %min3A_284, %max3A_285 : vector<16xf32>
          %max3A_287 = arith.constant 0.000000e+00 : f32
          %max3A_288 = vector.broadcast %max3A_287 : f32 to vector<16xf32>
          %max3A_289 = arith.maximumf %sub3A_286, %max3A_288 : vector<16xf32>
          %mul3A_290 = arith.mulf %max3A_283, %max3A_289 : vector<16xf32>
          %add3A_291 = arith.addf %gather3A_246, %get3A_279 : vector<16xf32>
          %sub3A_292 = arith.subf %add3A_291, %mul3A_290 : vector<16xf32>
          %max3A_293 = arith.constant 9.99999971E-10 : f32
          %max3A_294 = vector.broadcast %max3A_293 : f32 to vector<16xf32>
          %max3A_295 = arith.maximumf %sub3A_292, %max3A_294 : vector<16xf32>
          %mul3A_296 = arith.constant 5.000000e-01 : f32
          %mul3A_297 = vector.broadcast %mul3A_296 : f32 to vector<16xf32>
          %mul3A_298 = arith.mulf %mul3A_297, %max3A_295 : vector<16xf32>
          %gt3A_299 = arith.cmpf ogt, %mul3A_290, %mul3A_298 : vector<16xf32>
          %mul3A_300 = arith.constant 16 : i32
          %mul3A_301 = arith.muli %add3A_268, %mul3A_300 : i32
          %broadcast_in_dim3A_302 = vector.broadcast %mul3A_301 : i32 to vector<16xi32>
          %add3A_303 = arith.addi %broadcast_in_dim3A_302, %iota3A : vector<16xi32>
          %eq3A_304 = arith.cmpi eq, %broadcast_in_dim3A_241, %add3A_303 : vector<16xi32>
          %get3A_305 = arith.index_cast %mul3A_270 : i32 to index
          %get3A_306 = tpu.vector_load %arg9[%get3A_305] {strides = array<i32>} : memref<512xf32, #tpu.memory_space<vmem>>, vector<16xf32>,
          %or3A_307 = arith.ori %gt3A_299, %eq3A_304 : vector<16xi1>
          %and3A_308 = arith.andi %or3A_307, %gt3A_225 : vector<16xi1>
          %jit3A_309 = arith.constant -1.000000e+00 : f32
          %broadcast_in_dim3A_310 = vector.broadcast %jit3A_309 : f32 to vector<16xf32>
          %select_n3A_311 = arith.select %and3A_308, %broadcast_in_dim3A_310, %get3A_306 : vector<16xi1>, vector<16xf32>
          %swap3A = arith.index_cast %mul3A_270 : i32 to index
          %swap3A_312 = tpu.vector_load %arg9[%swap3A] {strides = array<i32>} : memref<512xf32, #tpu.memory_space<vmem>>, vector<16xf32>,
          tpu.vector_store %arg9[%swap3A], %select_n3A_311 {strides = array<i32>} : memref<512xf32, #tpu.memory_space<vmem>>, vector<16xf32>,
          %gt3A_313 = arith.cmpf ogt, %select_n3A_311, %scan3A_263 : vector<16xf32>
          %select_n3A_314 = arith.select %gt3A_313, %select_n3A_311, %scan3A_263 : vector<16xi1>, vector<16xf32>
          %broadcast_in_dim3A_315 = vector.broadcast %add3A_268 : i32 to vector<16xi32>
          %select_n3A_316 = arith.select %gt3A_313, %broadcast_in_dim3A_315, %scan3A_264 : vector<16xi1>, vector<16xi32>
          %mul3A_317 = arith.constant 4 : i32
          %mul3A_318 = arith.muli %scan3A_262, %mul3A_317 : i32
          %add3A_319 = arith.constant 1 : i32
          %add3A_320 = arith.addi %mul3A_318, %add3A_319 : i32
          %mul3A_321 = arith.constant 16 : i32
          %mul3A_322 = arith.muli %add3A_320, %mul3A_321 : i32
          %get3A_323 = arith.index_cast %mul3A_322 : i32 to index
          %get3A_324 = tpu.vector_load %arg10[%get3A_323] {strides = array<i32>} : memref<512xf32, #tpu.memory_space<vmem>>, vector<16xf32>,
          %get3A_325 = arith.index_cast %mul3A_322 : i32 to index
          %get3A_326 = tpu.vector_load %arg11[%get3A_325] {strides = array<i32>} : memref<512xf32, #tpu.memory_space<vmem>>, vector<16xf32>,
          %get3A_327 = arith.index_cast %mul3A_322 : i32 to index
          %get3A_328 = tpu.vector_load %arg12[%get3A_327] {strides = array<i32>} : memref<512xf32, #tpu.memory_space<vmem>>, vector<16xf32>,
          %get3A_329 = arith.index_cast %mul3A_322 : i32 to index
          %get3A_330 = tpu.vector_load %arg13[%get3A_329] {strides = array<i32>} : memref<512xf32, #tpu.memory_space<vmem>>, vector<16xf32>,
          %get3A_331 = arith.index_cast %mul3A_322 : i32 to index
          %get3A_332 = tpu.vector_load %arg14[%get3A_331] {strides = array<i32>} : memref<512xf32, #tpu.memory_space<vmem>>, vector<16xf32>,
          %min3A_333 = arith.minimumf %get3A_328, %gather3A_244 : vector<16xf32>
          %max3A_334 = arith.maximumf %get3A_324, %gather3A_242 : vector<16xf32>
          %sub3A_335 = arith.subf %min3A_333, %max3A_334 : vector<16xf32>
          %max3A_336 = arith.constant 0.000000e+00 : f32
          %max3A_337 = vector.broadcast %max3A_336 : f32 to vector<16xf32>
          %max3A_338 = arith.maximumf %sub3A_335, %max3A_337 : vector<16xf32>
          %min3A_339 = arith.minimumf %get3A_330, %gather3A_245 : vector<16xf32>
          %max3A_340 = arith.maximumf %get3A_326, %gather3A_243 : vector<16xf32>
          %sub3A_341 = arith.subf %min3A_339, %max3A_340 : vector<16xf32>
          %max3A_342 = arith.constant 0.000000e+00 : f32
          %max3A_343 = vector.broadcast %max3A_342 : f32 to vector<16xf32>
          %max3A_344 = arith.maximumf %sub3A_341, %max3A_343 : vector<16xf32>
          %mul3A_345 = arith.mulf %max3A_338, %max3A_344 : vector<16xf32>
          %add3A_346 = arith.addf %gather3A_246, %get3A_332 : vector<16xf32>
          %sub3A_347 = arith.subf %add3A_346, %mul3A_345 : vector<16xf32>
          %max3A_348 = arith.constant 9.99999971E-10 : f32
          %max3A_349 = vector.broadcast %max3A_348 : f32 to vector<16xf32>
          %max3A_350 = arith.maximumf %sub3A_347, %max3A_349 : vector<16xf32>
          %mul3A_351 = arith.constant 5.000000e-01 : f32
          %mul3A_352 = vector.broadcast %mul3A_351 : f32 to vector<16xf32>
          %mul3A_353 = arith.mulf %mul3A_352, %max3A_350 : vector<16xf32>
          %gt3A_354 = arith.cmpf ogt, %mul3A_345, %mul3A_353 : vector<16xf32>
          %mul3A_355 = arith.constant 16 : i32
          %mul3A_356 = arith.muli %add3A_320, %mul3A_355 : i32
          %broadcast_in_dim3A_357 = vector.broadcast %mul3A_356 : i32 to vector<16xi32>
          %add3A_358 = arith.addi %broadcast_in_dim3A_357, %iota3A : vector<16xi32>
          %eq3A_359 = arith.cmpi eq, %broadcast_in_dim3A_241, %add3A_358 : vector<16xi32>
          %get3A_360 = arith.index_cast %mul3A_322 : i32 to index
          %get3A_361 = tpu.vector_load %arg9[%get3A_360] {strides = array<i32>} : memref<512xf32, #tpu.memory_space<vmem>>, vector<16xf32>,
          %or3A_362 = arith.ori %gt3A_354, %eq3A_359 : vector<16xi1>
          %and3A_363 = arith.andi %or3A_362, %gt3A_225 : vector<16xi1>
          %jit3A_364 = arith.constant -1.000000e+00 : f32
          %broadcast_in_dim3A_365 = vector.broadcast %jit3A_364 : f32 to vector<16xf32>
          %select_n3A_366 = arith.select %and3A_363, %broadcast_in_dim3A_365, %get3A_361 : vector<16xi1>, vector<16xf32>
          %swap3A_367 = arith.index_cast %mul3A_322 : i32 to index
          %swap3A_368 = tpu.vector_load %arg9[%swap3A_367] {strides = array<i32>} : memref<512xf32, #tpu.memory_space<vmem>>, vector<16xf32>,
          tpu.vector_store %arg9[%swap3A_367], %select_n3A_366 {strides = array<i32>} : memref<512xf32, #tpu.memory_space<vmem>>, vector<16xf32>,
          %gt3A_369 = arith.cmpf ogt, %select_n3A_366, %select_n3A_314 : vector<16xf32>
          %select_n3A_370 = arith.select %gt3A_369, %select_n3A_366, %select_n3A_314 : vector<16xi1>, vector<16xf32>
          %broadcast_in_dim3A_371 = vector.broadcast %add3A_320 : i32 to vector<16xi32>
          %select_n3A_372 = arith.select %gt3A_369, %broadcast_in_dim3A_371, %select_n3A_316 : vector<16xi1>, vector<16xi32>
          %mul3A_373 = arith.constant 4 : i32
          %mul3A_374 = arith.muli %scan3A_262, %mul3A_373 : i32
          %add3A_375 = arith.constant 2 : i32
          %add3A_376 = arith.addi %mul3A_374, %add3A_375 : i32
          %mul3A_377 = arith.constant 16 : i32
          %mul3A_378 = arith.muli %add3A_376, %mul3A_377 : i32
          %get3A_379 = arith.index_cast %mul3A_378 : i32 to index
          %get3A_380 = tpu.vector_load %arg10[%get3A_379] {strides = array<i32>} : memref<512xf32, #tpu.memory_space<vmem>>, vector<16xf32>,
          %get3A_381 = arith.index_cast %mul3A_378 : i32 to index
          %get3A_382 = tpu.vector_load %arg11[%get3A_381] {strides = array<i32>} : memref<512xf32, #tpu.memory_space<vmem>>, vector<16xf32>,
          %get3A_383 = arith.index_cast %mul3A_378 : i32 to index
          %get3A_384 = tpu.vector_load %arg12[%get3A_383] {strides = array<i32>} : memref<512xf32, #tpu.memory_space<vmem>>, vector<16xf32>,
          %get3A_385 = arith.index_cast %mul3A_378 : i32 to index
          %get3A_386 = tpu.vector_load %arg13[%get3A_385] {strides = array<i32>} : memref<512xf32, #tpu.memory_space<vmem>>, vector<16xf32>,
          %get3A_387 = arith.index_cast %mul3A_378 : i32 to index
          %get3A_388 = tpu.vector_load %arg14[%get3A_387] {strides = array<i32>} : memref<512xf32, #tpu.memory_space<vmem>>, vector<16xf32>,
          %min3A_389 = arith.minimumf %get3A_384, %gather3A_244 : vector<16xf32>
          %max3A_390 = arith.maximumf %get3A_380, %gather3A_242 : vector<16xf32>
          %sub3A_391 = arith.subf %min3A_389, %max3A_390 : vector<16xf32>
          %max3A_392 = arith.constant 0.000000e+00 : f32
          %max3A_393 = vector.broadcast %max3A_392 : f32 to vector<16xf32>
          %max3A_394 = arith.maximumf %sub3A_391, %max3A_393 : vector<16xf32>
          %min3A_395 = arith.minimumf %get3A_386, %gather3A_245 : vector<16xf32>
          %max3A_396 = arith.maximumf %get3A_382, %gather3A_243 : vector<16xf32>
          %sub3A_397 = arith.subf %min3A_395, %max3A_396 : vector<16xf32>
          %max3A_398 = arith.constant 0.000000e+00 : f32
          %max3A_399 = vector.broadcast %max3A_398 : f32 to vector<16xf32>
          %max3A_400 = arith.maximumf %sub3A_397, %max3A_399 : vector<16xf32>
          %mul3A_401 = arith.mulf %max3A_394, %max3A_400 : vector<16xf32>
          %add3A_402 = arith.addf %gather3A_246, %get3A_388 : vector<16xf32>
          %sub3A_403 = arith.subf %add3A_402, %mul3A_401 : vector<16xf32>
          %max3A_404 = arith.constant 9.99999971E-10 : f32
          %max3A_405 = vector.broadcast %max3A_404 : f32 to vector<16xf32>
          %max3A_406 = arith.maximumf %sub3A_403, %max3A_405 : vector<16xf32>
          %mul3A_407 = arith.constant 5.000000e-01 : f32
          %mul3A_408 = vector.broadcast %mul3A_407 : f32 to vector<16xf32>
          %mul3A_409 = arith.mulf %mul3A_408, %max3A_406 : vector<16xf32>
          %gt3A_410 = arith.cmpf ogt, %mul3A_401, %mul3A_409 : vector<16xf32>
          %mul3A_411 = arith.constant 16 : i32
          %mul3A_412 = arith.muli %add3A_376, %mul3A_411 : i32
          %broadcast_in_dim3A_413 = vector.broadcast %mul3A_412 : i32 to vector<16xi32>
          %add3A_414 = arith.addi %broadcast_in_dim3A_413, %iota3A : vector<16xi32>
          %eq3A_415 = arith.cmpi eq, %broadcast_in_dim3A_241, %add3A_414 : vector<16xi32>
          %get3A_416 = arith.index_cast %mul3A_378 : i32 to index
          %get3A_417 = tpu.vector_load %arg9[%get3A_416] {strides = array<i32>} : memref<512xf32, #tpu.memory_space<vmem>>, vector<16xf32>,
          %or3A_418 = arith.ori %gt3A_410, %eq3A_415 : vector<16xi1>
          %and3A_419 = arith.andi %or3A_418, %gt3A_225 : vector<16xi1>
          %jit3A_420 = arith.constant -1.000000e+00 : f32
          %broadcast_in_dim3A_421 = vector.broadcast %jit3A_420 : f32 to vector<16xf32>
          %select_n3A_422 = arith.select %and3A_419, %broadcast_in_dim3A_421, %get3A_417 : vector<16xi1>, vector<16xf32>
          %swap3A_423 = arith.index_cast %mul3A_378 : i32 to index
          %swap3A_424 = tpu.vector_load %arg9[%swap3A_423] {strides = array<i32>} : memref<512xf32, #tpu.memory_space<vmem>>, vector<16xf32>,
          tpu.vector_store %arg9[%swap3A_423], %select_n3A_422 {strides = array<i32>} : memref<512xf32, #tpu.memory_space<vmem>>, vector<16xf32>,
          %gt3A_425 = arith.cmpf ogt, %select_n3A_422, %select_n3A_370 : vector<16xf32>
          %select_n3A_426 = arith.select %gt3A_425, %select_n3A_422, %select_n3A_370 : vector<16xi1>, vector<16xf32>
          %broadcast_in_dim3A_427 = vector.broadcast %add3A_376 : i32 to vector<16xi32>
          %select_n3A_428 = arith.select %gt3A_425, %broadcast_in_dim3A_427, %select_n3A_372 : vector<16xi1>, vector<16xi32>
          %mul3A_429 = arith.constant 4 : i32
          %mul3A_430 = arith.muli %scan3A_262, %mul3A_429 : i32
          %add3A_431 = arith.constant 3 : i32
          %add3A_432 = arith.addi %mul3A_430, %add3A_431 : i32
          %mul3A_433 = arith.constant 16 : i32
          %mul3A_434 = arith.muli %add3A_432, %mul3A_433 : i32
          %get3A_435 = arith.index_cast %mul3A_434 : i32 to index
          %get3A_436 = tpu.vector_load %arg10[%get3A_435] {strides = array<i32>} : memref<512xf32, #tpu.memory_space<vmem>>, vector<16xf32>,
          %get3A_437 = arith.index_cast %mul3A_434 : i32 to index
          %get3A_438 = tpu.vector_load %arg11[%get3A_437] {strides = array<i32>} : memref<512xf32, #tpu.memory_space<vmem>>, vector<16xf32>,
          %get3A_439 = arith.index_cast %mul3A_434 : i32 to index
          %get3A_440 = tpu.vector_load %arg12[%get3A_439] {strides = array<i32>} : memref<512xf32, #tpu.memory_space<vmem>>, vector<16xf32>,
          %get3A_441 = arith.index_cast %mul3A_434 : i32 to index
          %get3A_442 = tpu.vector_load %arg13[%get3A_441] {strides = array<i32>} : memref<512xf32, #tpu.memory_space<vmem>>, vector<16xf32>,
          %get3A_443 = arith.index_cast %mul3A_434 : i32 to index
          %get3A_444 = tpu.vector_load %arg14[%get3A_443] {strides = array<i32>} : memref<512xf32, #tpu.memory_space<vmem>>, vector<16xf32>,
          %min3A_445 = arith.minimumf %get3A_440, %gather3A_244 : vector<16xf32>
          %max3A_446 = arith.maximumf %get3A_436, %gather3A_242 : vector<16xf32>
          %sub3A_447 = arith.subf %min3A_445, %max3A_446 : vector<16xf32>
          %max3A_448 = arith.constant 0.000000e+00 : f32
          %max3A_449 = vector.broadcast %max3A_448 : f32 to vector<16xf32>
          %max3A_450 = arith.maximumf %sub3A_447, %max3A_449 : vector<16xf32>
          %min3A_451 = arith.minimumf %get3A_442, %gather3A_245 : vector<16xf32>
          %max3A_452 = arith.maximumf %get3A_438, %gather3A_243 : vector<16xf32>
          %sub3A_453 = arith.subf %min3A_451, %max3A_452 : vector<16xf32>
          %max3A_454 = arith.constant 0.000000e+00 : f32
          %max3A_455 = vector.broadcast %max3A_454 : f32 to vector<16xf32>
          %max3A_456 = arith.maximumf %sub3A_453, %max3A_455 : vector<16xf32>
          %mul3A_457 = arith.mulf %max3A_450, %max3A_456 : vector<16xf32>
          %add3A_458 = arith.addf %gather3A_246, %get3A_444 : vector<16xf32>
          %sub3A_459 = arith.subf %add3A_458, %mul3A_457 : vector<16xf32>
          %max3A_460 = arith.constant 9.99999971E-10 : f32
          %max3A_461 = vector.broadcast %max3A_460 : f32 to vector<16xf32>
          %max3A_462 = arith.maximumf %sub3A_459, %max3A_461 : vector<16xf32>
          %mul3A_463 = arith.constant 5.000000e-01 : f32
          %mul3A_464 = vector.broadcast %mul3A_463 : f32 to vector<16xf32>
          %mul3A_465 = arith.mulf %mul3A_464, %max3A_462 : vector<16xf32>
          %gt3A_466 = arith.cmpf ogt, %mul3A_457, %mul3A_465 : vector<16xf32>
          %mul3A_467 = arith.constant 16 : i32
          %mul3A_468 = arith.muli %add3A_432, %mul3A_467 : i32
          %broadcast_in_dim3A_469 = vector.broadcast %mul3A_468 : i32 to vector<16xi32>
          %add3A_470 = arith.addi %broadcast_in_dim3A_469, %iota3A : vector<16xi32>
          %eq3A_471 = arith.cmpi eq, %broadcast_in_dim3A_241, %add3A_470 : vector<16xi32>
          %get3A_472 = arith.index_cast %mul3A_434 : i32 to index
          %get3A_473 = tpu.vector_load %arg9[%get3A_472] {strides = array<i32>} : memref<512xf32, #tpu.memory_space<vmem>>, vector<16xf32>,
          %or3A_474 = arith.ori %gt3A_466, %eq3A_471 : vector<16xi1>
          %and3A_475 = arith.andi %or3A_474, %gt3A_225 : vector<16xi1>
          %jit3A_476 = arith.constant -1.000000e+00 : f32
          %broadcast_in_dim3A_477 = vector.broadcast %jit3A_476 : f32 to vector<16xf32>
          %select_n3A_478 = arith.select %and3A_475, %broadcast_in_dim3A_477, %get3A_473 : vector<16xi1>, vector<16xf32>
          %swap3A_479 = arith.index_cast %mul3A_434 : i32 to index
          %swap3A_480 = tpu.vector_load %arg9[%swap3A_479] {strides = array<i32>} : memref<512xf32, #tpu.memory_space<vmem>>, vector<16xf32>,
          tpu.vector_store %arg9[%swap3A_479], %select_n3A_478 {strides = array<i32>} : memref<512xf32, #tpu.memory_space<vmem>>, vector<16xf32>,
          %gt3A_481 = arith.cmpf ogt, %select_n3A_478, %select_n3A_426 : vector<16xf32>
          %select_n3A_482 = arith.select %gt3A_481, %select_n3A_478, %select_n3A_426 : vector<16xi1>, vector<16xf32>
          %broadcast_in_dim3A_483 = vector.broadcast %add3A_432 : i32 to vector<16xi32>
          %select_n3A_484 = arith.select %gt3A_481, %broadcast_in_dim3A_483, %select_n3A_428 : vector<16xi1>, vector<16xi32>
          scf.yield %select_n3A_482, %select_n3A_484 : vector<16xf32>, vector<16xi32>
        }
        %scan3A_260 = arith.constant 8 : i32
        %add3A_261 = arith.addi %while3A_212, %select_n3A : i32
        scf.yield %add3A_261, %gt3A_220, %scan3A_259#0, %scan3A_259#1 : i32, i1, vector<16xf32>, vector<16xi32>
      }
      "tpu.region"() ({
        %run_scoped3A = tpu.sem_alloc : memref<!tpu.dma_semaphore, #tpu.memory_space<semaphore_mem>>
        %dma_start3A = arith.constant 0 : i32
        %dma_start3A_212 = tpu.memref_slice %arg4[%add3A_6, %dma_start3A] : memref<80x128xf32, #tpu.memory_space<hbm>> -> memref<1x128xf32, #tpu.memory_space<hbm>>
        %dma_start3A_213 = tpu.memref_squeeze %dma_start3A_212 : memref<1x128xf32, #tpu.memory_space<hbm>> -> memref<128xf32, #tpu.memory_space<hbm>>
        %dma_start3A_214 = arith.constant 0 : i32
        %dma_start3A_215 = tpu.memref_slice %arg4[%add3A_6, %dma_start3A_214] : memref<80x128xf32, #tpu.memory_space<hbm>> -> memref<1x128xf32, #tpu.memory_space<hbm>>
        %dma_start3A_216 = tpu.memref_squeeze %dma_start3A_215 : memref<1x128xf32, #tpu.memory_space<hbm>> -> memref<128xf32, #tpu.memory_space<hbm>>
        tpu.enqueue_dma source(%arg15 : memref<128xf32, #tpu.memory_space<vmem>>) target(%dma_start3A_216 : memref<128xf32, #tpu.memory_space<hbm>>) target_semaphore(%run_scoped3A : memref<!tpu.dma_semaphore, #tpu.memory_space<semaphore_mem>>)
        %dma_wait3A = arith.constant 0 : i32
        %dma_wait3A_217 = tpu.memref_slice %arg4[%add3A_6, %dma_wait3A] : memref<80x128xf32, #tpu.memory_space<hbm>> -> memref<1x128xf32, #tpu.memory_space<hbm>>
        %dma_wait3A_218 = tpu.memref_squeeze %dma_wait3A_217 : memref<1x128xf32, #tpu.memory_space<hbm>> -> memref<128xf32, #tpu.memory_space<hbm>>
        %dma_wait3A_219 = arith.constant 0 : i32
        %dma_wait3A_220 = tpu.memref_slice %arg4[%add3A_6, %dma_wait3A_219] : memref<80x128xf32, #tpu.memory_space<hbm>> -> memref<1x128xf32, #tpu.memory_space<hbm>>
        %dma_wait3A_221 = tpu.memref_squeeze %dma_wait3A_220 : memref<1x128xf32, #tpu.memory_space<hbm>> -> memref<128xf32, #tpu.memory_space<hbm>>
        tpu.wait_dma2 semaphore(%run_scoped3A : memref<!tpu.dma_semaphore, #tpu.memory_space<semaphore_mem>>) src(%arg15 : memref<128xf32, #tpu.memory_space<vmem>>) dst(%dma_wait3A_221 : memref<128xf32, #tpu.memory_space<hbm>>)
        tpu.yield
      }) : () -> ()
    } else {
    }
    %add3A_12 = arith.constant 64 : i32
    %add3A_13 = arith.addi %add3A, %add3A_12 : i32
    %lt3A_14 = arith.constant 80 : i32
    %lt3A_15 = arith.cmpi slt, %add3A_13, %lt3A_14 : i32
    %convert_element_type3A_16 = arith.extui %lt3A_15 : i1 to i32
    %cond3A_17 = arith.constant 0 : i32
    %cond3A_18 = arith.cmpi ne, %convert_element_type3A_16, %cond3A_17 : i32
    scf.if %cond3A_18 {
      "tpu.region"() ({
        %run_scoped3A = tpu.sem_alloc : memref<!tpu.dma_semaphore, #tpu.memory_space<semaphore_mem>>
        %dma_start3A = arith.constant 0 : i32
        %dma_start3A_212 = tpu.memref_slice %arg2[%add3A_13, %dma_start3A] : memref<80x5120xi32, #tpu.memory_space<hbm>> -> memref<1x5120xi32, #tpu.memory_space<hbm>>
        %dma_start3A_213 = tpu.memref_squeeze %dma_start3A_212 : memref<1x5120xi32, #tpu.memory_space<hbm>> -> memref<5120xi32, #tpu.memory_space<hbm>>
        %dma_start3A_214 = arith.constant 0 : i32
        %dma_start3A_215 = tpu.memref_slice %arg2[%add3A_13, %dma_start3A_214] : memref<80x5120xi32, #tpu.memory_space<hbm>> -> memref<1x5120xi32, #tpu.memory_space<hbm>>
        %dma_start3A_216 = tpu.memref_squeeze %dma_start3A_215 : memref<1x5120xi32, #tpu.memory_space<hbm>> -> memref<5120xi32, #tpu.memory_space<hbm>>
        tpu.enqueue_dma source(%dma_start3A_216 : memref<5120xi32, #tpu.memory_space<hbm>>) target(%arg5 : memref<5120xi32, #tpu.memory_space<vmem>>) target_semaphore(%run_scoped3A : memref<!tpu.dma_semaphore, #tpu.memory_space<semaphore_mem>>)
        %dma_wait3A = arith.constant 0 : i32
        %dma_wait3A_217 = tpu.memref_slice %arg2[%add3A_13, %dma_wait3A] : memref<80x5120xi32, #tpu.memory_space<hbm>> -> memref<1x5120xi32, #tpu.memory_space<hbm>>
        %dma_wait3A_218 = tpu.memref_squeeze %dma_wait3A_217 : memref<1x5120xi32, #tpu.memory_space<hbm>> -> memref<5120xi32, #tpu.memory_space<hbm>>
        %dma_wait3A_219 = arith.constant 0 : i32
        %dma_wait3A_220 = tpu.memref_slice %arg2[%add3A_13, %dma_wait3A_219] : memref<80x5120xi32, #tpu.memory_space<hbm>> -> memref<1x5120xi32, #tpu.memory_space<hbm>>
        %dma_wait3A_221 = tpu.memref_squeeze %dma_wait3A_220 : memref<1x5120xi32, #tpu.memory_space<hbm>> -> memref<5120xi32, #tpu.memory_space<hbm>>
        tpu.wait_dma2 semaphore(%run_scoped3A : memref<!tpu.dma_semaphore, #tpu.memory_space<semaphore_mem>>) src(%dma_wait3A_221 : memref<5120xi32, #tpu.memory_space<hbm>>) dst(%arg5 : memref<5120xi32, #tpu.memory_space<vmem>>)
        tpu.yield
      }) : () -> ()
      %iota3A = tpu.iota {dimensions = array<i32: 0>} : vector<16xi32>
      %broadcast_in_dim3A = arith.constant 1 : i32
      %broadcast_in_dim3A_19 = vector.broadcast %broadcast_in_dim3A : i32 to vector<16xi32>
      %scan3A = arith.constant 0 : i32
      %scan3A_20 = arith.constant 0 : i32
      %scan3A_21 = arith.constant 64 : i32
      %scan3A_22 = arith.addi %scan3A_20, %scan3A_21 : i32
      %scan3A_23 = arith.constant 1 : i32
      %scan3A_24 = scf.for %scan3A_212 = %scan3A_20 to %scan3A_22 step %scan3A_23 iter_args(%scan3A_213 = %scan3A) -> (i32)  : i32 {
        %broadcast_in_dim3A_214 = arith.constant 0 : i32
        %broadcast_in_dim3A_215 = vector.broadcast %broadcast_in_dim3A_214 : i32 to vector<16xi32>
        %mul3A_216 = arith.constant 16 : i32
        %mul3A_217 = arith.muli %scan3A_212, %mul3A_216 : i32
        %swap3A = arith.index_cast %mul3A_217 : i32 to index
        %swap3A_218 = tpu.vector_load %arg7[%swap3A] {strides = array<i32>} : memref<1024xi32, #tpu.memory_space<vmem>>, vector<16xi32>,
        tpu.vector_store %arg7[%swap3A], %broadcast_in_dim3A_215 {strides = array<i32>} : memref<1024xi32, #tpu.memory_space<vmem>>, vector<16xi32>,
        %scan3A_219 = arith.constant 0 : i32
        scf.yield %scan3A_219 : i32
      }
      %scan3A_25 = arith.constant 64 : i32
      %scan3A_26 = arith.constant 0 : i32
      %scan3A_27 = arith.constant 0 : i32
      %scan3A_28 = arith.constant 80 : i32
      %scan3A_29 = arith.addi %scan3A_27, %scan3A_28 : i32
      %scan3A_30 = arith.constant 1 : i32
      %scan3A_31 = scf.for %scan3A_212 = %scan3A_27 to %scan3A_29 step %scan3A_30 iter_args(%scan3A_213 = %scan3A_26) -> (i32)  : i32 {
        %mul3A_214 = arith.constant 4 : i32
        %mul3A_215 = arith.muli %scan3A_212, %mul3A_214 : i32
        %add3A_216 = arith.constant 0 : i32
        %add3A_217 = arith.addi %mul3A_215, %add3A_216 : i32
        %mul3A_218 = arith.constant 16 : i32
        %mul3A_219 = arith.muli %add3A_217, %mul3A_218 : i32
        %get3A = arith.index_cast %mul3A_219 : i32 to index
        %get3A_220 = tpu.vector_load %arg5[%get3A] {strides = array<i32>} : memref<5120xi32, #tpu.memory_space<vmem>>, vector<16xi32>,
        %shift_right_arithmetic3A = arith.constant 20 : i32
        %shift_right_arithmetic3A_221 = vector.broadcast %shift_right_arithmetic3A : i32 to vector<16xi32>
        %shift_right_arithmetic3A_222 = arith.shrsi %get3A_220, %shift_right_arithmetic3A_221 : vector<16xi32>
        %and3A = arith.constant 1023 : i32
        %and3A_223 = vector.broadcast %and3A : i32 to vector<16xi32>
        %and3A_224 = arith.andi %shift_right_arithmetic3A_222, %and3A_223 : vector<16xi32>
        tpu.vector_store_idx %arg7[%and3A_224], %broadcast_in_dim3A_19 {add = true} : memref<1024xi32, #tpu.memory_space<vmem>>[vector<16xi32>], vector<16xi32>,
        %mul3A_225 = arith.constant 4 : i32
        %mul3A_226 = arith.muli %scan3A_212, %mul3A_225 : i32
        %add3A_227 = arith.constant 1 : i32
        %add3A_228 = arith.addi %mul3A_226, %add3A_227 : i32
        %mul3A_229 = arith.constant 16 : i32
        %mul3A_230 = arith.muli %add3A_228, %mul3A_229 : i32
        %get3A_231 = arith.index_cast %mul3A_230 : i32 to index
        %get3A_232 = tpu.vector_load %arg5[%get3A_231] {strides = array<i32>} : memref<5120xi32, #tpu.memory_space<vmem>>, vector<16xi32>,
        %shift_right_arithmetic3A_233 = arith.constant 20 : i32
        %shift_right_arithmetic3A_234 = vector.broadcast %shift_right_arithmetic3A_233 : i32 to vector<16xi32>
        %shift_right_arithmetic3A_235 = arith.shrsi %get3A_232, %shift_right_arithmetic3A_234 : vector<16xi32>
        %and3A_236 = arith.constant 1023 : i32
        %and3A_237 = vector.broadcast %and3A_236 : i32 to vector<16xi32>
        %and3A_238 = arith.andi %shift_right_arithmetic3A_235, %and3A_237 : vector<16xi32>
        tpu.vector_store_idx %arg7[%and3A_238], %broadcast_in_dim3A_19 {add = true} : memref<1024xi32, #tpu.memory_space<vmem>>[vector<16xi32>], vector<16xi32>,
        %mul3A_239 = arith.constant 4 : i32
        %mul3A_240 = arith.muli %scan3A_212, %mul3A_239 : i32
        %add3A_241 = arith.constant 2 : i32
        %add3A_242 = arith.addi %mul3A_240, %add3A_241 : i32
        %mul3A_243 = arith.constant 16 : i32
        %mul3A_244 = arith.muli %add3A_242, %mul3A_243 : i32
        %get3A_245 = arith.index_cast %mul3A_244 : i32 to index
        %get3A_246 = tpu.vector_load %arg5[%get3A_245] {strides = array<i32>} : memref<5120xi32, #tpu.memory_space<vmem>>, vector<16xi32>,
        %shift_right_arithmetic3A_247 = arith.constant 20 : i32
        %shift_right_arithmetic3A_248 = vector.broadcast %shift_right_arithmetic3A_247 : i32 to vector<16xi32>
        %shift_right_arithmetic3A_249 = arith.shrsi %get3A_246, %shift_right_arithmetic3A_248 : vector<16xi32>
        %and3A_250 = arith.constant 1023 : i32
        %and3A_251 = vector.broadcast %and3A_250 : i32 to vector<16xi32>
        %and3A_252 = arith.andi %shift_right_arithmetic3A_249, %and3A_251 : vector<16xi32>
        tpu.vector_store_idx %arg7[%and3A_252], %broadcast_in_dim3A_19 {add = true} : memref<1024xi32, #tpu.memory_space<vmem>>[vector<16xi32>], vector<16xi32>,
        %mul3A_253 = arith.constant 4 : i32
        %mul3A_254 = arith.muli %scan3A_212, %mul3A_253 : i32
        %add3A_255 = arith.constant 3 : i32
        %add3A_256 = arith.addi %mul3A_254, %add3A_255 : i32
        %mul3A_257 = arith.constant 16 : i32
        %mul3A_258 = arith.muli %add3A_256, %mul3A_257 : i32
        %get3A_259 = arith.index_cast %mul3A_258 : i32 to index
        %get3A_260 = tpu.vector_load %arg5[%get3A_259] {strides = array<i32>} : memref<5120xi32, #tpu.memory_space<vmem>>, vector<16xi32>,
        %shift_right_arithmetic3A_261 = arith.constant 20 : i32
        %shift_right_arithmetic3A_262 = vector.broadcast %shift_right_arithmetic3A_261 : i32 to vector<16xi32>
        %shift_right_arithmetic3A_263 = arith.shrsi %get3A_260, %shift_right_arithmetic3A_262 : vector<16xi32>
        %and3A_264 = arith.constant 1023 : i32
        %and3A_265 = vector.broadcast %and3A_264 : i32 to vector<16xi32>
        %and3A_266 = arith.andi %shift_right_arithmetic3A_263, %and3A_265 : vector<16xi32>
        tpu.vector_store_idx %arg7[%and3A_266], %broadcast_in_dim3A_19 {add = true} : memref<1024xi32, #tpu.memory_space<vmem>>[vector<16xi32>], vector<16xi32>,
        %scan3A_267 = arith.constant 0 : i32
        scf.yield %scan3A_267 : i32
      }
      %scan3A_32 = arith.constant 80 : i32
      %scan3A_33 = arith.constant 0 : i32
      %scan3A_34 = arith.constant 0 : i32
      %scan3A_35 = arith.constant 64 : i32
      %scan3A_36 = arith.addi %scan3A_34, %scan3A_35 : i32
      %scan3A_37 = arith.constant 1 : i32
      %scan3A_38 = scf.for %scan3A_212 = %scan3A_34 to %scan3A_36 step %scan3A_37 iter_args(%scan3A_213 = %scan3A_33) -> (i32)  : i32 {
        %mul3A_214 = arith.constant 16 : i32
        %mul3A_215 = arith.muli %scan3A_212, %mul3A_214 : i32
        %get3A = arith.index_cast %mul3A_215 : i32 to index
        %get3A_216 = tpu.vector_load %arg7[%get3A] {strides = array<i32>} : memref<1024xi32, #tpu.memory_space<vmem>>, vector<16xi32>,
        %broadcast_in_dim3A_217 = arith.constant true
        %broadcast_in_dim3A_218 = vector.broadcast %broadcast_in_dim3A_217 : i1 to vector<16xi1>
        %masked_cumsum3A = tpu.scan <sum>, %get3A_216 masked %broadcast_in_dim3A_218 : vector<16xi32>, vector<16xi1> -> vector<16xi32>
        %broadcast_in_dim3A_219 = vector.broadcast %scan3A_213 : i32 to vector<16xi32>
        %add3A_220 = arith.addi %masked_cumsum3A, %broadcast_in_dim3A_219 : vector<16xi32>
        %mul3A_221 = arith.constant 16 : i32
        %mul3A_222 = arith.muli %scan3A_212, %mul3A_221 : i32
        %swap3A = arith.index_cast %mul3A_222 : i32 to index
        %swap3A_223 = tpu.vector_load %arg8[%swap3A] {strides = array<i32>} : memref<1024xi32, #tpu.memory_space<vmem>>, vector<16xi32>,
        tpu.vector_store %arg8[%swap3A], %add3A_220 {strides = array<i32>} : memref<1024xi32, #tpu.memory_space<vmem>>, vector<16xi32>,
        %slice3A = vector.extract_strided_slice %add3A_220 {offsets = [15], sizes = [1], strides = [1]} : vector<16xi32> to vector<1xi32>
        %squeeze3A = vector.extract %slice3A[0] : i32 from vector<1xi32>
        scf.yield %squeeze3A : i32
      }
      %scan3A_39 = arith.constant 64 : i32
      %broadcast_in_dim3A_40 = arith.constant -1 : i32
      %broadcast_in_dim3A_41 = vector.broadcast %broadcast_in_dim3A_40 : i32 to vector<16xi32>
      %scan3A_42 = arith.constant 500 : i32
      %scan3A_43 = arith.constant 0 : i32
      %scan3A_44 = arith.constant 64 : i32
      %scan3A_45 = arith.addi %scan3A_43, %scan3A_44 : i32
      %scan3A_46 = arith.constant 1 : i32
      %scan3A_47 = scf.for %scan3A_212 = %scan3A_43 to %scan3A_45 step %scan3A_46 iter_args(%scan3A_213 = %broadcast_in_dim3A_41) -> (vector<16xi32>)  : i32 {
        %mul3A_214 = arith.constant 16 : i32
        %mul3A_215 = arith.muli %scan3A_212, %mul3A_214 : i32
        %get3A = arith.index_cast %mul3A_215 : i32 to index
        %get3A_216 = tpu.vector_load %arg7[%get3A] {strides = array<i32>} : memref<1024xi32, #tpu.memory_space<vmem>>, vector<16xi32>,
        %mul3A_217 = arith.constant 16 : i32
        %mul3A_218 = arith.muli %scan3A_212, %mul3A_217 : i32
        %get3A_219 = arith.index_cast %mul3A_218 : i32 to index
        %get3A_220 = tpu.vector_load %arg8[%get3A_219] {strides = array<i32>} : memref<1024xi32, #tpu.memory_space<vmem>>, vector<16xi32>,
        %broadcast_in_dim3A_221 = vector.broadcast %scan3A_38 : i32 to vector<16xi32>
        %sub3A_222 = arith.subi %broadcast_in_dim3A_221, %get3A_220 : vector<16xi32>
        %add3A_223 = arith.addi %sub3A_222, %get3A_216 : vector<16xi32>
        %mul3A_224 = arith.constant 16 : i32
        %mul3A_225 = arith.muli %scan3A_212, %mul3A_224 : i32
        %broadcast_in_dim3A_226 = vector.broadcast %mul3A_225 : i32 to vector<16xi32>
        %add3A_227 = arith.addi %broadcast_in_dim3A_226, %iota3A : vector<16xi32>
        %broadcast_in_dim3A_228 = vector.broadcast %scan3A_42 : i32 to vector<16xi32>
        %ge3A = arith.cmpi sge, %add3A_223, %broadcast_in_dim3A_228 : vector<16xi32>
        %broadcast_in_dim3A_229 = arith.constant -1 : i32
        %broadcast_in_dim3A_230 = vector.broadcast %broadcast_in_dim3A_229 : i32 to vector<16xi32>
        %select_n3A = arith.select %ge3A, %add3A_227, %broadcast_in_dim3A_230 : vector<16xi1>, vector<16xi32>
        %max3A = arith.maxsi %scan3A_213, %select_n3A : vector<16xi32>
        scf.yield %max3A : vector<16xi32>
      }
      %scan3A_48 = arith.constant 64 : i32
      %reduce_max3A = arith.constant true
      %reduce_max3A_49 = vector.broadcast %reduce_max3A : i1 to vector<16xi1>
      %reduce_max3A_50 = arith.constant -2147483648 : i32
      %reduce_max3A_51 = vector.broadcast %reduce_max3A_50 : i32 to vector<16xi32>
      %reduce_max3A_52 = arith.xori %scan3A_47, %reduce_max3A_51 : vector<16xi32>
      %reduce_max3A_53 = tpu.scan <max>, %reduce_max3A_52 masked %reduce_max3A_49 : vector<16xi32>, vector<16xi1> -> vector<16xi32>
      %reduce_max3A_54 = arith.xori %reduce_max3A_53, %reduce_max3A_51 : vector<16xi32>
      %reduce_max3A_55 = vector.extract %reduce_max3A_54[15] : i32 from vector<16xi32>
      %broadcast_in_dim3A_56 = vector.broadcast %reduce_max3A_55 : i32 to vector<16xi32>
      %gather3A = tpu.vector_load_idx %arg8[%broadcast_in_dim3A_56] : memref<1024xi32, #tpu.memory_space<vmem>>[vector<16xi32>], vector<16xi32>,
      %reduce_max3A_57 = arith.constant true
      %reduce_max3A_58 = vector.broadcast %reduce_max3A_57 : i1 to vector<16xi1>
      %reduce_max3A_59 = arith.constant -2147483648 : i32
      %reduce_max3A_60 = vector.broadcast %reduce_max3A_59 : i32 to vector<16xi32>
      %reduce_max3A_61 = arith.xori %gather3A, %reduce_max3A_60 : vector<16xi32>
      %reduce_max3A_62 = tpu.scan <max>, %reduce_max3A_61 masked %reduce_max3A_58 : vector<16xi32>, vector<16xi1> -> vector<16xi32>
      %reduce_max3A_63 = arith.xori %reduce_max3A_62, %reduce_max3A_60 : vector<16xi32>
      %reduce_max3A_64 = vector.extract %reduce_max3A_63[15] : i32 from vector<16xi32>
      %sub3A = arith.subi %scan3A_38, %reduce_max3A_64 : i32
      %sub3A_65 = arith.constant 500 : i32
      %sub3A_66 = arith.subi %sub3A_65, %sub3A : i32
      %scan3A_67 = arith.constant 0 : i32
      %scan3A_68 = arith.constant 0 : i32
      %scan3A_69 = arith.constant 64 : i32
      %scan3A_70 = arith.addi %scan3A_68, %scan3A_69 : i32
      %scan3A_71 = arith.constant 1 : i32
      %scan3A_72 = scf.for %scan3A_212 = %scan3A_68 to %scan3A_70 step %scan3A_71 iter_args(%scan3A_213 = %scan3A_67) -> (i32)  : i32 {
        %broadcast_in_dim3A_214 = arith.constant 0 : i32
        %broadcast_in_dim3A_215 = vector.broadcast %broadcast_in_dim3A_214 : i32 to vector<16xi32>
        %mul3A_216 = arith.constant 16 : i32
        %mul3A_217 = arith.muli %scan3A_212, %mul3A_216 : i32
        %swap3A = arith.index_cast %mul3A_217 : i32 to index
        %swap3A_218 = tpu.vector_load %arg7[%swap3A] {strides = array<i32>} : memref<1024xi32, #tpu.memory_space<vmem>>, vector<16xi32>,
        tpu.vector_store %arg7[%swap3A], %broadcast_in_dim3A_215 {strides = array<i32>} : memref<1024xi32, #tpu.memory_space<vmem>>, vector<16xi32>,
        %scan3A_219 = arith.constant 0 : i32
        scf.yield %scan3A_219 : i32
      }
      %scan3A_73 = arith.constant 64 : i32
      %scan3A_74 = arith.constant 0 : i32
      %scan3A_75 = arith.constant 0 : i32
      %scan3A_76 = arith.constant 80 : i32
      %scan3A_77 = arith.addi %scan3A_75, %scan3A_76 : i32
      %scan3A_78 = arith.constant 1 : i32
      %scan3A_79 = scf.for %scan3A_212 = %scan3A_75 to %scan3A_77 step %scan3A_78 iter_args(%scan3A_213 = %scan3A_74) -> (i32)  : i32 {
        %mul3A_214 = arith.constant 4 : i32
        %mul3A_215 = arith.muli %scan3A_212, %mul3A_214 : i32
        %add3A_216 = arith.constant 0 : i32
        %add3A_217 = arith.addi %mul3A_215, %add3A_216 : i32
        %mul3A_218 = arith.constant 16 : i32
        %mul3A_219 = arith.muli %add3A_217, %mul3A_218 : i32
        %get3A = arith.index_cast %mul3A_219 : i32 to index
        %get3A_220 = tpu.vector_load %arg5[%get3A] {strides = array<i32>} : memref<5120xi32, #tpu.memory_space<vmem>>, vector<16xi32>,
        %shift_right_arithmetic3A = arith.constant 10 : i32
        %shift_right_arithmetic3A_221 = vector.broadcast %shift_right_arithmetic3A : i32 to vector<16xi32>
        %shift_right_arithmetic3A_222 = arith.shrsi %get3A_220, %shift_right_arithmetic3A_221 : vector<16xi32>
        %and3A = arith.constant 1023 : i32
        %and3A_223 = vector.broadcast %and3A : i32 to vector<16xi32>
        %and3A_224 = arith.andi %shift_right_arithmetic3A_222, %and3A_223 : vector<16xi32>
        %shift_right_arithmetic3A_225 = arith.constant 20 : i32
        %shift_right_arithmetic3A_226 = vector.broadcast %shift_right_arithmetic3A_225 : i32 to vector<16xi32>
        %shift_right_arithmetic3A_227 = arith.shrsi %get3A_220, %shift_right_arithmetic3A_226 : vector<16xi32>
        %broadcast_in_dim3A_228 = vector.broadcast %reduce_max3A_55 : i32 to vector<16xi32>
        %eq3A = arith.cmpi eq, %shift_right_arithmetic3A_227, %broadcast_in_dim3A_228 : vector<16xi32>
        tpu.vector_store_idx %arg7[%and3A_224], %broadcast_in_dim3A_19 masked %eq3A {add = true} : memref<1024xi32, #tpu.memory_space<vmem>>[vector<16xi32>], vector<16xi32>, vector<16xi1>
        %mul3A_229 = arith.constant 4 : i32
        %mul3A_230 = arith.muli %scan3A_212, %mul3A_229 : i32
        %add3A_231 = arith.constant 1 : i32
        %add3A_232 = arith.addi %mul3A_230, %add3A_231 : i32
        %mul3A_233 = arith.constant 16 : i32
        %mul3A_234 = arith.muli %add3A_232, %mul3A_233 : i32
        %get3A_235 = arith.index_cast %mul3A_234 : i32 to index
        %get3A_236 = tpu.vector_load %arg5[%get3A_235] {strides = array<i32>} : memref<5120xi32, #tpu.memory_space<vmem>>, vector<16xi32>,
        %shift_right_arithmetic3A_237 = arith.constant 10 : i32
        %shift_right_arithmetic3A_238 = vector.broadcast %shift_right_arithmetic3A_237 : i32 to vector<16xi32>
        %shift_right_arithmetic3A_239 = arith.shrsi %get3A_236, %shift_right_arithmetic3A_238 : vector<16xi32>
        %and3A_240 = arith.constant 1023 : i32
        %and3A_241 = vector.broadcast %and3A_240 : i32 to vector<16xi32>
        %and3A_242 = arith.andi %shift_right_arithmetic3A_239, %and3A_241 : vector<16xi32>
        %shift_right_arithmetic3A_243 = arith.constant 20 : i32
        %shift_right_arithmetic3A_244 = vector.broadcast %shift_right_arithmetic3A_243 : i32 to vector<16xi32>
        %shift_right_arithmetic3A_245 = arith.shrsi %get3A_236, %shift_right_arithmetic3A_244 : vector<16xi32>
        %broadcast_in_dim3A_246 = vector.broadcast %reduce_max3A_55 : i32 to vector<16xi32>
        %eq3A_247 = arith.cmpi eq, %shift_right_arithmetic3A_245, %broadcast_in_dim3A_246 : vector<16xi32>
        tpu.vector_store_idx %arg7[%and3A_242], %broadcast_in_dim3A_19 masked %eq3A_247 {add = true} : memref<1024xi32, #tpu.memory_space<vmem>>[vector<16xi32>], vector<16xi32>, vector<16xi1>
        %mul3A_248 = arith.constant 4 : i32
        %mul3A_249 = arith.muli %scan3A_212, %mul3A_248 : i32
        %add3A_250 = arith.constant 2 : i32
        %add3A_251 = arith.addi %mul3A_249, %add3A_250 : i32
        %mul3A_252 = arith.constant 16 : i32
        %mul3A_253 = arith.muli %add3A_251, %mul3A_252 : i32
        %get3A_254 = arith.index_cast %mul3A_253 : i32 to index
        %get3A_255 = tpu.vector_load %arg5[%get3A_254] {strides = array<i32>} : memref<5120xi32, #tpu.memory_space<vmem>>, vector<16xi32>,
        %shift_right_arithmetic3A_256 = arith.constant 10 : i32
        %shift_right_arithmetic3A_257 = vector.broadcast %shift_right_arithmetic3A_256 : i32 to vector<16xi32>
        %shift_right_arithmetic3A_258 = arith.shrsi %get3A_255, %shift_right_arithmetic3A_257 : vector<16xi32>
        %and3A_259 = arith.constant 1023 : i32
        %and3A_260 = vector.broadcast %and3A_259 : i32 to vector<16xi32>
        %and3A_261 = arith.andi %shift_right_arithmetic3A_258, %and3A_260 : vector<16xi32>
        %shift_right_arithmetic3A_262 = arith.constant 20 : i32
        %shift_right_arithmetic3A_263 = vector.broadcast %shift_right_arithmetic3A_262 : i32 to vector<16xi32>
        %shift_right_arithmetic3A_264 = arith.shrsi %get3A_255, %shift_right_arithmetic3A_263 : vector<16xi32>
        %broadcast_in_dim3A_265 = vector.broadcast %reduce_max3A_55 : i32 to vector<16xi32>
        %eq3A_266 = arith.cmpi eq, %shift_right_arithmetic3A_264, %broadcast_in_dim3A_265 : vector<16xi32>
        tpu.vector_store_idx %arg7[%and3A_261], %broadcast_in_dim3A_19 masked %eq3A_266 {add = true} : memref<1024xi32, #tpu.memory_space<vmem>>[vector<16xi32>], vector<16xi32>, vector<16xi1>
        %mul3A_267 = arith.constant 4 : i32
        %mul3A_268 = arith.muli %scan3A_212, %mul3A_267 : i32
        %add3A_269 = arith.constant 3 : i32
        %add3A_270 = arith.addi %mul3A_268, %add3A_269 : i32
        %mul3A_271 = arith.constant 16 : i32
        %mul3A_272 = arith.muli %add3A_270, %mul3A_271 : i32
        %get3A_273 = arith.index_cast %mul3A_272 : i32 to index
        %get3A_274 = tpu.vector_load %arg5[%get3A_273] {strides = array<i32>} : memref<5120xi32, #tpu.memory_space<vmem>>, vector<16xi32>,
        %shift_right_arithmetic3A_275 = arith.constant 10 : i32
        %shift_right_arithmetic3A_276 = vector.broadcast %shift_right_arithmetic3A_275 : i32 to vector<16xi32>
        %shift_right_arithmetic3A_277 = arith.shrsi %get3A_274, %shift_right_arithmetic3A_276 : vector<16xi32>
        %and3A_278 = arith.constant 1023 : i32
        %and3A_279 = vector.broadcast %and3A_278 : i32 to vector<16xi32>
        %and3A_280 = arith.andi %shift_right_arithmetic3A_277, %and3A_279 : vector<16xi32>
        %shift_right_arithmetic3A_281 = arith.constant 20 : i32
        %shift_right_arithmetic3A_282 = vector.broadcast %shift_right_arithmetic3A_281 : i32 to vector<16xi32>
        %shift_right_arithmetic3A_283 = arith.shrsi %get3A_274, %shift_right_arithmetic3A_282 : vector<16xi32>
        %broadcast_in_dim3A_284 = vector.broadcast %reduce_max3A_55 : i32 to vector<16xi32>
        %eq3A_285 = arith.cmpi eq, %shift_right_arithmetic3A_283, %broadcast_in_dim3A_284 : vector<16xi32>
        tpu.vector_store_idx %arg7[%and3A_280], %broadcast_in_dim3A_19 masked %eq3A_285 {add = true} : memref<1024xi32, #tpu.memory_space<vmem>>[vector<16xi32>], vector<16xi32>, vector<16xi1>
        %scan3A_286 = arith.constant 0 : i32
        scf.yield %scan3A_286 : i32
      }
      %scan3A_80 = arith.constant 80 : i32
      %scan3A_81 = arith.constant 0 : i32
      %scan3A_82 = arith.constant 0 : i32
      %scan3A_83 = arith.constant 64 : i32
      %scan3A_84 = arith.addi %scan3A_82, %scan3A_83 : i32
      %scan3A_85 = arith.constant 1 : i32
      %scan3A_86 = scf.for %scan3A_212 = %scan3A_82 to %scan3A_84 step %scan3A_85 iter_args(%scan3A_213 = %scan3A_81) -> (i32)  : i32 {
        %mul3A_214 = arith.constant 16 : i32
        %mul3A_215 = arith.muli %scan3A_212, %mul3A_214 : i32
        %get3A = arith.index_cast %mul3A_215 : i32 to index
        %get3A_216 = tpu.vector_load %arg7[%get3A] {strides = array<i32>} : memref<1024xi32, #tpu.memory_space<vmem>>, vector<16xi32>,
        %broadcast_in_dim3A_217 = arith.constant true
        %broadcast_in_dim3A_218 = vector.broadcast %broadcast_in_dim3A_217 : i1 to vector<16xi1>
        %masked_cumsum3A = tpu.scan <sum>, %get3A_216 masked %broadcast_in_dim3A_218 : vector<16xi32>, vector<16xi1> -> vector<16xi32>
        %broadcast_in_dim3A_219 = vector.broadcast %scan3A_213 : i32 to vector<16xi32>
        %add3A_220 = arith.addi %masked_cumsum3A, %broadcast_in_dim3A_219 : vector<16xi32>
        %mul3A_221 = arith.constant 16 : i32
        %mul3A_222 = arith.muli %scan3A_212, %mul3A_221 : i32
        %swap3A = arith.index_cast %mul3A_222 : i32 to index
        %swap3A_223 = tpu.vector_load %arg8[%swap3A] {strides = array<i32>} : memref<1024xi32, #tpu.memory_space<vmem>>, vector<16xi32>,
        tpu.vector_store %arg8[%swap3A], %add3A_220 {strides = array<i32>} : memref<1024xi32, #tpu.memory_space<vmem>>, vector<16xi32>,
        %slice3A = vector.extract_strided_slice %add3A_220 {offsets = [15], sizes = [1], strides = [1]} : vector<16xi32> to vector<1xi32>
        %squeeze3A = vector.extract %slice3A[0] : i32 from vector<1xi32>
        scf.yield %squeeze3A : i32
      }
      %scan3A_87 = arith.constant 64 : i32
      %broadcast_in_dim3A_88 = arith.constant -1 : i32
      %broadcast_in_dim3A_89 = vector.broadcast %broadcast_in_dim3A_88 : i32 to vector<16xi32>
      %scan3A_90 = arith.constant 0 : i32
      %scan3A_91 = arith.constant 64 : i32
      %scan3A_92 = arith.addi %scan3A_90, %scan3A_91 : i32
      %scan3A_93 = arith.constant 1 : i32
      %scan3A_94 = scf.for %scan3A_212 = %scan3A_90 to %scan3A_92 step %scan3A_93 iter_args(%scan3A_213 = %broadcast_in_dim3A_89) -> (vector<16xi32>)  : i32 {
        %mul3A_214 = arith.constant 16 : i32
        %mul3A_215 = arith.muli %scan3A_212, %mul3A_214 : i32
        %get3A = arith.index_cast %mul3A_215 : i32 to index
        %get3A_216 = tpu.vector_load %arg7[%get3A] {strides = array<i32>} : memref<1024xi32, #tpu.memory_space<vmem>>, vector<16xi32>,
        %mul3A_217 = arith.constant 16 : i32
        %mul3A_218 = arith.muli %scan3A_212, %mul3A_217 : i32
        %get3A_219 = arith.index_cast %mul3A_218 : i32 to index
        %get3A_220 = tpu.vector_load %arg8[%get3A_219] {strides = array<i32>} : memref<1024xi32, #tpu.memory_space<vmem>>, vector<16xi32>,
        %broadcast_in_dim3A_221 = vector.broadcast %scan3A_86 : i32 to vector<16xi32>
        %sub3A_222 = arith.subi %broadcast_in_dim3A_221, %get3A_220 : vector<16xi32>
        %add3A_223 = arith.addi %sub3A_222, %get3A_216 : vector<16xi32>
        %mul3A_224 = arith.constant 16 : i32
        %mul3A_225 = arith.muli %scan3A_212, %mul3A_224 : i32
        %broadcast_in_dim3A_226 = vector.broadcast %mul3A_225 : i32 to vector<16xi32>
        %add3A_227 = arith.addi %broadcast_in_dim3A_226, %iota3A : vector<16xi32>
        %broadcast_in_dim3A_228 = vector.broadcast %sub3A_66 : i32 to vector<16xi32>
        %ge3A = arith.cmpi sge, %add3A_223, %broadcast_in_dim3A_228 : vector<16xi32>
        %broadcast_in_dim3A_229 = arith.constant -1 : i32
        %broadcast_in_dim3A_230 = vector.broadcast %broadcast_in_dim3A_229 : i32 to vector<16xi32>
        %select_n3A = arith.select %ge3A, %add3A_227, %broadcast_in_dim3A_230 : vector<16xi1>, vector<16xi32>
        %max3A = arith.maxsi %scan3A_213, %select_n3A : vector<16xi32>
        scf.yield %max3A : vector<16xi32>
      }
      %scan3A_95 = arith.constant 64 : i32
      %reduce_max3A_96 = arith.constant true
      %reduce_max3A_97 = vector.broadcast %reduce_max3A_96 : i1 to vector<16xi1>
      %reduce_max3A_98 = arith.constant -2147483648 : i32
      %reduce_max3A_99 = vector.broadcast %reduce_max3A_98 : i32 to vector<16xi32>
      %reduce_max3A_100 = arith.xori %scan3A_94, %reduce_max3A_99 : vector<16xi32>
      %reduce_max3A_101 = tpu.scan <max>, %reduce_max3A_100 masked %reduce_max3A_97 : vector<16xi32>, vector<16xi1> -> vector<16xi32>
      %reduce_max3A_102 = arith.xori %reduce_max3A_101, %reduce_max3A_99 : vector<16xi32>
      %reduce_max3A_103 = vector.extract %reduce_max3A_102[15] : i32 from vector<16xi32>
      %broadcast_in_dim3A_104 = vector.broadcast %reduce_max3A_103 : i32 to vector<16xi32>
      %gather3A_105 = tpu.vector_load_idx %arg8[%broadcast_in_dim3A_104] : memref<1024xi32, #tpu.memory_space<vmem>>[vector<16xi32>], vector<16xi32>,
      %reduce_max3A_106 = arith.constant true
      %reduce_max3A_107 = vector.broadcast %reduce_max3A_106 : i1 to vector<16xi1>
      %reduce_max3A_108 = arith.constant -2147483648 : i32
      %reduce_max3A_109 = vector.broadcast %reduce_max3A_108 : i32 to vector<16xi32>
      %reduce_max3A_110 = arith.xori %gather3A_105, %reduce_max3A_109 : vector<16xi32>
      %reduce_max3A_111 = tpu.scan <max>, %reduce_max3A_110 masked %reduce_max3A_107 : vector<16xi32>, vector<16xi1> -> vector<16xi32>
      %reduce_max3A_112 = arith.xori %reduce_max3A_111, %reduce_max3A_109 : vector<16xi32>
      %reduce_max3A_113 = vector.extract %reduce_max3A_112[15] : i32 from vector<16xi32>
      %sub3A_114 = arith.subi %scan3A_86, %reduce_max3A_113 : i32
      %sub3A_115 = arith.subi %sub3A_66, %sub3A_114 : i32
      %shift_left3A = arith.constant 10 : i32
      %shift_left3A_116 = arith.shli %reduce_max3A_55, %shift_left3A : i32
      %or3A = arith.ori %shift_left3A_116, %reduce_max3A_103 : i32
      %scan3A_117 = arith.constant 0 : i32
      %scan3A_118 = arith.constant 0 : i32
      %scan3A_119 = arith.constant 64 : i32
      %scan3A_120 = arith.addi %scan3A_118, %scan3A_119 : i32
      %scan3A_121 = arith.constant 1 : i32
      %scan3A_122 = scf.for %scan3A_212 = %scan3A_118 to %scan3A_120 step %scan3A_121 iter_args(%scan3A_213 = %scan3A_117) -> (i32)  : i32 {
        %broadcast_in_dim3A_214 = arith.constant 0 : i32
        %broadcast_in_dim3A_215 = vector.broadcast %broadcast_in_dim3A_214 : i32 to vector<16xi32>
        %mul3A_216 = arith.constant 16 : i32
        %mul3A_217 = arith.muli %scan3A_212, %mul3A_216 : i32
        %swap3A = arith.index_cast %mul3A_217 : i32 to index
        %swap3A_218 = tpu.vector_load %arg7[%swap3A] {strides = array<i32>} : memref<1024xi32, #tpu.memory_space<vmem>>, vector<16xi32>,
        tpu.vector_store %arg7[%swap3A], %broadcast_in_dim3A_215 {strides = array<i32>} : memref<1024xi32, #tpu.memory_space<vmem>>, vector<16xi32>,
        %scan3A_219 = arith.constant 0 : i32
        scf.yield %scan3A_219 : i32
      }
      %scan3A_123 = arith.constant 64 : i32
      %scan3A_124 = arith.constant 0 : i32
      %scan3A_125 = arith.constant 0 : i32
      %scan3A_126 = arith.constant 80 : i32
      %scan3A_127 = arith.addi %scan3A_125, %scan3A_126 : i32
      %scan3A_128 = arith.constant 1 : i32
      %scan3A_129 = scf.for %scan3A_212 = %scan3A_125 to %scan3A_127 step %scan3A_128 iter_args(%scan3A_213 = %scan3A_124) -> (i32)  : i32 {
        %mul3A_214 = arith.constant 4 : i32
        %mul3A_215 = arith.muli %scan3A_212, %mul3A_214 : i32
        %add3A_216 = arith.constant 0 : i32
        %add3A_217 = arith.addi %mul3A_215, %add3A_216 : i32
        %mul3A_218 = arith.constant 16 : i32
        %mul3A_219 = arith.muli %add3A_217, %mul3A_218 : i32
        %get3A = arith.index_cast %mul3A_219 : i32 to index
        %get3A_220 = tpu.vector_load %arg5[%get3A] {strides = array<i32>} : memref<5120xi32, #tpu.memory_space<vmem>>, vector<16xi32>,
        %shift_right_arithmetic3A = arith.constant 0 : i32
        %shift_right_arithmetic3A_221 = vector.broadcast %shift_right_arithmetic3A : i32 to vector<16xi32>
        %shift_right_arithmetic3A_222 = arith.shrsi %get3A_220, %shift_right_arithmetic3A_221 : vector<16xi32>
        %and3A = arith.constant 1023 : i32
        %and3A_223 = vector.broadcast %and3A : i32 to vector<16xi32>
        %and3A_224 = arith.andi %shift_right_arithmetic3A_222, %and3A_223 : vector<16xi32>
        %shift_right_arithmetic3A_225 = arith.constant 10 : i32
        %shift_right_arithmetic3A_226 = vector.broadcast %shift_right_arithmetic3A_225 : i32 to vector<16xi32>
        %shift_right_arithmetic3A_227 = arith.shrsi %get3A_220, %shift_right_arithmetic3A_226 : vector<16xi32>
        %broadcast_in_dim3A_228 = vector.broadcast %or3A : i32 to vector<16xi32>
        %eq3A = arith.cmpi eq, %shift_right_arithmetic3A_227, %broadcast_in_dim3A_228 : vector<16xi32>
        tpu.vector_store_idx %arg7[%and3A_224], %broadcast_in_dim3A_19 masked %eq3A {add = true} : memref<1024xi32, #tpu.memory_space<vmem>>[vector<16xi32>], vector<16xi32>, vector<16xi1>
        %mul3A_229 = arith.constant 4 : i32
        %mul3A_230 = arith.muli %scan3A_212, %mul3A_229 : i32
        %add3A_231 = arith.constant 1 : i32
        %add3A_232 = arith.addi %mul3A_230, %add3A_231 : i32
        %mul3A_233 = arith.constant 16 : i32
        %mul3A_234 = arith.muli %add3A_232, %mul3A_233 : i32
        %get3A_235 = arith.index_cast %mul3A_234 : i32 to index
        %get3A_236 = tpu.vector_load %arg5[%get3A_235] {strides = array<i32>} : memref<5120xi32, #tpu.memory_space<vmem>>, vector<16xi32>,
        %shift_right_arithmetic3A_237 = arith.constant 0 : i32
        %shift_right_arithmetic3A_238 = vector.broadcast %shift_right_arithmetic3A_237 : i32 to vector<16xi32>
        %shift_right_arithmetic3A_239 = arith.shrsi %get3A_236, %shift_right_arithmetic3A_238 : vector<16xi32>
        %and3A_240 = arith.constant 1023 : i32
        %and3A_241 = vector.broadcast %and3A_240 : i32 to vector<16xi32>
        %and3A_242 = arith.andi %shift_right_arithmetic3A_239, %and3A_241 : vector<16xi32>
        %shift_right_arithmetic3A_243 = arith.constant 10 : i32
        %shift_right_arithmetic3A_244 = vector.broadcast %shift_right_arithmetic3A_243 : i32 to vector<16xi32>
        %shift_right_arithmetic3A_245 = arith.shrsi %get3A_236, %shift_right_arithmetic3A_244 : vector<16xi32>
        %broadcast_in_dim3A_246 = vector.broadcast %or3A : i32 to vector<16xi32>
        %eq3A_247 = arith.cmpi eq, %shift_right_arithmetic3A_245, %broadcast_in_dim3A_246 : vector<16xi32>
        tpu.vector_store_idx %arg7[%and3A_242], %broadcast_in_dim3A_19 masked %eq3A_247 {add = true} : memref<1024xi32, #tpu.memory_space<vmem>>[vector<16xi32>], vector<16xi32>, vector<16xi1>
        %mul3A_248 = arith.constant 4 : i32
        %mul3A_249 = arith.muli %scan3A_212, %mul3A_248 : i32
        %add3A_250 = arith.constant 2 : i32
        %add3A_251 = arith.addi %mul3A_249, %add3A_250 : i32
        %mul3A_252 = arith.constant 16 : i32
        %mul3A_253 = arith.muli %add3A_251, %mul3A_252 : i32
        %get3A_254 = arith.index_cast %mul3A_253 : i32 to index
        %get3A_255 = tpu.vector_load %arg5[%get3A_254] {strides = array<i32>} : memref<5120xi32, #tpu.memory_space<vmem>>, vector<16xi32>,
        %shift_right_arithmetic3A_256 = arith.constant 0 : i32
        %shift_right_arithmetic3A_257 = vector.broadcast %shift_right_arithmetic3A_256 : i32 to vector<16xi32>
        %shift_right_arithmetic3A_258 = arith.shrsi %get3A_255, %shift_right_arithmetic3A_257 : vector<16xi32>
        %and3A_259 = arith.constant 1023 : i32
        %and3A_260 = vector.broadcast %and3A_259 : i32 to vector<16xi32>
        %and3A_261 = arith.andi %shift_right_arithmetic3A_258, %and3A_260 : vector<16xi32>
        %shift_right_arithmetic3A_262 = arith.constant 10 : i32
        %shift_right_arithmetic3A_263 = vector.broadcast %shift_right_arithmetic3A_262 : i32 to vector<16xi32>
        %shift_right_arithmetic3A_264 = arith.shrsi %get3A_255, %shift_right_arithmetic3A_263 : vector<16xi32>
        %broadcast_in_dim3A_265 = vector.broadcast %or3A : i32 to vector<16xi32>
        %eq3A_266 = arith.cmpi eq, %shift_right_arithmetic3A_264, %broadcast_in_dim3A_265 : vector<16xi32>
        tpu.vector_store_idx %arg7[%and3A_261], %broadcast_in_dim3A_19 masked %eq3A_266 {add = true} : memref<1024xi32, #tpu.memory_space<vmem>>[vector<16xi32>], vector<16xi32>, vector<16xi1>
        %mul3A_267 = arith.constant 4 : i32
        %mul3A_268 = arith.muli %scan3A_212, %mul3A_267 : i32
        %add3A_269 = arith.constant 3 : i32
        %add3A_270 = arith.addi %mul3A_268, %add3A_269 : i32
        %mul3A_271 = arith.constant 16 : i32
        %mul3A_272 = arith.muli %add3A_270, %mul3A_271 : i32
        %get3A_273 = arith.index_cast %mul3A_272 : i32 to index
        %get3A_274 = tpu.vector_load %arg5[%get3A_273] {strides = array<i32>} : memref<5120xi32, #tpu.memory_space<vmem>>, vector<16xi32>,
        %shift_right_arithmetic3A_275 = arith.constant 0 : i32
        %shift_right_arithmetic3A_276 = vector.broadcast %shift_right_arithmetic3A_275 : i32 to vector<16xi32>
        %shift_right_arithmetic3A_277 = arith.shrsi %get3A_274, %shift_right_arithmetic3A_276 : vector<16xi32>
        %and3A_278 = arith.constant 1023 : i32
        %and3A_279 = vector.broadcast %and3A_278 : i32 to vector<16xi32>
        %and3A_280 = arith.andi %shift_right_arithmetic3A_277, %and3A_279 : vector<16xi32>
        %shift_right_arithmetic3A_281 = arith.constant 10 : i32
        %shift_right_arithmetic3A_282 = vector.broadcast %shift_right_arithmetic3A_281 : i32 to vector<16xi32>
        %shift_right_arithmetic3A_283 = arith.shrsi %get3A_274, %shift_right_arithmetic3A_282 : vector<16xi32>
        %broadcast_in_dim3A_284 = vector.broadcast %or3A : i32 to vector<16xi32>
        %eq3A_285 = arith.cmpi eq, %shift_right_arithmetic3A_283, %broadcast_in_dim3A_284 : vector<16xi32>
        tpu.vector_store_idx %arg7[%and3A_280], %broadcast_in_dim3A_19 masked %eq3A_285 {add = true} : memref<1024xi32, #tpu.memory_space<vmem>>[vector<16xi32>], vector<16xi32>, vector<16xi1>
        %scan3A_286 = arith.constant 0 : i32
        scf.yield %scan3A_286 : i32
      }
      %scan3A_130 = arith.constant 80 : i32
      %scan3A_131 = arith.constant 0 : i32
      %scan3A_132 = arith.constant 0 : i32
      %scan3A_133 = arith.constant 64 : i32
      %scan3A_134 = arith.addi %scan3A_132, %scan3A_133 : i32
      %scan3A_135 = arith.constant 1 : i32
      %scan3A_136 = scf.for %scan3A_212 = %scan3A_132 to %scan3A_134 step %scan3A_135 iter_args(%scan3A_213 = %scan3A_131) -> (i32)  : i32 {
        %mul3A_214 = arith.constant 16 : i32
        %mul3A_215 = arith.muli %scan3A_212, %mul3A_214 : i32
        %get3A = arith.index_cast %mul3A_215 : i32 to index
        %get3A_216 = tpu.vector_load %arg7[%get3A] {strides = array<i32>} : memref<1024xi32, #tpu.memory_space<vmem>>, vector<16xi32>,
        %broadcast_in_dim3A_217 = arith.constant true
        %broadcast_in_dim3A_218 = vector.broadcast %broadcast_in_dim3A_217 : i1 to vector<16xi1>
        %masked_cumsum3A = tpu.scan <sum>, %get3A_216 masked %broadcast_in_dim3A_218 : vector<16xi32>, vector<16xi1> -> vector<16xi32>
        %broadcast_in_dim3A_219 = vector.broadcast %scan3A_213 : i32 to vector<16xi32>
        %add3A_220 = arith.addi %masked_cumsum3A, %broadcast_in_dim3A_219 : vector<16xi32>
        %mul3A_221 = arith.constant 16 : i32
        %mul3A_222 = arith.muli %scan3A_212, %mul3A_221 : i32
        %swap3A = arith.index_cast %mul3A_222 : i32 to index
        %swap3A_223 = tpu.vector_load %arg8[%swap3A] {strides = array<i32>} : memref<1024xi32, #tpu.memory_space<vmem>>, vector<16xi32>,
        tpu.vector_store %arg8[%swap3A], %add3A_220 {strides = array<i32>} : memref<1024xi32, #tpu.memory_space<vmem>>, vector<16xi32>,
        %slice3A = vector.extract_strided_slice %add3A_220 {offsets = [15], sizes = [1], strides = [1]} : vector<16xi32> to vector<1xi32>
        %squeeze3A = vector.extract %slice3A[0] : i32 from vector<1xi32>
        scf.yield %squeeze3A : i32
      }
      %scan3A_137 = arith.constant 64 : i32
      %broadcast_in_dim3A_138 = arith.constant -1 : i32
      %broadcast_in_dim3A_139 = vector.broadcast %broadcast_in_dim3A_138 : i32 to vector<16xi32>
      %scan3A_140 = arith.constant 0 : i32
      %scan3A_141 = arith.constant 64 : i32
      %scan3A_142 = arith.addi %scan3A_140, %scan3A_141 : i32
      %scan3A_143 = arith.constant 1 : i32
      %scan3A_144 = scf.for %scan3A_212 = %scan3A_140 to %scan3A_142 step %scan3A_143 iter_args(%scan3A_213 = %broadcast_in_dim3A_139) -> (vector<16xi32>)  : i32 {
        %mul3A_214 = arith.constant 16 : i32
        %mul3A_215 = arith.muli %scan3A_212, %mul3A_214 : i32
        %get3A = arith.index_cast %mul3A_215 : i32 to index
        %get3A_216 = tpu.vector_load %arg7[%get3A] {strides = array<i32>} : memref<1024xi32, #tpu.memory_space<vmem>>, vector<16xi32>,
        %mul3A_217 = arith.constant 16 : i32
        %mul3A_218 = arith.muli %scan3A_212, %mul3A_217 : i32
        %get3A_219 = arith.index_cast %mul3A_218 : i32 to index
        %get3A_220 = tpu.vector_load %arg8[%get3A_219] {strides = array<i32>} : memref<1024xi32, #tpu.memory_space<vmem>>, vector<16xi32>,
        %broadcast_in_dim3A_221 = vector.broadcast %scan3A_136 : i32 to vector<16xi32>
        %sub3A_222 = arith.subi %broadcast_in_dim3A_221, %get3A_220 : vector<16xi32>
        %add3A_223 = arith.addi %sub3A_222, %get3A_216 : vector<16xi32>
        %mul3A_224 = arith.constant 16 : i32
        %mul3A_225 = arith.muli %scan3A_212, %mul3A_224 : i32
        %broadcast_in_dim3A_226 = vector.broadcast %mul3A_225 : i32 to vector<16xi32>
        %add3A_227 = arith.addi %broadcast_in_dim3A_226, %iota3A : vector<16xi32>
        %broadcast_in_dim3A_228 = vector.broadcast %sub3A_115 : i32 to vector<16xi32>
        %ge3A = arith.cmpi sge, %add3A_223, %broadcast_in_dim3A_228 : vector<16xi32>
        %broadcast_in_dim3A_229 = arith.constant -1 : i32
        %broadcast_in_dim3A_230 = vector.broadcast %broadcast_in_dim3A_229 : i32 to vector<16xi32>
        %select_n3A = arith.select %ge3A, %add3A_227, %broadcast_in_dim3A_230 : vector<16xi1>, vector<16xi32>
        %max3A = arith.maxsi %scan3A_213, %select_n3A : vector<16xi32>
        scf.yield %max3A : vector<16xi32>
      }
      %scan3A_145 = arith.constant 64 : i32
      %reduce_max3A_146 = arith.constant true
      %reduce_max3A_147 = vector.broadcast %reduce_max3A_146 : i1 to vector<16xi1>
      %reduce_max3A_148 = arith.constant -2147483648 : i32
      %reduce_max3A_149 = vector.broadcast %reduce_max3A_148 : i32 to vector<16xi32>
      %reduce_max3A_150 = arith.xori %scan3A_144, %reduce_max3A_149 : vector<16xi32>
      %reduce_max3A_151 = tpu.scan <max>, %reduce_max3A_150 masked %reduce_max3A_147 : vector<16xi32>, vector<16xi1> -> vector<16xi32>
      %reduce_max3A_152 = arith.xori %reduce_max3A_151, %reduce_max3A_149 : vector<16xi32>
      %reduce_max3A_153 = vector.extract %reduce_max3A_152[15] : i32 from vector<16xi32>
      %broadcast_in_dim3A_154 = vector.broadcast %reduce_max3A_153 : i32 to vector<16xi32>
      %gather3A_155 = tpu.vector_load_idx %arg8[%broadcast_in_dim3A_154] : memref<1024xi32, #tpu.memory_space<vmem>>[vector<16xi32>], vector<16xi32>,
      %reduce_max3A_156 = arith.constant true
      %reduce_max3A_157 = vector.broadcast %reduce_max3A_156 : i1 to vector<16xi1>
      %reduce_max3A_158 = arith.constant -2147483648 : i32
      %reduce_max3A_159 = vector.broadcast %reduce_max3A_158 : i32 to vector<16xi32>
      %reduce_max3A_160 = arith.xori %gather3A_155, %reduce_max3A_159 : vector<16xi32>
      %reduce_max3A_161 = tpu.scan <max>, %reduce_max3A_160 masked %reduce_max3A_157 : vector<16xi32>, vector<16xi1> -> vector<16xi32>
      %reduce_max3A_162 = arith.xori %reduce_max3A_161, %reduce_max3A_159 : vector<16xi32>
      %reduce_max3A_163 = vector.extract %reduce_max3A_162[15] : i32 from vector<16xi32>
      %sub3A_164 = arith.subi %scan3A_136, %reduce_max3A_163 : i32
      %shift_left3A_165 = arith.constant 20 : i32
      %shift_left3A_166 = arith.shli %reduce_max3A_55, %shift_left3A_165 : i32
      %shift_left3A_167 = arith.constant 10 : i32
      %shift_left3A_168 = arith.shli %reduce_max3A_103, %shift_left3A_167 : i32
      %or3A_169 = arith.ori %shift_left3A_166, %shift_left3A_168 : i32
      %or3A_170 = arith.ori %or3A_169, %reduce_max3A_153 : i32
      %add3A_171 = arith.addi %sub3A, %sub3A_114 : i32
      %add3A_172 = arith.addi %add3A_171, %sub3A_164 : i32
      %sub3A_173 = arith.constant 500 : i32
      %sub3A_174 = arith.subi %sub3A_173, %add3A_172 : i32
      %scan3A_175 = arith.constant 0 : i32
      %scan3A_176 = arith.constant 0 : i32
      %scan3A_177 = arith.constant 32 : i32
      %scan3A_178 = arith.addi %scan3A_176, %scan3A_177 : i32
      %scan3A_179 = arith.constant 1 : i32
      %scan3A_180 = scf.for %scan3A_212 = %scan3A_176 to %scan3A_178 step %scan3A_179 iter_args(%scan3A_213 = %scan3A_175) -> (i32)  : i32 {
        %broadcast_in_dim3A_214 = arith.constant -1.000000e+00 : f32
        %broadcast_in_dim3A_215 = vector.broadcast %broadcast_in_dim3A_214 : f32 to vector<16xf32>
        %mul3A_216 = arith.constant 16 : i32
        %mul3A_217 = arith.muli %scan3A_212, %mul3A_216 : i32
        %swap3A = arith.index_cast %mul3A_217 : i32 to index
        %swap3A_218 = tpu.vector_load %arg9[%swap3A] {strides = array<i32>} : memref<512xf32, #tpu.memory_space<vmem>>, vector<16xf32>,
        tpu.vector_store %arg9[%swap3A], %broadcast_in_dim3A_215 {strides = array<i32>} : memref<512xf32, #tpu.memory_space<vmem>>, vector<16xf32>,
        %scan3A_219 = arith.constant 0 : i32
        scf.yield %scan3A_219 : i32
      }
      %scan3A_181 = arith.constant 32 : i32
      %scan3A_182 = arith.constant 0 : i32
      %scan3A_183 = arith.constant 0 : i32
      %scan3A_184 = arith.constant 8 : i32
      %scan3A_185 = arith.addi %scan3A_183, %scan3A_184 : i32
      %scan3A_186 = arith.constant 1 : i32
      %scan3A_187 = scf.for %scan3A_212 = %scan3A_183 to %scan3A_185 step %scan3A_186 iter_args(%scan3A_213 = %scan3A_182) -> (i32)  : i32 {
        %broadcast_in_dim3A_214 = arith.constant 0xFF800000 : f32
        %broadcast_in_dim3A_215 = vector.broadcast %broadcast_in_dim3A_214 : f32 to vector<16xf32>
        %mul3A_216 = arith.constant 16 : i32
        %mul3A_217 = arith.muli %scan3A_212, %mul3A_216 : i32
        %swap3A = arith.index_cast %mul3A_217 : i32 to index
        %swap3A_218 = tpu.vector_load %arg15[%swap3A] {strides = array<i32>} : memref<128xf32, #tpu.memory_space<vmem>>, vector<16xf32>,
        tpu.vector_store %arg15[%swap3A], %broadcast_in_dim3A_215 {strides = array<i32>} : memref<128xf32, #tpu.memory_space<vmem>>, vector<16xf32>,
        %scan3A_219 = arith.constant 0 : i32
        scf.yield %scan3A_219 : i32
      }
      %scan3A_188 = arith.constant 8 : i32
      %broadcast_in_dim3A_189 = vector.broadcast %or3A_170 : i32 to vector<16xi32>
      %add3A_190 = arith.addi %sub3A, %sub3A_114 : i32
      %add3A_191 = arith.addi %add3A_190, %sub3A_164 : i32
      %scan3A_192 = arith.constant 0 : i32
      %scan3A_193 = arith.constant 0 : i32
      %scan3A_194 = arith.constant 0 : i32
      %scan3A_195 = arith.constant 80 : i32
      %scan3A_196 = arith.addi %scan3A_194, %scan3A_195 : i32
      %scan3A_197 = arith.constant 1 : i32
      %scan3A_198:2 = scf.for %scan3A_212 = %scan3A_194 to %scan3A_196 step %scan3A_197 iter_args(%scan3A_213 = %scan3A_192, %scan3A_214 = %scan3A_193) -> (i32, i32)  : i32 {
        %mul3A_215 = arith.constant 4 : i32
        %mul3A_216 = arith.muli %scan3A_212, %mul3A_215 : i32
        %add3A_217 = arith.constant 0 : i32
        %add3A_218 = arith.addi %mul3A_216, %add3A_217 : i32
        %mul3A_219 = arith.constant 16 : i32
        %mul3A_220 = arith.muli %add3A_218, %mul3A_219 : i32
        %get3A = arith.index_cast %mul3A_220 : i32 to index
        %get3A_221 = tpu.vector_load %arg5[%get3A] {strides = array<i32>} : memref<5120xi32, #tpu.memory_space<vmem>>, vector<16xi32>,
        %gt3A = arith.cmpi sgt, %get3A_221, %broadcast_in_dim3A_189 : vector<16xi32>
        %eq3A = arith.cmpi eq, %get3A_221, %broadcast_in_dim3A_189 : vector<16xi32>
        %jit3A = arith.constant 1 : i32
        %jit3A_222 = arith.constant 0 : i32
        %broadcast_in_dim3A_223 = vector.broadcast %jit3A : i32 to vector<16xi32>
        %broadcast_in_dim3A_224 = vector.broadcast %jit3A_222 : i32 to vector<16xi32>
        %select_n3A = arith.select %gt3A, %broadcast_in_dim3A_223, %broadcast_in_dim3A_224 : vector<16xi1>, vector<16xi32>
        %jit3A_225 = arith.constant 65536 : i32
        %jit3A_226 = arith.constant 0 : i32
        %broadcast_in_dim3A_227 = vector.broadcast %jit3A_225 : i32 to vector<16xi32>
        %broadcast_in_dim3A_228 = vector.broadcast %jit3A_226 : i32 to vector<16xi32>
        %select_n3A_229 = arith.select %eq3A, %broadcast_in_dim3A_227, %broadcast_in_dim3A_228 : vector<16xi1>, vector<16xi32>
        %add3A_230 = arith.addi %select_n3A, %select_n3A_229 : vector<16xi32>
        %broadcast_in_dim3A_231 = arith.constant true
        %broadcast_in_dim3A_232 = vector.broadcast %broadcast_in_dim3A_231 : i1 to vector<16xi1>
        %masked_cumsum3A = tpu.scan <sum>, %add3A_230 masked %broadcast_in_dim3A_232 : vector<16xi32>, vector<16xi1> -> vector<16xi32>
        %and3A = arith.constant 65535 : i32
        %and3A_233 = vector.broadcast %and3A : i32 to vector<16xi32>
        %and3A_234 = arith.andi %masked_cumsum3A, %and3A_233 : vector<16xi32>
        %sub3A_235 = arith.constant 1 : i32
        %sub3A_236 = vector.broadcast %sub3A_235 : i32 to vector<16xi32>
        %sub3A_237 = arith.subi %and3A_234, %sub3A_236 : vector<16xi32>
        %broadcast_in_dim3A_238 = vector.broadcast %scan3A_213 : i32 to vector<16xi32>
        %add3A_239 = arith.addi %sub3A_237, %broadcast_in_dim3A_238 : vector<16xi32>
        %shift_right_arithmetic3A = arith.constant 16 : i32
        %shift_right_arithmetic3A_240 = vector.broadcast %shift_right_arithmetic3A : i32 to vector<16xi32>
        %shift_right_arithmetic3A_241 = arith.shrsi %masked_cumsum3A, %shift_right_arithmetic3A_240 : vector<16xi32>
        %sub3A_242 = arith.constant 1 : i32
        %sub3A_243 = vector.broadcast %sub3A_242 : i32 to vector<16xi32>
        %sub3A_244 = arith.subi %shift_right_arithmetic3A_241, %sub3A_243 : vector<16xi32>
        %add3A_245 = arith.addi %add3A_191, %scan3A_214 : i32
        %broadcast_in_dim3A_246 = vector.broadcast %add3A_245 : i32 to vector<16xi32>
        %add3A_247 = arith.addi %sub3A_244, %broadcast_in_dim3A_246 : vector<16xi32>
        %select_n3A_248 = arith.select %gt3A, %add3A_239, %add3A_247 : vector<16xi1>, vector<16xi32>
        %lt3A_249 = arith.constant 500 : i32
        %lt3A_250 = vector.broadcast %lt3A_249 : i32 to vector<16xi32>
        %lt3A_251 = arith.cmpi slt, %select_n3A_248, %lt3A_250 : vector<16xi32>
        %and3A_252 = arith.andi %eq3A, %lt3A_251 : vector<16xi1>
        %or3A_253 = arith.ori %gt3A, %and3A_252 : vector<16xi1>
        %mul3A_254 = arith.constant 16 : i32
        %mul3A_255 = arith.muli %add3A_218, %mul3A_254 : i32
        %get3A_256 = arith.constant 0 : i32
        %get3A_257 = arith.index_cast %get3A_256 : i32 to index
        %get3A_258 = arith.index_cast %mul3A_255 : i32 to index
        %get3A_259 = tpu.vector_load %arg6[%get3A_257, %get3A_258] {strides = array<i32>} : memref<4x5120xf32, #tpu.memory_space<vmem>>, vector<16xf32>,
        %mul3A_260 = arith.constant 16 : i32
        %mul3A_261 = arith.muli %add3A_218, %mul3A_260 : i32
        %get3A_262 = arith.constant 1 : i32
        %get3A_263 = arith.index_cast %get3A_262 : i32 to index
        %get3A_264 = arith.index_cast %mul3A_261 : i32 to index
        %get3A_265 = tpu.vector_load %arg6[%get3A_263, %get3A_264] {strides = array<i32>} : memref<4x5120xf32, #tpu.memory_space<vmem>>, vector<16xf32>,
        %mul3A_266 = arith.constant 16 : i32
        %mul3A_267 = arith.muli %add3A_218, %mul3A_266 : i32
        %get3A_268 = arith.constant 2 : i32
        %get3A_269 = arith.index_cast %get3A_268 : i32 to index
        %get3A_270 = arith.index_cast %mul3A_267 : i32 to index
        %get3A_271 = tpu.vector_load %arg6[%get3A_269, %get3A_270] {strides = array<i32>} : memref<4x5120xf32, #tpu.memory_space<vmem>>, vector<16xf32>,
        %mul3A_272 = arith.constant 16 : i32
        %mul3A_273 = arith.muli %add3A_218, %mul3A_272 : i32
        %get3A_274 = arith.constant 3 : i32
        %get3A_275 = arith.index_cast %get3A_274 : i32 to index
        %get3A_276 = arith.index_cast %mul3A_273 : i32 to index
        %get3A_277 = tpu.vector_load %arg6[%get3A_275, %get3A_276] {strides = array<i32>} : memref<4x5120xf32, #tpu.memory_space<vmem>>, vector<16xf32>,
        %sub3A_278 = arith.subf %get3A_271, %get3A_259 : vector<16xf32>
        %max3A = arith.constant 0.000000e+00 : f32
        %max3A_279 = vector.broadcast %max3A : f32 to vector<16xf32>
        %max3A_280 = arith.maximumf %sub3A_278, %max3A_279 : vector<16xf32>
        %sub3A_281 = arith.subf %get3A_277, %get3A_265 : vector<16xf32>
        %max3A_282 = arith.constant 0.000000e+00 : f32
        %max3A_283 = vector.broadcast %max3A_282 : f32 to vector<16xf32>
        %max3A_284 = arith.maximumf %sub3A_281, %max3A_283 : vector<16xf32>
        %mul3A_285 = arith.mulf %max3A_280, %max3A_284 : vector<16xf32>
        %bitcast3A = vector.bitcast %get3A_221 : vector<16xi32> to vector<16xf32>
        tpu.vector_store_idx %arg9[%select_n3A_248], %bitcast3A masked %or3A_253 : memref<512xf32, #tpu.memory_space<vmem>>[vector<16xi32>], vector<16xf32>, vector<16xi1>
        tpu.vector_store_idx %arg10[%select_n3A_248], %get3A_259 masked %or3A_253 : memref<512xf32, #tpu.memory_space<vmem>>[vector<16xi32>], vector<16xf32>, vector<16xi1>
        tpu.vector_store_idx %arg11[%select_n3A_248], %get3A_265 masked %or3A_253 : memref<512xf32, #tpu.memory_space<vmem>>[vector<16xi32>], vector<16xf32>, vector<16xi1>
        tpu.vector_store_idx %arg12[%select_n3A_248], %get3A_271 masked %or3A_253 : memref<512xf32, #tpu.memory_space<vmem>>[vector<16xi32>], vector<16xf32>, vector<16xi1>
        tpu.vector_store_idx %arg13[%select_n3A_248], %get3A_277 masked %or3A_253 : memref<512xf32, #tpu.memory_space<vmem>>[vector<16xi32>], vector<16xf32>, vector<16xi1>
        tpu.vector_store_idx %arg14[%select_n3A_248], %mul3A_285 masked %or3A_253 : memref<512xf32, #tpu.memory_space<vmem>>[vector<16xi32>], vector<16xf32>, vector<16xi1>
        %slice3A = vector.extract_strided_slice %masked_cumsum3A {offsets = [15], sizes = [1], strides = [1]} : vector<16xi32> to vector<1xi32>
        %squeeze3A = vector.extract %slice3A[0] : i32 from vector<1xi32>
        %and3A_286 = arith.constant 65535 : i32
        %and3A_287 = arith.andi %squeeze3A, %and3A_286 : i32
        %add3A_288 = arith.addi %scan3A_213, %and3A_287 : i32
        %shift_right_arithmetic3A_289 = arith.constant 16 : i32
        %shift_right_arithmetic3A_290 = arith.shrsi %squeeze3A, %shift_right_arithmetic3A_289 : i32
        %add3A_291 = arith.addi %scan3A_214, %shift_right_arithmetic3A_290 : i32
        %mul3A_292 = arith.constant 4 : i32
        %mul3A_293 = arith.muli %scan3A_212, %mul3A_292 : i32
        %add3A_294 = arith.constant 1 : i32
        %add3A_295 = arith.addi %mul3A_293, %add3A_294 : i32
        %mul3A_296 = arith.constant 16 : i32
        %mul3A_297 = arith.muli %add3A_295, %mul3A_296 : i32
        %get3A_298 = arith.index_cast %mul3A_297 : i32 to index
        %get3A_299 = tpu.vector_load %arg5[%get3A_298] {strides = array<i32>} : memref<5120xi32, #tpu.memory_space<vmem>>, vector<16xi32>,
        %gt3A_300 = arith.cmpi sgt, %get3A_299, %broadcast_in_dim3A_189 : vector<16xi32>
        %eq3A_301 = arith.cmpi eq, %get3A_299, %broadcast_in_dim3A_189 : vector<16xi32>
        %jit3A_302 = arith.constant 1 : i32
        %jit3A_303 = arith.constant 0 : i32
        %broadcast_in_dim3A_304 = vector.broadcast %jit3A_302 : i32 to vector<16xi32>
        %broadcast_in_dim3A_305 = vector.broadcast %jit3A_303 : i32 to vector<16xi32>
        %select_n3A_306 = arith.select %gt3A_300, %broadcast_in_dim3A_304, %broadcast_in_dim3A_305 : vector<16xi1>, vector<16xi32>
        %jit3A_307 = arith.constant 65536 : i32
        %jit3A_308 = arith.constant 0 : i32
        %broadcast_in_dim3A_309 = vector.broadcast %jit3A_307 : i32 to vector<16xi32>
        %broadcast_in_dim3A_310 = vector.broadcast %jit3A_308 : i32 to vector<16xi32>
        %select_n3A_311 = arith.select %eq3A_301, %broadcast_in_dim3A_309, %broadcast_in_dim3A_310 : vector<16xi1>, vector<16xi32>
        %add3A_312 = arith.addi %select_n3A_306, %select_n3A_311 : vector<16xi32>
        %broadcast_in_dim3A_313 = arith.constant true
        %broadcast_in_dim3A_314 = vector.broadcast %broadcast_in_dim3A_313 : i1 to vector<16xi1>
        %masked_cumsum3A_315 = tpu.scan <sum>, %add3A_312 masked %broadcast_in_dim3A_314 : vector<16xi32>, vector<16xi1> -> vector<16xi32>
        %and3A_316 = arith.constant 65535 : i32
        %and3A_317 = vector.broadcast %and3A_316 : i32 to vector<16xi32>
        %and3A_318 = arith.andi %masked_cumsum3A_315, %and3A_317 : vector<16xi32>
        %sub3A_319 = arith.constant 1 : i32
        %sub3A_320 = vector.broadcast %sub3A_319 : i32 to vector<16xi32>
        %sub3A_321 = arith.subi %and3A_318, %sub3A_320 : vector<16xi32>
        %broadcast_in_dim3A_322 = vector.broadcast %add3A_288 : i32 to vector<16xi32>
        %add3A_323 = arith.addi %sub3A_321, %broadcast_in_dim3A_322 : vector<16xi32>
        %shift_right_arithmetic3A_324 = arith.constant 16 : i32
        %shift_right_arithmetic3A_325 = vector.broadcast %shift_right_arithmetic3A_324 : i32 to vector<16xi32>
        %shift_right_arithmetic3A_326 = arith.shrsi %masked_cumsum3A_315, %shift_right_arithmetic3A_325 : vector<16xi32>
        %sub3A_327 = arith.constant 1 : i32
        %sub3A_328 = vector.broadcast %sub3A_327 : i32 to vector<16xi32>
        %sub3A_329 = arith.subi %shift_right_arithmetic3A_326, %sub3A_328 : vector<16xi32>
        %add3A_330 = arith.addi %add3A_191, %add3A_291 : i32
        %broadcast_in_dim3A_331 = vector.broadcast %add3A_330 : i32 to vector<16xi32>
        %add3A_332 = arith.addi %sub3A_329, %broadcast_in_dim3A_331 : vector<16xi32>
        %select_n3A_333 = arith.select %gt3A_300, %add3A_323, %add3A_332 : vector<16xi1>, vector<16xi32>
        %lt3A_334 = arith.constant 500 : i32
        %lt3A_335 = vector.broadcast %lt3A_334 : i32 to vector<16xi32>
        %lt3A_336 = arith.cmpi slt, %select_n3A_333, %lt3A_335 : vector<16xi32>
        %and3A_337 = arith.andi %eq3A_301, %lt3A_336 : vector<16xi1>
        %or3A_338 = arith.ori %gt3A_300, %and3A_337 : vector<16xi1>
        %mul3A_339 = arith.constant 16 : i32
        %mul3A_340 = arith.muli %add3A_295, %mul3A_339 : i32
        %get3A_341 = arith.constant 0 : i32
        %get3A_342 = arith.index_cast %get3A_341 : i32 to index
        %get3A_343 = arith.index_cast %mul3A_340 : i32 to index
        %get3A_344 = tpu.vector_load %arg6[%get3A_342, %get3A_343] {strides = array<i32>} : memref<4x5120xf32, #tpu.memory_space<vmem>>, vector<16xf32>,
        %mul3A_345 = arith.constant 16 : i32
        %mul3A_346 = arith.muli %add3A_295, %mul3A_345 : i32
        %get3A_347 = arith.constant 1 : i32
        %get3A_348 = arith.index_cast %get3A_347 : i32 to index
        %get3A_349 = arith.index_cast %mul3A_346 : i32 to index
        %get3A_350 = tpu.vector_load %arg6[%get3A_348, %get3A_349] {strides = array<i32>} : memref<4x5120xf32, #tpu.memory_space<vmem>>, vector<16xf32>,
        %mul3A_351 = arith.constant 16 : i32
        %mul3A_352 = arith.muli %add3A_295, %mul3A_351 : i32
        %get3A_353 = arith.constant 2 : i32
        %get3A_354 = arith.index_cast %get3A_353 : i32 to index
        %get3A_355 = arith.index_cast %mul3A_352 : i32 to index
        %get3A_356 = tpu.vector_load %arg6[%get3A_354, %get3A_355] {strides = array<i32>} : memref<4x5120xf32, #tpu.memory_space<vmem>>, vector<16xf32>,
        %mul3A_357 = arith.constant 16 : i32
        %mul3A_358 = arith.muli %add3A_295, %mul3A_357 : i32
        %get3A_359 = arith.constant 3 : i32
        %get3A_360 = arith.index_cast %get3A_359 : i32 to index
        %get3A_361 = arith.index_cast %mul3A_358 : i32 to index
        %get3A_362 = tpu.vector_load %arg6[%get3A_360, %get3A_361] {strides = array<i32>} : memref<4x5120xf32, #tpu.memory_space<vmem>>, vector<16xf32>,
        %sub3A_363 = arith.subf %get3A_356, %get3A_344 : vector<16xf32>
        %max3A_364 = arith.constant 0.000000e+00 : f32
        %max3A_365 = vector.broadcast %max3A_364 : f32 to vector<16xf32>
        %max3A_366 = arith.maximumf %sub3A_363, %max3A_365 : vector<16xf32>
        %sub3A_367 = arith.subf %get3A_362, %get3A_350 : vector<16xf32>
        %max3A_368 = arith.constant 0.000000e+00 : f32
        %max3A_369 = vector.broadcast %max3A_368 : f32 to vector<16xf32>
        %max3A_370 = arith.maximumf %sub3A_367, %max3A_369 : vector<16xf32>
        %mul3A_371 = arith.mulf %max3A_366, %max3A_370 : vector<16xf32>
        %bitcast3A_372 = vector.bitcast %get3A_299 : vector<16xi32> to vector<16xf32>
        tpu.vector_store_idx %arg9[%select_n3A_333], %bitcast3A_372 masked %or3A_338 : memref<512xf32, #tpu.memory_space<vmem>>[vector<16xi32>], vector<16xf32>, vector<16xi1>
        tpu.vector_store_idx %arg10[%select_n3A_333], %get3A_344 masked %or3A_338 : memref<512xf32, #tpu.memory_space<vmem>>[vector<16xi32>], vector<16xf32>, vector<16xi1>
        tpu.vector_store_idx %arg11[%select_n3A_333], %get3A_350 masked %or3A_338 : memref<512xf32, #tpu.memory_space<vmem>>[vector<16xi32>], vector<16xf32>, vector<16xi1>
        tpu.vector_store_idx %arg12[%select_n3A_333], %get3A_356 masked %or3A_338 : memref<512xf32, #tpu.memory_space<vmem>>[vector<16xi32>], vector<16xf32>, vector<16xi1>
        tpu.vector_store_idx %arg13[%select_n3A_333], %get3A_362 masked %or3A_338 : memref<512xf32, #tpu.memory_space<vmem>>[vector<16xi32>], vector<16xf32>, vector<16xi1>
        tpu.vector_store_idx %arg14[%select_n3A_333], %mul3A_371 masked %or3A_338 : memref<512xf32, #tpu.memory_space<vmem>>[vector<16xi32>], vector<16xf32>, vector<16xi1>
        %slice3A_373 = vector.extract_strided_slice %masked_cumsum3A_315 {offsets = [15], sizes = [1], strides = [1]} : vector<16xi32> to vector<1xi32>
        %squeeze3A_374 = vector.extract %slice3A_373[0] : i32 from vector<1xi32>
        %and3A_375 = arith.constant 65535 : i32
        %and3A_376 = arith.andi %squeeze3A_374, %and3A_375 : i32
        %add3A_377 = arith.addi %add3A_288, %and3A_376 : i32
        %shift_right_arithmetic3A_378 = arith.constant 16 : i32
        %shift_right_arithmetic3A_379 = arith.shrsi %squeeze3A_374, %shift_right_arithmetic3A_378 : i32
        %add3A_380 = arith.addi %add3A_291, %shift_right_arithmetic3A_379 : i32
        %mul3A_381 = arith.constant 4 : i32
        %mul3A_382 = arith.muli %scan3A_212, %mul3A_381 : i32
        %add3A_383 = arith.constant 2 : i32
        %add3A_384 = arith.addi %mul3A_382, %add3A_383 : i32
        %mul3A_385 = arith.constant 16 : i32
        %mul3A_386 = arith.muli %add3A_384, %mul3A_385 : i32
        %get3A_387 = arith.index_cast %mul3A_386 : i32 to index
        %get3A_388 = tpu.vector_load %arg5[%get3A_387] {strides = array<i32>} : memref<5120xi32, #tpu.memory_space<vmem>>, vector<16xi32>,
        %gt3A_389 = arith.cmpi sgt, %get3A_388, %broadcast_in_dim3A_189 : vector<16xi32>
        %eq3A_390 = arith.cmpi eq, %get3A_388, %broadcast_in_dim3A_189 : vector<16xi32>
        %jit3A_391 = arith.constant 1 : i32
        %jit3A_392 = arith.constant 0 : i32
        %broadcast_in_dim3A_393 = vector.broadcast %jit3A_391 : i32 to vector<16xi32>
        %broadcast_in_dim3A_394 = vector.broadcast %jit3A_392 : i32 to vector<16xi32>
        %select_n3A_395 = arith.select %gt3A_389, %broadcast_in_dim3A_393, %broadcast_in_dim3A_394 : vector<16xi1>, vector<16xi32>
        %jit3A_396 = arith.constant 65536 : i32
        %jit3A_397 = arith.constant 0 : i32
        %broadcast_in_dim3A_398 = vector.broadcast %jit3A_396 : i32 to vector<16xi32>
        %broadcast_in_dim3A_399 = vector.broadcast %jit3A_397 : i32 to vector<16xi32>
        %select_n3A_400 = arith.select %eq3A_390, %broadcast_in_dim3A_398, %broadcast_in_dim3A_399 : vector<16xi1>, vector<16xi32>
        %add3A_401 = arith.addi %select_n3A_395, %select_n3A_400 : vector<16xi32>
        %broadcast_in_dim3A_402 = arith.constant true
        %broadcast_in_dim3A_403 = vector.broadcast %broadcast_in_dim3A_402 : i1 to vector<16xi1>
        %masked_cumsum3A_404 = tpu.scan <sum>, %add3A_401 masked %broadcast_in_dim3A_403 : vector<16xi32>, vector<16xi1> -> vector<16xi32>
        %and3A_405 = arith.constant 65535 : i32
        %and3A_406 = vector.broadcast %and3A_405 : i32 to vector<16xi32>
        %and3A_407 = arith.andi %masked_cumsum3A_404, %and3A_406 : vector<16xi32>
        %sub3A_408 = arith.constant 1 : i32
        %sub3A_409 = vector.broadcast %sub3A_408 : i32 to vector<16xi32>
        %sub3A_410 = arith.subi %and3A_407, %sub3A_409 : vector<16xi32>
        %broadcast_in_dim3A_411 = vector.broadcast %add3A_377 : i32 to vector<16xi32>
        %add3A_412 = arith.addi %sub3A_410, %broadcast_in_dim3A_411 : vector<16xi32>
        %shift_right_arithmetic3A_413 = arith.constant 16 : i32
        %shift_right_arithmetic3A_414 = vector.broadcast %shift_right_arithmetic3A_413 : i32 to vector<16xi32>
        %shift_right_arithmetic3A_415 = arith.shrsi %masked_cumsum3A_404, %shift_right_arithmetic3A_414 : vector<16xi32>
        %sub3A_416 = arith.constant 1 : i32
        %sub3A_417 = vector.broadcast %sub3A_416 : i32 to vector<16xi32>
        %sub3A_418 = arith.subi %shift_right_arithmetic3A_415, %sub3A_417 : vector<16xi32>
        %add3A_419 = arith.addi %add3A_191, %add3A_380 : i32
        %broadcast_in_dim3A_420 = vector.broadcast %add3A_419 : i32 to vector<16xi32>
        %add3A_421 = arith.addi %sub3A_418, %broadcast_in_dim3A_420 : vector<16xi32>
        %select_n3A_422 = arith.select %gt3A_389, %add3A_412, %add3A_421 : vector<16xi1>, vector<16xi32>
        %lt3A_423 = arith.constant 500 : i32
        %lt3A_424 = vector.broadcast %lt3A_423 : i32 to vector<16xi32>
        %lt3A_425 = arith.cmpi slt, %select_n3A_422, %lt3A_424 : vector<16xi32>
        %and3A_426 = arith.andi %eq3A_390, %lt3A_425 : vector<16xi1>
        %or3A_427 = arith.ori %gt3A_389, %and3A_426 : vector<16xi1>
        %mul3A_428 = arith.constant 16 : i32
        %mul3A_429 = arith.muli %add3A_384, %mul3A_428 : i32
        %get3A_430 = arith.constant 0 : i32
        %get3A_431 = arith.index_cast %get3A_430 : i32 to index
        %get3A_432 = arith.index_cast %mul3A_429 : i32 to index
        %get3A_433 = tpu.vector_load %arg6[%get3A_431, %get3A_432] {strides = array<i32>} : memref<4x5120xf32, #tpu.memory_space<vmem>>, vector<16xf32>,
        %mul3A_434 = arith.constant 16 : i32
        %mul3A_435 = arith.muli %add3A_384, %mul3A_434 : i32
        %get3A_436 = arith.constant 1 : i32
        %get3A_437 = arith.index_cast %get3A_436 : i32 to index
        %get3A_438 = arith.index_cast %mul3A_435 : i32 to index
        %get3A_439 = tpu.vector_load %arg6[%get3A_437, %get3A_438] {strides = array<i32>} : memref<4x5120xf32, #tpu.memory_space<vmem>>, vector<16xf32>,
        %mul3A_440 = arith.constant 16 : i32
        %mul3A_441 = arith.muli %add3A_384, %mul3A_440 : i32
        %get3A_442 = arith.constant 2 : i32
        %get3A_443 = arith.index_cast %get3A_442 : i32 to index
        %get3A_444 = arith.index_cast %mul3A_441 : i32 to index
        %get3A_445 = tpu.vector_load %arg6[%get3A_443, %get3A_444] {strides = array<i32>} : memref<4x5120xf32, #tpu.memory_space<vmem>>, vector<16xf32>,
        %mul3A_446 = arith.constant 16 : i32
        %mul3A_447 = arith.muli %add3A_384, %mul3A_446 : i32
        %get3A_448 = arith.constant 3 : i32
        %get3A_449 = arith.index_cast %get3A_448 : i32 to index
        %get3A_450 = arith.index_cast %mul3A_447 : i32 to index
        %get3A_451 = tpu.vector_load %arg6[%get3A_449, %get3A_450] {strides = array<i32>} : memref<4x5120xf32, #tpu.memory_space<vmem>>, vector<16xf32>,
        %sub3A_452 = arith.subf %get3A_445, %get3A_433 : vector<16xf32>
        %max3A_453 = arith.constant 0.000000e+00 : f32
        %max3A_454 = vector.broadcast %max3A_453 : f32 to vector<16xf32>
        %max3A_455 = arith.maximumf %sub3A_452, %max3A_454 : vector<16xf32>
        %sub3A_456 = arith.subf %get3A_451, %get3A_439 : vector<16xf32>
        %max3A_457 = arith.constant 0.000000e+00 : f32
        %max3A_458 = vector.broadcast %max3A_457 : f32 to vector<16xf32>
        %max3A_459 = arith.maximumf %sub3A_456, %max3A_458 : vector<16xf32>
        %mul3A_460 = arith.mulf %max3A_455, %max3A_459 : vector<16xf32>
        %bitcast3A_461 = vector.bitcast %get3A_388 : vector<16xi32> to vector<16xf32>
        tpu.vector_store_idx %arg9[%select_n3A_422], %bitcast3A_461 masked %or3A_427 : memref<512xf32, #tpu.memory_space<vmem>>[vector<16xi32>], vector<16xf32>, vector<16xi1>
        tpu.vector_store_idx %arg10[%select_n3A_422], %get3A_433 masked %or3A_427 : memref<512xf32, #tpu.memory_space<vmem>>[vector<16xi32>], vector<16xf32>, vector<16xi1>
        tpu.vector_store_idx %arg11[%select_n3A_422], %get3A_439 masked %or3A_427 : memref<512xf32, #tpu.memory_space<vmem>>[vector<16xi32>], vector<16xf32>, vector<16xi1>
        tpu.vector_store_idx %arg12[%select_n3A_422], %get3A_445 masked %or3A_427 : memref<512xf32, #tpu.memory_space<vmem>>[vector<16xi32>], vector<16xf32>, vector<16xi1>
        tpu.vector_store_idx %arg13[%select_n3A_422], %get3A_451 masked %or3A_427 : memref<512xf32, #tpu.memory_space<vmem>>[vector<16xi32>], vector<16xf32>, vector<16xi1>
        tpu.vector_store_idx %arg14[%select_n3A_422], %mul3A_460 masked %or3A_427 : memref<512xf32, #tpu.memory_space<vmem>>[vector<16xi32>], vector<16xf32>, vector<16xi1>
        %slice3A_462 = vector.extract_strided_slice %masked_cumsum3A_404 {offsets = [15], sizes = [1], strides = [1]} : vector<16xi32> to vector<1xi32>
        %squeeze3A_463 = vector.extract %slice3A_462[0] : i32 from vector<1xi32>
        %and3A_464 = arith.constant 65535 : i32
        %and3A_465 = arith.andi %squeeze3A_463, %and3A_464 : i32
        %add3A_466 = arith.addi %add3A_377, %and3A_465 : i32
        %shift_right_arithmetic3A_467 = arith.constant 16 : i32
        %shift_right_arithmetic3A_468 = arith.shrsi %squeeze3A_463, %shift_right_arithmetic3A_467 : i32
        %add3A_469 = arith.addi %add3A_380, %shift_right_arithmetic3A_468 : i32
        %mul3A_470 = arith.constant 4 : i32
        %mul3A_471 = arith.muli %scan3A_212, %mul3A_470 : i32
        %add3A_472 = arith.constant 3 : i32
        %add3A_473 = arith.addi %mul3A_471, %add3A_472 : i32
        %mul3A_474 = arith.constant 16 : i32
        %mul3A_475 = arith.muli %add3A_473, %mul3A_474 : i32
        %get3A_476 = arith.index_cast %mul3A_475 : i32 to index
        %get3A_477 = tpu.vector_load %arg5[%get3A_476] {strides = array<i32>} : memref<5120xi32, #tpu.memory_space<vmem>>, vector<16xi32>,
        %gt3A_478 = arith.cmpi sgt, %get3A_477, %broadcast_in_dim3A_189 : vector<16xi32>
        %eq3A_479 = arith.cmpi eq, %get3A_477, %broadcast_in_dim3A_189 : vector<16xi32>
        %jit3A_480 = arith.constant 1 : i32
        %jit3A_481 = arith.constant 0 : i32
        %broadcast_in_dim3A_482 = vector.broadcast %jit3A_480 : i32 to vector<16xi32>
        %broadcast_in_dim3A_483 = vector.broadcast %jit3A_481 : i32 to vector<16xi32>
        %select_n3A_484 = arith.select %gt3A_478, %broadcast_in_dim3A_482, %broadcast_in_dim3A_483 : vector<16xi1>, vector<16xi32>
        %jit3A_485 = arith.constant 65536 : i32
        %jit3A_486 = arith.constant 0 : i32
        %broadcast_in_dim3A_487 = vector.broadcast %jit3A_485 : i32 to vector<16xi32>
        %broadcast_in_dim3A_488 = vector.broadcast %jit3A_486 : i32 to vector<16xi32>
        %select_n3A_489 = arith.select %eq3A_479, %broadcast_in_dim3A_487, %broadcast_in_dim3A_488 : vector<16xi1>, vector<16xi32>
        %add3A_490 = arith.addi %select_n3A_484, %select_n3A_489 : vector<16xi32>
        %broadcast_in_dim3A_491 = arith.constant true
        %broadcast_in_dim3A_492 = vector.broadcast %broadcast_in_dim3A_491 : i1 to vector<16xi1>
        %masked_cumsum3A_493 = tpu.scan <sum>, %add3A_490 masked %broadcast_in_dim3A_492 : vector<16xi32>, vector<16xi1> -> vector<16xi32>
        %and3A_494 = arith.constant 65535 : i32
        %and3A_495 = vector.broadcast %and3A_494 : i32 to vector<16xi32>
        %and3A_496 = arith.andi %masked_cumsum3A_493, %and3A_495 : vector<16xi32>
        %sub3A_497 = arith.constant 1 : i32
        %sub3A_498 = vector.broadcast %sub3A_497 : i32 to vector<16xi32>
        %sub3A_499 = arith.subi %and3A_496, %sub3A_498 : vector<16xi32>
        %broadcast_in_dim3A_500 = vector.broadcast %add3A_466 : i32 to vector<16xi32>
        %add3A_501 = arith.addi %sub3A_499, %broadcast_in_dim3A_500 : vector<16xi32>
        %shift_right_arithmetic3A_502 = arith.constant 16 : i32
        %shift_right_arithmetic3A_503 = vector.broadcast %shift_right_arithmetic3A_502 : i32 to vector<16xi32>
        %shift_right_arithmetic3A_504 = arith.shrsi %masked_cumsum3A_493, %shift_right_arithmetic3A_503 : vector<16xi32>
        %sub3A_505 = arith.constant 1 : i32
        %sub3A_506 = vector.broadcast %sub3A_505 : i32 to vector<16xi32>
        %sub3A_507 = arith.subi %shift_right_arithmetic3A_504, %sub3A_506 : vector<16xi32>
        %add3A_508 = arith.addi %add3A_191, %add3A_469 : i32
        %broadcast_in_dim3A_509 = vector.broadcast %add3A_508 : i32 to vector<16xi32>
        %add3A_510 = arith.addi %sub3A_507, %broadcast_in_dim3A_509 : vector<16xi32>
        %select_n3A_511 = arith.select %gt3A_478, %add3A_501, %add3A_510 : vector<16xi1>, vector<16xi32>
        %lt3A_512 = arith.constant 500 : i32
        %lt3A_513 = vector.broadcast %lt3A_512 : i32 to vector<16xi32>
        %lt3A_514 = arith.cmpi slt, %select_n3A_511, %lt3A_513 : vector<16xi32>
        %and3A_515 = arith.andi %eq3A_479, %lt3A_514 : vector<16xi1>
        %or3A_516 = arith.ori %gt3A_478, %and3A_515 : vector<16xi1>
        %mul3A_517 = arith.constant 16 : i32
        %mul3A_518 = arith.muli %add3A_473, %mul3A_517 : i32
        %get3A_519 = arith.constant 0 : i32
        %get3A_520 = arith.index_cast %get3A_519 : i32 to index
        %get3A_521 = arith.index_cast %mul3A_518 : i32 to index
        %get3A_522 = tpu.vector_load %arg6[%get3A_520, %get3A_521] {strides = array<i32>} : memref<4x5120xf32, #tpu.memory_space<vmem>>, vector<16xf32>,
        %mul3A_523 = arith.constant 16 : i32
        %mul3A_524 = arith.muli %add3A_473, %mul3A_523 : i32
        %get3A_525 = arith.constant 1 : i32
        %get3A_526 = arith.index_cast %get3A_525 : i32 to index
        %get3A_527 = arith.index_cast %mul3A_524 : i32 to index
        %get3A_528 = tpu.vector_load %arg6[%get3A_526, %get3A_527] {strides = array<i32>} : memref<4x5120xf32, #tpu.memory_space<vmem>>, vector<16xf32>,
        %mul3A_529 = arith.constant 16 : i32
        %mul3A_530 = arith.muli %add3A_473, %mul3A_529 : i32
        %get3A_531 = arith.constant 2 : i32
        %get3A_532 = arith.index_cast %get3A_531 : i32 to index
        %get3A_533 = arith.index_cast %mul3A_530 : i32 to index
        %get3A_534 = tpu.vector_load %arg6[%get3A_532, %get3A_533] {strides = array<i32>} : memref<4x5120xf32, #tpu.memory_space<vmem>>, vector<16xf32>,
        %mul3A_535 = arith.constant 16 : i32
        %mul3A_536 = arith.muli %add3A_473, %mul3A_535 : i32
        %get3A_537 = arith.constant 3 : i32
        %get3A_538 = arith.index_cast %get3A_537 : i32 to index
        %get3A_539 = arith.index_cast %mul3A_536 : i32 to index
        %get3A_540 = tpu.vector_load %arg6[%get3A_538, %get3A_539] {strides = array<i32>} : memref<4x5120xf32, #tpu.memory_space<vmem>>, vector<16xf32>,
        %sub3A_541 = arith.subf %get3A_534, %get3A_522 : vector<16xf32>
        %max3A_542 = arith.constant 0.000000e+00 : f32
        %max3A_543 = vector.broadcast %max3A_542 : f32 to vector<16xf32>
        %max3A_544 = arith.maximumf %sub3A_541, %max3A_543 : vector<16xf32>
        %sub3A_545 = arith.subf %get3A_540, %get3A_528 : vector<16xf32>
        %max3A_546 = arith.constant 0.000000e+00 : f32
        %max3A_547 = vector.broadcast %max3A_546 : f32 to vector<16xf32>
        %max3A_548 = arith.maximumf %sub3A_545, %max3A_547 : vector<16xf32>
        %mul3A_549 = arith.mulf %max3A_544, %max3A_548 : vector<16xf32>
        %bitcast3A_550 = vector.bitcast %get3A_477 : vector<16xi32> to vector<16xf32>
        tpu.vector_store_idx %arg9[%select_n3A_511], %bitcast3A_550 masked %or3A_516 : memref<512xf32, #tpu.memory_space<vmem>>[vector<16xi32>], vector<16xf32>, vector<16xi1>
        tpu.vector_store_idx %arg10[%select_n3A_511], %get3A_522 masked %or3A_516 : memref<512xf32, #tpu.memory_space<vmem>>[vector<16xi32>], vector<16xf32>, vector<16xi1>
        tpu.vector_store_idx %arg11[%select_n3A_511], %get3A_528 masked %or3A_516 : memref<512xf32, #tpu.memory_space<vmem>>[vector<16xi32>], vector<16xf32>, vector<16xi1>
        tpu.vector_store_idx %arg12[%select_n3A_511], %get3A_534 masked %or3A_516 : memref<512xf32, #tpu.memory_space<vmem>>[vector<16xi32>], vector<16xf32>, vector<16xi1>
        tpu.vector_store_idx %arg13[%select_n3A_511], %get3A_540 masked %or3A_516 : memref<512xf32, #tpu.memory_space<vmem>>[vector<16xi32>], vector<16xf32>, vector<16xi1>
        tpu.vector_store_idx %arg14[%select_n3A_511], %mul3A_549 masked %or3A_516 : memref<512xf32, #tpu.memory_space<vmem>>[vector<16xi32>], vector<16xf32>, vector<16xi1>
        %slice3A_551 = vector.extract_strided_slice %masked_cumsum3A_493 {offsets = [15], sizes = [1], strides = [1]} : vector<16xi32> to vector<1xi32>
        %squeeze3A_552 = vector.extract %slice3A_551[0] : i32 from vector<1xi32>
        %and3A_553 = arith.constant 65535 : i32
        %and3A_554 = arith.andi %squeeze3A_552, %and3A_553 : i32
        %add3A_555 = arith.addi %add3A_466, %and3A_554 : i32
        %shift_right_arithmetic3A_556 = arith.constant 16 : i32
        %shift_right_arithmetic3A_557 = arith.shrsi %squeeze3A_552, %shift_right_arithmetic3A_556 : i32
        %add3A_558 = arith.addi %add3A_469, %shift_right_arithmetic3A_557 : i32
        scf.yield %add3A_555, %add3A_558 : i32, i32
      }
      %scan3A_199 = arith.constant 80 : i32
      %broadcast_in_dim3A_200 = arith.constant -2.000000e+00 : f32
      %broadcast_in_dim3A_201 = vector.broadcast %broadcast_in_dim3A_200 : f32 to vector<16xf32>
      %broadcast_in_dim3A_202 = arith.constant 0 : i32
      %broadcast_in_dim3A_203 = vector.broadcast %broadcast_in_dim3A_202 : i32 to vector<16xi32>
      %scan3A_204 = arith.constant 0 : i32
      %scan3A_205 = arith.constant 8 : i32
      %scan3A_206 = arith.addi %scan3A_204, %scan3A_205 : i32
      %scan3A_207 = arith.constant 1 : i32
      %scan3A_208:2 = scf.for %scan3A_212 = %scan3A_204 to %scan3A_206 step %scan3A_207 iter_args(%scan3A_213 = %broadcast_in_dim3A_201, %scan3A_214 = %broadcast_in_dim3A_203) -> (vector<16xf32>, vector<16xi32>)  : i32 {
        %mul3A_215 = arith.constant 4 : i32
        %mul3A_216 = arith.muli %scan3A_212, %mul3A_215 : i32
        %add3A_217 = arith.constant 0 : i32
        %add3A_218 = arith.addi %mul3A_216, %add3A_217 : i32
        %mul3A_219 = arith.constant 16 : i32
        %mul3A_220 = arith.muli %add3A_218, %mul3A_219 : i32
        %get3A = arith.index_cast %mul3A_220 : i32 to index
        %get3A_221 = tpu.vector_load %arg9[%get3A] {strides = array<i32>} : memref<512xf32, #tpu.memory_space<vmem>>, vector<16xf32>,
        %gt3A = arith.cmpf ogt, %get3A_221, %scan3A_213 : vector<16xf32>
        %select_n3A = arith.select %gt3A, %get3A_221, %scan3A_213 : vector<16xi1>, vector<16xf32>
        %broadcast_in_dim3A_222 = vector.broadcast %add3A_218 : i32 to vector<16xi32>
        %select_n3A_223 = arith.select %gt3A, %broadcast_in_dim3A_222, %scan3A_214 : vector<16xi1>, vector<16xi32>
        %mul3A_224 = arith.constant 4 : i32
        %mul3A_225 = arith.muli %scan3A_212, %mul3A_224 : i32
        %add3A_226 = arith.constant 1 : i32
        %add3A_227 = arith.addi %mul3A_225, %add3A_226 : i32
        %mul3A_228 = arith.constant 16 : i32
        %mul3A_229 = arith.muli %add3A_227, %mul3A_228 : i32
        %get3A_230 = arith.index_cast %mul3A_229 : i32 to index
        %get3A_231 = tpu.vector_load %arg9[%get3A_230] {strides = array<i32>} : memref<512xf32, #tpu.memory_space<vmem>>, vector<16xf32>,
        %gt3A_232 = arith.cmpf ogt, %get3A_231, %select_n3A : vector<16xf32>
        %select_n3A_233 = arith.select %gt3A_232, %get3A_231, %select_n3A : vector<16xi1>, vector<16xf32>
        %broadcast_in_dim3A_234 = vector.broadcast %add3A_227 : i32 to vector<16xi32>
        %select_n3A_235 = arith.select %gt3A_232, %broadcast_in_dim3A_234, %select_n3A_223 : vector<16xi1>, vector<16xi32>
        %mul3A_236 = arith.constant 4 : i32
        %mul3A_237 = arith.muli %scan3A_212, %mul3A_236 : i32
        %add3A_238 = arith.constant 2 : i32
        %add3A_239 = arith.addi %mul3A_237, %add3A_238 : i32
        %mul3A_240 = arith.constant 16 : i32
        %mul3A_241 = arith.muli %add3A_239, %mul3A_240 : i32
        %get3A_242 = arith.index_cast %mul3A_241 : i32 to index
        %get3A_243 = tpu.vector_load %arg9[%get3A_242] {strides = array<i32>} : memref<512xf32, #tpu.memory_space<vmem>>, vector<16xf32>,
        %gt3A_244 = arith.cmpf ogt, %get3A_243, %select_n3A_233 : vector<16xf32>
        %select_n3A_245 = arith.select %gt3A_244, %get3A_243, %select_n3A_233 : vector<16xi1>, vector<16xf32>
        %broadcast_in_dim3A_246 = vector.broadcast %add3A_239 : i32 to vector<16xi32>
        %select_n3A_247 = arith.select %gt3A_244, %broadcast_in_dim3A_246, %select_n3A_235 : vector<16xi1>, vector<16xi32>
        %mul3A_248 = arith.constant 4 : i32
        %mul3A_249 = arith.muli %scan3A_212, %mul3A_248 : i32
        %add3A_250 = arith.constant 3 : i32
        %add3A_251 = arith.addi %mul3A_249, %add3A_250 : i32
        %mul3A_252 = arith.constant 16 : i32
        %mul3A_253 = arith.muli %add3A_251, %mul3A_252 : i32
        %get3A_254 = arith.index_cast %mul3A_253 : i32 to index
        %get3A_255 = tpu.vector_load %arg9[%get3A_254] {strides = array<i32>} : memref<512xf32, #tpu.memory_space<vmem>>, vector<16xf32>,
        %gt3A_256 = arith.cmpf ogt, %get3A_255, %select_n3A_245 : vector<16xf32>
        %select_n3A_257 = arith.select %gt3A_256, %get3A_255, %select_n3A_245 : vector<16xi1>, vector<16xf32>
        %broadcast_in_dim3A_258 = vector.broadcast %add3A_251 : i32 to vector<16xi32>
        %select_n3A_259 = arith.select %gt3A_256, %broadcast_in_dim3A_258, %select_n3A_247 : vector<16xi1>, vector<16xi32>
        scf.yield %select_n3A_257, %select_n3A_259 : vector<16xf32>, vector<16xi32>
      }
      %scan3A_209 = arith.constant 8 : i32
      %while3A = arith.constant 0 : i32
      %while3A_210 = arith.constant true
      %while3A_211:4 = scf.while (%while3A_212 = %while3A, %while3A_213 = %while3A_210, %while3A_214 = %scan3A_208#0, %while3A_215 = %scan3A_208#1) : (i32, i1, vector<16xf32>, vector<16xi32>) -> (i32, i1, vector<16xf32>, vector<16xi32>) {
        %lt3A_216 = arith.constant 100 : i32
        %lt3A_217 = arith.cmpi slt, %while3A_212, %lt3A_216 : i32
        %and3A = arith.andi %while3A_213, %lt3A_217 : i1
        scf.condition(%and3A) %while3A_212, %while3A_213, %while3A_214, %while3A_215 : i32, i1, vector<16xf32>, vector<16xi32>
      } do {
      ^bb0(%while3A_212: i32, %while3A_213: i1, %while3A_214: vector<16xf32>, %while3A_215: vector<16xi32>):
        %reduce_max3A_216 = arith.constant true
        %reduce_max3A_217 = vector.broadcast %reduce_max3A_216 : i1 to vector<16xi1>
        %reduce_max3A_218 = tpu.scan <max>, %while3A_214 masked %reduce_max3A_217 : vector<16xf32>, vector<16xi1> -> vector<16xf32>
        %reduce_max3A_219 = vector.extract %reduce_max3A_218[15] : f32 from vector<16xf32>
        %gt3A = arith.constant 5.000000e-02 : f32
        %gt3A_220 = arith.cmpf ogt, %reduce_max3A_219, %gt3A : f32
        %jit3A = arith.constant 1 : i32
        %jit3A_221 = arith.constant 0 : i32
        %select_n3A = arith.select %gt3A_220, %jit3A, %jit3A_221 : i32
        %broadcast_in_dim3A_222 = vector.broadcast %select_n3A : i32 to vector<16xi32>
        %gt3A_223 = arith.constant 0 : i32
        %gt3A_224 = vector.broadcast %gt3A_223 : i32 to vector<16xi32>
        %gt3A_225 = arith.cmpi sgt, %broadcast_in_dim3A_222, %gt3A_224 : vector<16xi32>
        %broadcast_in_dim3A_226 = vector.broadcast %reduce_max3A_219 : f32 to vector<16xf32>
        %eq3A = arith.cmpf oeq, %while3A_214, %broadcast_in_dim3A_226 : vector<16xf32>
        %mul3A_227 = arith.constant 16 : i32
        %mul3A_228 = vector.broadcast %mul3A_227 : i32 to vector<16xi32>
        %mul3A_229 = arith.muli %while3A_215, %mul3A_228 : vector<16xi32>
        %add3A_230 = arith.addi %mul3A_229, %iota3A : vector<16xi32>
        %broadcast_in_dim3A_231 = arith.constant 1000000 : i32
        %broadcast_in_dim3A_232 = vector.broadcast %broadcast_in_dim3A_231 : i32 to vector<16xi32>
        %select_n3A_233 = arith.select %eq3A, %add3A_230, %broadcast_in_dim3A_232 : vector<16xi1>, vector<16xi32>
        %reduce_min3A = arith.constant true
        %reduce_min3A_234 = vector.broadcast %reduce_min3A : i1 to vector<16xi1>
        %reduce_min3A_235 = arith.constant -2147483648 : i32
        %reduce_min3A_236 = vector.broadcast %reduce_min3A_235 : i32 to vector<16xi32>
        %reduce_min3A_237 = arith.xori %select_n3A_233, %reduce_min3A_236 : vector<16xi32>
        %reduce_min3A_238 = tpu.scan <min>, %reduce_min3A_237 masked %reduce_min3A_234 : vector<16xi32>, vector<16xi1> -> vector<16xi32>
        %reduce_min3A_239 = arith.xori %reduce_min3A_238, %reduce_min3A_236 : vector<16xi32>
        %reduce_min3A_240 = vector.extract %reduce_min3A_239[15] : i32 from vector<16xi32>
        %broadcast_in_dim3A_241 = vector.broadcast %reduce_min3A_240 : i32 to vector<16xi32>
        %gather3A_242 = tpu.vector_load_idx %arg10[%broadcast_in_dim3A_241] : memref<512xf32, #tpu.memory_space<vmem>>[vector<16xi32>], vector<16xf32>,
        %gather3A_243 = tpu.vector_load_idx %arg11[%broadcast_in_dim3A_241] : memref<512xf32, #tpu.memory_space<vmem>>[vector<16xi32>], vector<16xf32>,
        %gather3A_244 = tpu.vector_load_idx %arg12[%broadcast_in_dim3A_241] : memref<512xf32, #tpu.memory_space<vmem>>[vector<16xi32>], vector<16xf32>,
        %gather3A_245 = tpu.vector_load_idx %arg13[%broadcast_in_dim3A_241] : memref<512xf32, #tpu.memory_space<vmem>>[vector<16xi32>], vector<16xf32>,
        %gather3A_246 = tpu.vector_load_idx %arg14[%broadcast_in_dim3A_241] : memref<512xf32, #tpu.memory_space<vmem>>[vector<16xi32>], vector<16xf32>,
        %broadcast_in_dim3A_247 = vector.broadcast %while3A_212 : i32 to vector<16xi32>
        %eq3A_248 = arith.constant 0 : i32
        %eq3A_249 = vector.broadcast %eq3A_248 : i32 to vector<16xi32>
        %eq3A_250 = arith.cmpi eq, %iota3A, %eq3A_249 : vector<16xi32>
        %and3A = arith.andi %eq3A_250, %gt3A_225 : vector<16xi1>
        tpu.vector_store_idx %arg15[%broadcast_in_dim3A_247], %broadcast_in_dim3A_226 masked %and3A : memref<128xf32, #tpu.memory_space<vmem>>[vector<16xi32>], vector<16xf32>, vector<16xi1>
        %broadcast_in_dim3A_251 = arith.constant -2.000000e+00 : f32
        %broadcast_in_dim3A_252 = vector.broadcast %broadcast_in_dim3A_251 : f32 to vector<16xf32>
        %broadcast_in_dim3A_253 = arith.constant 0 : i32
        %broadcast_in_dim3A_254 = vector.broadcast %broadcast_in_dim3A_253 : i32 to vector<16xi32>
        %scan3A_255 = arith.constant 0 : i32
        %scan3A_256 = arith.constant 8 : i32
        %scan3A_257 = arith.addi %scan3A_255, %scan3A_256 : i32
        %scan3A_258 = arith.constant 1 : i32
        %scan3A_259:2 = scf.for %scan3A_262 = %scan3A_255 to %scan3A_257 step %scan3A_258 iter_args(%scan3A_263 = %broadcast_in_dim3A_252, %scan3A_264 = %broadcast_in_dim3A_254) -> (vector<16xf32>, vector<16xi32>)  : i32 {
          %mul3A_265 = arith.constant 4 : i32
          %mul3A_266 = arith.muli %scan3A_262, %mul3A_265 : i32
          %add3A_267 = arith.constant 0 : i32
          %add3A_268 = arith.addi %mul3A_266, %add3A_267 : i32
          %mul3A_269 = arith.constant 16 : i32
          %mul3A_270 = arith.muli %add3A_268, %mul3A_269 : i32
          %get3A = arith.index_cast %mul3A_270 : i32 to index
          %get3A_271 = tpu.vector_load %arg10[%get3A] {strides = array<i32>} : memref<512xf32, #tpu.memory_space<vmem>>, vector<16xf32>,
          %get3A_272 = arith.index_cast %mul3A_270 : i32 to index
          %get3A_273 = tpu.vector_load %arg11[%get3A_272] {strides = array<i32>} : memref<512xf32, #tpu.memory_space<vmem>>, vector<16xf32>,
          %get3A_274 = arith.index_cast %mul3A_270 : i32 to index
          %get3A_275 = tpu.vector_load %arg12[%get3A_274] {strides = array<i32>} : memref<512xf32, #tpu.memory_space<vmem>>, vector<16xf32>,
          %get3A_276 = arith.index_cast %mul3A_270 : i32 to index
          %get3A_277 = tpu.vector_load %arg13[%get3A_276] {strides = array<i32>} : memref<512xf32, #tpu.memory_space<vmem>>, vector<16xf32>,
          %get3A_278 = arith.index_cast %mul3A_270 : i32 to index
          %get3A_279 = tpu.vector_load %arg14[%get3A_278] {strides = array<i32>} : memref<512xf32, #tpu.memory_space<vmem>>, vector<16xf32>,
          %min3A = arith.minimumf %get3A_275, %gather3A_244 : vector<16xf32>
          %max3A = arith.maximumf %get3A_271, %gather3A_242 : vector<16xf32>
          %sub3A_280 = arith.subf %min3A, %max3A : vector<16xf32>
          %max3A_281 = arith.constant 0.000000e+00 : f32
          %max3A_282 = vector.broadcast %max3A_281 : f32 to vector<16xf32>
          %max3A_283 = arith.maximumf %sub3A_280, %max3A_282 : vector<16xf32>
          %min3A_284 = arith.minimumf %get3A_277, %gather3A_245 : vector<16xf32>
          %max3A_285 = arith.maximumf %get3A_273, %gather3A_243 : vector<16xf32>
          %sub3A_286 = arith.subf %min3A_284, %max3A_285 : vector<16xf32>
          %max3A_287 = arith.constant 0.000000e+00 : f32
          %max3A_288 = vector.broadcast %max3A_287 : f32 to vector<16xf32>
          %max3A_289 = arith.maximumf %sub3A_286, %max3A_288 : vector<16xf32>
          %mul3A_290 = arith.mulf %max3A_283, %max3A_289 : vector<16xf32>
          %add3A_291 = arith.addf %gather3A_246, %get3A_279 : vector<16xf32>
          %sub3A_292 = arith.subf %add3A_291, %mul3A_290 : vector<16xf32>
          %max3A_293 = arith.constant 9.99999971E-10 : f32
          %max3A_294 = vector.broadcast %max3A_293 : f32 to vector<16xf32>
          %max3A_295 = arith.maximumf %sub3A_292, %max3A_294 : vector<16xf32>
          %mul3A_296 = arith.constant 5.000000e-01 : f32
          %mul3A_297 = vector.broadcast %mul3A_296 : f32 to vector<16xf32>
          %mul3A_298 = arith.mulf %mul3A_297, %max3A_295 : vector<16xf32>
          %gt3A_299 = arith.cmpf ogt, %mul3A_290, %mul3A_298 : vector<16xf32>
          %mul3A_300 = arith.constant 16 : i32
          %mul3A_301 = arith.muli %add3A_268, %mul3A_300 : i32
          %broadcast_in_dim3A_302 = vector.broadcast %mul3A_301 : i32 to vector<16xi32>
          %add3A_303 = arith.addi %broadcast_in_dim3A_302, %iota3A : vector<16xi32>
          %eq3A_304 = arith.cmpi eq, %broadcast_in_dim3A_241, %add3A_303 : vector<16xi32>
          %get3A_305 = arith.index_cast %mul3A_270 : i32 to index
          %get3A_306 = tpu.vector_load %arg9[%get3A_305] {strides = array<i32>} : memref<512xf32, #tpu.memory_space<vmem>>, vector<16xf32>,
          %or3A_307 = arith.ori %gt3A_299, %eq3A_304 : vector<16xi1>
          %and3A_308 = arith.andi %or3A_307, %gt3A_225 : vector<16xi1>
          %jit3A_309 = arith.constant -1.000000e+00 : f32
          %broadcast_in_dim3A_310 = vector.broadcast %jit3A_309 : f32 to vector<16xf32>
          %select_n3A_311 = arith.select %and3A_308, %broadcast_in_dim3A_310, %get3A_306 : vector<16xi1>, vector<16xf32>
          %swap3A = arith.index_cast %mul3A_270 : i32 to index
          %swap3A_312 = tpu.vector_load %arg9[%swap3A] {strides = array<i32>} : memref<512xf32, #tpu.memory_space<vmem>>, vector<16xf32>,
          tpu.vector_store %arg9[%swap3A], %select_n3A_311 {strides = array<i32>} : memref<512xf32, #tpu.memory_space<vmem>>, vector<16xf32>,
          %gt3A_313 = arith.cmpf ogt, %select_n3A_311, %scan3A_263 : vector<16xf32>
          %select_n3A_314 = arith.select %gt3A_313, %select_n3A_311, %scan3A_263 : vector<16xi1>, vector<16xf32>
          %broadcast_in_dim3A_315 = vector.broadcast %add3A_268 : i32 to vector<16xi32>
          %select_n3A_316 = arith.select %gt3A_313, %broadcast_in_dim3A_315, %scan3A_264 : vector<16xi1>, vector<16xi32>
          %mul3A_317 = arith.constant 4 : i32
          %mul3A_318 = arith.muli %scan3A_262, %mul3A_317 : i32
          %add3A_319 = arith.constant 1 : i32
          %add3A_320 = arith.addi %mul3A_318, %add3A_319 : i32
          %mul3A_321 = arith.constant 16 : i32
          %mul3A_322 = arith.muli %add3A_320, %mul3A_321 : i32
          %get3A_323 = arith.index_cast %mul3A_322 : i32 to index
          %get3A_324 = tpu.vector_load %arg10[%get3A_323] {strides = array<i32>} : memref<512xf32, #tpu.memory_space<vmem>>, vector<16xf32>,
          %get3A_325 = arith.index_cast %mul3A_322 : i32 to index
          %get3A_326 = tpu.vector_load %arg11[%get3A_325] {strides = array<i32>} : memref<512xf32, #tpu.memory_space<vmem>>, vector<16xf32>,
          %get3A_327 = arith.index_cast %mul3A_322 : i32 to index
          %get3A_328 = tpu.vector_load %arg12[%get3A_327] {strides = array<i32>} : memref<512xf32, #tpu.memory_space<vmem>>, vector<16xf32>,
          %get3A_329 = arith.index_cast %mul3A_322 : i32 to index
          %get3A_330 = tpu.vector_load %arg13[%get3A_329] {strides = array<i32>} : memref<512xf32, #tpu.memory_space<vmem>>, vector<16xf32>,
          %get3A_331 = arith.index_cast %mul3A_322 : i32 to index
          %get3A_332 = tpu.vector_load %arg14[%get3A_331] {strides = array<i32>} : memref<512xf32, #tpu.memory_space<vmem>>, vector<16xf32>,
          %min3A_333 = arith.minimumf %get3A_328, %gather3A_244 : vector<16xf32>
          %max3A_334 = arith.maximumf %get3A_324, %gather3A_242 : vector<16xf32>
          %sub3A_335 = arith.subf %min3A_333, %max3A_334 : vector<16xf32>
          %max3A_336 = arith.constant 0.000000e+00 : f32
          %max3A_337 = vector.broadcast %max3A_336 : f32 to vector<16xf32>
          %max3A_338 = arith.maximumf %sub3A_335, %max3A_337 : vector<16xf32>
          %min3A_339 = arith.minimumf %get3A_330, %gather3A_245 : vector<16xf32>
          %max3A_340 = arith.maximumf %get3A_326, %gather3A_243 : vector<16xf32>
          %sub3A_341 = arith.subf %min3A_339, %max3A_340 : vector<16xf32>
          %max3A_342 = arith.constant 0.000000e+00 : f32
          %max3A_343 = vector.broadcast %max3A_342 : f32 to vector<16xf32>
          %max3A_344 = arith.maximumf %sub3A_341, %max3A_343 : vector<16xf32>
          %mul3A_345 = arith.mulf %max3A_338, %max3A_344 : vector<16xf32>
          %add3A_346 = arith.addf %gather3A_246, %get3A_332 : vector<16xf32>
          %sub3A_347 = arith.subf %add3A_346, %mul3A_345 : vector<16xf32>
          %max3A_348 = arith.constant 9.99999971E-10 : f32
          %max3A_349 = vector.broadcast %max3A_348 : f32 to vector<16xf32>
          %max3A_350 = arith.maximumf %sub3A_347, %max3A_349 : vector<16xf32>
          %mul3A_351 = arith.constant 5.000000e-01 : f32
          %mul3A_352 = vector.broadcast %mul3A_351 : f32 to vector<16xf32>
          %mul3A_353 = arith.mulf %mul3A_352, %max3A_350 : vector<16xf32>
          %gt3A_354 = arith.cmpf ogt, %mul3A_345, %mul3A_353 : vector<16xf32>
          %mul3A_355 = arith.constant 16 : i32
          %mul3A_356 = arith.muli %add3A_320, %mul3A_355 : i32
          %broadcast_in_dim3A_357 = vector.broadcast %mul3A_356 : i32 to vector<16xi32>
          %add3A_358 = arith.addi %broadcast_in_dim3A_357, %iota3A : vector<16xi32>
          %eq3A_359 = arith.cmpi eq, %broadcast_in_dim3A_241, %add3A_358 : vector<16xi32>
          %get3A_360 = arith.index_cast %mul3A_322 : i32 to index
          %get3A_361 = tpu.vector_load %arg9[%get3A_360] {strides = array<i32>} : memref<512xf32, #tpu.memory_space<vmem>>, vector<16xf32>,
          %or3A_362 = arith.ori %gt3A_354, %eq3A_359 : vector<16xi1>
          %and3A_363 = arith.andi %or3A_362, %gt3A_225 : vector<16xi1>
          %jit3A_364 = arith.constant -1.000000e+00 : f32
          %broadcast_in_dim3A_365 = vector.broadcast %jit3A_364 : f32 to vector<16xf32>
          %select_n3A_366 = arith.select %and3A_363, %broadcast_in_dim3A_365, %get3A_361 : vector<16xi1>, vector<16xf32>
          %swap3A_367 = arith.index_cast %mul3A_322 : i32 to index
          %swap3A_368 = tpu.vector_load %arg9[%swap3A_367] {strides = array<i32>} : memref<512xf32, #tpu.memory_space<vmem>>, vector<16xf32>,
          tpu.vector_store %arg9[%swap3A_367], %select_n3A_366 {strides = array<i32>} : memref<512xf32, #tpu.memory_space<vmem>>, vector<16xf32>,
          %gt3A_369 = arith.cmpf ogt, %select_n3A_366, %select_n3A_314 : vector<16xf32>
          %select_n3A_370 = arith.select %gt3A_369, %select_n3A_366, %select_n3A_314 : vector<16xi1>, vector<16xf32>
          %broadcast_in_dim3A_371 = vector.broadcast %add3A_320 : i32 to vector<16xi32>
          %select_n3A_372 = arith.select %gt3A_369, %broadcast_in_dim3A_371, %select_n3A_316 : vector<16xi1>, vector<16xi32>
          %mul3A_373 = arith.constant 4 : i32
          %mul3A_374 = arith.muli %scan3A_262, %mul3A_373 : i32
          %add3A_375 = arith.constant 2 : i32
          %add3A_376 = arith.addi %mul3A_374, %add3A_375 : i32
          %mul3A_377 = arith.constant 16 : i32
          %mul3A_378 = arith.muli %add3A_376, %mul3A_377 : i32
          %get3A_379 = arith.index_cast %mul3A_378 : i32 to index
          %get3A_380 = tpu.vector_load %arg10[%get3A_379] {strides = array<i32>} : memref<512xf32, #tpu.memory_space<vmem>>, vector<16xf32>,
          %get3A_381 = arith.index_cast %mul3A_378 : i32 to index
          %get3A_382 = tpu.vector_load %arg11[%get3A_381] {strides = array<i32>} : memref<512xf32, #tpu.memory_space<vmem>>, vector<16xf32>,
          %get3A_383 = arith.index_cast %mul3A_378 : i32 to index
          %get3A_384 = tpu.vector_load %arg12[%get3A_383] {strides = array<i32>} : memref<512xf32, #tpu.memory_space<vmem>>, vector<16xf32>,
          %get3A_385 = arith.index_cast %mul3A_378 : i32 to index
          %get3A_386 = tpu.vector_load %arg13[%get3A_385] {strides = array<i32>} : memref<512xf32, #tpu.memory_space<vmem>>, vector<16xf32>,
          %get3A_387 = arith.index_cast %mul3A_378 : i32 to index
          %get3A_388 = tpu.vector_load %arg14[%get3A_387] {strides = array<i32>} : memref<512xf32, #tpu.memory_space<vmem>>, vector<16xf32>,
          %min3A_389 = arith.minimumf %get3A_384, %gather3A_244 : vector<16xf32>
          %max3A_390 = arith.maximumf %get3A_380, %gather3A_242 : vector<16xf32>
          %sub3A_391 = arith.subf %min3A_389, %max3A_390 : vector<16xf32>
          %max3A_392 = arith.constant 0.000000e+00 : f32
          %max3A_393 = vector.broadcast %max3A_392 : f32 to vector<16xf32>
          %max3A_394 = arith.maximumf %sub3A_391, %max3A_393 : vector<16xf32>
          %min3A_395 = arith.minimumf %get3A_386, %gather3A_245 : vector<16xf32>
          %max3A_396 = arith.maximumf %get3A_382, %gather3A_243 : vector<16xf32>
          %sub3A_397 = arith.subf %min3A_395, %max3A_396 : vector<16xf32>
          %max3A_398 = arith.constant 0.000000e+00 : f32
          %max3A_399 = vector.broadcast %max3A_398 : f32 to vector<16xf32>
          %max3A_400 = arith.maximumf %sub3A_397, %max3A_399 : vector<16xf32>
          %mul3A_401 = arith.mulf %max3A_394, %max3A_400 : vector<16xf32>
          %add3A_402 = arith.addf %gather3A_246, %get3A_388 : vector<16xf32>
          %sub3A_403 = arith.subf %add3A_402, %mul3A_401 : vector<16xf32>
          %max3A_404 = arith.constant 9.99999971E-10 : f32
          %max3A_405 = vector.broadcast %max3A_404 : f32 to vector<16xf32>
          %max3A_406 = arith.maximumf %sub3A_403, %max3A_405 : vector<16xf32>
          %mul3A_407 = arith.constant 5.000000e-01 : f32
          %mul3A_408 = vector.broadcast %mul3A_407 : f32 to vector<16xf32>
          %mul3A_409 = arith.mulf %mul3A_408, %max3A_406 : vector<16xf32>
          %gt3A_410 = arith.cmpf ogt, %mul3A_401, %mul3A_409 : vector<16xf32>
          %mul3A_411 = arith.constant 16 : i32
          %mul3A_412 = arith.muli %add3A_376, %mul3A_411 : i32
          %broadcast_in_dim3A_413 = vector.broadcast %mul3A_412 : i32 to vector<16xi32>
          %add3A_414 = arith.addi %broadcast_in_dim3A_413, %iota3A : vector<16xi32>
          %eq3A_415 = arith.cmpi eq, %broadcast_in_dim3A_241, %add3A_414 : vector<16xi32>
          %get3A_416 = arith.index_cast %mul3A_378 : i32 to index
          %get3A_417 = tpu.vector_load %arg9[%get3A_416] {strides = array<i32>} : memref<512xf32, #tpu.memory_space<vmem>>, vector<16xf32>,
          %or3A_418 = arith.ori %gt3A_410, %eq3A_415 : vector<16xi1>
          %and3A_419 = arith.andi %or3A_418, %gt3A_225 : vector<16xi1>
          %jit3A_420 = arith.constant -1.000000e+00 : f32
          %broadcast_in_dim3A_421 = vector.broadcast %jit3A_420 : f32 to vector<16xf32>
          %select_n3A_422 = arith.select %and3A_419, %broadcast_in_dim3A_421, %get3A_417 : vector<16xi1>, vector<16xf32>
          %swap3A_423 = arith.index_cast %mul3A_378 : i32 to index
          %swap3A_424 = tpu.vector_load %arg9[%swap3A_423] {strides = array<i32>} : memref<512xf32, #tpu.memory_space<vmem>>, vector<16xf32>,
          tpu.vector_store %arg9[%swap3A_423], %select_n3A_422 {strides = array<i32>} : memref<512xf32, #tpu.memory_space<vmem>>, vector<16xf32>,
          %gt3A_425 = arith.cmpf ogt, %select_n3A_422, %select_n3A_370 : vector<16xf32>
          %select_n3A_426 = arith.select %gt3A_425, %select_n3A_422, %select_n3A_370 : vector<16xi1>, vector<16xf32>
          %broadcast_in_dim3A_427 = vector.broadcast %add3A_376 : i32 to vector<16xi32>
          %select_n3A_428 = arith.select %gt3A_425, %broadcast_in_dim3A_427, %select_n3A_372 : vector<16xi1>, vector<16xi32>
          %mul3A_429 = arith.constant 4 : i32
          %mul3A_430 = arith.muli %scan3A_262, %mul3A_429 : i32
          %add3A_431 = arith.constant 3 : i32
          %add3A_432 = arith.addi %mul3A_430, %add3A_431 : i32
          %mul3A_433 = arith.constant 16 : i32
          %mul3A_434 = arith.muli %add3A_432, %mul3A_433 : i32
          %get3A_435 = arith.index_cast %mul3A_434 : i32 to index
          %get3A_436 = tpu.vector_load %arg10[%get3A_435] {strides = array<i32>} : memref<512xf32, #tpu.memory_space<vmem>>, vector<16xf32>,
          %get3A_437 = arith.index_cast %mul3A_434 : i32 to index
          %get3A_438 = tpu.vector_load %arg11[%get3A_437] {strides = array<i32>} : memref<512xf32, #tpu.memory_space<vmem>>, vector<16xf32>,
          %get3A_439 = arith.index_cast %mul3A_434 : i32 to index
          %get3A_440 = tpu.vector_load %arg12[%get3A_439] {strides = array<i32>} : memref<512xf32, #tpu.memory_space<vmem>>, vector<16xf32>,
          %get3A_441 = arith.index_cast %mul3A_434 : i32 to index
          %get3A_442 = tpu.vector_load %arg13[%get3A_441] {strides = array<i32>} : memref<512xf32, #tpu.memory_space<vmem>>, vector<16xf32>,
          %get3A_443 = arith.index_cast %mul3A_434 : i32 to index
          %get3A_444 = tpu.vector_load %arg14[%get3A_443] {strides = array<i32>} : memref<512xf32, #tpu.memory_space<vmem>>, vector<16xf32>,
          %min3A_445 = arith.minimumf %get3A_440, %gather3A_244 : vector<16xf32>
          %max3A_446 = arith.maximumf %get3A_436, %gather3A_242 : vector<16xf32>
          %sub3A_447 = arith.subf %min3A_445, %max3A_446 : vector<16xf32>
          %max3A_448 = arith.constant 0.000000e+00 : f32
          %max3A_449 = vector.broadcast %max3A_448 : f32 to vector<16xf32>
          %max3A_450 = arith.maximumf %sub3A_447, %max3A_449 : vector<16xf32>
          %min3A_451 = arith.minimumf %get3A_442, %gather3A_245 : vector<16xf32>
          %max3A_452 = arith.maximumf %get3A_438, %gather3A_243 : vector<16xf32>
          %sub3A_453 = arith.subf %min3A_451, %max3A_452 : vector<16xf32>
          %max3A_454 = arith.constant 0.000000e+00 : f32
          %max3A_455 = vector.broadcast %max3A_454 : f32 to vector<16xf32>
          %max3A_456 = arith.maximumf %sub3A_453, %max3A_455 : vector<16xf32>
          %mul3A_457 = arith.mulf %max3A_450, %max3A_456 : vector<16xf32>
          %add3A_458 = arith.addf %gather3A_246, %get3A_444 : vector<16xf32>
          %sub3A_459 = arith.subf %add3A_458, %mul3A_457 : vector<16xf32>
          %max3A_460 = arith.constant 9.99999971E-10 : f32
          %max3A_461 = vector.broadcast %max3A_460 : f32 to vector<16xf32>
          %max3A_462 = arith.maximumf %sub3A_459, %max3A_461 : vector<16xf32>
          %mul3A_463 = arith.constant 5.000000e-01 : f32
          %mul3A_464 = vector.broadcast %mul3A_463 : f32 to vector<16xf32>
          %mul3A_465 = arith.mulf %mul3A_464, %max3A_462 : vector<16xf32>
          %gt3A_466 = arith.cmpf ogt, %mul3A_457, %mul3A_465 : vector<16xf32>
          %mul3A_467 = arith.constant 16 : i32
          %mul3A_468 = arith.muli %add3A_432, %mul3A_467 : i32
          %broadcast_in_dim3A_469 = vector.broadcast %mul3A_468 : i32 to vector<16xi32>
          %add3A_470 = arith.addi %broadcast_in_dim3A_469, %iota3A : vector<16xi32>
          %eq3A_471 = arith.cmpi eq, %broadcast_in_dim3A_241, %add3A_470 : vector<16xi32>
          %get3A_472 = arith.index_cast %mul3A_434 : i32 to index
          %get3A_473 = tpu.vector_load %arg9[%get3A_472] {strides = array<i32>} : memref<512xf32, #tpu.memory_space<vmem>>, vector<16xf32>,
          %or3A_474 = arith.ori %gt3A_466, %eq3A_471 : vector<16xi1>
          %and3A_475 = arith.andi %or3A_474, %gt3A_225 : vector<16xi1>
          %jit3A_476 = arith.constant -1.000000e+00 : f32
          %broadcast_in_dim3A_477 = vector.broadcast %jit3A_476 : f32 to vector<16xf32>
          %select_n3A_478 = arith.select %and3A_475, %broadcast_in_dim3A_477, %get3A_473 : vector<16xi1>, vector<16xf32>
          %swap3A_479 = arith.index_cast %mul3A_434 : i32 to index
          %swap3A_480 = tpu.vector_load %arg9[%swap3A_479] {strides = array<i32>} : memref<512xf32, #tpu.memory_space<vmem>>, vector<16xf32>,
          tpu.vector_store %arg9[%swap3A_479], %select_n3A_478 {strides = array<i32>} : memref<512xf32, #tpu.memory_space<vmem>>, vector<16xf32>,
          %gt3A_481 = arith.cmpf ogt, %select_n3A_478, %select_n3A_426 : vector<16xf32>
          %select_n3A_482 = arith.select %gt3A_481, %select_n3A_478, %select_n3A_426 : vector<16xi1>, vector<16xf32>
          %broadcast_in_dim3A_483 = vector.broadcast %add3A_432 : i32 to vector<16xi32>
          %select_n3A_484 = arith.select %gt3A_481, %broadcast_in_dim3A_483, %select_n3A_428 : vector<16xi1>, vector<16xi32>
          scf.yield %select_n3A_482, %select_n3A_484 : vector<16xf32>, vector<16xi32>
        }
        %scan3A_260 = arith.constant 8 : i32
        %add3A_261 = arith.addi %while3A_212, %select_n3A : i32
        scf.yield %add3A_261, %gt3A_220, %scan3A_259#0, %scan3A_259#1 : i32, i1, vector<16xf32>, vector<16xi32>
      }
      "tpu.region"() ({
        %run_scoped3A = tpu.sem_alloc : memref<!tpu.dma_semaphore, #tpu.memory_space<semaphore_mem>>
        %dma_start3A = arith.constant 0 : i32
        %dma_start3A_212 = tpu.memref_slice %arg4[%add3A_13, %dma_start3A] : memref<80x128xf32, #tpu.memory_space<hbm>> -> memref<1x128xf32, #tpu.memory_space<hbm>>
        %dma_start3A_213 = tpu.memref_squeeze %dma_start3A_212 : memref<1x128xf32, #tpu.memory_space<hbm>> -> memref<128xf32, #tpu.memory_space<hbm>>
        %dma_start3A_214 = arith.constant 0 : i32
        %dma_start3A_215 = tpu.memref_slice %arg4[%add3A_13, %dma_start3A_214] : memref<80x128xf32, #tpu.memory_space<hbm>> -> memref<1x128xf32, #tpu.memory_space<hbm>>
        %dma_start3A_216 = tpu.memref_squeeze %dma_start3A_215 : memref<1x128xf32, #tpu.memory_space<hbm>> -> memref<128xf32, #tpu.memory_space<hbm>>
        tpu.enqueue_dma source(%arg15 : memref<128xf32, #tpu.memory_space<vmem>>) target(%dma_start3A_216 : memref<128xf32, #tpu.memory_space<hbm>>) target_semaphore(%run_scoped3A : memref<!tpu.dma_semaphore, #tpu.memory_space<semaphore_mem>>)
        %dma_wait3A = arith.constant 0 : i32
        %dma_wait3A_217 = tpu.memref_slice %arg4[%add3A_13, %dma_wait3A] : memref<80x128xf32, #tpu.memory_space<hbm>> -> memref<1x128xf32, #tpu.memory_space<hbm>>
        %dma_wait3A_218 = tpu.memref_squeeze %dma_wait3A_217 : memref<1x128xf32, #tpu.memory_space<hbm>> -> memref<128xf32, #tpu.memory_space<hbm>>
        %dma_wait3A_219 = arith.constant 0 : i32
        %dma_wait3A_220 = tpu.memref_slice %arg4[%add3A_13, %dma_wait3A_219] : memref<80x128xf32, #tpu.memory_space<hbm>> -> memref<1x128xf32, #tpu.memory_space<hbm>>
        %dma_wait3A_221 = tpu.memref_squeeze %dma_wait3A_220 : memref<1x128xf32, #tpu.memory_space<hbm>> -> memref<128xf32, #tpu.memory_space<hbm>>
        tpu.wait_dma2 semaphore(%run_scoped3A : memref<!tpu.dma_semaphore, #tpu.memory_space<semaphore_mem>>) src(%arg15 : memref<128xf32, #tpu.memory_space<vmem>>) dst(%dma_wait3A_221 : memref<128xf32, #tpu.memory_space<hbm>>)
        tpu.yield
      }) : () -> ()
    } else {
    }
    return
  }
}

module attributes {stable_mosaic.version = 14 : i64} {
  func.func @_finalize_kernel(%arg0: memref<4x128xf32, #tpu.memory_space<vmem>>, %arg1: memref<4x128xf32, #tpu.memory_space<vmem>>) attributes {dimension_semantics = [], scalar_prefetch = 0 : i64, scratch_operands = 0 : i64, tpu.core_type = #tpu.core_type<tc>} {
    %get3A = arith.constant 0 : index
    %get3A_0 = arith.constant 0 : index
    %get3A_1 = vector.load %arg0[%get3A, %get3A_0] : memref<4x128xf32, #tpu.memory_space<vmem>>, vector<4x128xf32>
    %is_finite3A = tpu.weird %get3A_1 : vector<4x128xf32> -> vector<4x128xi1>
    %is_finite3A_2 = arith.constant dense<true> : vector<4x128xi1>
    %is_finite3A_3 = arith.xori %is_finite3A, %is_finite3A_2 : vector<4x128xi1>
    %jit3A = arith.constant 0.000000e+00 : f32
    %broadcast_in_dim3A = vector.broadcast %jit3A : f32 to vector<4x128xf32>
    %select_n3A = arith.select %is_finite3A_3, %get3A_1, %broadcast_in_dim3A : vector<4x128xi1>, vector<4x128xf32>
    %swap3A = arith.constant 0 : index
    %swap3A_4 = arith.constant 0 : index
    %swap3A_5 = vector.load %arg1[%swap3A, %swap3A_4] : memref<4x128xf32, #tpu.memory_space<vmem>>, vector<4x128xf32>
    tpu.vector_store %arg1[%swap3A, %swap3A_4], %select_n3A {strides = array<i32>} : memref<4x128xf32, #tpu.memory_space<vmem>>, vector<4x128xf32>,
    return
  }
}

</mosaic_0001>

<sc_bundles>
// kernel: kernel.5.cloned.1.call-start
scs
__scs_entry_jumppad:
0x0: {  	(pc) =	sbr.rel $0x88, $3  }
0x1: {  	(tag) =	ssettag $0x0;
	lr =	simm.s32 $0x1  }
0x2: {  	[smem:$0x3F9F] =	sst lr;
	_ =	strace $0xD0000000  }
0x3: {  	_ = 	snop  }
0x4: {  	_ = 	snop  }
0x5: {  	_ = 	snop  }
0x6: {  	_ = 	snop  }
0x7: {  	_ = 	snop  }
__scs_overlays_trampoline_lowered:
0x8: {  	[smem:$0x3FAE] =	sst s0  }
0x9: {  	[smem:$0x3FAF] =	sst s1  }
0xa: {  	[smem:$0x3FB0] =	sst s2  }
0xb: {  	[smem:$0x3FB1] =	sst s3  }
0xc: {  	[smem:$0x3FB2] =	sst s4  }
0xd: {  	[smem:$0x3FB3] =	sst s5  }
0xe: {  	[smem:$0x3FB4] =	sst s6  }
0xf: {  	[smem:$0x3FB5] =	sst s7  }
0x10: {  	[smem:$0x3FB6] =	sst s8  }
0x11: {  	[smem:$0x3FB7] =	sst s9;
	s0 =	simm.s32 @!p0 $0x0  }
0x12: {  	s1 =	sld [smem:$0x3F9D];
	s0 =	simm.s32 @p0 $0x1  }
0x13: {  	[smem:$0x3FB8] =	sst s0;
	s0 =	simm.s32 @!p1 $0x0  }
0x14: {  	s2 =	sld [smem:$0x3F9C];
	s0 =	simm.s32 @p1 $0x1  }
0x15: {  	[smem:$0x3FB9] =	sst s0;
	s0 =	simm.s32 @!p2 $0x0  }
0x16: {  	s3 =	sld [smem:$0x3FDB];
	s0 =	simm.s32 @p2 $0x1  }
0x17: {  	s4 =	simm.s32 $0x1BF5;
	[smem:$0x3FBB] =	sst s0  }
0x18: {  	s0 =	sld [smem:$0x3F9E];
	_ =	swait.ge [sflag:s4], $0x0  }
0x19: {  	s7 =	sld [smem:$0x3F9F]  }
0x1a: {  	s8 =	sadd.s32 $0xFFFFE003, lr  }
0x1b: {  	s9 =	sadd.s32 $0xFFFFFEF7, lr;
	s5 =	simm.s32 $0xFFFFFFFF;
	p2 =	slt.u32 s8, $0xFFFFF086  }
0x1c: {  	p1 =	slt.u32 s9, $0xF7A;
	s5 =	simm.s32 @!p2 $0x0  }
0x1d: {  	s5 =	simm.s32 @p1 $0x1;
	p0 =	seq.s32 s7, s2  }
0x1e: {  	s7 =	smul.u32 @!p0 $0xF7A, s2;
	p2 =	seq.s32 @!p0 s5, $0x0  }
0x1f: {  	s9 =	smul.u32 $0xF7A, s1;
	s8 =	simm.s32 @!p0 $0x1BF5;
	p2 =	por !p2, p0  }
0x20: {  	[sflag:s8] =	ssyncset.s32 @!p0 $0xFFFFF086;
	s6 =	sadd.s32 @!p0 s3, s7;
	s7 =	simm.s32 @!p0 $0x108  }
0x21: {  	s3 =	sadd.s32 s3, s9;
	s6 =	sadd.s32 @!p0 $0x88, s6;
	s7 =	simm.s32 @p2 $0x1082  }
0x22: {  	[simem:s7], [sflag:s8] =	dma.local @!p0 [hbm:s6], $0xF7A  }
0x23: {  	s9 =	sor.u32 $0xD0000000, s2;
	s6 =	simm.s32 $0x108;
	_ =	swait.ge @!p0 [sflag:s8], $0x0  }
0x24: {  	s3 =	sadd.s32 $0x88, s3;
	s6 =	simm.s32 @!p1 $0x1082;
	[sflag:s4] =	ssyncset.s32 $0xFFFFF086  }
0x25: {  	[simem:s6], [sflag:s4] =	dma.local [hbm:s3], $0xF7A  }
0x26: {  	[smem:$0x3F9F] =	sst s1;
	(tag) =	ssettag s2;
	_ =	strace s9  }
0x27: {  	s1 =	sld [smem:$0x3FAF]  }
0x28: {  	s2 =	sld [smem:$0x3FB0]  }
0x29: {  	s4 =	sld [smem:$0x3FB2]  }
0x2a: {  	p0 =	seq.s32 s5, $0x0;
	s5 =	sld [smem:$0x3FB3]  }
0x2b: {  	s6 =	sld [smem:$0x3FB4]  }
0x2c: {  	s7 =	sld [smem:$0x3FB5]  }
0x2d: {  	s3 =	simm.s32 $0x108;
	s8 =	sld [smem:$0x3FB6]  }
0x2e: {  	s3 =	simm.s32 @!p0 $0x1082;
	s9 =	sld [smem:$0x3FB7]  }
0x2f: {  	lr =	sadd.s32 s0, s3;
	s0 =	sld [smem:$0x3FAE]  }
0x30: {  	s3 =	sld [smem:$0x3FB1]  }
0x31: {  	[smem:$0x3FBA] =	sst s10  }
0x32: {  	s10 =	sld [smem:$0x3FB8];
	_ =	sdelay $0x3  }
0x33: {  	p0 =	seq.s32 s10, $0x1;
	s10 =	sld [smem:$0x3FBA];
	_ =	sdelay $0x3  }
0x34: {  	[smem:$0x3FBA] =	sst s10  }
0x35: {  	s10 =	sld [smem:$0x3FB9];
	_ =	sdelay $0x3  }
0x36: {  	p1 =	seq.s32 s10, $0x1;
	s10 =	sld [smem:$0x3FBA];
	_ =	sdelay $0x3  }
0x37: {  	[smem:$0x3FBA] =	sst s10  }
0x38: {  	s10 =	sld [smem:$0x3FBB]  }
0x39: {  	_ = 	snop;
	(pc) =	sbr.ind lr, $3  }
0x3a: {  	_ = 	snop  }
0x3b: {  	_ = 	snop  }
0x3c: {  	p2 =	seq.s32 s10, $0x1;
	s10 =	sld [smem:$0x3FBA]  }
0x3d: {  	_ =	shalt  }
0x3e: {  	_ =	shalt  }
0x3f: {  	_ =	shalt  }
0x40: {  	_ =	shalt  }
0x41: {  	_ =	shalt  }
0x42: {  	_ =	shalt  }
0x43: {  	_ =	shalt  }
0x44: {  	_ =	shalt  }
0x45: {  	_ =	shalt  }
0x46: {  	_ =	shalt  }
0x47: {  	_ =	shalt  }
0x48: {  	_ =	shalt  }
0x49: {  	_ =	shalt  }
0x4a: {  	_ =	shalt  }
0x4b: {  	_ =	shalt  }
0x4c: {  	_ =	shalt  }
0x4d: {  	_ =	shalt  }
0x4e: {  	_ =	shalt  }
0x4f: {  	_ =	shalt  }
0x50: {  	_ =	shalt  }
0x51: {  	_ =	shalt  }
0x52: {  	_ =	shalt  }
0x53: {  	_ =	shalt  }
0x54: {  	_ =	shalt  }
0x55: {  	_ =	shalt  }
0x56: {  	_ =	shalt  }
0x57: {  	_ =	shalt  }
0x58: {  	_ =	shalt  }
0x59: {  	_ =	shalt  }
0x5a: {  	_ =	shalt  }
0x5b: {  	_ =	shalt  }
0x5c: {  	_ =	shalt  }
0x5d: {  	_ =	shalt  }
0x5e: {  	_ =	shalt  }
0x5f: {  	_ =	shalt  }
0x60: {  	_ =	shalt  }
0x61: {  	_ =	shalt  }
0x62: {  	_ =	shalt  }
0x63: {  	_ =	shalt  }
0x64: {  	_ =	shalt  }
0x65: {  	_ =	shalt  }
0x66: {  	_ =	shalt  }
0x67: {  	_ =	shalt  }
0x68: {  	_ =	shalt  }
0x69: {  	_ =	shalt  }
0x6a: {  	_ =	shalt  }
0x6b: {  	_ =	shalt  }
0x6c: {  	_ =	shalt  }
0x6d: {  	_ =	shalt  }
0x6e: {  	_ =	shalt  }
0x6f: {  	_ =	shalt  }
0x70: {  	_ =	shalt  }
0x71: {  	_ =	shalt  }
0x72: {  	_ =	shalt  }
0x73: {  	_ =	shalt  }
0x74: {  	_ =	shalt  }
0x75: {  	_ =	shalt  }
0x76: {  	_ =	shalt  }
0x77: {  	_ =	shalt  }
0x78: {  	_ =	shalt  }
0x79: {  	_ =	shalt  }
0x7a: {  	_ =	shalt  }
0x7b: {  	_ =	shalt  }
0x7c: {  	_ =	shalt  }
0x7d: {  	_ =	shalt  }
0x7e: {  	_ =	shalt  }
0x7f: {  	_ =	shalt  }
0x80: {  	_ =	shalt  }
0x81: {  	_ =	shalt  }
0x82: {  	_ =	shalt  }
0x83: {  	_ =	shalt  }
0x84: {  	_ =	shalt  }
0x85: {  	_ =	shalt  }
0x86: {  	_ =	shalt  }
0x87: {  	_ =	shalt  }
.Lfunc_end0:
.L_simem_size_0:
called_computation_lowered:
.L_overlay_start_0:
0x88: {  	s2 =	sld [smem:$0x3FD9]  }
0x89: {  	s3 =	sld [smem:$0x3FFE];
	_ =	sdelay $0x1  }
0x8a: {  	s1 =	srdreg.scid  }
0x8b: {  	s0 =	sand.u32 $0x1, s1  }
0x8c: {  	s16 =	sshll.u32 s0, $0xA;
	s2 =	sadd.s32 s3, s2  }
0x8d: {  	s2 =	sadd.s32 s2, s16  }
0x8e: {  	[smem:$0x3FC6] =	sst s2  }
0x8f: {  	_ = 	snop  }
0x90: {  	(tm) =	ssettm $0x1  }
0x91: {  	s17 =	sld [smem:$0x3FFB];
	_ =	sdelay $0x3  }
0x92: {  	_ =	strace s17  }
0x93: {  	s2 =	sld [smem:$0x3FFC];
	_ =	sdelay $0x3  }
0x94: {  	_ =	strace s2  }
0x95: {  	s2 =	sld [smem:$0x3FFD];
	_ =	sdelay $0x3  }
0x96: {  	_ =	strace s2  }
0x97: {  	_ =	strace $0x8FFFFFFF  }
0x98: {  	s18 =	sld [smem:$0x3FDB];
	_ =	sdelay $0x1  }
0x99: {  	s19 =	simm.s32 $_scs_section_size  }
0x9a: {  	s4 =	simm.s32 $_size__tile_overlayer_lowered;
	s5 =	simm.s32 $_tile_overlayer_lowered  }
0x9b: {  	s22 =	simm.s32 $0x1BFF;
	s21 =	sshll.u32 s5, $0x1;
	s2 =	sadd.s32 s19, s18  }
0x9c: {  	s6 =	simm.s32 $0x0;
	s20 =	sshll.u32 s4, $0x1;
	s4 =	sadd.s32 s21, s2  }
0x9d: {  	[timem:s6], [sflag:s22] =	dma.local [hbm:s4], s20  }
0x9e: {  	_ =	swait.ge [sflag:s22], s20  }
0x9f: {  	s3 =	ssub.s32 $0x0, s20;
	[sflag:s22] =	ssyncset.done $0x0  }
0xa0: {  	[sflag:s22] =	ssyncadd.s32 s3;
	_ =	sdelay $0x1  }
0xa1: {  	s23 =	simm.s32 $0x1B8B  }
0xa2: {  	_ =	swait.ge [sflag:s23], $0x1  }
0xa3: {  	[sflag:s23] =	ssyncset.done $0x0  }
0xa4: {  	s25 =	simm.s32 $0x1B8E;
	s24 =	sld [smem:$0x3FFE];
	[sflag:s23] =	ssyncadd.s32 $0xFFFFFFFF  }
0xa5: {  	s26 =	simm.s32 $execute0_lowered;
	[smem:$0x3FD2] =	sst s25  }
0xa6: {  	s4 =	sshll.u32 s26, $0x1;
	_ =	strace $0x80000046;
	[dreg:$0x1] =	wrdreg $0xFFFFFFFF  }
0xa7: {  	s28 =	simm.s32 $_size_execute0_lowered;
	s2 =	sadd.s32 s2, s4;
	[dreg:$0x0] =	wrdreg $0x0  }
0xa8: {  	s4 =	sshll.u32 s28, $0x1;
	[dreg:$0x2] =	wrdreg s2  }
0xa9: {  	[dreg:$0x3] =	wrdreg s4  }
0xaa: {  	[dreg:$0x4] =	wrdreg $0xC0  }
0xab: {  	_ =	task [dreg:s6], $0x5FFFF  }
0xac: {  	[dreg:$0x1] =	wrdreg $0xFFFFFFFF  }
0xad: {  	[dreg:$0x0] =	wrdreg $0x60  }
0xae: {  	[dreg:$0x2] =	wrdreg s24  }
0xaf: {  	[dreg:$0x3] =	wrdreg $0x9  }
0xb0: {  	_ =	task.clear_ibuf [dreg:s6], $0x4FFFF;
	_ =	strace $0x90000046  }
0xb1: {  	s29 =	simm.s32 $0x9;
	_ =	strace $0x80000048  }
0xb2: {  	_ =	swait.ge [sflag:s29], $0x1  }
0xb3: {  	[sflag:s29] =	ssyncadd.s32 $0xFFFFFFFF  }
0xb4: {  	_ =	strace $0x90000048  }
0xb5: {  	_ =	sfence  }
0xb6: {  	s30 =	sld [smem:$0x0];
	_ =	sdelay $0x2  }
0xb7: {  	s31 =	sshll.u32 s1, $0xD;
	s1 =	sshrl.u32 s1, $0x2  }
0xb8: {  	s3 =	sand.u32 $0x4000, s31;
	s1 =	sadd.s32 s1, s30  }
0xb9: {  	s0 =	sor.u32 s3, s0;
	s1 =	sshll.u32 s1, $0x11  }
0xba: {  	s0 =	sor.u32 s1, s0  }
0xbb: {  	s0 =	sadd.s32 $0x8F2B, s0  }
0xbc: {  	[sflag:s0] =	ssyncadd.remote.s32 $0x1  }
0xbd: {  	_ =	sfence.sel $0xFFFF  }
0xbe: {  	[dreg:$0x0] =	wrdreg $0xFFFFFFFF;
	(pc) =	sbr.abs _section_cstart, $3  }
0xbf: {  	[dreg:$0x1] =	wrdreg $0xFFFFFFFF  }
0xc0: {  	_ =	task.clear_ibuf [dreg:s6], $0x2FFFF;
	_ =	strace $0x9FFFFFFF  }
0xc1: {  	(tm) =	ssettm $0x7FFFFFFF  }
tec
execute0_lowered:
.L_overlay_start_1:
0x0: {  	(tag) =	ssettag $0x1  }
0x1: {  	s0 =	rddreg [dreg:$0x0]  }
0x2: {  	s1 =	simm.s32 $0x0;
	s4 =	srdreg.scid;
	s13 =	simm.s32 $0x80  }
0x3: {  	s14 =	simm.s32 $0x400;
	s15 =	simm.s32 $0x6400;
	s16 =	simm.s32 $0x6800  }
0x4: {  	s17 =	simm.s32 $0x6C00;
	s18 =	simm.s32 $0x6E00;
	s19 =	simm.s32 $0x7000  }
0x5: {  	s20 =	simm.s32 $0x7200;
	s21 =	simm.s32 $0x7400;
	s22 =	simm.s32 $0x7600  }
0x6: {  	[smem:$0x7FF] =	sst s1;
	s2 =	sadd.s32 $0xC00, s0;
	s3 =	sadd.s32 $0xD400, s0  }
0x7: {  	s4 =	sand.u32 $0x1, s4;
	s0 =	sadd.s32 $0xDE00, s0;
	_ =	strace $0x80000047  }
0x8: {  	[dreg:$0x2] =	wrdreg s3;
	s3 =	stileid.u32;
	s5 =	ssub.s32 $0x2, s4  }
0x9: {  	s4 =	sshll.u32 s4, $0x7;
	s6 =	sshrl.u32 s3, $0x2;
	s7 =	sshll.u32 s3, $0x8  }
0xa: {  	s9 =	sshrl.u32 s5, $0x1;
	p0 =	sgt.u32 s3, $0x7;
	s7 =	sand.u32 $0x300, s7  }
0xb: {  	s8 =	smul.u32 $0xA000, s6;
	s23 =	sshll.u32 s6, $0xA;
	s10 =	sor.u32 $0x4, s6  }
0xc: {  	s12 =	ssub.s32 s5, s9;
	s26 =	sor.u32 $0x8, s6;
	s11 =	smul.u32 $0xA000, s10  }
0xd: {  	s7 =	sor.u32 s4, s7;
	s29 =	sshll.u32 s10, $0xA;
	s30 =	smul.u32 $0xA000, s26  }
0xe: {  	s9 =	sshll.u32 s26, $0xA;
	s4 =	sor.u32 s8, s7;
	s8 =	sor.u32 s23, s7  }
0xf: {  	s9 =	sor.u32 s7, s9;
	s23 =	simm.s32 $0x7800;
	s4 =	sshrl.u32 s4, $0x3  }
0x10: {  	s24 =	sshrl.u32 s8, $0x3;
	s25 =	sor.u32 s7, s11;
	s8 =	sor.u32 s7, s29  }
0x11: {  	s10 =	sor.u32 s7, s30;
	s9 =	sshrl.u32 s9, $0x3;
	s4 =	sadd.s32 s2, s4  }
.Ltmp0:
0x12: {  	s5 =	sadd.s32 s0, s24;
	s28 =	sshrl.u32 s25, $0x3;
	(pc) =	sbr.rel .LBB2_1-.Ltmp0, $4  }
0x13: {  	s8 =	sshrl.u32 s8, $0x3;
	s31 =	sshrl.u32 s10, $0x3;
	s10 =	smax.u32 s12, $0x1  }
0x14: {  	[dreg:$0x3] =	wrdreg s4;
	s6 =	sadd.s32 s2, s28;
	s2 =	sadd.s32 s2, s31  }
0x15: {  	v0 =	vimm.s32 $0x0;
	v1 =	vimm.s32 $0x1;
	v2 =	vlaneseq.u32;
	s7 =	sadd.s32 s0, s8;
	s0 =	sadd.s32 s0, s9;
	[dreg:$0x4] =	wrdreg s2  }
0x16: {  	v3 =	vimm.f32 $-1.000000000e+00;
	v4 =	vimm.f32 $-Inf;
	vm0 =	vmxor vm0, vm0;
	s12 =	simm.s32 $0x1;
	s24 =	simm.s32 $0x0;
	[dreg:$0x5] =	wrdreg s0  }
.LBB2_99:
0x17: {  	s24 =	sadd.s32 $0x1, s24  }
0x18: {  	p1 =	sne.s32 s24, s10  }
.Ltmp1:
0x19: {  	_ = 	snop;
	(pc) =	sbr.rel @!p1 .LBB2_100-.Ltmp1, $1  }
0x1a: {  	_ =	sdelay $0x3  }
.LBB2_1:
0x1b: {  	s0 =	rddreg [dreg:$0x2];
	s2 =	simm.s32 $0x1400  }
0x1c: {  	[tilespmem:s2], [sflag:$0x1] =	stream.linear.gather [hbm4b:s0+s1], $0x5000, $0x38;
	[tilespmem:$0x7880] =	vst v63  }
0x1d: {  	_ =	swait.ge [sflag:s12], $0x5000  }
0x1e: {  	[sflag:s12] =	ssyncset.done $0x0  }
0x1f: {  	s31 =	rddreg [dreg:$0x3];
	[sflag:s12] =	ssyncadd.s32 $0xFFFFB000  }
0x20: {  	[tilespmem:s1], [sflag:$0x1] =	stream.strided.gather [hbm4b:s31+s13], $0x1400, s14, s13, $0x38;
	[tilespmem:$0x7880] =	vst v63  }
0x21: {  	_ =	swait.ge [sflag:s12], $0x1400  }
0x22: {  	[sflag:s12] =	ssyncset.done $0x0  }
0x23: {  	s0 =	simm.s32 $0x40;
	s2 =	simm.s32 $0x0;
	[sflag:s12] =	ssyncadd.s32 $0xFFFFEC00  }
.LBB2_2:
0x24: {  	p1 =	sne.s32 s0, $0xFC0;
	[tilespmem:s2+$0x6400] =	vst v0;
	s2 =	smov.u32 s0;
	s0 =	sadd.s32 $0x40, s0  }
.Ltmp2:
0x25: {  	(pc) =	sbr.rel @p1 .LBB2_2-.Ltmp2, $2  }
0x26: {  	_ =	sdelay $0x2  }
0x27: {  	s2 =	sshra.s32 s2, $0x2  }
0x28: {  	[tilespmem:s2+$0x6400] =	vst v0;
	s0 =	simm.s32 $0x0;
	s2 =	simm.s32 $0x0  }
.LBB2_4:
0x29: {  	s8 =	sshra.s32 s2, $0x2  }
0x2a: {  	v5 =	vld [tilespmem:s8+$0x0];
	_ =	sdelay $0x4  }
0x2b: {  	v5 =	vshrl.u32 v5, $0x14  }
0x2c: {  	v5 =	vand.u32 $0x3FF, v5;
	_ =	sdelay $0x4  }
0x2d: {  	[tilespmem:v5+s15+$0x0] =	vst.idx.add.s32.msk $0xffff, v1  }
0x2e: {  	v5 =	vld [tilespmem:s8+$0x10];
	_ =	sdelay $0x4  }
0x2f: {  	v5 =	vshrl.u32 v5, $0x14  }
0x30: {  	v5 =	vand.u32 $0x3FF, v5;
	_ =	sdelay $0x4  }
0x31: {  	[tilespmem:v5+s15+$0x0] =	vst.idx.add.s32.msk $0xffff, v1  }
0x32: {  	v5 =	vld [tilespmem:s8+$0x20];
	_ =	sdelay $0x4  }
0x33: {  	v5 =	vshrl.u32 v5, $0x14  }
0x34: {  	v5 =	vand.u32 $0x3FF, v5;
	_ =	sdelay $0x4  }
0x35: {  	[tilespmem:v5+s15+$0x0] =	vst.idx.add.s32.msk $0xffff, v1  }
0x36: {  	v5 =	vld [tilespmem:s8+$0x30];
	_ =	sdelay $0x4  }
0x37: {  	v5 =	vshrl.u32 v5, $0x14  }
0x38: {  	p1 =	seq.s32 s2, $0x4F00;
	v5 =	vand.u32 $0x3FF, v5  }
.Ltmp3:
0x39: {  	_ = 	snop;
	(pc) =	sbr.rel @!p1 .LBB2_4-.Ltmp3, $2  }
0x3a: {  	_ =	sdelay $0x2  }
0x3b: {  	s2 =	sadd.s32 $0x100, s2;
	[tilespmem:v5+s15+$0x0] =	vst.idx.add.s32.msk $0xffff, v1  }
0x3c: {  	s2 =	sshra.s32 s0, $0x2  }
0x3d: {  	v5 =	vld [tilespmem:s2+$0x6400];
	_ =	sdelay $0x4  }
0x3e: {  	(xrf0) =	vadd.scan.msk.s32 $0xffff, v5;
	_ =	sdelay $0x5  }
0x3f: {  	v5, _, _ =	vpop (xrf0)  }
0x40: {  	v5 =	vadd.s32 s0, v5  }
0x41: {  	(v2sf) =	vpush v5, $0xF;
	_ =	sdelay $0x1  }
0x42: {  	s8 =	sadd.s32 $0x40, s0  }
0x43: {  	s0 =	sshra.s32 s8, $0x2;
	[tilespmem:s2+$0x6800] =	vst v5;
	s2 =	sadd.s32 $0x40, s8  }
.LBB2_6:
0x44: {  	p1 =	seq.s32 s2, $0xFC0;
	v5 =	vld [tilespmem:s0+$0x6400];
	_ =	sdelay $0x4  }
0x45: {  	(xrf0) =	vadd.scan.msk.s32 $0xffff, v5;
	_ =	sdelay $0x5  }
0x46: {  	v5, _, _ =	vpop (xrf0);
	s8 =	spop (v2sf)  }
.Ltmp4:
0x47: {  	v5 =	vadd.s32 s8, v5;
	(pc) =	sbr.rel @!p1 .LBB2_6-.Ltmp4, $2  }
0x48: {  	[tilespmem:s0+$0x6800] =	vst v5;
	(v2sf) =	vpush v5, $0xF;
	_ =	sdelay $0x2  }
0x49: {  	s0 =	sshra.s32 s2, $0x2;
	s2 =	sadd.s32 $0x40, s2  }
0x4a: {  	v5 =	vld [tilespmem:s0+$0x6400];
	_ =	sdelay $0x4  }
0x4b: {  	(xrf0) =	vadd.scan.msk.s32 $0xffff, v5;
	_ =	sdelay $0x5  }
0x4c: {  	v5, _, _ =	vpop (xrf0);
	s2 =	spop (v2sf)  }
0x4d: {  	v5 =	vadd.s32 s2, v5  }
0x4e: {  	(v2sf) =	vpush v5, $0xF;
	_ =	sdelay $0x8  }
0x4f: {  	s8 =	simm.s32 $0x6400;
	[tilespmem:s0+$0x6800] =	vst v5  }
0x50: {  	v8 =	vld [tilespmem:s8+$0x0]  }
0x51: {  	s2 =	simm.s32 $0x6800  }
0x52: {  	v7 =	vld [tilespmem:s2+$0x0]  }
0x53: {  	v6 =	vbroadcast v5, $0xF  }
0x54: {  	s11 =	simm.s32 $0x6410  }
0x55: {  	v5 =	vimm.s32 $0xFFFFFFFF;
	s0 =	simm.s32 $0x0;
	s8 =	simm.s32 $0x10;
	v8 =	vadd.s32 v6, v8;
	s26 =	spop (v2sf)  }
.LBB2_8:
0x56: {  	p1 =	sne.s32 s8, $0x3F0  }
0x57: {  	v9 =	vld [tilespmem:s11+$0x0];
	v8 =	vsub.s32 v8, v7;
	s2 =	sadd.s32 $0x10, s2;
	s25 =	smov.u32 s8;
	s8 =	sadd.s32 $0x10, s8  }
.Ltmp5:
0x58: {  	v10 =	vor.u32 s0, v2;
	v7 =	vld [tilespmem:s2+$0x0];
	vm1 =	vgt.s32 v8, $0x1F3;
	s0 =	smov.u32 s25;
	(pc) =	sbr.rel @p1 .LBB2_8-.Ltmp5, $4  }
0x59: {  	v8 =	vnsel vm1, $0xFFFFFFFF, v10  }
0x5a: {  	vm1 =	vgt.s32 v5, v8  }
0x5b: {  	v5 =	vsel vm1, v5, v8  }
0x5c: {  	s11 =	sadd.s32 $0x10, s11;
	v8 =	vadd.s32 v6, v9  }
0x5d: {  	v6 =	vsub.s32 v8, v7  }
0x5e: {  	v7 =	vor.u32 s0, v2;
	vm1 =	vgt.s32 v6, $0x1F3  }
0x5f: {  	v6 =	vnsel vm1, $0xFFFFFFFF, v7  }
0x60: {  	vm1 =	vgt.s32 v5, v6  }
0x61: {  	v5 =	vsel vm1, v5, v6  }
0x62: {  	v5 =	vxor.u32 $0x80000000, v5  }
0x63: {  	(xrf0) =	vmax.scan.msk.u32 $0xffff, v5;
	_ =	sdelay $0x5  }
0x64: {  	v5, _, _ =	vpop (xrf0)  }
0x65: {  	(v2sf) =	vpush v5, $0xF;
	_ =	sdelay $0xe  }
0x66: {  	s25 =	spop (v2sf)  }
0x67: {  	s31 =	sxor.u32 $0x80000000, s25  }
0x68: {  	v6 =	vmov s31;
	_ =	sdelay $0x4  }
0x69: {  	s0 =	simm.s32 $0x0;
	s2 =	simm.s32 $0x40;
	s8 =	simm.s32 $0x0;
	v5 =	vld.idx.msk [tilespmem:v6+s16+$0x0], $0xffff  }
.LBB2_10:
0x6a: {  	p1 =	sne.s32 s2, $0xFC0;
	[tilespmem:s8+$0x6400] =	vst v0;
	s8 =	smov.u32 s2;
	s2 =	sadd.s32 $0x40, s2  }
.Ltmp6:
0x6b: {  	(pc) =	sbr.rel @p1 .LBB2_10-.Ltmp6, $2  }
0x6c: {  	_ =	sdelay $0x2  }
0x6d: {  	s8 =	sshra.s32 s8, $0x2  }
0x6e: {  	[tilespmem:s8+$0x6400] =	vst v0  }
.LBB2_12:
0x6f: {  	s2 =	sshra.s32 s0, $0x2  }
0x70: {  	v7 =	vld [tilespmem:s2+$0x0];
	_ =	sdelay $0x4  }
0x71: {  	v8 =	vshra.s32 v7, $0x14  }
0x72: {  	v7 =	vshrl.u32 v7, $0xA;
	vm1 =	veq.s32 v8, v6  }
0x73: {  	v7 =	vand.u32 $0x3FF, v7;
	_ =	sdelay $0x4  }
0x74: {  	[tilespmem:v7+s15+$0x0] =	vst.idx.add.s32.msk vm1, v1  }
0x75: {  	v7 =	vld [tilespmem:s2+$0x10];
	_ =	sdelay $0x4  }
0x76: {  	v8 =	vshra.s32 v7, $0x14  }
0x77: {  	v7 =	vshrl.u32 v7, $0xA;
	vm1 =	veq.s32 v8, v6  }
0x78: {  	v7 =	vand.u32 $0x3FF, v7;
	_ =	sdelay $0x4  }
0x79: {  	[tilespmem:v7+s15+$0x0] =	vst.idx.add.s32.msk vm1, v1  }
0x7a: {  	v7 =	vld [tilespmem:s2+$0x20];
	_ =	sdelay $0x4  }
0x7b: {  	v8 =	vshra.s32 v7, $0x14  }
0x7c: {  	v7 =	vshrl.u32 v7, $0xA;
	vm1 =	veq.s32 v8, v6  }
0x7d: {  	v7 =	vand.u32 $0x3FF, v7;
	_ =	sdelay $0x4  }
0x7e: {  	[tilespmem:v7+s15+$0x0] =	vst.idx.add.s32.msk vm1, v1  }
0x7f: {  	v7 =	vld [tilespmem:s2+$0x30];
	_ =	sdelay $0x4  }
0x80: {  	v8 =	vshra.s32 v7, $0x14  }
0x81: {  	v7 =	vshrl.u32 v7, $0xA;
	vm1 =	veq.s32 v8, v6  }
0x82: {  	p1 =	seq.s32 s0, $0x4F00;
	v7 =	vand.u32 $0x3FF, v7  }
.Ltmp7:
0x83: {  	_ = 	snop;
	(pc) =	sbr.rel @!p1 .LBB2_12-.Ltmp7, $2  }
0x84: {  	_ =	sdelay $0x2  }
0x85: {  	s0 =	sadd.s32 $0x100, s0;
	[tilespmem:v7+s15+$0x0] =	vst.idx.add.s32.msk vm1, v1  }
0x86: {  	s2 =	simm.s32 $0x0  }
0x87: {  	v6 =	vld [tilespmem:s2+$0x6400];
	_ =	sdelay $0x4  }
0x88: {  	(xrf0) =	vadd.scan.msk.s32 $0xffff, v6;
	_ =	sdelay $0x5  }
0x89: {  	s0 =	simm.s32 $0x0;
	v6, _, _ =	vpop (xrf0)  }
0x8a: {  	v6 =	vadd.s32 s0, v6  }
0x8b: {  	(v2sf) =	vpush v6, $0xF;
	_ =	sdelay $0x2  }
0x8c: {  	s0 =	simm.s32 $0x10;
	[tilespmem:s2+$0x6800] =	vst v6;
	s2 =	simm.s32 $0x80  }
.LBB2_14:
0x8d: {  	p1 =	seq.s32 s2, $0xFC0;
	v6 =	vld [tilespmem:s0+$0x6400];
	_ =	sdelay $0x4  }
0x8e: {  	(xrf0) =	vadd.scan.msk.s32 $0xffff, v6;
	_ =	sdelay $0x5  }
0x8f: {  	v6, _, _ =	vpop (xrf0);
	s8 =	spop (v2sf)  }
.Ltmp8:
0x90: {  	v6 =	vadd.s32 s8, v6;
	(pc) =	sbr.rel @!p1 .LBB2_14-.Ltmp8, $2  }
0x91: {  	[tilespmem:s0+$0x6800] =	vst v6;
	(v2sf) =	vpush v6, $0xF;
	_ =	sdelay $0x2  }
0x92: {  	s0 =	sshra.s32 s2, $0x2;
	s2 =	sadd.s32 $0x40, s2  }
0x93: {  	v6 =	vld [tilespmem:s0+$0x6400];
	_ =	sdelay $0x4  }
0x94: {  	(xrf0) =	vadd.scan.msk.s32 $0xffff, v6;
	_ =	sdelay $0x5  }
0x95: {  	v6, _, _ =	vpop (xrf0);
	s2 =	spop (v2sf)  }
0x96: {  	v6 =	vadd.s32 s2, v6  }
0x97: {  	(v2sf) =	vpush v6, $0xF;
	_ =	sdelay $0x6  }
0x98: {  	v5 =	vxor.u32 $0x80000000, v5  }
0x99: {  	(xrf0) =	vmax.scan.msk.u32 $0xffff, v5;
	_ =	sdelay $0x5  }
0x9a: {  	v5, _, _ =	vpop (xrf0)  }
0x9b: {  	s29 =	spop (v2sf);
	(v2sf) =	vpush v5, $0xF;
	_ =	sdelay $0xc  }
0x9c: {  	s8 =	simm.s32 $0x6400;
	[tilespmem:s0+$0x6800] =	vst v6  }
0x9d: {  	v9 =	vld [tilespmem:s8+$0x0]  }
0x9e: {  	s2 =	simm.s32 $0x6800;
	s31 =	spop (v2sf)  }
0x9f: {  	v8 =	vld [tilespmem:s2+$0x0];
	s0 =	sxor.u32 $0x80000000, s31  }
0xa0: {  	v7 =	vbroadcast v6, $0xF;
	s26 =	ssub.s32 s26, s0  }
0xa1: {  	s30 =	ssub.s32 $0x1F4, s26  }
0xa2: {  	s11 =	simm.s32 $0x6410;
	s8 =	simm.s32 $0x10;
	v9 =	vadd.s32 v7, v9;
	v5 =	vimm.s32 $0xFFFFFFFF;
	s0 =	simm.s32 $0x0;
	v6 =	vmov s30  }
.LBB2_16:
0xa3: {  	p1 =	sne.s32 s8, $0x3F0  }
0xa4: {  	v10 =	vld [tilespmem:s11+$0x0];
	v9 =	vsub.s32 v9, v8;
	s2 =	sadd.s32 $0x10, s2;
	s28 =	smov.u32 s8;
	s8 =	sadd.s32 $0x10, s8  }
.Ltmp9:
0xa5: {  	v11 =	vor.u32 s0, v2;
	v8 =	vld [tilespmem:s2+$0x0];
	vm1 =	vlt.s32 v9, v6;
	s0 =	smov.u32 s28;
	(pc) =	sbr.rel @p1 .LBB2_16-.Ltmp9, $4  }
0xa6: {  	v9 =	vsel vm1, $0xFFFFFFFF, v11  }
0xa7: {  	vm1 =	vgt.s32 v5, v9  }
0xa8: {  	v5 =	vsel vm1, v5, v9  }
0xa9: {  	s11 =	sadd.s32 $0x10, s11;
	v9 =	vadd.s32 v7, v10  }
0xaa: {  	v7 =	vsub.s32 v9, v8  }
0xab: {  	v63 =	vor.u32 s0, v2;
	vm1 =	vlt.s32 v7, v6  }
0xac: {  	v6 =	vsel vm1, $0xFFFFFFFF, v63  }
0xad: {  	vm1 =	vgt.s32 v5, v6  }
0xae: {  	v5 =	vsel vm1, v5, v6  }
0xaf: {  	v5 =	vxor.u32 $0x80000000, v5  }
0xb0: {  	(xrf0) =	vmax.scan.msk.u32 $0xffff, v5;
	_ =	sdelay $0x5  }
0xb1: {  	v5, _, _ =	vpop (xrf0)  }
0xb2: {  	(v2sf) =	vpush v5, $0xF;
	_ =	sdelay $0xe  }
0xb3: {  	s28 =	spop (v2sf)  }
0xb4: {  	s0 =	sxor.u32 $0x80000000, s28  }
0xb5: {  	v5 =	vmov s0;
	_ =	sdelay $0x4  }
0xb6: {  	s2 =	simm.s32 $0x40;
	s8 =	simm.s32 $0x0;
	v5 =	vld.idx.msk [tilespmem:v5+s16+$0x0], $0xffff  }
.LBB2_18:
0xb7: {  	p1 =	seq.s32 s2, $0xFC0;
	[tilespmem:s8+$0x6400] =	vst v0;
	s8 =	smov.u32 s2;
	s2 =	sadd.s32 $0x40, s2  }
.Ltmp10:
0xb8: {  	(pc) =	sbr.rel @!p1 .LBB2_18-.Ltmp10, $2  }
0xb9: {  	_ =	sdelay $0x2  }
0xba: {  	s8 =	sshra.s32 s8, $0x2  }
0xbb: {  	s2 =	sshll.u32 s25, $0xA  }
0xbc: {  	s0 =	sor.u32 s2, s0  }
0xbd: {  	[tilespmem:s8+$0x6400] =	vst v0;
	s2 =	simm.s32 $0x0;
	v6 =	vmov s0;
	s0 =	simm.s32 $0x0  }
.LBB2_20:
0xbe: {  	s8 =	sshra.s32 s2, $0x2  }
0xbf: {  	v7 =	vld [tilespmem:s8+$0x0];
	_ =	sdelay $0x4  }
0xc0: {  	v8 =	vshra.s32 v7, $0xA  }
0xc1: {  	vm1 =	veq.s32 v8, v6  }
0xc2: {  	v7 =	vand.u32 $0x3FF, v7;
	_ =	sdelay $0x4  }
0xc3: {  	[tilespmem:v7+s15+$0x0] =	vst.idx.add.s32.msk vm1, v1  }
0xc4: {  	v7 =	vld [tilespmem:s8+$0x10];
	_ =	sdelay $0x4  }
0xc5: {  	v8 =	vshra.s32 v7, $0xA  }
0xc6: {  	vm1 =	veq.s32 v8, v6  }
0xc7: {  	v7 =	vand.u32 $0x3FF, v7;
	_ =	sdelay $0x4  }
0xc8: {  	[tilespmem:v7+s15+$0x0] =	vst.idx.add.s32.msk vm1, v1  }
0xc9: {  	v7 =	vld [tilespmem:s8+$0x20];
	_ =	sdelay $0x4  }
0xca: {  	v8 =	vshra.s32 v7, $0xA  }
0xcb: {  	vm1 =	veq.s32 v8, v6  }
0xcc: {  	v7 =	vand.u32 $0x3FF, v7;
	_ =	sdelay $0x4  }
0xcd: {  	[tilespmem:v7+s15+$0x0] =	vst.idx.add.s32.msk vm1, v1  }
0xce: {  	v7 =	vld [tilespmem:s8+$0x30];
	_ =	sdelay $0x4  }
0xcf: {  	v8 =	vshra.s32 v7, $0xA  }
0xd0: {  	vm1 =	veq.s32 v8, v6  }
0xd1: {  	p1 =	seq.s32 s2, $0x4F00;
	v7 =	vand.u32 $0x3FF, v7  }
.Ltmp11:
0xd2: {  	_ = 	snop;
	(pc) =	sbr.rel @!p1 .LBB2_20-.Ltmp11, $2  }
0xd3: {  	_ =	sdelay $0x2  }
0xd4: {  	s2 =	sadd.s32 $0x100, s2;
	[tilespmem:v7+s15+$0x0] =	vst.idx.add.s32.msk vm1, v1  }
0xd5: {  	s2 =	sshra.s32 s0, $0x2  }
0xd6: {  	v6 =	vld [tilespmem:s2+$0x6400];
	_ =	sdelay $0x4  }
0xd7: {  	(xrf0) =	vadd.scan.msk.s32 $0xffff, v6;
	_ =	sdelay $0x5  }
0xd8: {  	v6, _, _ =	vpop (xrf0)  }
0xd9: {  	v6 =	vadd.s32 s0, v6  }
0xda: {  	(v2sf) =	vpush v6, $0xF;
	_ =	sdelay $0x1  }
0xdb: {  	s8 =	sadd.s32 $0x40, s0  }
0xdc: {  	s0 =	sshra.s32 s8, $0x2;
	[tilespmem:s2+$0x6800] =	vst v6;
	s2 =	sadd.s32 $0x40, s8  }
.LBB2_22:
0xdd: {  	p1 =	seq.s32 s2, $0xFC0;
	v6 =	vld [tilespmem:s0+$0x6400];
	_ =	sdelay $0x4  }
0xde: {  	(xrf0) =	vadd.scan.msk.s32 $0xffff, v6;
	_ =	sdelay $0x5  }
0xdf: {  	v6, _, _ =	vpop (xrf0);
	s8 =	spop (v2sf)  }
.Ltmp12:
0xe0: {  	v6 =	vadd.s32 s8, v6;
	(pc) =	sbr.rel @!p1 .LBB2_22-.Ltmp12, $2  }
0xe1: {  	[tilespmem:s0+$0x6800] =	vst v6;
	(v2sf) =	vpush v6, $0xF;
	_ =	sdelay $0x2  }
0xe2: {  	s0 =	sshra.s32 s2, $0x2;
	s2 =	sadd.s32 $0x40, s2  }
0xe3: {  	v6 =	vld [tilespmem:s0+$0x6400];
	_ =	sdelay $0x4  }
0xe4: {  	(xrf0) =	vadd.scan.msk.s32 $0xffff, v6;
	_ =	sdelay $0x5  }
0xe5: {  	v6, _, _ =	vpop (xrf0);
	s2 =	spop (v2sf)  }
0xe6: {  	v6 =	vadd.s32 s2, v6  }
0xe7: {  	(v2sf) =	vpush v6, $0xF;
	_ =	sdelay $0x6  }
0xe8: {  	v5 =	vxor.u32 $0x80000000, v5  }
0xe9: {  	(xrf0) =	vmax.scan.msk.u32 $0xffff, v5;
	_ =	sdelay $0x5  }
0xea: {  	v5, _, _ =	vpop (xrf0)  }
0xeb: {  	[tilespmem:s0+$0x6800] =	vst v6;
	s0 =	spop (v2sf);
	(v2sf) =	vpush v5, $0xF;
	_ =	sdelay $0xe  }
0xec: {  	s31 =	spop (v2sf)  }
0xed: {  	s2 =	sxor.u32 $0x80000000, s31  }
0xee: {  	s2 =	ssub.s32 s29, s2;
	s29 =	simm.s32 $0x6400  }
0xef: {  	v9 =	vld [tilespmem:s29+$0x0]  }
0xf0: {  	s11 =	simm.s32 $0x6800  }
0xf1: {  	v8 =	vld [tilespmem:s11+$0x0]  }
0xf2: {  	v7 =	vbroadcast v6, $0xF  }
0xf3: {  	s8 =	ssub.s32 s30, s2  }
0xf4: {  	v5 =	vimm.s32 $0xFFFFFFFF;
	s29 =	simm.s32 $0x10;
	s30 =	simm.s32 $0x6410;
	v6 =	vmov s8;
	s8 =	simm.s32 $0x0;
	v9 =	vadd.s32 v7, v9  }
.LBB2_24:
0xf5: {  	p1 =	sne.s32 s29, $0x3F0  }
0xf6: {  	v10 =	vld [tilespmem:s30+$0x0];
	v9 =	vsub.s32 v9, v8;
	s11 =	sadd.s32 $0x10, s11;
	s31 =	smov.u32 s29;
	s29 =	sadd.s32 $0x10, s29  }
.Ltmp13:
0xf7: {  	v11 =	vor.u32 s8, v2;
	v8 =	vld [tilespmem:s11+$0x0];
	vm1 =	vlt.s32 v9, v6;
	s8 =	smov.u32 s31;
	(pc) =	sbr.rel @p1 .LBB2_24-.Ltmp13, $4  }
0xf8: {  	v9 =	vsel vm1, $0xFFFFFFFF, v11  }
0xf9: {  	vm1 =	vgt.s32 v5, v9  }
0xfa: {  	v5 =	vsel vm1, v5, v9  }
0xfb: {  	s30 =	sadd.s32 $0x10, s30;
	v9 =	vadd.s32 v7, v10  }
0xfc: {  	v7 =	vsub.s32 v9, v8  }
0xfd: {  	v63 =	vor.u32 s8, v2;
	vm1 =	vlt.s32 v7, v6  }
0xfe: {  	v6 =	vsel vm1, $0xFFFFFFFF, v63  }
0xff: {  	vm1 =	vgt.s32 v5, v6  }
0x100: {  	v5 =	vsel vm1, v5, v6  }
0x101: {  	v5 =	vxor.u32 $0x80000000, v5  }
0x102: {  	(xrf0) =	vmax.scan.msk.u32 $0xffff, v5;
	_ =	sdelay $0x5  }
0x103: {  	v5, _, _ =	vpop (xrf0)  }
0x104: {  	(v2sf) =	vpush v5, $0xF;
	_ =	sdelay $0xe  }
0x105: {  	s30 =	spop (v2sf)  }
0x106: {  	s8 =	sxor.u32 $0x80000000, s30  }
0x107: {  	v5 =	vmov s8;
	_ =	sdelay $0x4  }
0x108: {  	v5 =	vld.idx.msk [tilespmem:v5+s16+$0x0], $0xffff;
	[tilespmem:$0x6C00] =	vst v3  }
0x109: {  	[tilespmem:$0x6C10] =	vst v3  }
0x10a: {  	[tilespmem:$0x6C20] =	vst v3  }
0x10b: {  	[tilespmem:$0x6C30] =	vst v3  }
0x10c: {  	[tilespmem:$0x6C40] =	vst v3  }
0x10d: {  	[tilespmem:$0x6C50] =	vst v3  }
0x10e: {  	[tilespmem:$0x6C60] =	vst v3  }
0x10f: {  	[tilespmem:$0x6C70] =	vst v3  }
0x110: {  	[tilespmem:$0x6C80] =	vst v3  }
0x111: {  	[tilespmem:$0x6C90] =	vst v3  }
0x112: {  	[tilespmem:$0x6CA0] =	vst v3  }
0x113: {  	[tilespmem:$0x6CB0] =	vst v3  }
0x114: {  	[tilespmem:$0x6CC0] =	vst v3  }
0x115: {  	[tilespmem:$0x6CD0] =	vst v3;
	v5 =	vxor.u32 $0x80000000, v5  }
0x116: {  	[tilespmem:$0x6CE0] =	vst v3;
	(xrf0) =	vmax.scan.msk.u32 $0xffff, v5  }
0x117: {  	[tilespmem:$0x6CF0] =	vst v3  }
0x118: {  	[tilespmem:$0x6D00] =	vst v3  }
0x119: {  	[tilespmem:$0x6D10] =	vst v3  }
0x11a: {  	[tilespmem:$0x6D20] =	vst v3  }
0x11b: {  	[tilespmem:$0x6D30] =	vst v3  }
0x11c: {  	[tilespmem:$0x6D40] =	vst v3;
	v5, _, _ =	vpop (xrf0)  }
0x11d: {  	[tilespmem:$0x6D50] =	vst v3;
	(v2sf) =	vpush v5, $0xF  }
0x11e: {  	[tilespmem:$0x6D60] =	vst v3  }
0x11f: {  	[tilespmem:$0x6D70] =	vst v3  }
0x120: {  	[tilespmem:$0x6D80] =	vst v3  }
0x121: {  	[tilespmem:$0x6D90] =	vst v3  }
0x122: {  	[tilespmem:$0x6DA0] =	vst v3  }
0x123: {  	[tilespmem:$0x6DB0] =	vst v3  }
0x124: {  	[tilespmem:$0x6DC0] =	vst v3  }
0x125: {  	[tilespmem:$0x6DD0] =	vst v3  }
0x126: {  	[tilespmem:$0x6DE0] =	vst v3  }
0x127: {  	[tilespmem:$0x6DF0] =	vst v3  }
0x128: {  	[tilespmem:$0x7800] =	vst v4  }
0x129: {  	[tilespmem:$0x7810] =	vst v4  }
0x12a: {  	[tilespmem:$0x7820] =	vst v4  }
0x12b: {  	s25 =	sshll.u32 s25, $0x14;
	s28 =	sshll.u32 s28, $0xA;
	s2 =	sadd.s32 s26, s2;
	[tilespmem:$0x7830] =	vst v4  }
0x12c: {  	p1 =	por $0x0, $0x0;
	s29 =	simm.s32 $0x0;
	[tilespmem:$0x7840] =	vst v4;
	s11 =	spop (v2sf)  }
0x12d: {  	s31 =	sor.u32 s25, s28;
	s25 =	simm.s32 $0x0;
	[tilespmem:$0x7850] =	vst v4;
	s11 =	sxor.u32 $0x80000000, s11  }
0x12e: {  	s28 =	simm.s32 $0x0;
	s8 =	sor.u32 s8, s31;
	[tilespmem:$0x7860] =	vst v4;
	s0 =	ssub.s32 s0, s11  }
0x12f: {  	[tilespmem:$0x7870] =	vst v4;
	v5 =	vmov s8;
	s8 =	simm.s32 $0x0;
	s11 =	simm.s32 $0x0;
	s26 =	sadd.s32 s0, s2  }
.LBB2_26:
0x130: {  	s0 =	sshra.s32 s29, $0x2  }
0x131: {  	v7 =	vld [tilespmem:s0+$0x0];
	_ =	sdelay $0x4  }
0x132: {  	v6 =	vimm.s32 $0x0;
	vm1 =	vgt.s32 v7, v5;
	vm2 =	veq.s32 v7, v5  }
0x133: {  	v8 =	vsel vm1, $0x1, v0;
	v9 =	vsel vm2, $0x10000, v6  }
0x134: {  	v8 =	vor.u32 v8, v9  }
0x135: {  	(xrf0) =	vadd.scan.msk.s32 $0xffff, v8;
	_ =	sdelay $0x2  }
0x136: {  	s3 =	sadd.s32 s26, s8  }
0x137: {  	v27 =	vmov s3;
	v8 =	vmov s11  }
0x138: {  	v9 =	vadd.s32 $0xFFFFFFFF, v27;
	v8 =	vadd.s32 $0xFFFFFFFF, v8  }
0x139: {  	v9 =	vbroadcast v9, $0x0;
	v8 =	vbroadcast v8, $0x0;
	v10, _, _ =	vpop (xrf0)  }
0x13a: {  	s2 =	simm.s32 $0x1;
	s4 =	sand.u32 $0x7E00, s29;
	v11 =	vand.u32 $0xFFFF, v10;
	v12 =	vshra.s32 v10, $0x10  }
0x13b: {  	s31 =	sand.u32 $0x40, s28;
	s2 =	simm.s32 @!p1 $0x0;
	s0 =	sadd.s32 $0x1400, s4;
	v8 =	vadd.s32 v8, v11;
	v9 =	vadd.s32 v9, v12  }
0x13c: {  	s2 =	sshll.u32 s2, $0x6;
	s9 =	sor.u32 s31, s0;
	v8 =	vsel vm1, v8, v9  }
0x13d: {  	v28 =	vld [tilespmem:s9+$0x0];
	s30 =	sadd.s32 s2, s29;
	vm3 =	vlt.s32 v8, $0x1F4  }
0x13e: {  	v29 =	vld [tilespmem:s9+$0x80];
	s2 =	sor.u32 $0x100, s30;
	vm2 =	vmand vm2, vm3  }
0x13f: {  	s9 =	sor.u32 $0x180, s30;
	v30 =	vld [tilespmem:s2+$0x1400];
	vm1 =	vmor vm1, vm2  }
0x140: {  	v13 =	vld [tilespmem:s9+$0x1400];
	_ =	sdelay $0x3  }
0x141: {  	(v2sf) =	vpush v10, $0xF  }
0x142: {  	v31 =	vsub.f32 v30, v28;
	v14 =	vsub.f32 v13, v29;
	[tilespmem:v8+s17+$0x0] =	vst.idx.msk vm1, v7  }
0x143: {  	[tilespmem:v8+s18+$0x0] =	vst.idx.msk vm1, v28  }
0x144: {  	v32 =	vmax.f32 v14, $0.0e+00;
	v7 =	vmax.f32 v31, $0.0e+00;
	[tilespmem:v8+s19+$0x0] =	vst.idx.msk vm1, v29  }
0x145: {  	v7 =	vmul.f32 v32, v7;
	[tilespmem:v8+s20+$0x0] =	vst.idx.msk vm1, v30  }
0x146: {  	s9 =	sor.u32 $0x10, s31;
	s2 =	sand.u32 $0x1F80, s28;
	[tilespmem:v8+s21+$0x0] =	vst.idx.msk vm1, v13  }
0x147: {  	s3 =	sor.u32 s9, s2;
	[tilespmem:v8+s22+$0x0] =	vst.idx.msk vm1, v7  }
0x148: {  	v7 =	vld [tilespmem:s3+$0x0];
	_ =	sdelay $0x4  }
0x149: {  	vm1 =	vgt.s32 v7, v5;
	vm2 =	veq.s32 v7, v5  }
0x14a: {  	v8 =	vsel vm1, $0x1, v0;
	v33 =	vsel vm2, $0x10000, v6  }
0x14b: {  	v8 =	vor.u32 v8, v33  }
0x14c: {  	s3 =	spop (v2sf);
	(xrf0) =	vadd.scan.msk.s32 $0xffff, v8  }
0x14d: {  	s4 =	sshra.s32 s3, $0x10  }
0x14e: {  	s3 =	sand.u32 $0xFFFF, s3;
	s4 =	sadd.s32 s8, s4  }
0x14f: {  	s3 =	sadd.s32 s11, s3;
	s8 =	sadd.s32 s26, s4  }
0x150: {  	v34 =	vmov s8;
	v8 =	vmov s3  }
0x151: {  	v9 =	vadd.s32 $0xFFFFFFFF, v34;
	v8 =	vadd.s32 $0xFFFFFFFF, v8  }
0x152: {  	v9 =	vbroadcast v9, $0x0;
	v8 =	vbroadcast v8, $0x0;
	v35, _, _ =	vpop (xrf0)  }
0x153: {  	v36 =	vand.u32 $0xFFFF, v35;
	v37 =	vshra.s32 v35, $0x10  }
0x154: {  	v8 =	vadd.s32 v8, v36;
	v9 =	vadd.s32 v9, v37  }
0x155: {  	s11 =	sor.u32 s9, s0;
	v8 =	vsel vm1, v8, v9  }
0x156: {  	s9 =	sadd.s32 $0x10, s30;
	v38 =	vld [tilespmem:s11+$0x0];
	vm3 =	vlt.s32 v8, $0x1F4  }
0x157: {  	v39 =	vld [tilespmem:s11+$0x80];
	s11 =	sor.u32 $0x100, s9;
	vm2 =	vmand vm2, vm3  }
0x158: {  	s9 =	sor.u32 $0x180, s9;
	v40 =	vld [tilespmem:s11+$0x1400];
	vm1 =	vmor vm1, vm2  }
0x159: {  	v13 =	vld [tilespmem:s9+$0x1400];
	_ =	sdelay $0x3  }
0x15a: {  	(v2sf) =	vpush v35, $0xF  }
0x15b: {  	v41 =	vsub.f32 v40, v38;
	v42 =	vsub.f32 v13, v39;
	[tilespmem:v8+s17+$0x0] =	vst.idx.msk vm1, v7  }
0x15c: {  	[tilespmem:v8+s18+$0x0] =	vst.idx.msk vm1, v38  }
0x15d: {  	v43 =	vmax.f32 v42, $0.0e+00;
	v7 =	vmax.f32 v41, $0.0e+00;
	[tilespmem:v8+s19+$0x0] =	vst.idx.msk vm1, v39  }
0x15e: {  	v7 =	vmul.f32 v43, v7;
	[tilespmem:v8+s20+$0x0] =	vst.idx.msk vm1, v40  }
0x15f: {  	s8 =	sor.u32 $0x20, s31;
	[tilespmem:v8+s21+$0x0] =	vst.idx.msk vm1, v13  }
0x160: {  	s11 =	sor.u32 s8, s2;
	[tilespmem:v8+s22+$0x0] =	vst.idx.msk vm1, v7  }
0x161: {  	v7 =	vld [tilespmem:s11+$0x0];
	_ =	sdelay $0x4  }
0x162: {  	vm1 =	vgt.s32 v7, v5;
	vm2 =	veq.s32 v7, v5  }
0x163: {  	v8 =	vsel vm1, $0x1, v0;
	v44 =	vsel vm2, $0x10000, v6  }
0x164: {  	v8 =	vor.u32 v8, v44  }
0x165: {  	s9 =	spop (v2sf);
	(xrf0) =	vadd.scan.msk.s32 $0xffff, v8  }
0x166: {  	s11 =	sshra.s32 s9, $0x10  }
0x167: {  	s9 =	sand.u32 $0xFFFF, s9;
	s4 =	sadd.s32 s4, s11  }
0x168: {  	s3 =	sadd.s32 s3, s9;
	s11 =	sadd.s32 s26, s4  }
0x169: {  	v45 =	vmov s11;
	v8 =	vmov s3  }
0x16a: {  	v9 =	vadd.s32 $0xFFFFFFFF, v45;
	v8 =	vadd.s32 $0xFFFFFFFF, v8  }
0x16b: {  	v9 =	vbroadcast v9, $0x0;
	v8 =	vbroadcast v8, $0x0;
	v46, _, _ =	vpop (xrf0)  }
0x16c: {  	v47 =	vand.u32 $0xFFFF, v46;
	v48 =	vshra.s32 v46, $0x10  }
0x16d: {  	v8 =	vadd.s32 v8, v47;
	v9 =	vadd.s32 v9, v48  }
0x16e: {  	s8 =	sor.u32 s8, s0;
	v8 =	vsel vm1, v8, v9  }
0x16f: {  	v49 =	vld [tilespmem:s8+$0x0];
	s9 =	sadd.s32 $0x20, s30;
	vm3 =	vlt.s32 v8, $0x1F4  }
0x170: {  	v50 =	vld [tilespmem:s8+$0x80];
	s11 =	sor.u32 $0x100, s9;
	vm2 =	vmand vm2, vm3  }
0x171: {  	v51 =	vld [tilespmem:s11+$0x1400];
	s11 =	sor.u32 $0x180, s9;
	vm1 =	vmor vm1, vm2  }
0x172: {  	v13 =	vld [tilespmem:s11+$0x1400];
	_ =	sdelay $0x3  }
0x173: {  	v52 =	vsub.f32 v51, v49  }
0x174: {  	v15 =	vsub.f32 v13, v50;
	(v2sf) =	vpush v46, $0xF;
	[tilespmem:v8+s17+$0x0] =	vst.idx.msk vm1, v7  }
0x175: {  	[tilespmem:v8+s18+$0x0] =	vst.idx.msk vm1, v49  }
0x176: {  	v53 =	vmax.f32 v15, $0.0e+00;
	v7 =	vmax.f32 v52, $0.0e+00;
	[tilespmem:v8+s19+$0x0] =	vst.idx.msk vm1, v50  }
0x177: {  	v7 =	vmul.f32 v53, v7;
	[tilespmem:v8+s20+$0x0] =	vst.idx.msk vm1, v51  }
0x178: {  	s8 =	sor.u32 $0x30, s31;
	[tilespmem:v8+s21+$0x0] =	vst.idx.msk vm1, v13  }
0x179: {  	s2 =	sor.u32 s8, s2;
	[tilespmem:v8+s22+$0x0] =	vst.idx.msk vm1, v7  }
0x17a: {  	v7 =	vld [tilespmem:s2+$0x0];
	_ =	sdelay $0x4  }
0x17b: {  	vm1 =	vgt.s32 v7, v5;
	vm2 =	veq.s32 v7, v5  }
0x17c: {  	v8 =	vsel vm1, $0x1, v0;
	v54 =	vsel vm2, $0x10000, v6  }
0x17d: {  	v8 =	vor.u32 v8, v54  }
0x17e: {  	(xrf0) =	vadd.scan.msk.s32 $0xffff, v8  }
0x17f: {  	s9 =	spop (v2sf)  }
0x180: {  	s11 =	sshra.s32 s9, $0x10  }
0x181: {  	s2 =	sand.u32 $0xFFFF, s9;
	s4 =	sadd.s32 s4, s11  }
0x182: {  	s2 =	sadd.s32 s3, s2;
	s31 =	sadd.s32 s26, s4  }
0x183: {  	v55 =	vmov s2;
	v56 =	vmov s31  }
0x184: {  	v9 =	vadd.s32 $0xFFFFFFFF, v55;
	v10 =	vadd.s32 $0xFFFFFFFF, v56;
	v8, _, _ =	vpop (xrf0)  }
0x185: {  	v9 =	vbroadcast v9, $0x0;
	v10 =	vbroadcast v10, $0x0;
	(v2sf) =	vpush v8, $0xF  }
0x186: {  	v57 =	vand.u32 $0xFFFF, v8;
	v8 =	vshra.s32 v8, $0x10  }
0x187: {  	v9 =	vadd.s32 v9, v57;
	v8 =	vadd.s32 v10, v8  }
0x188: {  	s0 =	sor.u32 s8, s0;
	v8 =	vsel vm1, v9, v8  }
0x189: {  	s8 =	sadd.s32 $0x30, s30;
	v58 =	vld [tilespmem:s0+$0x0];
	vm3 =	vlt.s32 v8, $0x1F4  }
0x18a: {  	v59 =	vld [tilespmem:s0+$0x80];
	s9 =	sor.u32 $0x100, s8;
	vm2 =	vmand vm2, vm3  }
0x18b: {  	s11 =	sor.u32 $0x180, s8;
	v60 =	vld [tilespmem:s9+$0x1400];
	vm1 =	vmor vm1, vm2  }
0x18c: {  	v12 =	vld [tilespmem:s11+$0x1400];
	_ =	sdelay $0x4  }
0x18d: {  	p2 =	sne.s32 s29, $0x4F00;
	v61 =	vsub.f32 v60, v58;
	v62 =	vsub.f32 v12, v59;
	[tilespmem:v8+s17+$0x0] =	vst.idx.msk vm1, v7  }
.Ltmp14:
0x18e: {  	[tilespmem:v8+s18+$0x0] =	vst.idx.msk vm1, v58;
	(pc) =	sbr.rel @p2 .LBB2_26-.Ltmp14, $4  }
0x18f: {  	v63 =	vmax.f32 v62, $0.0e+00;
	v7 =	vmax.f32 v61, $0.0e+00;
	[tilespmem:v8+s19+$0x0] =	vst.idx.msk vm1, v59  }
0x190: {  	p1 =	por !p1, !p1;
	v7 =	vmul.f32 v63, v7;
	[tilespmem:v8+s20+$0x0] =	vst.idx.msk vm1, v60;
	s30 =	spop (v2sf)  }
0x191: {  	s29 =	sadd.s32 $0x100, s29;
	[tilespmem:v8+s21+$0x0] =	vst.idx.msk vm1, v12;
	s31 =	sand.u32 $0xFFFF, s30;
	s0 =	sshra.s32 s30, $0x10  }
0x192: {  	s28 =	sadd.s32 $0x40, s28;
	[tilespmem:v8+s22+$0x0] =	vst.idx.msk vm1, v7;
	s11 =	sadd.s32 s2, s31;
	s8 =	sadd.s32 s4, s0  }
0x193: {  	s0 =	simm.s32 $0x6C20  }
0x194: {  	v5 =	vld [tilespmem:s0+$0xFFFFFFE0];
	_ =	sdelay $0x1  }
0x195: {  	v8 =	vld [tilespmem:s0+$0xFFFFFFF0];
	_ =	sdelay $0x1  }
0x196: {  	v9 =	vimm.f32 $-2.000000000e+00;
	v7 =	vld [tilespmem:s0+$0x0]  }
0x197: {  	vm1 =	vgt.f32 v5, v9  }
0x198: {  	v9 =	vsel vm1, v5, v9;
	v5 =	vld [tilespmem:s0+$0x10]  }
0x199: {  	s3 =	simm.s32 $0x1;
	s2 =	simm.s32 $0x6C60;
	v10 =	vsel vm1, s25, v6;
	vm1 =	vgt.f32 v8, v9  }
0x19a: {  	s8 =	simm.s32 $0x8;
	s0 =	simm.s32 $0x4;
	v6 =	vld [tilespmem:s2+$0xFFFFFFE0];
	v9 =	vsel vm1, v8, v9;
	v8 =	vsel vm1, s3, v10  }
.LBB2_28:
0x19b: {  	p1 =	sne.s32 s8, $0x1C;
	s3 =	sadd.s32 $0x2, s25;
	vm1 =	vgt.f32 v7, v9  }
0x19c: {  	v10 =	vld [tilespmem:s2+$0xFFFFFFF0];
	v9 =	vsel vm1, v7, v9;
	v8 =	vsel vm1, s3, v8  }
0x19d: {  	s3 =	sadd.s32 $0x3, s25;
	s25 =	smov.u32 s0;
	s0 =	smov.u32 s8;
	vm1 =	vgt.f32 v5, v9  }
.Ltmp15:
0x19e: {  	v7 =	vld [tilespmem:s2+$0x0];
	v5 =	vsel vm1, v5, v9;
	v8 =	vsel vm1, s3, v8;
	(pc) =	sbr.rel @p1 .LBB2_28-.Ltmp15, $4  }
0x19f: {  	vm1 =	vgt.f32 v6, v5  }
0x1a0: {  	v9 =	vsel vm1, v6, v5;
	v8 =	vsel vm1, s25, v8;
	v5 =	vld [tilespmem:s2+$0x10]  }
0x1a1: {  	s3 =	sadd.s32 $0x1, s25;
	s2 =	sadd.s32 $0x40, s2;
	vm1 =	vgt.f32 v10, v9  }
0x1a2: {  	s8 =	sadd.s32 $0x4, s8;
	v6 =	vld [tilespmem:s2+$0xFFFFFFE0];
	v9 =	vsel vm1, v10, v9;
	v8 =	vsel vm1, s3, v8  }
0x1a3: {  	vm1 =	vgt.f32 v7, v9  }
0x1a4: {  	v10 =	vld [tilespmem:s2+$0xFFFFFFF0];
	v7 =	vsel vm1, v7, v9  }
0x1a5: {  	vm2 =	vgt.f32 v5, v7  }
0x1a6: {  	v63 =	vld [tilespmem:s2+$0x0];
	v5 =	vsel vm2, v5, v7  }
0x1a7: {  	vm3 =	vgt.f32 v6, v5  }
0x1a8: {  	s3 =	sadd.s32 $0x2, s25;
	v5 =	vsel vm3, v6, v5;
	v6 =	vld [tilespmem:s2+$0x10]  }
0x1a9: {  	s28 =	sadd.s32 $0x3, s25;
	v7 =	vsel vm1, s3, v8;
	vm1 =	vgt.f32 v10, v5  }
0x1aa: {  	v7 =	vsel vm2, s28, v7;
	v5 =	vsel vm1, v10, v5  }
0x1ab: {  	s29 =	sadd.s32 $0x1, s0;
	v7 =	vsel vm3, s0, v7;
	vm2 =	vgt.f32 v63, v5  }
0x1ac: {  	s30 =	sadd.s32 $0x2, s0;
	v7 =	vsel vm1, s29, v7;
	v5 =	vsel vm2, v63, v5  }
0x1ad: {  	s31 =	sadd.s32 $0x3, s0;
	v7 =	vsel vm2, s30, v7;
	vm1 =	vgt.f32 v6, v5  }
0x1ae: {  	s25 =	simm.s32 $0x0;
	s26 =	simm.s32 $0x0;
	v6 =	vsel vm1, v6, v5;
	v7 =	vsel vm1, s31, v7  }
.LBB2_30:
0x1af: {  	(xrf0) =	vmax.scan.msk.f32 $0xffff, v6;
	_ =	sdelay $0x5  }
0x1b0: {  	v8, _, _ =	vpop (xrf0)  }
0x1b1: {  	v12 =	vbroadcast v8, $0xF  }
0x1b2: {  	v7 =	vshll.u32 v7, $0x4;
	v5 =	vor.u32 $0x80000000, v2  }
0x1b3: {  	vm1 =	veq.f32 v6, v12;
	v6 =	vxor.u32 v5, v7  }
0x1b4: {  	v6 =	vnsel vm1, $0x800F4240, v6  }
0x1b5: {  	(xrf0) =	vmin.scan.msk.u32 $0xffff, v6;
	_ =	sdelay $0x5  }
0x1b6: {  	(v2sf) =	vpush v8, $0xF;
	v6, _, _ =	vpop (xrf0)  }
0x1b7: {  	(v2sf) =	vpush v6, $0xF;
	_ =	sdelay $0xd  }
0x1b8: {  	s0 =	spop (v2sf)  }
0x1b9: {  	s2 =	spop (v2sf)  }
0x1ba: {  	s2 =	sxor.u32 $0x80000000, s2  }
0x1bb: {  	p1 =	sgt.f32 s0, $5.000000070e-02;
	v6 =	vmov s2  }
0x1bc: {  	vm2 =	vmmov vm0  }
0x1bd: {  	vm1 =	vmmov $0x1;
	vm2 =	vmneg @p1 vm2  }
0x1be: {  	vm3 =	vmand vm2, vm1  }
0x1bf: {  	v13 =	vmov s26  }
0x1c0: {  	v9 =	vld.idx.msk [tilespmem:v6+s18+$0x0], $0xffff  }
0x1c1: {  	v7 =	vld.idx.msk [tilespmem:v6+s19+$0x0], $0xffff  }
0x1c2: {  	v10 =	vld.idx.msk [tilespmem:v6+s20+$0x0], $0xffff  }
0x1c3: {  	v8 =	vld.idx.msk [tilespmem:v6+s21+$0x0], $0xffff  }
0x1c4: {  	s0 =	simm.s32 $0x0;
	v11 =	vld.idx.msk [tilespmem:v6+s22+$0x0], $0xffff;
	[tilespmem:v13+s23+$0x0] =	vst.idx.msk vm3, v12  }
0x1c5: {  	v12 =	vld [tilespmem:s0+$0x7630]  }
0x1c6: {  	v13 =	vld [tilespmem:s0+$0x7620]  }
0x1c7: {  	v14 =	vld [tilespmem:s0+$0x7610]  }
0x1c8: {  	v15 =	vld [tilespmem:s0+$0x6E30]  }
0x1c9: {  	v16 =	vld [tilespmem:s0+$0x7230]  }
0x1ca: {  	v18 =	vld [tilespmem:s0+$0x7600]  }
0x1cb: {  	v19 =	vld [tilespmem:s0+$0x6E20]  }
0x1cc: {  	v21 =	vld [tilespmem:s0+$0x7220]  }
0x1cd: {  	v22 =	vld [tilespmem:s0+$0x7420]  }
0x1ce: {  	v23 =	vld [tilespmem:s0+$0x6E10]  }
0x1cf: {  	v24 =	vld [tilespmem:s0+$0x6E00]  }
0x1d0: {  	v25 =	vld [tilespmem:s0+$0x7200]  }
0x1d1: {  	s9 =	simm.s32 $0x20;
	v26 =	vld [tilespmem:s0+$0x7400]  }
0x1d2: {  	v27 =	vimm.f32 $-2.000000000e+00;
	v31 =	vor.u32 s9, v2;
	v29 =	vld [tilespmem:s0+$0x7000]  }
0x1d3: {  	v28 =	vor.u32 s25, v2;
	vm12 =	veq.s32 v6, v31;
	v30 =	vld [tilespmem:s0+$0x7210];
	v13 =	vadd.f32 v13, v11  }
0x1d4: {  	vm3 =	veq.s32 v6, v28;
	v20 =	vld [tilespmem:s0+$0x7020];
	v12 =	vadd.f32 v12, v11;
	v33 =	vadd.f32 v14, v11  }
0x1d5: {  	v32 =	vld [tilespmem:s0+$0x7410];
	v14 =	vmin.f32 v16, v10;
	v15 =	vmax.f32 v15, v9;
	v16 =	vadd.f32 v18, v11  }
0x1d6: {  	v18 =	vld [tilespmem:s0+$0x7010];
	v21 =	vmin.f32 v21, v10;
	v19 =	vmax.f32 v19, v9;
	v22 =	vmin.f32 v22, v8  }
0x1d7: {  	v25 =	vmin.f32 v25, v10;
	v24 =	vmax.f32 v24, v9;
	v26 =	vmin.f32 v26, v8  }
0x1d8: {  	v17 =	vld [tilespmem:s0+$0x7430];
	v29 =	vmax.f32 v29, v7;
	v30 =	vmin.f32 v30, v10;
	v23 =	vmax.f32 v23, v9  }
0x1d9: {  	v20 =	vmax.f32 v20, v7;
	v24 =	vsub.f32 v25, v24;
	v25 =	vsub.f32 v26, v29  }
0x1da: {  	v34 =	vld [tilespmem:s0+$0x7030];
	v26 =	vmin.f32 v32, v8;
	v23 =	vsub.f32 v30, v23;
	v19 =	vsub.f32 v21, v19  }
0x1db: {  	v24 =	vmax.f32 v24, $0.0e+00;
	v25 =	vmax.f32 v25, $0.0e+00;
	v18 =	vmax.f32 v18, v7  }
0x1dc: {  	s28 =	simm.s32 $0x40;
	v20 =	vsub.f32 v22, v20;
	v24 =	vmul.f32 v25, v24;
	v18 =	vsub.f32 v26, v18  }
0x1dd: {  	v61 =	vld [tilespmem:s28+$0x7630];
	v17 =	vmin.f32 v17, v8;
	v22 =	vmax.f32 v23, $0.0e+00;
	v19 =	vmax.f32 v19, $0.0e+00  }
0x1de: {  	v62 =	vld [tilespmem:s28+$0x7610];
	v20 =	vmax.f32 v20, $0.0e+00;
	v16 =	vsub.f32 v16, v24;
	v18 =	vmax.f32 v18, $0.0e+00  }
0x1df: {  	v35 =	vld [tilespmem:s28+$0x6E30];
	v25 =	vmax.f32 v34, v7;
	v19 =	vmul.f32 v20, v19;
	v18 =	vmul.f32 v18, v22  }
0x1e0: {  	v63 =	vld [tilespmem:s28+$0x7230];
	v15 =	vsub.f32 v14, v15;
	v17 =	vsub.f32 v17, v25;
	v16 =	vmax.f32 v16, $9.999999710e-10  }
0x1e1: {  	s3 =	simm.s32 $0x30;
	v21 =	vld [tilespmem:s28+$0x7620];
	v13 =	vsub.f32 v13, v19;
	v16 =	vmul.f32 $5.000000000e-01, v16;
	v20 =	vsub.f32 v33, v18  }
0x1e2: {  	v23 =	vmax.f32 v15, $0.0e+00;
	v26 =	vor.u32 s3, v2;
	v17 =	vmax.f32 v17, $0.0e+00;
	v22 =	vld [tilespmem:s0+$0x6C00]  }
0x1e3: {  	s11 =	simm.s32 $0x10;
	v14 =	vld [tilespmem:s28+$0x7030];
	v13 =	vmax.f32 v13, $9.999999710e-10;
	vm4 =	vgt.f32 v24, v16;
	v20 =	vmax.f32 v20, $9.999999710e-10  }
0x1e4: {  	v16 =	vmul.f32 v17, v23;
	v23 =	vld [tilespmem:s0+$0x6C10];
	v24 =	vor.u32 s11, v2;
	v20 =	vmul.f32 $5.000000000e-01, v20  }
0x1e5: {  	v15 =	vld [tilespmem:s28+$0x7430];
	v13 =	vmul.f32 $5.000000000e-01, v13;
	vm3 =	vmor vm3, vm4;
	vm11 =	veq.s32 v6, v24  }
0x1e6: {  	v24 =	vld [tilespmem:s0+$0x6C20];
	vm3 =	vmand vm2, vm3;
	v12 =	vsub.f32 v12, v16;
	vm5 =	vgt.f32 v18, v20  }
0x1e7: {  	v17 =	vld [tilespmem:s28+$0x7600];
	vm13 =	vgt.f32 v19, v13;
	v22 =	vsel vm3, $0xBF800000, v22;
	vm3 =	vmor vm11, vm5  }
0x1e8: {  	v19 =	vld [tilespmem:s0+$0x6C30];
	vm4 =	vmor vm12, vm13;
	v12 =	vmax.f32 v12, $9.999999710e-10;
	vm3 =	vmand vm2, vm3  }
0x1e9: {  	v18 =	vld [tilespmem:s28+$0x6E20];
	[tilespmem:s0+$0x6C00] =	vst v22;
	v12 =	vmul.f32 $5.000000000e-01, v12;
	v13 =	vsel vm3, $0xBF800000, v23;
	vm3 =	vgt.f32 v22, v27  }
0x1ea: {  	vm14 =	veq.s32 v6, v26;
	vm4 =	vmand vm2, vm4;
	v20 =	vld [tilespmem:s28+$0x7020];
	v22 =	vsel vm3, v22, v27  }
0x1eb: {  	v25 =	vld [tilespmem:s28+$0x7220];
	vm6 =	vgt.f32 v16, v12;
	v12 =	vsel vm4, $0xBF800000, v24;
	[tilespmem:s0+$0x6C10] =	vst v13;
	vm7 =	vgt.f32 v13, v22  }
0x1ec: {  	v16 =	vimm.s32 $0x0;
	vm15 =	vmor vm14, vm6;
	v26 =	vld [tilespmem:s28+$0x7420];
	v13 =	vsel vm7, v13, v22  }
0x1ed: {  	v16 =	vsel vm3, s25, v16;
	vm4 =	vmand vm2, vm15;
	v27 =	vld [tilespmem:s28+$0x6E10];
	[tilespmem:s0+$0x6C20] =	vst v12;
	vm3 =	vgt.f32 v12, v13  }
0x1ee: {  	s4 =	simm.s32 $0x1;
	v34 =	vmax.f32 v35, v9;
	v29 =	vld [tilespmem:s28+$0x7210];
	v12 =	vsel vm3, v12, v13;
	v13 =	vsel vm4, $0xBF800000, v19  }
0x1ef: {  	s8 =	simm.s32 $0x2;
	v33 =	vmin.f32 v63, v10;
	v24 =	vadd.f32 v62, v11;
	v16 =	vsel vm7, s4, v16;
	v28 =	vld [tilespmem:s28+$0x7410];
	[tilespmem:s0+$0x6C30] =	vst v13  }
0x1f0: {  	s31 =	simm.s32 $0x40;
	s9 =	simm.s32 $0x70;
	v23 =	vadd.f32 v61, v11;
	v22 =	vsel vm3, s8, v16;
	vm3 =	vgt.f32 v13, v12;
	v30 =	vld [tilespmem:s28+$0x6E00]  }
0x1f1: {  	s29 =	simm.s32 $0x1;
	s3 =	simm.s32 $0x3;
	s11 =	simm.s32 $0x60;
	v19 =	vor.u32 s31, v2;
	v16 =	vor.u32 s9, v2;
	v13 =	vsel vm3, v13, v12;
	v31 =	vld [tilespmem:s28+$0x7200]  }
0x1f2: {  	s30 =	simm.s32 $0x0;
	s29 =	simm.s32 @!p1 $0x0;
	s0 =	simm.s32 $0x200;
	v12 =	vsel vm3, s3, v22;
	v22 =	vadd.f32 v21, v11;
	v21 =	vor.u32 s11, v2;
	v32 =	vld [tilespmem:s28+$0x7400]  }
.LBB2_31:
0x1f3: {  	p2 =	sne.s32 s0, $0x700;
	v35 =	vld [tilespmem:s28+$0x7000];
	v17 =	vadd.f32 v17, v11;
	v15 =	vmin.f32 v15, v8;
	v14 =	vmax.f32 v14, v7  }
0x1f4: {  	v25 =	vmin.f32 v25, v10;
	v18 =	vmax.f32 v18, v9;
	v26 =	vmin.f32 v26, v8;
	v36 =	vld [tilespmem:s28+$0x7010]  }
0x1f5: {  	v29 =	vmin.f32 v29, v10;
	v27 =	vmax.f32 v27, v9;
	v20 =	vmax.f32 v20, v7  }
0x1f6: {  	v28 =	vmin.f32 v28, v8;
	v30 =	vmax.f32 v30, v9;
	v31 =	vmin.f32 v31, v10  }
0x1f7: {  	v33 =	vsub.f32 v33, v34;
	v14 =	vsub.f32 v15, v14;
	v32 =	vmin.f32 v32, v8  }
0x1f8: {  	v18 =	vsub.f32 v25, v18;
	v20 =	vsub.f32 v26, v20;
	v15 =	vmax.f32 v35, v7  }
0x1f9: {  	v25 =	vsub.f32 v31, v30;
	v15 =	vsub.f32 v32, v15;
	v26 =	vmax.f32 v36, v7  }
0x1fa: {  	s2 =	sshra.s32 s0, $0x2;
	v27 =	vsub.f32 v29, v27;
	v26 =	vsub.f32 v28, v26;
	v28 =	vmax.f32 v33, $0.0e+00  }
0x1fb: {  	v14 =	vmax.f32 v14, $0.0e+00;
	v25 =	vmax.f32 v25, $0.0e+00;
	v32 =	vld [tilespmem:s2+$0x7630];
	v15 =	vmax.f32 v15, $0.0e+00  }
0x1fc: {  	v33 =	vld [tilespmem:s2+$0x7620];
	v25 =	vmul.f32 v15, v25;
	v15 =	vmax.f32 v18, $0.0e+00;
	v18 =	vmax.f32 v20, $0.0e+00  }
0x1fd: {  	v20 =	vmax.f32 v27, $0.0e+00;
	v26 =	vmax.f32 v26, $0.0e+00;
	v27 =	vmul.f32 v14, v28;
	v34 =	vld [tilespmem:s2+$0x7610]  }
0x1fe: {  	s3 =	sadd.s32 $0x10, s31;
	v20 =	vmul.f32 v26, v20;
	v26 =	vmul.f32 v18, v15;
	v35 =	vld [tilespmem:s2+$0x6E30];
	v17 =	vsub.f32 v17, v25  }
0x1ff: {  	vm4 =	veq.s32 v6, v19;
	v18 =	vor.u32 s3, v2;
	v19 =	vsub.f32 v23, v27;
	v14 =	vld [tilespmem:s2+$0x7030]  }
0x200: {  	v22 =	vsub.f32 v22, v26;
	v36 =	vld [tilespmem:s2+$0x7230];
	v15 =	vmax.f32 v17, $9.999999710e-10;
	v17 =	vsub.f32 v24, v20  }
0x201: {  	vm5 =	veq.s32 v6, v21;
	vm3 =	veq.s32 v6, v16;
	v23 =	vmul.f32 $5.000000000e-01, v15;
	v24 =	vld [tilespmem:s28+$0x6C00]  }
0x202: {  	v21 =	vmax.f32 v22, $9.999999710e-10;
	v15 =	vld [tilespmem:s2+$0x7430];
	v16 =	vmax.f32 v17, $9.999999710e-10;
	v17 =	vmax.f32 v19, $9.999999710e-10  }
0x203: {  	vm6 =	vgt.f32 v25, v23;
	v16 =	vmul.f32 $5.000000000e-01, v16;
	v19 =	vld [tilespmem:s28+$0x6C10];
	v22 =	vmul.f32 $5.000000000e-01, v17  }
0x204: {  	v21 =	vmul.f32 $5.000000000e-01, v21;
	v17 =	vld [tilespmem:s2+$0x7600];
	vm4 =	vmor vm4, vm6;
	vm6 =	veq.s32 v6, v18  }
0x205: {  	vm4 =	vmand vm2, vm4;
	vm7 =	vgt.f32 v20, v16;
	v16 =	vld [tilespmem:s28+$0x6C20];
	vm8 =	vgt.f32 v27, v22  }
0x206: {  	v18 =	vld [tilespmem:s2+$0x6E20];
	v22 =	vsel vm4, $0xBF800000, v24;
	vm4 =	vmor vm6, vm7;
	vm6 =	vgt.f32 v26, v21  }
0x207: {  	s30 =	sadd.s32 $0x4, s30;
	[tilespmem:s28+$0x6C00] =	vst v22;
	vm7 =	vgt.f32 v22, v13;
	vm4 =	vmand vm2, vm4;
	vm5 =	vmor vm5, vm6;
	v21 =	vld [tilespmem:s28+$0x6C30]  }
0x208: {  	v20 =	vld [tilespmem:s2+$0x7020];
	v13 =	vsel vm7, v22, v13;
	v12 =	vsel vm7, s30, v12;
	v19 =	vsel vm4, $0xBF800000, v19  }
0x209: {  	s3 =	sadd.s32 $0x1, s30;
	vm3 =	vmor vm3, vm8;
	vm5 =	vmand vm2, vm5;
	v25 =	vld [tilespmem:s2+$0x7220];
	[tilespmem:s28+$0x6C10] =	vst v19;
	vm4 =	vgt.f32 v19, v13  }
0x20a: {  	v26 =	vld [tilespmem:s2+$0x7420];
	v13 =	vsel vm4, v19, v13;
	v12 =	vsel vm4, s3, v12;
	v16 =	vsel vm5, $0xBF800000, v16  }
0x20b: {  	vm3 =	vmand vm2, vm3;
	s3 =	sadd.s32 $0x2, s30;
	v27 =	vld [tilespmem:s2+$0x6E10];
	[tilespmem:s28+$0x6C20] =	vst v16;
	vm4 =	vgt.f32 v16, v13  }
.Ltmp16:
0x20c: {  	s31 =	sadd.s32 $0x40, s31;
	v29 =	vld [tilespmem:s2+$0x7210];
	v13 =	vsel vm4, v16, v13;
	v12 =	vsel vm4, s3, v12;
	v21 =	vsel vm3, $0xBF800000, v21;
	(pc) =	sbr.rel @p2 .LBB2_31-.Ltmp16, $4  }
0x20d: {  	s4 =	sadd.s32 $0x3, s30;
	v19 =	vor.u32 s31, v2;
	s3 =	sadd.s32 $0x30, s31;
	v28 =	vld [tilespmem:s2+$0x7410];
	[tilespmem:s28+$0x6C30] =	vst v21;
	vm3 =	vgt.f32 v21, v13;
	s28 =	smov.u32 s2  }
0x20e: {  	s2 =	sadd.s32 $0x20, s31;
	v16 =	vor.u32 s3, v2;
	v30 =	vld [tilespmem:s28+$0x6E00];
	v13 =	vsel vm3, v21, v13;
	v12 =	vsel vm3, s4, v12  }
0x20f: {  	v23 =	vadd.f32 v32, v11;
	v22 =	vadd.f32 v33, v11;
	v21 =	vor.u32 s2, v2;
	v31 =	vld [tilespmem:s28+$0x7200]  }
0x210: {  	s0 =	sadd.s32 $0x100, s0;
	v24 =	vadd.f32 v34, v11;
	v34 =	vmax.f32 v35, v9;
	v33 =	vmin.f32 v36, v10;
	v32 =	vld [tilespmem:s28+$0x7400]  }
0x211: {  	v35 =	vld [tilespmem:s28+$0x7000];
	v11 =	vadd.f32 v17, v11  }
0x212: {  	v15 =	vmin.f32 v15, v8;
	v14 =	vmax.f32 v14, v7;
	v41 =	vmin.f32 v25, v10;
	v42 =	vld [tilespmem:s28+$0x7010]  }
0x213: {  	v18 =	vmax.f32 v18, v9;
	v26 =	vmin.f32 v26, v8;
	v29 =	vmin.f32 v29, v10  }
0x214: {  	v27 =	vmax.f32 v27, v9;
	v46 =	vsub.f32 v33, v34;
	v20 =	vmax.f32 v20, v7  }
0x215: {  	v14 =	vsub.f32 v15, v14;
	v44 =	vmax.f32 v30, v9;
	v43 =	vmin.f32 v31, v10  }
0x216: {  	v45 =	vmin.f32 v32, v8;
	v9 =	vsub.f32 v43, v44;
	v47 =	vmax.f32 v35, v7  }
0x217: {  	v8 =	vmin.f32 v28, v8;
	v7 =	vmax.f32 v42, v7;
	v48 =	vsub.f32 v45, v47  }
0x218: {  	vm3 =	veq.s32 v6, v19;
	v50 =	vsub.f32 v29, v27;
	v7 =	vsub.f32 v8, v7  }
0x219: {  	v49 =	vsub.f32 v41, v18;
	v9 =	vmax.f32 v9, $0.0e+00;
	v10 =	vmax.f32 v48, $0.0e+00  }
0x21a: {  	v17 =	vmax.f32 v50, $0.0e+00;
	v7 =	vmax.f32 v7, $0.0e+00;
	v8 =	vmul.f32 v10, v9  }
0x21b: {  	v51 =	vsub.f32 v26, v20;
	v52 =	vmax.f32 v46, $0.0e+00;
	v7 =	vmul.f32 v7, v17  }
0x21c: {  	v14 =	vmax.f32 v14, $0.0e+00;
	v15 =	vmax.f32 v49, $0.0e+00;
	v11 =	vsub.f32 v11, v8  }
0x21d: {  	v9 =	vmax.f32 v51, $0.0e+00;
	v10 =	vmul.f32 v14, v52;
	v53 =	vsub.f32 v24, v7  }
0x21e: {  	vm4 =	veq.s32 v6, v21;
	v9 =	vmul.f32 v9, v15;
	v11 =	vmax.f32 v11, $9.999999710e-10  }
0x21f: {  	s0 =	sadd.s32 $0x10, s31;
	v54 =	vld [tilespmem:s28+$0x6C00];
	v56 =	vsub.f32 v23, v10;
	v14 =	vmax.f32 v53, $9.999999710e-10;
	v11 =	vmul.f32 $5.000000000e-01, v11  }
0x220: {  	v55 =	vor.u32 s0, v2;
	v57 =	vsub.f32 v22, v9;
	v58 =	vmul.f32 $5.000000000e-01, v14  }
0x221: {  	v59 =	vld [tilespmem:s28+$0x6C10];
	vm12 =	veq.s32 v6, v55;
	v18 =	vmax.f32 v56, $9.999999710e-10;
	vm5 =	vgt.f32 v8, v11  }
0x222: {  	v8 =	vmax.f32 v57, $9.999999710e-10;
	vm6 =	vgt.f32 v7, v58;
	vm3 =	vmor vm3, vm5  }
0x223: {  	v7 =	vld [tilespmem:s28+$0x6C20];
	v8 =	vmul.f32 $5.000000000e-01, v8;
	vm5 =	vmor vm12, vm6;
	vm3 =	vmand vm2, vm3  }
0x224: {  	vm5 =	vmand vm2, vm5;
	v60 =	vsel vm3, $0xBF800000, v54;
	vm3 =	veq.s32 v6, v16  }
0x225: {  	s26 =	sadd.s32 s29, s26;
	v6 =	vmul.f32 $5.000000000e-01, v18;
	vm13 =	vgt.f32 v9, v8;
	v8 =	vld [tilespmem:s28+$0x6C30];
	vm7 =	vgt.f32 v60, v13  }
0x226: {  	p2 =	slt.u32 @p1 s26, $0x64;
	v62 =	vsel vm5, $0xBF800000, v59;
	vm4 =	vmor vm4, vm13;
	v61 =	vsel vm7, v60, v13  }
0x227: {  	p1 =	por !p1, !p2;
	vm14 =	vgt.f32 v10, v6;
	vm4 =	vmand vm2, vm4;
	vm15 =	vgt.f32 v62, v61  }
.Ltmp17:
0x228: {  	s30 =	sadd.s32 $0x4, s30;
	vm3 =	vmor vm3, vm14;
	v7 =	vsel vm4, $0xBF800000, v7;
	v6 =	vsel vm15, v62, v61;
	(pc) =	sbr.rel @!p1 .LBB2_30-.Ltmp17, $4  }
0x229: {  	s2 =	sadd.s32 $0x1, s30;
	[tilespmem:s28+$0x6C00] =	vst v60;
	v63 =	vsel vm7, s30, v12;
	vm2 =	vmand vm2, vm3;
	vm4 =	vgt.f32 v7, v6  }
0x22a: {  	s31 =	sadd.s32 $0x2, s30;
	[tilespmem:s28+$0x6C10] =	vst v62;
	v9 =	vsel vm15, s2, v63;
	v8 =	vsel vm2, $0xBF800000, v8;
	v6 =	vsel vm4, v7, v6  }
0x22b: {  	s0 =	sadd.s32 $0x3, s30;
	[tilespmem:s28+$0x6C20] =	vst v7;
	v7 =	vsel vm4, s31, v9;
	vm2 =	vgt.f32 v8, v6  }
0x22c: {  	[tilespmem:s28+$0x6C30] =	vst v8;
	v6 =	vsel vm2, v8, v6;
	v7 =	vsel vm2, s0, v7  }
0x22d: {  	s0 =	simm.s32 $0x0  }
0x22e: {  	[hbm4b:s5+s0] =	stream.linear.scatter [tilespmem:s23], [sflag:$0x1], $0x80, $0x38;
	[tilespmem:$0x7880] =	vst v63  }
0x22f: {  	_ =	swait.ge [sflag:s12], $0x80  }
0x230: {  	[sflag:s12] =	ssyncset.done $0x0  }
0x231: {  	[sflag:s12] =	ssyncadd.s32 $0xFFFFFF80  }
0x232: {  	[tilespmem:s0], [sflag:$0x1] =	stream.strided.gather [hbm4b:s6+s13], $0x1400, s14, s13, $0x38;
	[tilespmem:$0x7880] =	vst v63  }
0x233: {  	_ =	swait.ge [sflag:s12], $0x1400  }
0x234: {  	[sflag:s12] =	ssyncset.done $0x0  }
0x235: {  	s2 =	simm.s32 $0x40;
	s8 =	simm.s32 $0x0;
	[sflag:s12] =	ssyncadd.s32 $0xFFFFEC00  }
.LBB2_34:
0x236: {  	p1 =	sne.s32 s2, $0xFC0;
	[tilespmem:s8+$0x6400] =	vst v0;
	s3 =	smov.u32 s2;
	s2 =	sadd.s32 $0x40, s2  }
.Ltmp18:
0x237: {  	(pc) =	sbr.rel @p1 .LBB2_34-.Ltmp18, $2  }
0x238: {  	_ =	sdelay $0x2  }
0x239: {  	s8 =	sshra.s32 s3, $0x2  }
0x23a: {  	[tilespmem:s8+$0x6400] =	vst v0  }
.LBB2_36:
0x23b: {  	s2 =	sshra.s32 s0, $0x2  }
0x23c: {  	v6 =	vld [tilespmem:s2+$0x0];
	_ =	sdelay $0x4  }
0x23d: {  	v6 =	vshrl.u32 v6, $0x14  }
0x23e: {  	v6 =	vand.u32 $0x3FF, v6;
	_ =	sdelay $0x4  }
0x23f: {  	[tilespmem:v6+s15+$0x0] =	vst.idx.add.s32.msk $0xffff, v1  }
0x240: {  	v6 =	vld [tilespmem:s2+$0x10];
	_ =	sdelay $0x4  }
0x241: {  	v6 =	vshrl.u32 v6, $0x14  }
0x242: {  	v6 =	vand.u32 $0x3FF, v6;
	_ =	sdelay $0x4  }
0x243: {  	[tilespmem:v6+s15+$0x0] =	vst.idx.add.s32.msk $0xffff, v1  }
0x244: {  	v6 =	vld [tilespmem:s2+$0x20];
	_ =	sdelay $0x4  }
0x245: {  	v6 =	vshrl.u32 v6, $0x14  }
0x246: {  	v6 =	vand.u32 $0x3FF, v6;
	_ =	sdelay $0x4  }
0x247: {  	[tilespmem:v6+s15+$0x0] =	vst.idx.add.s32.msk $0xffff, v1  }
0x248: {  	v6 =	vld [tilespmem:s2+$0x30];
	_ =	sdelay $0x4  }
0x249: {  	v6 =	vshrl.u32 v6, $0x14  }
0x24a: {  	p1 =	seq.s32 s0, $0x4F00;
	v6 =	vand.u32 $0x3FF, v6  }
.Ltmp19:
0x24b: {  	_ = 	snop;
	(pc) =	sbr.rel @!p1 .LBB2_36-.Ltmp19, $2  }
0x24c: {  	_ =	sdelay $0x2  }
0x24d: {  	s0 =	sadd.s32 $0x100, s0;
	[tilespmem:v6+s15+$0x0] =	vst.idx.add.s32.msk $0xffff, v1  }
0x24e: {  	s2 =	simm.s32 $0x0  }
0x24f: {  	v6 =	vld [tilespmem:s2+$0x6400];
	_ =	sdelay $0x4  }
0x250: {  	(xrf0) =	vadd.scan.msk.s32 $0xffff, v6;
	_ =	sdelay $0x5  }
0x251: {  	s0 =	simm.s32 $0x0;
	v6, _, _ =	vpop (xrf0)  }
0x252: {  	v6 =	vadd.s32 s0, v6  }
0x253: {  	(v2sf) =	vpush v6, $0xF;
	_ =	sdelay $0x2  }
0x254: {  	s0 =	simm.s32 $0x10;
	[tilespmem:s2+$0x6800] =	vst v6;
	s2 =	simm.s32 $0x80  }
.LBB2_38:
0x255: {  	p1 =	seq.s32 s2, $0xFC0;
	v6 =	vld [tilespmem:s0+$0x6400];
	_ =	sdelay $0x4  }
0x256: {  	(xrf0) =	vadd.scan.msk.s32 $0xffff, v6;
	_ =	sdelay $0x5  }
0x257: {  	v6, _, _ =	vpop (xrf0);
	s3 =	spop (v2sf)  }
.Ltmp20:
0x258: {  	v6 =	vadd.s32 s3, v6;
	(pc) =	sbr.rel @!p1 .LBB2_38-.Ltmp20, $2  }
0x259: {  	[tilespmem:s0+$0x6800] =	vst v6;
	(v2sf) =	vpush v6, $0xF;
	_ =	sdelay $0x2  }
0x25a: {  	s0 =	sshra.s32 s2, $0x2;
	s2 =	sadd.s32 $0x40, s2  }
0x25b: {  	v6 =	vld [tilespmem:s0+$0x6400];
	_ =	sdelay $0x4  }
0x25c: {  	(xrf0) =	vadd.scan.msk.s32 $0xffff, v6;
	_ =	sdelay $0x5  }
0x25d: {  	v6, _, _ =	vpop (xrf0);
	s2 =	spop (v2sf)  }
0x25e: {  	v6 =	vadd.s32 s2, v6  }
0x25f: {  	(v2sf) =	vpush v6, $0xF;
	_ =	sdelay $0x8  }
0x260: {  	s8 =	simm.s32 $0x6400;
	[tilespmem:s0+$0x6800] =	vst v6  }
0x261: {  	v9 =	vld [tilespmem:s8+$0x0]  }
0x262: {  	s2 =	simm.s32 $0x6800  }
0x263: {  	v8 =	vld [tilespmem:s2+$0x0]  }
0x264: {  	v7 =	vbroadcast v6, $0xF  }
0x265: {  	s11 =	simm.s32 $0x6410  }
0x266: {  	v6 =	vimm.s32 $0xFFFFFFFF;
	s0 =	simm.s32 $0x0;
	s8 =	simm.s32 $0x10;
	v9 =	vadd.s32 v7, v9;
	s26 =	spop (v2sf)  }
.LBB2_40:
0x267: {  	p1 =	sne.s32 s8, $0x3F0  }
0x268: {  	v10 =	vld [tilespmem:s11+$0x0];
	v9 =	vsub.s32 v9, v8;
	s2 =	sadd.s32 $0x10, s2;
	s3 =	smov.u32 s8;
	s8 =	sadd.s32 $0x10, s8  }
.Ltmp21:
0x269: {  	v11 =	vor.u32 s0, v2;
	v8 =	vld [tilespmem:s2+$0x0];
	vm2 =	vgt.s32 v9, $0x1F3;
	s0 =	smov.u32 s3;
	(pc) =	sbr.rel @p1 .LBB2_40-.Ltmp21, $4  }
0x26a: {  	v9 =	vnsel vm2, $0xFFFFFFFF, v11  }
0x26b: {  	vm2 =	vgt.s32 v6, v9  }
0x26c: {  	v6 =	vsel vm2, v6, v9  }
0x26d: {  	s11 =	sadd.s32 $0x10, s11;
	v9 =	vadd.s32 v7, v10  }
0x26e: {  	v7 =	vsub.s32 v9, v8  }
0x26f: {  	v8 =	vor.u32 s0, v2;
	vm2 =	vgt.s32 v7, $0x1F3  }
0x270: {  	v7 =	vnsel vm2, $0xFFFFFFFF, v8  }
0x271: {  	vm2 =	vgt.s32 v6, v7  }
0x272: {  	v6 =	vsel vm2, v6, v7  }
0x273: {  	v6 =	vxor.u32 $0x80000000, v6  }
0x274: {  	(xrf0) =	vmax.scan.msk.u32 $0xffff, v6;
	_ =	sdelay $0x5  }
0x275: {  	v6, _, _ =	vpop (xrf0)  }
0x276: {  	(v2sf) =	vpush v6, $0xF;
	_ =	sdelay $0xe  }
0x277: {  	s25 =	spop (v2sf)  }
0x278: {  	s31 =	sxor.u32 $0x80000000, s25  }
0x279: {  	v7 =	vmov s31;
	_ =	sdelay $0x4  }
0x27a: {  	s0 =	simm.s32 $0x0;
	s2 =	simm.s32 $0x40;
	s8 =	simm.s32 $0x0;
	v6 =	vld.idx.msk [tilespmem:v7+s16+$0x0], $0xffff  }
.LBB2_42:
0x27b: {  	p1 =	sne.s32 s2, $0xFC0;
	[tilespmem:s8+$0x6400] =	vst v0;
	s3 =	smov.u32 s2;
	s2 =	sadd.s32 $0x40, s2  }
.Ltmp22:
0x27c: {  	(pc) =	sbr.rel @p1 .LBB2_42-.Ltmp22, $2  }
0x27d: {  	_ =	sdelay $0x2  }
0x27e: {  	s8 =	sshra.s32 s3, $0x2  }
0x27f: {  	[tilespmem:s8+$0x6400] =	vst v0  }
.LBB2_44:
0x280: {  	s2 =	sshra.s32 s0, $0x2  }
0x281: {  	v8 =	vld [tilespmem:s2+$0x0];
	_ =	sdelay $0x4  }
0x282: {  	v9 =	vshra.s32 v8, $0x14  }
0x283: {  	v8 =	vshrl.u32 v8, $0xA;
	vm2 =	veq.s32 v9, v7  }
0x284: {  	v8 =	vand.u32 $0x3FF, v8;
	_ =	sdelay $0x4  }
0x285: {  	[tilespmem:v8+s15+$0x0] =	vst.idx.add.s32.msk vm2, v1  }
0x286: {  	v8 =	vld [tilespmem:s2+$0x10];
	_ =	sdelay $0x4  }
0x287: {  	v61 =	vshra.s32 v8, $0x14  }
0x288: {  	v8 =	vshrl.u32 v8, $0xA;
	vm2 =	veq.s32 v61, v7  }
0x289: {  	v8 =	vand.u32 $0x3FF, v8;
	_ =	sdelay $0x4  }
0x28a: {  	[tilespmem:v8+s15+$0x0] =	vst.idx.add.s32.msk vm2, v1  }
0x28b: {  	v8 =	vld [tilespmem:s2+$0x20];
	_ =	sdelay $0x4  }
0x28c: {  	v62 =	vshra.s32 v8, $0x14  }
0x28d: {  	v8 =	vshrl.u32 v8, $0xA;
	vm2 =	veq.s32 v62, v7  }
0x28e: {  	v8 =	vand.u32 $0x3FF, v8;
	_ =	sdelay $0x4  }
0x28f: {  	[tilespmem:v8+s15+$0x0] =	vst.idx.add.s32.msk vm2, v1  }
0x290: {  	v8 =	vld [tilespmem:s2+$0x30];
	_ =	sdelay $0x4  }
0x291: {  	v63 =	vshra.s32 v8, $0x14  }
0x292: {  	v8 =	vshrl.u32 v8, $0xA;
	vm2 =	veq.s32 v63, v7  }
0x293: {  	p1 =	seq.s32 s0, $0x4F00;
	v8 =	vand.u32 $0x3FF, v8  }
.Ltmp23:
0x294: {  	_ = 	snop;
	(pc) =	sbr.rel @!p1 .LBB2_44-.Ltmp23, $2  }
0x295: {  	_ =	sdelay $0x2  }
0x296: {  	s0 =	sadd.s32 $0x100, s0;
	[tilespmem:v8+s15+$0x0] =	vst.idx.add.s32.msk vm2, v1  }
0x297: {  	s2 =	simm.s32 $0x0  }
0x298: {  	v7 =	vld [tilespmem:s2+$0x6400];
	_ =	sdelay $0x4  }
0x299: {  	(xrf0) =	vadd.scan.msk.s32 $0xffff, v7;
	_ =	sdelay $0x5  }
0x29a: {  	s0 =	simm.s32 $0x0;
	v7, _, _ =	vpop (xrf0)  }
0x29b: {  	v7 =	vadd.s32 s0, v7  }
0x29c: {  	(v2sf) =	vpush v7, $0xF;
	_ =	sdelay $0x2  }
0x29d: {  	s0 =	simm.s32 $0x10;
	[tilespmem:s2+$0x6800] =	vst v7;
	s2 =	simm.s32 $0x80  }
.LBB2_46:
0x29e: {  	p1 =	seq.s32 s2, $0xFC0;
	v7 =	vld [tilespmem:s0+$0x6400];
	_ =	sdelay $0x4  }
0x29f: {  	(xrf0) =	vadd.scan.msk.s32 $0xffff, v7;
	_ =	sdelay $0x5  }
0x2a0: {  	v7, _, _ =	vpop (xrf0);
	s3 =	spop (v2sf)  }
.Ltmp24:
0x2a1: {  	v7 =	vadd.s32 s3, v7;
	(pc) =	sbr.rel @!p1 .LBB2_46-.Ltmp24, $2  }
0x2a2: {  	[tilespmem:s0+$0x6800] =	vst v7;
	(v2sf) =	vpush v7, $0xF;
	_ =	sdelay $0x2  }
0x2a3: {  	s0 =	sshra.s32 s2, $0x2;
	s2 =	sadd.s32 $0x40, s2  }
0x2a4: {  	v7 =	vld [tilespmem:s0+$0x6400];
	_ =	sdelay $0x4  }
0x2a5: {  	(xrf0) =	vadd.scan.msk.s32 $0xffff, v7;
	_ =	sdelay $0x5  }
0x2a6: {  	v7, _, _ =	vpop (xrf0);
	s2 =	spop (v2sf)  }
0x2a7: {  	v7 =	vadd.s32 s2, v7  }
0x2a8: {  	(v2sf) =	vpush v7, $0xF;
	_ =	sdelay $0x6  }
0x2a9: {  	v6 =	vxor.u32 $0x80000000, v6  }
0x2aa: {  	(xrf0) =	vmax.scan.msk.u32 $0xffff, v6;
	_ =	sdelay $0x5  }
0x2ab: {  	v6, _, _ =	vpop (xrf0)  }
0x2ac: {  	s29 =	spop (v2sf);
	(v2sf) =	vpush v6, $0xF;
	_ =	sdelay $0xc  }
0x2ad: {  	s8 =	simm.s32 $0x6400;
	[tilespmem:s0+$0x6800] =	vst v7  }
0x2ae: {  	v10 =	vld [tilespmem:s8+$0x0]  }
0x2af: {  	s2 =	simm.s32 $0x6800;
	s31 =	spop (v2sf)  }
0x2b0: {  	v9 =	vld [tilespmem:s2+$0x0];
	s0 =	sxor.u32 $0x80000000, s31  }
0x2b1: {  	v8 =	vbroadcast v7, $0xF;
	s26 =	ssub.s32 s26, s0  }
0x2b2: {  	s30 =	ssub.s32 $0x1F4, s26  }
0x2b3: {  	s11 =	simm.s32 $0x6410;
	s8 =	simm.s32 $0x10;
	v10 =	vadd.s32 v8, v10;
	v6 =	vimm.s32 $0xFFFFFFFF;
	s0 =	simm.s32 $0x0;
	v7 =	vmov s30  }
.LBB2_48:
0x2b4: {  	p1 =	sne.s32 s8, $0x3F0  }
0x2b5: {  	v11 =	vld [tilespmem:s11+$0x0];
	v10 =	vsub.s32 v10, v9;
	s2 =	sadd.s32 $0x10, s2;
	s3 =	smov.u32 s8;
	s8 =	sadd.s32 $0x10, s8  }
.Ltmp25:
0x2b6: {  	v12 =	vor.u32 s0, v2;
	v9 =	vld [tilespmem:s2+$0x0];
	vm2 =	vlt.s32 v10, v7;
	s0 =	smov.u32 s3;
	(pc) =	sbr.rel @p1 .LBB2_48-.Ltmp25, $4  }
0x2b7: {  	v10 =	vsel vm2, $0xFFFFFFFF, v12  }
0x2b8: {  	vm2 =	vgt.s32 v6, v10  }
0x2b9: {  	v6 =	vsel vm2, v6, v10  }
0x2ba: {  	s11 =	sadd.s32 $0x10, s11;
	v10 =	vadd.s32 v8, v11  }
0x2bb: {  	v8 =	vsub.s32 v10, v9  }
0x2bc: {  	v63 =	vor.u32 s0, v2;
	vm2 =	vlt.s32 v8, v7  }
0x2bd: {  	v7 =	vsel vm2, $0xFFFFFFFF, v63  }
0x2be: {  	vm2 =	vgt.s32 v6, v7  }
0x2bf: {  	v6 =	vsel vm2, v6, v7  }
0x2c0: {  	v6 =	vxor.u32 $0x80000000, v6  }
0x2c1: {  	(xrf0) =	vmax.scan.msk.u32 $0xffff, v6;
	_ =	sdelay $0x5  }
0x2c2: {  	v6, _, _ =	vpop (xrf0)  }
0x2c3: {  	(v2sf) =	vpush v6, $0xF;
	_ =	sdelay $0xe  }
0x2c4: {  	s28 =	spop (v2sf)  }
0x2c5: {  	s0 =	sxor.u32 $0x80000000, s28  }
0x2c6: {  	v6 =	vmov s0;
	_ =	sdelay $0x4  }
0x2c7: {  	s2 =	simm.s32 $0x40;
	s8 =	simm.s32 $0x0;
	v6 =	vld.idx.msk [tilespmem:v6+s16+$0x0], $0xffff  }
.LBB2_50:
0x2c8: {  	p1 =	seq.s32 s2, $0xFC0;
	[tilespmem:s8+$0x6400] =	vst v0;
	s3 =	smov.u32 s2;
	s2 =	sadd.s32 $0x40, s2  }
.Ltmp26:
0x2c9: {  	(pc) =	sbr.rel @!p1 .LBB2_50-.Ltmp26, $2  }
0x2ca: {  	_ =	sdelay $0x2  }
0x2cb: {  	s8 =	sshra.s32 s3, $0x2  }
0x2cc: {  	s2 =	sshll.u32 s25, $0xA  }
0x2cd: {  	s0 =	sor.u32 s2, s0  }
0x2ce: {  	[tilespmem:s8+$0x6400] =	vst v0;
	s2 =	simm.s32 $0x0;
	v7 =	vmov s0;
	s0 =	simm.s32 $0x0  }
.LBB2_52:
0x2cf: {  	s3 =	sshra.s32 s2, $0x2  }
0x2d0: {  	v8 =	vld [tilespmem:s3+$0x0];
	_ =	sdelay $0x4  }
0x2d1: {  	v9 =	vshra.s32 v8, $0xA  }
0x2d2: {  	vm2 =	veq.s32 v9, v7  }
0x2d3: {  	v8 =	vand.u32 $0x3FF, v8;
	_ =	sdelay $0x4  }
0x2d4: {  	[tilespmem:v8+s15+$0x0] =	vst.idx.add.s32.msk vm2, v1  }
0x2d5: {  	v8 =	vld [tilespmem:s3+$0x10];
	_ =	sdelay $0x4  }
0x2d6: {  	v61 =	vshra.s32 v8, $0xA  }
0x2d7: {  	vm2 =	veq.s32 v61, v7  }
0x2d8: {  	v8 =	vand.u32 $0x3FF, v8;
	_ =	sdelay $0x4  }
0x2d9: {  	[tilespmem:v8+s15+$0x0] =	vst.idx.add.s32.msk vm2, v1  }
0x2da: {  	v8 =	vld [tilespmem:s3+$0x20];
	_ =	sdelay $0x4  }
0x2db: {  	v62 =	vshra.s32 v8, $0xA  }
0x2dc: {  	vm2 =	veq.s32 v62, v7  }
0x2dd: {  	v8 =	vand.u32 $0x3FF, v8;
	_ =	sdelay $0x4  }
0x2de: {  	[tilespmem:v8+s15+$0x0] =	vst.idx.add.s32.msk vm2, v1  }
0x2df: {  	v8 =	vld [tilespmem:s3+$0x30];
	_ =	sdelay $0x4  }
0x2e0: {  	v63 =	vshra.s32 v8, $0xA  }
0x2e1: {  	vm2 =	veq.s32 v63, v7  }
0x2e2: {  	p1 =	seq.s32 s2, $0x4F00;
	v8 =	vand.u32 $0x3FF, v8  }
.Ltmp27:
0x2e3: {  	_ = 	snop;
	(pc) =	sbr.rel @!p1 .LBB2_52-.Ltmp27, $2  }
0x2e4: {  	_ =	sdelay $0x2  }
0x2e5: {  	s2 =	sadd.s32 $0x100, s2;
	[tilespmem:v8+s15+$0x0] =	vst.idx.add.s32.msk vm2, v1  }
0x2e6: {  	s2 =	sshra.s32 s0, $0x2  }
0x2e7: {  	v7 =	vld [tilespmem:s2+$0x6400];
	_ =	sdelay $0x4  }
0x2e8: {  	(xrf0) =	vadd.scan.msk.s32 $0xffff, v7;
	_ =	sdelay $0x5  }
0x2e9: {  	v7, _, _ =	vpop (xrf0)  }
0x2ea: {  	v7 =	vadd.s32 s0, v7  }
0x2eb: {  	(v2sf) =	vpush v7, $0xF;
	_ =	sdelay $0x1  }
0x2ec: {  	s3 =	sadd.s32 $0x40, s0  }
0x2ed: {  	s0 =	sshra.s32 s3, $0x2;
	[tilespmem:s2+$0x6800] =	vst v7;
	s2 =	sadd.s32 $0x40, s3  }
.LBB2_54:
0x2ee: {  	p1 =	seq.s32 s2, $0xFC0;
	v7 =	vld [tilespmem:s0+$0x6400];
	_ =	sdelay $0x4  }
0x2ef: {  	(xrf0) =	vadd.scan.msk.s32 $0xffff, v7;
	_ =	sdelay $0x5  }
0x2f0: {  	v7, _, _ =	vpop (xrf0);
	s3 =	spop (v2sf)  }
.Ltmp28:
0x2f1: {  	v7 =	vadd.s32 s3, v7;
	(pc) =	sbr.rel @!p1 .LBB2_54-.Ltmp28, $2  }
0x2f2: {  	[tilespmem:s0+$0x6800] =	vst v7;
	(v2sf) =	vpush v7, $0xF;
	_ =	sdelay $0x2  }
0x2f3: {  	s0 =	sshra.s32 s2, $0x2;
	s2 =	sadd.s32 $0x40, s2  }
0x2f4: {  	v7 =	vld [tilespmem:s0+$0x6400];
	_ =	sdelay $0x4  }
0x2f5: {  	(xrf0) =	vadd.scan.msk.s32 $0xffff, v7;
	_ =	sdelay $0x5  }
0x2f6: {  	v7, _, _ =	vpop (xrf0);
	s2 =	spop (v2sf)  }
0x2f7: {  	v7 =	vadd.s32 s2, v7  }
0x2f8: {  	(v2sf) =	vpush v7, $0xF;
	_ =	sdelay $0x6  }
0x2f9: {  	v6 =	vxor.u32 $0x80000000, v6  }
0x2fa: {  	(xrf0) =	vmax.scan.msk.u32 $0xffff, v6;
	_ =	sdelay $0x5  }
0x2fb: {  	v6, _, _ =	vpop (xrf0)  }
0x2fc: {  	[tilespmem:s0+$0x6800] =	vst v7;
	s0 =	spop (v2sf);
	(v2sf) =	vpush v6, $0xF;
	_ =	sdelay $0xe  }
0x2fd: {  	s31 =	spop (v2sf)  }
0x2fe: {  	s2 =	sxor.u32 $0x80000000, s31  }
0x2ff: {  	s2 =	ssub.s32 s29, s2;
	s29 =	simm.s32 $0x6400  }
0x300: {  	v10 =	vld [tilespmem:s29+$0x0]  }
0x301: {  	s11 =	simm.s32 $0x6800  }
0x302: {  	v9 =	vld [tilespmem:s11+$0x0]  }
0x303: {  	v8 =	vbroadcast v7, $0xF  }
0x304: {  	s3 =	ssub.s32 s30, s2  }
0x305: {  	s8 =	simm.s32 $0x0;
	v6 =	vimm.s32 $0xFFFFFFFF;
	s29 =	simm.s32 $0x10;
	s30 =	simm.s32 $0x6410;
	v7 =	vmov s3;
	v10 =	vadd.s32 v8, v10  }
.LBB2_56:
0x306: {  	p1 =	sne.s32 s29, $0x3F0  }
0x307: {  	v11 =	vld [tilespmem:s30+$0x0];
	v10 =	vsub.s32 v10, v9;
	s11 =	sadd.s32 $0x10, s11;
	s3 =	smov.u32 s29;
	s29 =	sadd.s32 $0x10, s29  }
.Ltmp29:
0x308: {  	v12 =	vor.u32 s8, v2;
	v9 =	vld [tilespmem:s11+$0x0];
	vm2 =	vlt.s32 v10, v7;
	s8 =	smov.u32 s3;
	(pc) =	sbr.rel @p1 .LBB2_56-.Ltmp29, $4  }
0x309: {  	v10 =	vsel vm2, $0xFFFFFFFF, v12  }
0x30a: {  	vm2 =	vgt.s32 v6, v10  }
0x30b: {  	v6 =	vsel vm2, v6, v10  }
0x30c: {  	s30 =	sadd.s32 $0x10, s30;
	v10 =	vadd.s32 v8, v11  }
0x30d: {  	v8 =	vsub.s32 v10, v9  }
0x30e: {  	v63 =	vor.u32 s8, v2;
	vm2 =	vlt.s32 v8, v7  }
0x30f: {  	v7 =	vsel vm2, $0xFFFFFFFF, v63  }
0x310: {  	vm2 =	vgt.s32 v6, v7  }
0x311: {  	v6 =	vsel vm2, v6, v7  }
0x312: {  	v6 =	vxor.u32 $0x80000000, v6  }
0x313: {  	(xrf0) =	vmax.scan.msk.u32 $0xffff, v6;
	_ =	sdelay $0x5  }
0x314: {  	v6, _, _ =	vpop (xrf0)  }
0x315: {  	(v2sf) =	vpush v6, $0xF;
	_ =	sdelay $0xe  }
0x316: {  	s3 =	spop (v2sf)  }
0x317: {  	s3 =	sxor.u32 $0x80000000, s3  }
0x318: {  	v6 =	vmov s3;
	_ =	sdelay $0x4  }
0x319: {  	v6 =	vld.idx.msk [tilespmem:v6+s16+$0x0], $0xffff;
	[tilespmem:$0x6C00] =	vst v3  }
0x31a: {  	[tilespmem:$0x6C10] =	vst v3  }
0x31b: {  	[tilespmem:$0x6C20] =	vst v3  }
0x31c: {  	[tilespmem:$0x6C30] =	vst v3  }
0x31d: {  	[tilespmem:$0x6C40] =	vst v3  }
0x31e: {  	[tilespmem:$0x6C50] =	vst v3  }
0x31f: {  	[tilespmem:$0x6C60] =	vst v3  }
0x320: {  	[tilespmem:$0x6C70] =	vst v3  }
0x321: {  	[tilespmem:$0x6C80] =	vst v3  }
0x322: {  	[tilespmem:$0x6C90] =	vst v3  }
0x323: {  	[tilespmem:$0x6CA0] =	vst v3  }
0x324: {  	[tilespmem:$0x6CB0] =	vst v3  }
0x325: {  	[tilespmem:$0x6CC0] =	vst v3  }
0x326: {  	[tilespmem:$0x6CD0] =	vst v3;
	v6 =	vxor.u32 $0x80000000, v6  }
0x327: {  	[tilespmem:$0x6CE0] =	vst v3;
	(xrf0) =	vmax.scan.msk.u32 $0xffff, v6  }
0x328: {  	[tilespmem:$0x6CF0] =	vst v3  }
0x329: {  	[tilespmem:$0x6D00] =	vst v3  }
0x32a: {  	[tilespmem:$0x6D10] =	vst v3  }
0x32b: {  	[tilespmem:$0x6D20] =	vst v3  }
0x32c: {  	[tilespmem:$0x6D30] =	vst v3  }
0x32d: {  	[tilespmem:$0x6D40] =	vst v3;
	v6, _, _ =	vpop (xrf0)  }
0x32e: {  	[tilespmem:$0x6D50] =	vst v3;
	(v2sf) =	vpush v6, $0xF  }
0x32f: {  	[tilespmem:$0x6D60] =	vst v3  }
0x330: {  	[tilespmem:$0x6D70] =	vst v3  }
0x331: {  	[tilespmem:$0x6D80] =	vst v3  }
0x332: {  	[tilespmem:$0x6D90] =	vst v3  }
0x333: {  	[tilespmem:$0x6DA0] =	vst v3  }
0x334: {  	[tilespmem:$0x6DB0] =	vst v3  }
0x335: {  	[tilespmem:$0x6DC0] =	vst v3  }
0x336: {  	[tilespmem:$0x6DD0] =	vst v3  }
0x337: {  	[tilespmem:$0x6DE0] =	vst v3  }
0x338: {  	[tilespmem:$0x6DF0] =	vst v3  }
0x339: {  	[tilespmem:$0x7800] =	vst v4  }
0x33a: {  	[tilespmem:$0x7810] =	vst v4  }
0x33b: {  	[tilespmem:$0x7820] =	vst v4  }
0x33c: {  	s30 =	sshll.u32 s25, $0x14;
	s9 =	sshll.u32 s28, $0xA;
	s2 =	sadd.s32 s26, s2;
	[tilespmem:$0x7830] =	vst v4  }
0x33d: {  	p1 =	por $0x0, $0x0;
	s25 =	simm.s32 $0x0;
	[tilespmem:$0x7840] =	vst v4;
	s4 =	spop (v2sf)  }
0x33e: {  	s28 =	simm.s32 $0x0;
	s31 =	sor.u32 s30, s9;
	[tilespmem:$0x7850] =	vst v4;
	s4 =	sxor.u32 $0x80000000, s4  }
0x33f: {  	s29 =	simm.s32 $0x0;
	s3 =	sor.u32 s3, s31;
	[tilespmem:$0x7860] =	vst v4;
	s0 =	ssub.s32 s0, s4  }
0x340: {  	s8 =	simm.s32 $0x0;
	s11 =	simm.s32 $0x0;
	[tilespmem:$0x7870] =	vst v4;
	v6 =	vmov s3;
	s26 =	sadd.s32 s0, s2  }
.LBB2_58:
0x341: {  	s0 =	sshra.s32 s29, $0x2  }
0x342: {  	v8 =	vld [tilespmem:s0+$0x0];
	_ =	sdelay $0x4  }
0x343: {  	v7 =	vimm.s32 $0x0;
	vm2 =	vgt.s32 v8, v6;
	vm3 =	veq.s32 v8, v6  }
0x344: {  	v9 =	vsel vm2, $0x1, v0;
	v10 =	vsel vm3, $0x10000, v7  }
0x345: {  	v9 =	vor.u32 v9, v10  }
0x346: {  	(xrf0) =	vadd.scan.msk.s32 $0xffff, v9;
	_ =	sdelay $0x2  }
0x347: {  	s3 =	sadd.s32 s26, s8  }
0x348: {  	v21 =	vmov s11;
	v22 =	vmov s3  }
0x349: {  	v10 =	vadd.s32 $0xFFFFFFFF, v22;
	v9 =	vadd.s32 $0xFFFFFFFF, v21  }
0x34a: {  	v10 =	vbroadcast v10, $0x0;
	v9 =	vbroadcast v9, $0x0;
	v11, _, _ =	vpop (xrf0)  }
0x34b: {  	s2 =	simm.s32 $0x1;
	s4 =	sand.u32 $0x7E00, s29;
	v12 =	vand.u32 $0xFFFF, v11;
	v13 =	vshra.s32 v11, $0x10  }
0x34c: {  	s31 =	sand.u32 $0x40, s28;
	s2 =	simm.s32 @!p1 $0x0;
	s0 =	sadd.s32 $0x1400, s4;
	v9 =	vadd.s32 v9, v12;
	v10 =	vadd.s32 v10, v13  }
0x34d: {  	s2 =	sshll.u32 s2, $0x6;
	s3 =	sor.u32 s31, s0;
	v9 =	vsel vm2, v9, v10  }
0x34e: {  	v23 =	vld [tilespmem:s3+$0x0];
	s30 =	sadd.s32 s2, s29;
	vm4 =	vlt.s32 v9, $0x1F4  }
0x34f: {  	v24 =	vld [tilespmem:s3+$0x80];
	s2 =	sor.u32 $0x100, s30;
	vm3 =	vmand vm3, vm4  }
0x350: {  	s9 =	sor.u32 $0x180, s30;
	v25 =	vld [tilespmem:s2+$0x1400];
	vm2 =	vmor vm2, vm3  }
0x351: {  	v14 =	vld [tilespmem:s9+$0x1400];
	_ =	sdelay $0x3  }
0x352: {  	(v2sf) =	vpush v11, $0xF  }
0x353: {  	v26 =	vsub.f32 v25, v23;
	v15 =	vsub.f32 v14, v24;
	[tilespmem:v9+s17+$0x0] =	vst.idx.msk vm2, v8  }
0x354: {  	[tilespmem:v9+s18+$0x0] =	vst.idx.msk vm2, v23  }
0x355: {  	v27 =	vmax.f32 v15, $0.0e+00;
	v8 =	vmax.f32 v26, $0.0e+00;
	[tilespmem:v9+s19+$0x0] =	vst.idx.msk vm2, v24  }
0x356: {  	v8 =	vmul.f32 v27, v8;
	[tilespmem:v9+s20+$0x0] =	vst.idx.msk vm2, v25  }
0x357: {  	s3 =	sor.u32 $0x10, s31;
	s2 =	sand.u32 $0x1F80, s28;
	[tilespmem:v9+s21+$0x0] =	vst.idx.msk vm2, v14  }
0x358: {  	s4 =	sor.u32 s3, s2;
	[tilespmem:v9+s22+$0x0] =	vst.idx.msk vm2, v8  }
0x359: {  	v8 =	vld [tilespmem:s4+$0x0];
	_ =	sdelay $0x4  }
0x35a: {  	vm2 =	vgt.s32 v8, v6;
	vm3 =	veq.s32 v8, v6  }
0x35b: {  	v28 =	vsel vm2, $0x1, v0;
	v29 =	vsel vm3, $0x10000, v7  }
0x35c: {  	v9 =	vor.u32 v28, v29  }
0x35d: {  	s4 =	spop (v2sf);
	(xrf0) =	vadd.scan.msk.s32 $0xffff, v9  }
0x35e: {  	s9 =	sshra.s32 s4, $0x10  }
0x35f: {  	s4 =	sand.u32 $0xFFFF, s4;
	s8 =	sadd.s32 s8, s9  }
0x360: {  	s4 =	sadd.s32 s11, s4;
	s9 =	sadd.s32 s26, s8  }
0x361: {  	v30 =	vmov s4;
	v31 =	vmov s9  }
0x362: {  	v10 =	vadd.s32 $0xFFFFFFFF, v31;
	v9 =	vadd.s32 $0xFFFFFFFF, v30  }
0x363: {  	v10 =	vbroadcast v10, $0x0;
	v9 =	vbroadcast v9, $0x0;
	v32, _, _ =	vpop (xrf0)  }
0x364: {  	v33 =	vand.u32 $0xFFFF, v32;
	v34 =	vshra.s32 v32, $0x10  }
0x365: {  	v9 =	vadd.s32 v9, v33;
	v10 =	vadd.s32 v10, v34  }
0x366: {  	s3 =	sor.u32 s3, s0;
	v9 =	vsel vm2, v9, v10  }
0x367: {  	v35 =	vld [tilespmem:s3+$0x0];
	s9 =	sadd.s32 $0x10, s30;
	vm13 =	vlt.s32 v9, $0x1F4  }
0x368: {  	v36 =	vld [tilespmem:s3+$0x80];
	s11 =	sor.u32 $0x100, s9;
	vm3 =	vmand vm3, vm13  }
0x369: {  	s9 =	sor.u32 $0x180, s9;
	v37 =	vld [tilespmem:s11+$0x1400];
	vm2 =	vmor vm2, vm3  }
0x36a: {  	v14 =	vld [tilespmem:s9+$0x1400];
	_ =	sdelay $0x3  }
0x36b: {  	(v2sf) =	vpush v32, $0xF  }
0x36c: {  	v38 =	vsub.f32 v37, v35;
	v39 =	vsub.f32 v14, v36;
	[tilespmem:v9+s17+$0x0] =	vst.idx.msk vm2, v8  }
0x36d: {  	[tilespmem:v9+s18+$0x0] =	vst.idx.msk vm2, v35  }
0x36e: {  	v40 =	vmax.f32 v39, $0.0e+00;
	v8 =	vmax.f32 v38, $0.0e+00;
	[tilespmem:v9+s19+$0x0] =	vst.idx.msk vm2, v36  }
0x36f: {  	v8 =	vmul.f32 v40, v8;
	[tilespmem:v9+s20+$0x0] =	vst.idx.msk vm2, v37  }
0x370: {  	s3 =	sor.u32 $0x20, s31;
	[tilespmem:v9+s21+$0x0] =	vst.idx.msk vm2, v14  }
0x371: {  	s11 =	sor.u32 s3, s2;
	[tilespmem:v9+s22+$0x0] =	vst.idx.msk vm2, v8  }
0x372: {  	v8 =	vld [tilespmem:s11+$0x0];
	_ =	sdelay $0x4  }
0x373: {  	vm2 =	vgt.s32 v8, v6;
	vm3 =	veq.s32 v8, v6  }
0x374: {  	v41 =	vsel vm2, $0x1, v0;
	v42 =	vsel vm3, $0x10000, v7  }
0x375: {  	v9 =	vor.u32 v41, v42  }
0x376: {  	s9 =	spop (v2sf);
	(xrf0) =	vadd.scan.msk.s32 $0xffff, v9  }
0x377: {  	s11 =	sshra.s32 s9, $0x10  }
0x378: {  	s9 =	sand.u32 $0xFFFF, s9;
	s8 =	sadd.s32 s8, s11  }
0x379: {  	s4 =	sadd.s32 s4, s9;
	s11 =	sadd.s32 s26, s8  }
0x37a: {  	v43 =	vmov s4;
	v44 =	vmov s11  }
0x37b: {  	v10 =	vadd.s32 $0xFFFFFFFF, v44;
	v9 =	vadd.s32 $0xFFFFFFFF, v43  }
0x37c: {  	v10 =	vbroadcast v10, $0x0;
	v9 =	vbroadcast v9, $0x0;
	v45, _, _ =	vpop (xrf0)  }
0x37d: {  	v46 =	vand.u32 $0xFFFF, v45;
	v47 =	vshra.s32 v45, $0x10  }
0x37e: {  	v9 =	vadd.s32 v9, v46;
	v10 =	vadd.s32 v10, v47  }
0x37f: {  	s3 =	sor.u32 s3, s0;
	v9 =	vsel vm2, v9, v10  }
0x380: {  	v48 =	vld [tilespmem:s3+$0x0];
	s9 =	sadd.s32 $0x20, s30;
	vm14 =	vlt.s32 v9, $0x1F4  }
0x381: {  	v49 =	vld [tilespmem:s3+$0x80];
	s11 =	sor.u32 $0x100, s9;
	vm3 =	vmand vm3, vm14  }
0x382: {  	v50 =	vld [tilespmem:s11+$0x1400];
	s11 =	sor.u32 $0x180, s9;
	vm2 =	vmor vm2, vm3  }
0x383: {  	v14 =	vld [tilespmem:s11+$0x1400];
	_ =	sdelay $0x3  }
0x384: {  	v51 =	vsub.f32 v50, v48  }
0x385: {  	v16 =	vsub.f32 v14, v49;
	(v2sf) =	vpush v45, $0xF;
	[tilespmem:v9+s17+$0x0] =	vst.idx.msk vm2, v8  }
0x386: {  	[tilespmem:v9+s18+$0x0] =	vst.idx.msk vm2, v48  }
0x387: {  	v52 =	vmax.f32 v16, $0.0e+00;
	v8 =	vmax.f32 v51, $0.0e+00;
	[tilespmem:v9+s19+$0x0] =	vst.idx.msk vm2, v49  }
0x388: {  	v8 =	vmul.f32 v52, v8;
	[tilespmem:v9+s20+$0x0] =	vst.idx.msk vm2, v50  }
0x389: {  	s3 =	sor.u32 $0x30, s31;
	[tilespmem:v9+s21+$0x0] =	vst.idx.msk vm2, v14  }
0x38a: {  	s2 =	sor.u32 s3, s2;
	[tilespmem:v9+s22+$0x0] =	vst.idx.msk vm2, v8  }
0x38b: {  	v8 =	vld [tilespmem:s2+$0x0];
	_ =	sdelay $0x4  }
0x38c: {  	vm2 =	vgt.s32 v8, v6;
	vm3 =	veq.s32 v8, v6  }
0x38d: {  	v53 =	vsel vm2, $0x1, v0;
	v54 =	vsel vm3, $0x10000, v7  }
0x38e: {  	v9 =	vor.u32 v53, v54  }
0x38f: {  	(xrf0) =	vadd.scan.msk.s32 $0xffff, v9  }
0x390: {  	s9 =	spop (v2sf)  }
0x391: {  	s11 =	sshra.s32 s9, $0x10  }
0x392: {  	s2 =	sand.u32 $0xFFFF, s9;
	s8 =	sadd.s32 s8, s11  }
0x393: {  	s2 =	sadd.s32 s4, s2;
	s31 =	sadd.s32 s26, s8  }
0x394: {  	v55 =	vmov s2;
	v56 =	vmov s31  }
0x395: {  	v10 =	vadd.s32 $0xFFFFFFFF, v55;
	v11 =	vadd.s32 $0xFFFFFFFF, v56;
	v9, _, _ =	vpop (xrf0)  }
0x396: {  	v10 =	vbroadcast v10, $0x0;
	v11 =	vbroadcast v11, $0x0;
	(v2sf) =	vpush v9, $0xF  }
0x397: {  	v57 =	vand.u32 $0xFFFF, v9;
	v9 =	vshra.s32 v9, $0x10  }
0x398: {  	v10 =	vadd.s32 v10, v57;
	v9 =	vadd.s32 v11, v9  }
0x399: {  	s0 =	sor.u32 s3, s0;
	v9 =	vsel vm2, v10, v9  }
0x39a: {  	v58 =	vld [tilespmem:s0+$0x0];
	s4 =	sadd.s32 $0x30, s30;
	vm15 =	vlt.s32 v9, $0x1F4  }
0x39b: {  	v59 =	vld [tilespmem:s0+$0x80];
	s9 =	sor.u32 $0x100, s4;
	vm3 =	vmand vm3, vm15  }
0x39c: {  	s11 =	sor.u32 $0x180, s4;
	v60 =	vld [tilespmem:s9+$0x1400];
	vm2 =	vmor vm2, vm3  }
0x39d: {  	v13 =	vld [tilespmem:s11+$0x1400];
	_ =	sdelay $0x4  }
0x39e: {  	p2 =	sne.s32 s29, $0x4F00;
	v61 =	vsub.f32 v60, v58;
	v62 =	vsub.f32 v13, v59;
	[tilespmem:v9+s17+$0x0] =	vst.idx.msk vm2, v8  }
.Ltmp30:
0x39f: {  	[tilespmem:v9+s18+$0x0] =	vst.idx.msk vm2, v58;
	(pc) =	sbr.rel @p2 .LBB2_58-.Ltmp30, $4  }
0x3a0: {  	v63 =	vmax.f32 v62, $0.0e+00;
	v8 =	vmax.f32 v61, $0.0e+00;
	[tilespmem:v9+s19+$0x0] =	vst.idx.msk vm2, v59  }
0x3a1: {  	p1 =	por !p1, !p1;
	v8 =	vmul.f32 v63, v8;
	[tilespmem:v9+s20+$0x0] =	vst.idx.msk vm2, v60;
	s30 =	spop (v2sf)  }
0x3a2: {  	s29 =	sadd.s32 $0x100, s29;
	[tilespmem:v9+s21+$0x0] =	vst.idx.msk vm2, v13;
	s31 =	sand.u32 $0xFFFF, s30;
	s0 =	sshra.s32 s30, $0x10  }
0x3a3: {  	s28 =	sadd.s32 $0x40, s28;
	[tilespmem:v9+s22+$0x0] =	vst.idx.msk vm2, v8;
	s11 =	sadd.s32 s2, s31;
	s8 =	sadd.s32 s8, s0  }
0x3a4: {  	s0 =	simm.s32 $0x6C20  }
0x3a5: {  	v6 =	vld [tilespmem:s0+$0xFFFFFFE0];
	_ =	sdelay $0x1  }
0x3a6: {  	v9 =	vld [tilespmem:s0+$0xFFFFFFF0];
	_ =	sdelay $0x1  }
0x3a7: {  	v10 =	vimm.f32 $-2.000000000e+00;
	v8 =	vld [tilespmem:s0+$0x0]  }
0x3a8: {  	vm2 =	vgt.f32 v6, v10  }
0x3a9: {  	v10 =	vsel vm2, v6, v10;
	v6 =	vld [tilespmem:s0+$0x10]  }
0x3aa: {  	s3 =	simm.s32 $0x1;
	s2 =	simm.s32 $0x6C60;
	v11 =	vsel vm2, s25, v7;
	vm2 =	vgt.f32 v9, v10  }
0x3ab: {  	s8 =	simm.s32 $0x8;
	s0 =	simm.s32 $0x4;
	v7 =	vld [tilespmem:s2+$0xFFFFFFE0];
	v10 =	vsel vm2, v9, v10;
	v9 =	vsel vm2, s3, v11  }
.LBB2_60:
0x3ac: {  	p1 =	sne.s32 s8, $0x1C;
	s3 =	sadd.s32 $0x2, s25;
	vm2 =	vgt.f32 v8, v10  }
0x3ad: {  	v11 =	vld [tilespmem:s2+$0xFFFFFFF0];
	v10 =	vsel vm2, v8, v10;
	v9 =	vsel vm2, s3, v9  }
0x3ae: {  	s3 =	sadd.s32 $0x3, s25;
	s25 =	smov.u32 s0;
	s0 =	smov.u32 s8;
	vm2 =	vgt.f32 v6, v10  }
.Ltmp31:
0x3af: {  	v8 =	vld [tilespmem:s2+$0x0];
	v6 =	vsel vm2, v6, v10;
	v9 =	vsel vm2, s3, v9;
	(pc) =	sbr.rel @p1 .LBB2_60-.Ltmp31, $4  }
0x3b0: {  	vm2 =	vgt.f32 v7, v6  }
0x3b1: {  	v10 =	vsel vm2, v7, v6;
	v9 =	vsel vm2, s25, v9;
	v6 =	vld [tilespmem:s2+$0x10]  }
0x3b2: {  	s3 =	sadd.s32 $0x1, s25;
	s2 =	sadd.s32 $0x40, s2;
	vm2 =	vgt.f32 v11, v10  }
0x3b3: {  	s8 =	sadd.s32 $0x4, s8;
	v7 =	vld [tilespmem:s2+$0xFFFFFFE0];
	v10 =	vsel vm2, v11, v10;
	v9 =	vsel vm2, s3, v9  }
0x3b4: {  	vm2 =	vgt.f32 v8, v10  }
0x3b5: {  	v11 =	vld [tilespmem:s2+$0xFFFFFFF0];
	v8 =	vsel vm2, v8, v10  }
0x3b6: {  	vm3 =	vgt.f32 v6, v8  }
0x3b7: {  	v63 =	vld [tilespmem:s2+$0x0];
	v6 =	vsel vm3, v6, v8  }
0x3b8: {  	vm4 =	vgt.f32 v7, v6  }
0x3b9: {  	s3 =	sadd.s32 $0x2, s25;
	v6 =	vsel vm4, v7, v6;
	v7 =	vld [tilespmem:s2+$0x10]  }
0x3ba: {  	s28 =	sadd.s32 $0x3, s25;
	v8 =	vsel vm2, s3, v9;
	vm2 =	vgt.f32 v11, v6  }
0x3bb: {  	v8 =	vsel vm3, s28, v8;
	v6 =	vsel vm2, v11, v6  }
0x3bc: {  	s29 =	sadd.s32 $0x1, s0;
	v8 =	vsel vm4, s0, v8;
	vm3 =	vgt.f32 v63, v6  }
0x3bd: {  	s30 =	sadd.s32 $0x2, s0;
	v8 =	vsel vm2, s29, v8;
	v6 =	vsel vm3, v63, v6  }
0x3be: {  	s31 =	sadd.s32 $0x3, s0;
	v8 =	vsel vm3, s30, v8;
	vm2 =	vgt.f32 v7, v6  }
0x3bf: {  	s25 =	simm.s32 $0x0;
	s26 =	simm.s32 $0x0;
	v6 =	vsel vm2, v7, v6;
	v7 =	vsel vm2, s31, v8  }
.LBB2_62:
0x3c0: {  	(xrf0) =	vmax.scan.msk.f32 $0xffff, v6;
	_ =	sdelay $0x5  }
0x3c1: {  	v8, _, _ =	vpop (xrf0)  }
0x3c2: {  	v12 =	vbroadcast v8, $0xF  }
0x3c3: {  	v7 =	vshll.u32 v7, $0x4  }
0x3c4: {  	vm2 =	veq.f32 v6, v12;
	v6 =	vxor.u32 v5, v7  }
0x3c5: {  	v6 =	vnsel vm2, $0x800F4240, v6  }
0x3c6: {  	(xrf0) =	vmin.scan.msk.u32 $0xffff, v6;
	_ =	sdelay $0x5  }
0x3c7: {  	(v2sf) =	vpush v8, $0xF;
	v6, _, _ =	vpop (xrf0)  }
0x3c8: {  	(v2sf) =	vpush v6, $0xF;
	_ =	sdelay $0xd  }
0x3c9: {  	s0 =	spop (v2sf)  }
0x3ca: {  	s2 =	spop (v2sf)  }
0x3cb: {  	s2 =	sxor.u32 $0x80000000, s2  }
0x3cc: {  	p1 =	sgt.f32 s0, $5.000000070e-02;
	v6 =	vmov s2  }
0x3cd: {  	vm2 =	vmmov vm0  }
0x3ce: {  	vm2 =	vmneg @p1 vm2  }
0x3cf: {  	vm3 =	vmand vm2, vm1  }
0x3d0: {  	v13 =	vmov s26  }
0x3d1: {  	v9 =	vld.idx.msk [tilespmem:v6+s18+$0x0], $0xffff  }
0x3d2: {  	v7 =	vld.idx.msk [tilespmem:v6+s19+$0x0], $0xffff  }
0x3d3: {  	v10 =	vld.idx.msk [tilespmem:v6+s20+$0x0], $0xffff  }
0x3d4: {  	v8 =	vld.idx.msk [tilespmem:v6+s21+$0x0], $0xffff  }
0x3d5: {  	s0 =	simm.s32 $0x0;
	v11 =	vld.idx.msk [tilespmem:v6+s22+$0x0], $0xffff;
	[tilespmem:v13+s23+$0x0] =	vst.idx.msk vm3, v12  }
0x3d6: {  	v12 =	vld [tilespmem:s0+$0x7630]  }
0x3d7: {  	v13 =	vld [tilespmem:s0+$0x7620]  }
0x3d8: {  	v14 =	vld [tilespmem:s0+$0x7610]  }
0x3d9: {  	v15 =	vld [tilespmem:s0+$0x6E30]  }
0x3da: {  	v16 =	vld [tilespmem:s0+$0x7230]  }
0x3db: {  	v18 =	vld [tilespmem:s0+$0x7600]  }
0x3dc: {  	v19 =	vld [tilespmem:s0+$0x6E20]  }
0x3dd: {  	v21 =	vld [tilespmem:s0+$0x7220]  }
0x3de: {  	v22 =	vld [tilespmem:s0+$0x7420]  }
0x3df: {  	v23 =	vld [tilespmem:s0+$0x6E10]  }
0x3e0: {  	v24 =	vld [tilespmem:s0+$0x6E00]  }
0x3e1: {  	v25 =	vld [tilespmem:s0+$0x7200]  }
0x3e2: {  	s9 =	simm.s32 $0x20;
	v26 =	vld [tilespmem:s0+$0x7400]  }
0x3e3: {  	v27 =	vimm.f32 $-2.000000000e+00;
	v31 =	vor.u32 s9, v2;
	v29 =	vld [tilespmem:s0+$0x7000]  }
0x3e4: {  	v28 =	vor.u32 s25, v2;
	vm12 =	veq.s32 v6, v31;
	v30 =	vld [tilespmem:s0+$0x7210];
	v13 =	vadd.f32 v13, v11  }
0x3e5: {  	vm3 =	veq.s32 v6, v28;
	v20 =	vld [tilespmem:s0+$0x7020];
	v12 =	vadd.f32 v12, v11;
	v33 =	vadd.f32 v14, v11  }
0x3e6: {  	v32 =	vld [tilespmem:s0+$0x7410];
	v14 =	vmin.f32 v16, v10;
	v15 =	vmax.f32 v15, v9;
	v16 =	vadd.f32 v18, v11  }
0x3e7: {  	v18 =	vld [tilespmem:s0+$0x7010];
	v21 =	vmin.f32 v21, v10;
	v19 =	vmax.f32 v19, v9;
	v22 =	vmin.f32 v22, v8  }
0x3e8: {  	v25 =	vmin.f32 v25, v10;
	v24 =	vmax.f32 v24, v9;
	v26 =	vmin.f32 v26, v8  }
0x3e9: {  	v17 =	vld [tilespmem:s0+$0x7430];
	v29 =	vmax.f32 v29, v7;
	v30 =	vmin.f32 v30, v10;
	v23 =	vmax.f32 v23, v9  }
0x3ea: {  	v20 =	vmax.f32 v20, v7;
	v24 =	vsub.f32 v25, v24;
	v25 =	vsub.f32 v26, v29  }
0x3eb: {  	v34 =	vld [tilespmem:s0+$0x7030];
	v26 =	vmin.f32 v32, v8;
	v23 =	vsub.f32 v30, v23;
	v19 =	vsub.f32 v21, v19  }
0x3ec: {  	v24 =	vmax.f32 v24, $0.0e+00;
	v25 =	vmax.f32 v25, $0.0e+00;
	v18 =	vmax.f32 v18, v7  }
0x3ed: {  	s28 =	simm.s32 $0x40;
	v20 =	vsub.f32 v22, v20;
	v24 =	vmul.f32 v25, v24;
	v18 =	vsub.f32 v26, v18  }
0x3ee: {  	v61 =	vld [tilespmem:s28+$0x7630];
	v17 =	vmin.f32 v17, v8;
	v22 =	vmax.f32 v23, $0.0e+00;
	v19 =	vmax.f32 v19, $0.0e+00  }
0x3ef: {  	v62 =	vld [tilespmem:s28+$0x7610];
	v20 =	vmax.f32 v20, $0.0e+00;
	v16 =	vsub.f32 v16, v24;
	v18 =	vmax.f32 v18, $0.0e+00  }
0x3f0: {  	v35 =	vld [tilespmem:s28+$0x6E30];
	v25 =	vmax.f32 v34, v7;
	v19 =	vmul.f32 v20, v19;
	v18 =	vmul.f32 v18, v22  }
0x3f1: {  	v63 =	vld [tilespmem:s28+$0x7230];
	v15 =	vsub.f32 v14, v15;
	v17 =	vsub.f32 v17, v25;
	v16 =	vmax.f32 v16, $9.999999710e-10  }
0x3f2: {  	s3 =	simm.s32 $0x30;
	v21 =	vld [tilespmem:s28+$0x7620];
	v13 =	vsub.f32 v13, v19;
	v16 =	vmul.f32 $5.000000000e-01, v16;
	v20 =	vsub.f32 v33, v18  }
0x3f3: {  	v23 =	vmax.f32 v15, $0.0e+00;
	v26 =	vor.u32 s3, v2;
	v17 =	vmax.f32 v17, $0.0e+00;
	v22 =	vld [tilespmem:s0+$0x6C00]  }
0x3f4: {  	s11 =	simm.s32 $0x10;
	v14 =	vld [tilespmem:s28+$0x7030];
	v13 =	vmax.f32 v13, $9.999999710e-10;
	vm4 =	vgt.f32 v24, v16;
	v20 =	vmax.f32 v20, $9.999999710e-10  }
0x3f5: {  	v16 =	vmul.f32 v17, v23;
	v23 =	vld [tilespmem:s0+$0x6C10];
	v24 =	vor.u32 s11, v2;
	v20 =	vmul.f32 $5.000000000e-01, v20  }
0x3f6: {  	v15 =	vld [tilespmem:s28+$0x7430];
	v13 =	vmul.f32 $5.000000000e-01, v13;
	vm3 =	vmor vm3, vm4;
	vm11 =	veq.s32 v6, v24  }
0x3f7: {  	v24 =	vld [tilespmem:s0+$0x6C20];
	vm3 =	vmand vm2, vm3;
	v12 =	vsub.f32 v12, v16;
	vm5 =	vgt.f32 v18, v20  }
0x3f8: {  	v17 =	vld [tilespmem:s28+$0x7600];
	vm13 =	vgt.f32 v19, v13;
	v22 =	vsel vm3, $0xBF800000, v22;
	vm3 =	vmor vm11, vm5  }
0x3f9: {  	v19 =	vld [tilespmem:s0+$0x6C30];
	vm4 =	vmor vm12, vm13;
	v12 =	vmax.f32 v12, $9.999999710e-10;
	vm3 =	vmand vm2, vm3  }
0x3fa: {  	v18 =	vld [tilespmem:s28+$0x6E20];
	[tilespmem:s0+$0x6C00] =	vst v22;
	v12 =	vmul.f32 $5.000000000e-01, v12;
	v13 =	vsel vm3, $0xBF800000, v23;
	vm3 =	vgt.f32 v22, v27  }
0x3fb: {  	vm14 =	veq.s32 v6, v26;
	vm4 =	vmand vm2, vm4;
	v20 =	vld [tilespmem:s28+$0x7020];
	v22 =	vsel vm3, v22, v27  }
0x3fc: {  	v25 =	vld [tilespmem:s28+$0x7220];
	vm6 =	vgt.f32 v16, v12;
	v12 =	vsel vm4, $0xBF800000, v24;
	[tilespmem:s0+$0x6C10] =	vst v13;
	vm7 =	vgt.f32 v13, v22  }
0x3fd: {  	v16 =	vimm.s32 $0x0;
	vm15 =	vmor vm14, vm6;
	v26 =	vld [tilespmem:s28+$0x7420];
	v13 =	vsel vm7, v13, v22  }
0x3fe: {  	v16 =	vsel vm3, s25, v16;
	vm4 =	vmand vm2, vm15;
	v27 =	vld [tilespmem:s28+$0x6E10];
	[tilespmem:s0+$0x6C20] =	vst v12;
	vm3 =	vgt.f32 v12, v13  }
0x3ff: {  	s4 =	simm.s32 $0x1;
	v34 =	vmax.f32 v35, v9;
	v29 =	vld [tilespmem:s28+$0x7210];
	v12 =	vsel vm3, v12, v13;
	v13 =	vsel vm4, $0xBF800000, v19  }
0x400: {  	s8 =	simm.s32 $0x2;
	v33 =	vmin.f32 v63, v10;
	v24 =	vadd.f32 v62, v11;
	v16 =	vsel vm7, s4, v16;
	v28 =	vld [tilespmem:s28+$0x7410];
	[tilespmem:s0+$0x6C30] =	vst v13  }
0x401: {  	s31 =	simm.s32 $0x40;
	s9 =	simm.s32 $0x70;
	v23 =	vadd.f32 v61, v11;
	v22 =	vsel vm3, s8, v16;
	vm3 =	vgt.f32 v13, v12;
	v30 =	vld [tilespmem:s28+$0x6E00]  }
0x402: {  	s29 =	simm.s32 $0x1;
	s3 =	simm.s32 $0x3;
	s11 =	simm.s32 $0x60;
	v19 =	vor.u32 s31, v2;
	v16 =	vor.u32 s9, v2;
	v13 =	vsel vm3, v13, v12;
	v31 =	vld [tilespmem:s28+$0x7200]  }
0x403: {  	s30 =	simm.s32 $0x0;
	s29 =	simm.s32 @!p1 $0x0;
	s0 =	simm.s32 $0x200;
	v12 =	vsel vm3, s3, v22;
	v22 =	vadd.f32 v21, v11;
	v21 =	vor.u32 s11, v2;
	v32 =	vld [tilespmem:s28+$0x7400]  }
.LBB2_63:
0x404: {  	p2 =	sne.s32 s0, $0x700;
	v35 =	vld [tilespmem:s28+$0x7000];
	v17 =	vadd.f32 v17, v11;
	v15 =	vmin.f32 v15, v8;
	v14 =	vmax.f32 v14, v7  }
0x405: {  	v25 =	vmin.f32 v25, v10;
	v18 =	vmax.f32 v18, v9;
	v26 =	vmin.f32 v26, v8;
	v36 =	vld [tilespmem:s28+$0x7010]  }
0x406: {  	v29 =	vmin.f32 v29, v10;
	v27 =	vmax.f32 v27, v9;
	v20 =	vmax.f32 v20, v7  }
0x407: {  	v28 =	vmin.f32 v28, v8;
	v30 =	vmax.f32 v30, v9;
	v31 =	vmin.f32 v31, v10  }
0x408: {  	v33 =	vsub.f32 v33, v34;
	v14 =	vsub.f32 v15, v14;
	v32 =	vmin.f32 v32, v8  }
0x409: {  	v18 =	vsub.f32 v25, v18;
	v20 =	vsub.f32 v26, v20;
	v15 =	vmax.f32 v35, v7  }
0x40a: {  	v25 =	vsub.f32 v31, v30;
	v15 =	vsub.f32 v32, v15;
	v26 =	vmax.f32 v36, v7  }
0x40b: {  	s2 =	sshra.s32 s0, $0x2;
	v27 =	vsub.f32 v29, v27;
	v26 =	vsub.f32 v28, v26;
	v28 =	vmax.f32 v33, $0.0e+00  }
0x40c: {  	v14 =	vmax.f32 v14, $0.0e+00;
	v25 =	vmax.f32 v25, $0.0e+00;
	v32 =	vld [tilespmem:s2+$0x7630];
	v15 =	vmax.f32 v15, $0.0e+00  }
0x40d: {  	v33 =	vld [tilespmem:s2+$0x7620];
	v25 =	vmul.f32 v15, v25;
	v15 =	vmax.f32 v18, $0.0e+00;
	v18 =	vmax.f32 v20, $0.0e+00  }
0x40e: {  	v20 =	vmax.f32 v27, $0.0e+00;
	v26 =	vmax.f32 v26, $0.0e+00;
	v27 =	vmul.f32 v14, v28;
	v34 =	vld [tilespmem:s2+$0x7610]  }
0x40f: {  	s3 =	sadd.s32 $0x10, s31;
	v20 =	vmul.f32 v26, v20;
	v26 =	vmul.f32 v18, v15;
	v35 =	vld [tilespmem:s2+$0x6E30];
	v17 =	vsub.f32 v17, v25  }
0x410: {  	vm4 =	veq.s32 v6, v19;
	v18 =	vor.u32 s3, v2;
	v19 =	vsub.f32 v23, v27;
	v14 =	vld [tilespmem:s2+$0x7030]  }
0x411: {  	v22 =	vsub.f32 v22, v26;
	v36 =	vld [tilespmem:s2+$0x7230];
	v15 =	vmax.f32 v17, $9.999999710e-10;
	v17 =	vsub.f32 v24, v20  }
0x412: {  	vm5 =	veq.s32 v6, v21;
	vm3 =	veq.s32 v6, v16;
	v23 =	vmul.f32 $5.000000000e-01, v15;
	v24 =	vld [tilespmem:s28+$0x6C00]  }
0x413: {  	v21 =	vmax.f32 v22, $9.999999710e-10;
	v15 =	vld [tilespmem:s2+$0x7430];
	v16 =	vmax.f32 v17, $9.999999710e-10;
	v17 =	vmax.f32 v19, $9.999999710e-10  }
0x414: {  	vm6 =	vgt.f32 v25, v23;
	v16 =	vmul.f32 $5.000000000e-01, v16;
	v19 =	vld [tilespmem:s28+$0x6C10];
	v22 =	vmul.f32 $5.000000000e-01, v17  }
0x415: {  	v21 =	vmul.f32 $5.000000000e-01, v21;
	v17 =	vld [tilespmem:s2+$0x7600];
	vm4 =	vmor vm4, vm6;
	vm6 =	veq.s32 v6, v18  }
0x416: {  	vm4 =	vmand vm2, vm4;
	vm7 =	vgt.f32 v20, v16;
	v16 =	vld [tilespmem:s28+$0x6C20];
	vm8 =	vgt.f32 v27, v22  }
0x417: {  	v18 =	vld [tilespmem:s2+$0x6E20];
	v22 =	vsel vm4, $0xBF800000, v24;
	vm4 =	vmor vm6, vm7;
	vm6 =	vgt.f32 v26, v21  }
0x418: {  	s30 =	sadd.s32 $0x4, s30;
	[tilespmem:s28+$0x6C00] =	vst v22;
	vm7 =	vgt.f32 v22, v13;
	vm4 =	vmand vm2, vm4;
	vm5 =	vmor vm5, vm6;
	v21 =	vld [tilespmem:s28+$0x6C30]  }
0x419: {  	v20 =	vld [tilespmem:s2+$0x7020];
	v13 =	vsel vm7, v22, v13;
	v12 =	vsel vm7, s30, v12;
	v19 =	vsel vm4, $0xBF800000, v19  }
0x41a: {  	s3 =	sadd.s32 $0x1, s30;
	vm3 =	vmor vm3, vm8;
	vm5 =	vmand vm2, vm5;
	v25 =	vld [tilespmem:s2+$0x7220];
	[tilespmem:s28+$0x6C10] =	vst v19;
	vm4 =	vgt.f32 v19, v13  }
0x41b: {  	v26 =	vld [tilespmem:s2+$0x7420];
	v13 =	vsel vm4, v19, v13;
	v12 =	vsel vm4, s3, v12;
	v16 =	vsel vm5, $0xBF800000, v16  }
0x41c: {  	vm3 =	vmand vm2, vm3;
	s3 =	sadd.s32 $0x2, s30;
	v27 =	vld [tilespmem:s2+$0x6E10];
	[tilespmem:s28+$0x6C20] =	vst v16;
	vm4 =	vgt.f32 v16, v13  }
.Ltmp32:
0x41d: {  	s31 =	sadd.s32 $0x40, s31;
	v29 =	vld [tilespmem:s2+$0x7210];
	v13 =	vsel vm4, v16, v13;
	v12 =	vsel vm4, s3, v12;
	v21 =	vsel vm3, $0xBF800000, v21;
	(pc) =	sbr.rel @p2 .LBB2_63-.Ltmp32, $4  }
0x41e: {  	s4 =	sadd.s32 $0x3, s30;
	v19 =	vor.u32 s31, v2;
	s3 =	sadd.s32 $0x30, s31;
	v28 =	vld [tilespmem:s2+$0x7410];
	[tilespmem:s28+$0x6C30] =	vst v21;
	vm3 =	vgt.f32 v21, v13;
	s28 =	smov.u32 s2  }
0x41f: {  	s2 =	sadd.s32 $0x20, s31;
	v16 =	vor.u32 s3, v2;
	v30 =	vld [tilespmem:s28+$0x6E00];
	v13 =	vsel vm3, v21, v13;
	v12 =	vsel vm3, s4, v12  }
0x420: {  	v23 =	vadd.f32 v32, v11;
	v22 =	vadd.f32 v33, v11;
	v21 =	vor.u32 s2, v2;
	v31 =	vld [tilespmem:s28+$0x7200]  }
0x421: {  	s0 =	sadd.s32 $0x100, s0;
	v24 =	vadd.f32 v34, v11;
	v34 =	vmax.f32 v35, v9;
	v33 =	vmin.f32 v36, v10;
	v32 =	vld [tilespmem:s28+$0x7400]  }
0x422: {  	v35 =	vld [tilespmem:s28+$0x7000];
	v11 =	vadd.f32 v17, v11  }
0x423: {  	v15 =	vmin.f32 v15, v8;
	v14 =	vmax.f32 v14, v7;
	v41 =	vmin.f32 v25, v10;
	v42 =	vld [tilespmem:s28+$0x7010]  }
0x424: {  	v18 =	vmax.f32 v18, v9;
	v26 =	vmin.f32 v26, v8;
	v29 =	vmin.f32 v29, v10  }
0x425: {  	v27 =	vmax.f32 v27, v9;
	v46 =	vsub.f32 v33, v34;
	v20 =	vmax.f32 v20, v7  }
0x426: {  	v14 =	vsub.f32 v15, v14;
	v44 =	vmax.f32 v30, v9;
	v43 =	vmin.f32 v31, v10  }
0x427: {  	v45 =	vmin.f32 v32, v8;
	v9 =	vsub.f32 v43, v44;
	v47 =	vmax.f32 v35, v7  }
0x428: {  	v8 =	vmin.f32 v28, v8;
	v7 =	vmax.f32 v42, v7;
	v48 =	vsub.f32 v45, v47  }
0x429: {  	vm3 =	veq.s32 v6, v19;
	v50 =	vsub.f32 v29, v27;
	v7 =	vsub.f32 v8, v7  }
0x42a: {  	v49 =	vsub.f32 v41, v18;
	v9 =	vmax.f32 v9, $0.0e+00;
	v10 =	vmax.f32 v48, $0.0e+00  }
0x42b: {  	v17 =	vmax.f32 v50, $0.0e+00;
	v7 =	vmax.f32 v7, $0.0e+00;
	v8 =	vmul.f32 v10, v9  }
0x42c: {  	v51 =	vsub.f32 v26, v20;
	v52 =	vmax.f32 v46, $0.0e+00;
	v7 =	vmul.f32 v7, v17  }
0x42d: {  	v14 =	vmax.f32 v14, $0.0e+00;
	v15 =	vmax.f32 v49, $0.0e+00;
	v11 =	vsub.f32 v11, v8  }
0x42e: {  	v9 =	vmax.f32 v51, $0.0e+00;
	v10 =	vmul.f32 v14, v52;
	v53 =	vsub.f32 v24, v7  }
0x42f: {  	vm4 =	veq.s32 v6, v21;
	v9 =	vmul.f32 v9, v15;
	v11 =	vmax.f32 v11, $9.999999710e-10  }
0x430: {  	s0 =	sadd.s32 $0x10, s31;
	v54 =	vld [tilespmem:s28+$0x6C00];
	v56 =	vsub.f32 v23, v10;
	v14 =	vmax.f32 v53, $9.999999710e-10;
	v11 =	vmul.f32 $5.000000000e-01, v11  }
0x431: {  	v55 =	vor.u32 s0, v2;
	v57 =	vsub.f32 v22, v9;
	v58 =	vmul.f32 $5.000000000e-01, v14  }
0x432: {  	v59 =	vld [tilespmem:s28+$0x6C10];
	vm12 =	veq.s32 v6, v55;
	v18 =	vmax.f32 v56, $9.999999710e-10;
	vm5 =	vgt.f32 v8, v11  }
0x433: {  	v8 =	vmax.f32 v57, $9.999999710e-10;
	vm6 =	vgt.f32 v7, v58;
	vm3 =	vmor vm3, vm5  }
0x434: {  	v7 =	vld [tilespmem:s28+$0x6C20];
	v8 =	vmul.f32 $5.000000000e-01, v8;
	vm5 =	vmor vm12, vm6;
	vm3 =	vmand vm2, vm3  }
0x435: {  	vm5 =	vmand vm2, vm5;
	v60 =	vsel vm3, $0xBF800000, v54;
	vm3 =	veq.s32 v6, v16  }
0x436: {  	s26 =	sadd.s32 s29, s26;
	v6 =	vmul.f32 $5.000000000e-01, v18;
	vm13 =	vgt.f32 v9, v8;
	v8 =	vld [tilespmem:s28+$0x6C30];
	vm7 =	vgt.f32 v60, v13  }
0x437: {  	p2 =	slt.u32 @p1 s26, $0x64;
	v62 =	vsel vm5, $0xBF800000, v59;
	vm4 =	vmor vm4, vm13;
	v61 =	vsel vm7, v60, v13  }
0x438: {  	p1 =	por !p1, !p2;
	vm14 =	vgt.f32 v10, v6;
	vm4 =	vmand vm2, vm4;
	vm15 =	vgt.f32 v62, v61  }
.Ltmp33:
0x439: {  	s30 =	sadd.s32 $0x4, s30;
	vm3 =	vmor vm3, vm14;
	v7 =	vsel vm4, $0xBF800000, v7;
	v6 =	vsel vm15, v62, v61;
	(pc) =	sbr.rel @!p1 .LBB2_62-.Ltmp33, $4  }
0x43a: {  	s2 =	sadd.s32 $0x1, s30;
	[tilespmem:s28+$0x6C00] =	vst v60;
	v63 =	vsel vm7, s30, v12;
	vm2 =	vmand vm2, vm3;
	vm4 =	vgt.f32 v7, v6  }
0x43b: {  	s31 =	sadd.s32 $0x2, s30;
	[tilespmem:s28+$0x6C10] =	vst v62;
	v9 =	vsel vm15, s2, v63;
	v8 =	vsel vm2, $0xBF800000, v8;
	v6 =	vsel vm4, v7, v6  }
0x43c: {  	s0 =	sadd.s32 $0x3, s30;
	[tilespmem:s28+$0x6C20] =	vst v7;
	v7 =	vsel vm4, s31, v9;
	vm2 =	vgt.f32 v8, v6  }
0x43d: {  	[tilespmem:s28+$0x6C30] =	vst v8;
	v6 =	vsel vm2, v8, v6;
	v7 =	vsel vm2, s0, v7  }
.Ltmp34:
0x43e: {  	(pc) =	sbr.rel @p0 .LBB2_99-.Ltmp34, $4  }
0x43f: {  	[hbm4b:s7+s1] =	stream.linear.scatter [tilespmem:s23], [sflag:$0x1], $0x80, $0x38;
	[tilespmem:$0x7880] =	vst v63  }
0x440: {  	_ =	swait.ge [sflag:s12], $0x80  }
0x441: {  	[sflag:s12] =	ssyncset.done $0x0  }
0x442: {  	[sflag:s12] =	ssyncadd.s32 $0xFFFFFF80  }
0x443: {  	s0 =	simm.s32 $0x0;
	s2 =	rddreg [dreg:$0x4]  }
0x444: {  	[tilespmem:s0], [sflag:$0x1] =	stream.strided.gather [hbm4b:s2+s13], $0x1400, s14, s13, $0x38;
	[tilespmem:$0x7880] =	vst v63  }
0x445: {  	_ =	swait.ge [sflag:s12], $0x1400  }
0x446: {  	[sflag:s12] =	ssyncset.done $0x0  }
0x447: {  	s8 =	simm.s32 $0x0;
	s2 =	simm.s32 $0x40;
	[sflag:s12] =	ssyncadd.s32 $0xFFFFEC00  }
.LBB2_67:
0x448: {  	p1 =	sne.s32 s2, $0xFC0;
	[tilespmem:s8+$0x6400] =	vst v0;
	s3 =	smov.u32 s2;
	s2 =	sadd.s32 $0x40, s2  }
.Ltmp35:
0x449: {  	(pc) =	sbr.rel @p1 .LBB2_67-.Ltmp35, $2  }
0x44a: {  	_ =	sdelay $0x2  }
0x44b: {  	s8 =	sshra.s32 s3, $0x2  }
0x44c: {  	[tilespmem:s8+$0x6400] =	vst v0  }
.LBB2_69:
0x44d: {  	s2 =	sshra.s32 s0, $0x2  }
0x44e: {  	v6 =	vld [tilespmem:s2+$0x0];
	_ =	sdelay $0x4  }
0x44f: {  	v6 =	vshrl.u32 v6, $0x14  }
0x450: {  	v6 =	vand.u32 $0x3FF, v6;
	_ =	sdelay $0x4  }
0x451: {  	[tilespmem:v6+s15+$0x0] =	vst.idx.add.s32.msk $0xffff, v1  }
0x452: {  	v6 =	vld [tilespmem:s2+$0x10];
	_ =	sdelay $0x4  }
0x453: {  	v6 =	vshrl.u32 v6, $0x14  }
0x454: {  	v6 =	vand.u32 $0x3FF, v6;
	_ =	sdelay $0x4  }
0x455: {  	[tilespmem:v6+s15+$0x0] =	vst.idx.add.s32.msk $0xffff, v1  }
0x456: {  	v6 =	vld [tilespmem:s2+$0x20];
	_ =	sdelay $0x4  }
0x457: {  	v6 =	vshrl.u32 v6, $0x14  }
0x458: {  	v6 =	vand.u32 $0x3FF, v6;
	_ =	sdelay $0x4  }
0x459: {  	[tilespmem:v6+s15+$0x0] =	vst.idx.add.s32.msk $0xffff, v1  }
0x45a: {  	v6 =	vld [tilespmem:s2+$0x30];
	_ =	sdelay $0x4  }
0x45b: {  	v6 =	vshrl.u32 v6, $0x14  }
0x45c: {  	p1 =	seq.s32 s0, $0x4F00;
	v6 =	vand.u32 $0x3FF, v6  }
.Ltmp36:
0x45d: {  	_ = 	snop;
	(pc) =	sbr.rel @!p1 .LBB2_69-.Ltmp36, $2  }
0x45e: {  	_ =	sdelay $0x2  }
0x45f: {  	s0 =	sadd.s32 $0x100, s0;
	[tilespmem:v6+s15+$0x0] =	vst.idx.add.s32.msk $0xffff, v1  }
0x460: {  	s2 =	simm.s32 $0x0  }
0x461: {  	v6 =	vld [tilespmem:s2+$0x6400];
	_ =	sdelay $0x4  }
0x462: {  	(xrf0) =	vadd.scan.msk.s32 $0xffff, v6;
	_ =	sdelay $0x5  }
0x463: {  	s0 =	simm.s32 $0x0;
	v6, _, _ =	vpop (xrf0)  }
0x464: {  	v6 =	vadd.s32 s0, v6  }
0x465: {  	(v2sf) =	vpush v6, $0xF;
	_ =	sdelay $0x2  }
0x466: {  	s0 =	simm.s32 $0x10;
	[tilespmem:s2+$0x6800] =	vst v6;
	s2 =	simm.s32 $0x80  }
.LBB2_71:
0x467: {  	p1 =	seq.s32 s2, $0xFC0;
	v6 =	vld [tilespmem:s0+$0x6400];
	_ =	sdelay $0x4  }
0x468: {  	(xrf0) =	vadd.scan.msk.s32 $0xffff, v6;
	_ =	sdelay $0x5  }
0x469: {  	v6, _, _ =	vpop (xrf0);
	s3 =	spop (v2sf)  }
.Ltmp37:
0x46a: {  	v6 =	vadd.s32 s3, v6;
	(pc) =	sbr.rel @!p1 .LBB2_71-.Ltmp37, $2  }
0x46b: {  	[tilespmem:s0+$0x6800] =	vst v6;
	(v2sf) =	vpush v6, $0xF;
	_ =	sdelay $0x2  }
0x46c: {  	s0 =	sshra.s32 s2, $0x2;
	s2 =	sadd.s32 $0x40, s2  }
0x46d: {  	v6 =	vld [tilespmem:s0+$0x6400];
	_ =	sdelay $0x4  }
0x46e: {  	(xrf0) =	vadd.scan.msk.s32 $0xffff, v6;
	_ =	sdelay $0x5  }
0x46f: {  	v6, _, _ =	vpop (xrf0);
	s2 =	spop (v2sf)  }
0x470: {  	v6 =	vadd.s32 s2, v6  }
0x471: {  	(v2sf) =	vpush v6, $0xF;
	_ =	sdelay $0x8  }
0x472: {  	s8 =	simm.s32 $0x6400;
	[tilespmem:s0+$0x6800] =	vst v6  }
0x473: {  	v9 =	vld [tilespmem:s8+$0x0]  }
0x474: {  	s2 =	simm.s32 $0x6800  }
0x475: {  	v8 =	vld [tilespmem:s2+$0x0]  }
0x476: {  	v7 =	vbroadcast v6, $0xF  }
0x477: {  	s11 =	simm.s32 $0x6410  }
0x478: {  	v6 =	vimm.s32 $0xFFFFFFFF;
	s0 =	simm.s32 $0x0;
	s8 =	simm.s32 $0x10;
	v9 =	vadd.s32 v7, v9;
	s26 =	spop (v2sf)  }
.LBB2_73:
0x479: {  	p1 =	sne.s32 s8, $0x3F0  }
0x47a: {  	v10 =	vld [tilespmem:s11+$0x0];
	v9 =	vsub.s32 v9, v8;
	s2 =	sadd.s32 $0x10, s2;
	s3 =	smov.u32 s8;
	s8 =	sadd.s32 $0x10, s8  }
.Ltmp38:
0x47b: {  	v11 =	vor.u32 s0, v2;
	v8 =	vld [tilespmem:s2+$0x0];
	vm2 =	vgt.s32 v9, $0x1F3;
	s0 =	smov.u32 s3;
	(pc) =	sbr.rel @p1 .LBB2_73-.Ltmp38, $4  }
0x47c: {  	v9 =	vnsel vm2, $0xFFFFFFFF, v11  }
0x47d: {  	vm2 =	vgt.s32 v6, v9  }
0x47e: {  	v6 =	vsel vm2, v6, v9  }
0x47f: {  	s11 =	sadd.s32 $0x10, s11;
	v9 =	vadd.s32 v7, v10  }
0x480: {  	v7 =	vsub.s32 v9, v8  }
0x481: {  	v8 =	vor.u32 s0, v2;
	vm2 =	vgt.s32 v7, $0x1F3  }
0x482: {  	v7 =	vnsel vm2, $0xFFFFFFFF, v8  }
0x483: {  	vm2 =	vgt.s32 v6, v7  }
0x484: {  	v6 =	vsel vm2, v6, v7  }
0x485: {  	v6 =	vxor.u32 $0x80000000, v6  }
0x486: {  	(xrf0) =	vmax.scan.msk.u32 $0xffff, v6;
	_ =	sdelay $0x5  }
0x487: {  	v6, _, _ =	vpop (xrf0)  }
0x488: {  	(v2sf) =	vpush v6, $0xF;
	_ =	sdelay $0xe  }
0x489: {  	s25 =	spop (v2sf)  }
0x48a: {  	s31 =	sxor.u32 $0x80000000, s25  }
0x48b: {  	v7 =	vmov s31;
	_ =	sdelay $0x4  }
0x48c: {  	s0 =	simm.s32 $0x0;
	s2 =	simm.s32 $0x40;
	s8 =	simm.s32 $0x0;
	v6 =	vld.idx.msk [tilespmem:v7+s16+$0x0], $0xffff  }
.LBB2_75:
0x48d: {  	p1 =	sne.s32 s2, $0xFC0;
	[tilespmem:s8+$0x6400] =	vst v0;
	s3 =	smov.u32 s2;
	s2 =	sadd.s32 $0x40, s2  }
.Ltmp39:
0x48e: {  	(pc) =	sbr.rel @p1 .LBB2_75-.Ltmp39, $2  }
0x48f: {  	_ =	sdelay $0x2  }
0x490: {  	s8 =	sshra.s32 s3, $0x2  }
0x491: {  	[tilespmem:s8+$0x6400] =	vst v0  }
.LBB2_77:
0x492: {  	s2 =	sshra.s32 s0, $0x2  }
0x493: {  	v8 =	vld [tilespmem:s2+$0x0];
	_ =	sdelay $0x4  }
0x494: {  	v9 =	vshra.s32 v8, $0x14  }
0x495: {  	v8 =	vshrl.u32 v8, $0xA;
	vm2 =	veq.s32 v9, v7  }
0x496: {  	v8 =	vand.u32 $0x3FF, v8;
	_ =	sdelay $0x4  }
0x497: {  	[tilespmem:v8+s15+$0x0] =	vst.idx.add.s32.msk vm2, v1  }
0x498: {  	v8 =	vld [tilespmem:s2+$0x10];
	_ =	sdelay $0x4  }
0x499: {  	v61 =	vshra.s32 v8, $0x14  }
0x49a: {  	v8 =	vshrl.u32 v8, $0xA;
	vm2 =	veq.s32 v61, v7  }
0x49b: {  	v8 =	vand.u32 $0x3FF, v8;
	_ =	sdelay $0x4  }
0x49c: {  	[tilespmem:v8+s15+$0x0] =	vst.idx.add.s32.msk vm2, v1  }
0x49d: {  	v8 =	vld [tilespmem:s2+$0x20];
	_ =	sdelay $0x4  }
0x49e: {  	v62 =	vshra.s32 v8, $0x14  }
0x49f: {  	v8 =	vshrl.u32 v8, $0xA;
	vm2 =	veq.s32 v62, v7  }
0x4a0: {  	v8 =	vand.u32 $0x3FF, v8;
	_ =	sdelay $0x4  }
0x4a1: {  	[tilespmem:v8+s15+$0x0] =	vst.idx.add.s32.msk vm2, v1  }
0x4a2: {  	v8 =	vld [tilespmem:s2+$0x30];
	_ =	sdelay $0x4  }
0x4a3: {  	v63 =	vshra.s32 v8, $0x14  }
0x4a4: {  	v8 =	vshrl.u32 v8, $0xA;
	vm2 =	veq.s32 v63, v7  }
0x4a5: {  	p1 =	seq.s32 s0, $0x4F00;
	v8 =	vand.u32 $0x3FF, v8  }
.Ltmp40:
0x4a6: {  	_ = 	snop;
	(pc) =	sbr.rel @!p1 .LBB2_77-.Ltmp40, $2  }
0x4a7: {  	_ =	sdelay $0x2  }
0x4a8: {  	s0 =	sadd.s32 $0x100, s0;
	[tilespmem:v8+s15+$0x0] =	vst.idx.add.s32.msk vm2, v1  }
0x4a9: {  	s2 =	simm.s32 $0x0  }
0x4aa: {  	v7 =	vld [tilespmem:s2+$0x6400];
	_ =	sdelay $0x4  }
0x4ab: {  	(xrf0) =	vadd.scan.msk.s32 $0xffff, v7;
	_ =	sdelay $0x5  }
0x4ac: {  	s0 =	simm.s32 $0x0;
	v7, _, _ =	vpop (xrf0)  }
0x4ad: {  	v7 =	vadd.s32 s0, v7  }
0x4ae: {  	(v2sf) =	vpush v7, $0xF;
	_ =	sdelay $0x2  }
0x4af: {  	s0 =	simm.s32 $0x10;
	[tilespmem:s2+$0x6800] =	vst v7;
	s2 =	simm.s32 $0x80  }
.LBB2_79:
0x4b0: {  	p1 =	seq.s32 s2, $0xFC0;
	v7 =	vld [tilespmem:s0+$0x6400];
	_ =	sdelay $0x4  }
0x4b1: {  	(xrf0) =	vadd.scan.msk.s32 $0xffff, v7;
	_ =	sdelay $0x5  }
0x4b2: {  	v7, _, _ =	vpop (xrf0);
	s3 =	spop (v2sf)  }
.Ltmp41:
0x4b3: {  	v7 =	vadd.s32 s3, v7;
	(pc) =	sbr.rel @!p1 .LBB2_79-.Ltmp41, $2  }
0x4b4: {  	[tilespmem:s0+$0x6800] =	vst v7;
	(v2sf) =	vpush v7, $0xF;
	_ =	sdelay $0x2  }
0x4b5: {  	s0 =	sshra.s32 s2, $0x2;
	s2 =	sadd.s32 $0x40, s2  }
0x4b6: {  	v7 =	vld [tilespmem:s0+$0x6400];
	_ =	sdelay $0x4  }
0x4b7: {  	(xrf0) =	vadd.scan.msk.s32 $0xffff, v7;
	_ =	sdelay $0x5  }
0x4b8: {  	v7, _, _ =	vpop (xrf0);
	s2 =	spop (v2sf)  }
0x4b9: {  	v7 =	vadd.s32 s2, v7  }
0x4ba: {  	(v2sf) =	vpush v7, $0xF;
	_ =	sdelay $0x6  }
0x4bb: {  	v6 =	vxor.u32 $0x80000000, v6  }
0x4bc: {  	(xrf0) =	vmax.scan.msk.u32 $0xffff, v6;
	_ =	sdelay $0x5  }
0x4bd: {  	v6, _, _ =	vpop (xrf0)  }
0x4be: {  	s29 =	spop (v2sf);
	(v2sf) =	vpush v6, $0xF;
	_ =	sdelay $0xc  }
0x4bf: {  	s8 =	simm.s32 $0x6400;
	[tilespmem:s0+$0x6800] =	vst v7  }
0x4c0: {  	v10 =	vld [tilespmem:s8+$0x0]  }
0x4c1: {  	s2 =	simm.s32 $0x6800;
	s31 =	spop (v2sf)  }
0x4c2: {  	v9 =	vld [tilespmem:s2+$0x0];
	s0 =	sxor.u32 $0x80000000, s31  }
0x4c3: {  	v8 =	vbroadcast v7, $0xF;
	s26 =	ssub.s32 s26, s0  }
0x4c4: {  	s30 =	ssub.s32 $0x1F4, s26  }
0x4c5: {  	s11 =	simm.s32 $0x6410;
	s8 =	simm.s32 $0x10;
	v10 =	vadd.s32 v8, v10;
	v6 =	vimm.s32 $0xFFFFFFFF;
	s0 =	simm.s32 $0x0;
	v7 =	vmov s30  }
.LBB2_81:
0x4c6: {  	p1 =	sne.s32 s8, $0x3F0  }
0x4c7: {  	v11 =	vld [tilespmem:s11+$0x0];
	v10 =	vsub.s32 v10, v9;
	s2 =	sadd.s32 $0x10, s2;
	s3 =	smov.u32 s8;
	s8 =	sadd.s32 $0x10, s8  }
.Ltmp42:
0x4c8: {  	v12 =	vor.u32 s0, v2;
	v9 =	vld [tilespmem:s2+$0x0];
	vm2 =	vlt.s32 v10, v7;
	s0 =	smov.u32 s3;
	(pc) =	sbr.rel @p1 .LBB2_81-.Ltmp42, $4  }
0x4c9: {  	v10 =	vsel vm2, $0xFFFFFFFF, v12  }
0x4ca: {  	vm2 =	vgt.s32 v6, v10  }
0x4cb: {  	v6 =	vsel vm2, v6, v10  }
0x4cc: {  	s11 =	sadd.s32 $0x10, s11;
	v10 =	vadd.s32 v8, v11  }
0x4cd: {  	v8 =	vsub.s32 v10, v9  }
0x4ce: {  	v63 =	vor.u32 s0, v2;
	vm2 =	vlt.s32 v8, v7  }
0x4cf: {  	v7 =	vsel vm2, $0xFFFFFFFF, v63  }
0x4d0: {  	vm2 =	vgt.s32 v6, v7  }
0x4d1: {  	v6 =	vsel vm2, v6, v7  }
0x4d2: {  	v6 =	vxor.u32 $0x80000000, v6  }
0x4d3: {  	(xrf0) =	vmax.scan.msk.u32 $0xffff, v6;
	_ =	sdelay $0x5  }
0x4d4: {  	v6, _, _ =	vpop (xrf0)  }
0x4d5: {  	(v2sf) =	vpush v6, $0xF;
	_ =	sdelay $0xe  }
0x4d6: {  	s28 =	spop (v2sf)  }
0x4d7: {  	s0 =	sxor.u32 $0x80000000, s28  }
0x4d8: {  	v6 =	vmov s0;
	_ =	sdelay $0x4  }
0x4d9: {  	s2 =	simm.s32 $0x40;
	s8 =	simm.s32 $0x0;
	v6 =	vld.idx.msk [tilespmem:v6+s16+$0x0], $0xffff  }
.LBB2_83:
0x4da: {  	p1 =	seq.s32 s2, $0xFC0;
	[tilespmem:s8+$0x6400] =	vst v0;
	s3 =	smov.u32 s2;
	s2 =	sadd.s32 $0x40, s2  }
.Ltmp43:
0x4db: {  	(pc) =	sbr.rel @!p1 .LBB2_83-.Ltmp43, $2  }
0x4dc: {  	_ =	sdelay $0x2  }
0x4dd: {  	s8 =	sshra.s32 s3, $0x2  }
0x4de: {  	s2 =	sshll.u32 s25, $0xA  }
0x4df: {  	s0 =	sor.u32 s2, s0  }
0x4e0: {  	[tilespmem:s8+$0x6400] =	vst v0;
	s2 =	simm.s32 $0x0;
	v7 =	vmov s0;
	s0 =	simm.s32 $0x0  }
.LBB2_85:
0x4e1: {  	s3 =	sshra.s32 s2, $0x2  }
0x4e2: {  	v8 =	vld [tilespmem:s3+$0x0];
	_ =	sdelay $0x4  }
0x4e3: {  	v9 =	vshra.s32 v8, $0xA  }
0x4e4: {  	vm2 =	veq.s32 v9, v7  }
0x4e5: {  	v8 =	vand.u32 $0x3FF, v8;
	_ =	sdelay $0x4  }
0x4e6: {  	[tilespmem:v8+s15+$0x0] =	vst.idx.add.s32.msk vm2, v1  }
0x4e7: {  	v8 =	vld [tilespmem:s3+$0x10];
	_ =	sdelay $0x4  }
0x4e8: {  	v61 =	vshra.s32 v8, $0xA  }
0x4e9: {  	vm2 =	veq.s32 v61, v7  }
0x4ea: {  	v8 =	vand.u32 $0x3FF, v8;
	_ =	sdelay $0x4  }
0x4eb: {  	[tilespmem:v8+s15+$0x0] =	vst.idx.add.s32.msk vm2, v1  }
0x4ec: {  	v8 =	vld [tilespmem:s3+$0x20];
	_ =	sdelay $0x4  }
0x4ed: {  	v62 =	vshra.s32 v8, $0xA  }
0x4ee: {  	vm2 =	veq.s32 v62, v7  }
0x4ef: {  	v8 =	vand.u32 $0x3FF, v8;
	_ =	sdelay $0x4  }
0x4f0: {  	[tilespmem:v8+s15+$0x0] =	vst.idx.add.s32.msk vm2, v1  }
0x4f1: {  	v8 =	vld [tilespmem:s3+$0x30];
	_ =	sdelay $0x4  }
0x4f2: {  	v63 =	vshra.s32 v8, $0xA  }
0x4f3: {  	vm2 =	veq.s32 v63, v7  }
0x4f4: {  	p1 =	seq.s32 s2, $0x4F00;
	v8 =	vand.u32 $0x3FF, v8  }
.Ltmp44:
0x4f5: {  	_ = 	snop;
	(pc) =	sbr.rel @!p1 .LBB2_85-.Ltmp44, $2  }
0x4f6: {  	_ =	sdelay $0x2  }
0x4f7: {  	s2 =	sadd.s32 $0x100, s2;
	[tilespmem:v8+s15+$0x0] =	vst.idx.add.s32.msk vm2, v1  }
0x4f8: {  	s2 =	sshra.s32 s0, $0x2  }
0x4f9: {  	v7 =	vld [tilespmem:s2+$0x6400];
	_ =	sdelay $0x4  }
0x4fa: {  	(xrf0) =	vadd.scan.msk.s32 $0xffff, v7;
	_ =	sdelay $0x5  }
0x4fb: {  	v7, _, _ =	vpop (xrf0)  }
0x4fc: {  	v7 =	vadd.s32 s0, v7  }
0x4fd: {  	(v2sf) =	vpush v7, $0xF;
	_ =	sdelay $0x1  }
0x4fe: {  	s3 =	sadd.s32 $0x40, s0  }
0x4ff: {  	s0 =	sshra.s32 s3, $0x2;
	[tilespmem:s2+$0x6800] =	vst v7;
	s2 =	sadd.s32 $0x40, s3  }
.LBB2_87:
0x500: {  	p1 =	seq.s32 s2, $0xFC0;
	v7 =	vld [tilespmem:s0+$0x6400];
	_ =	sdelay $0x4  }
0x501: {  	(xrf0) =	vadd.scan.msk.s32 $0xffff, v7;
	_ =	sdelay $0x5  }
0x502: {  	v7, _, _ =	vpop (xrf0);
	s3 =	spop (v2sf)  }
.Ltmp45:
0x503: {  	v7 =	vadd.s32 s3, v7;
	(pc) =	sbr.rel @!p1 .LBB2_87-.Ltmp45, $2  }
0x504: {  	[tilespmem:s0+$0x6800] =	vst v7;
	(v2sf) =	vpush v7, $0xF;
	_ =	sdelay $0x2  }
0x505: {  	s0 =	sshra.s32 s2, $0x2;
	s2 =	sadd.s32 $0x40, s2  }
0x506: {  	v7 =	vld [tilespmem:s0+$0x6400];
	_ =	sdelay $0x4  }
0x507: {  	(xrf0) =	vadd.scan.msk.s32 $0xffff, v7;
	_ =	sdelay $0x5  }
0x508: {  	v7, _, _ =	vpop (xrf0);
	s2 =	spop (v2sf)  }
0x509: {  	v7 =	vadd.s32 s2, v7  }
0x50a: {  	(v2sf) =	vpush v7, $0xF;
	_ =	sdelay $0x6  }
0x50b: {  	v6 =	vxor.u32 $0x80000000, v6  }
0x50c: {  	(xrf0) =	vmax.scan.msk.u32 $0xffff, v6;
	_ =	sdelay $0x5  }
0x50d: {  	v6, _, _ =	vpop (xrf0)  }
0x50e: {  	[tilespmem:s0+$0x6800] =	vst v7;
	s0 =	spop (v2sf);
	(v2sf) =	vpush v6, $0xF;
	_ =	sdelay $0xe  }
0x50f: {  	s31 =	spop (v2sf)  }
0x510: {  	s2 =	sxor.u32 $0x80000000, s31  }
0x511: {  	s2 =	ssub.s32 s29, s2;
	s29 =	simm.s32 $0x6400  }
0x512: {  	v10 =	vld [tilespmem:s29+$0x0]  }
0x513: {  	s11 =	simm.s32 $0x6800  }
0x514: {  	v9 =	vld [tilespmem:s11+$0x0]  }
0x515: {  	v8 =	vbroadcast v7, $0xF  }
0x516: {  	s3 =	ssub.s32 s30, s2  }
0x517: {  	s8 =	simm.s32 $0x0;
	v6 =	vimm.s32 $0xFFFFFFFF;
	s29 =	simm.s32 $0x10;
	s30 =	simm.s32 $0x6410;
	v7 =	vmov s3;
	v10 =	vadd.s32 v8, v10  }
.LBB2_89:
0x518: {  	p1 =	sne.s32 s29, $0x3F0  }
0x519: {  	v11 =	vld [tilespmem:s30+$0x0];
	v10 =	vsub.s32 v10, v9;
	s11 =	sadd.s32 $0x10, s11;
	s3 =	smov.u32 s29;
	s29 =	sadd.s32 $0x10, s29  }
.Ltmp46:
0x51a: {  	v12 =	vor.u32 s8, v2;
	v9 =	vld [tilespmem:s11+$0x0];
	vm2 =	vlt.s32 v10, v7;
	s8 =	smov.u32 s3;
	(pc) =	sbr.rel @p1 .LBB2_89-.Ltmp46, $4  }
0x51b: {  	v10 =	vsel vm2, $0xFFFFFFFF, v12  }
0x51c: {  	vm2 =	vgt.s32 v6, v10  }
0x51d: {  	v6 =	vsel vm2, v6, v10  }
0x51e: {  	s30 =	sadd.s32 $0x10, s30;
	v10 =	vadd.s32 v8, v11  }
0x51f: {  	v8 =	vsub.s32 v10, v9  }
0x520: {  	v63 =	vor.u32 s8, v2;
	vm2 =	vlt.s32 v8, v7  }
0x521: {  	v7 =	vsel vm2, $0xFFFFFFFF, v63  }
0x522: {  	vm2 =	vgt.s32 v6, v7  }
0x523: {  	v6 =	vsel vm2, v6, v7  }
0x524: {  	v6 =	vxor.u32 $0x80000000, v6  }
0x525: {  	(xrf0) =	vmax.scan.msk.u32 $0xffff, v6;
	_ =	sdelay $0x5  }
0x526: {  	v6, _, _ =	vpop (xrf0)  }
0x527: {  	(v2sf) =	vpush v6, $0xF;
	_ =	sdelay $0xe  }
0x528: {  	s3 =	spop (v2sf)  }
0x529: {  	s3 =	sxor.u32 $0x80000000, s3  }
0x52a: {  	v6 =	vmov s3;
	_ =	sdelay $0x4  }
0x52b: {  	v6 =	vld.idx.msk [tilespmem:v6+s16+$0x0], $0xffff;
	[tilespmem:$0x6C00] =	vst v3  }
0x52c: {  	[tilespmem:$0x6C10] =	vst v3  }
0x52d: {  	[tilespmem:$0x6C20] =	vst v3  }
0x52e: {  	[tilespmem:$0x6C30] =	vst v3  }
0x52f: {  	[tilespmem:$0x6C40] =	vst v3  }
0x530: {  	[tilespmem:$0x6C50] =	vst v3  }
0x531: {  	[tilespmem:$0x6C60] =	vst v3  }
0x532: {  	[tilespmem:$0x6C70] =	vst v3  }
0x533: {  	[tilespmem:$0x6C80] =	vst v3  }
0x534: {  	[tilespmem:$0x6C90] =	vst v3  }
0x535: {  	[tilespmem:$0x6CA0] =	vst v3  }
0x536: {  	[tilespmem:$0x6CB0] =	vst v3  }
0x537: {  	[tilespmem:$0x6CC0] =	vst v3  }
0x538: {  	[tilespmem:$0x6CD0] =	vst v3;
	v6 =	vxor.u32 $0x80000000, v6  }
0x539: {  	[tilespmem:$0x6CE0] =	vst v3;
	(xrf0) =	vmax.scan.msk.u32 $0xffff, v6  }
0x53a: {  	[tilespmem:$0x6CF0] =	vst v3  }
0x53b: {  	[tilespmem:$0x6D00] =	vst v3  }
0x53c: {  	[tilespmem:$0x6D10] =	vst v3  }
0x53d: {  	[tilespmem:$0x6D20] =	vst v3  }
0x53e: {  	[tilespmem:$0x6D30] =	vst v3  }
0x53f: {  	[tilespmem:$0x6D40] =	vst v3;
	v6, _, _ =	vpop (xrf0)  }
0x540: {  	[tilespmem:$0x6D50] =	vst v3;
	(v2sf) =	vpush v6, $0xF  }
0x541: {  	[tilespmem:$0x6D60] =	vst v3  }
0x542: {  	[tilespmem:$0x6D70] =	vst v3  }
0x543: {  	[tilespmem:$0x6D80] =	vst v3  }
0x544: {  	[tilespmem:$0x6D90] =	vst v3  }
0x545: {  	[tilespmem:$0x6DA0] =	vst v3  }
0x546: {  	[tilespmem:$0x6DB0] =	vst v3  }
0x547: {  	[tilespmem:$0x6DC0] =	vst v3  }
0x548: {  	[tilespmem:$0x6DD0] =	vst v3  }
0x549: {  	[tilespmem:$0x6DE0] =	vst v3  }
0x54a: {  	[tilespmem:$0x6DF0] =	vst v3  }
0x54b: {  	[tilespmem:$0x7800] =	vst v4  }
0x54c: {  	[tilespmem:$0x7810] =	vst v4  }
0x54d: {  	[tilespmem:$0x7820] =	vst v4  }
0x54e: {  	s30 =	sshll.u32 s25, $0x14;
	s9 =	sshll.u32 s28, $0xA;
	s2 =	sadd.s32 s26, s2;
	[tilespmem:$0x7830] =	vst v4  }
0x54f: {  	p1 =	por $0x0, $0x0;
	s25 =	simm.s32 $0x0;
	[tilespmem:$0x7840] =	vst v4;
	s4 =	spop (v2sf)  }
0x550: {  	s28 =	simm.s32 $0x0;
	s31 =	sor.u32 s30, s9;
	[tilespmem:$0x7850] =	vst v4;
	s4 =	sxor.u32 $0x80000000, s4  }
0x551: {  	s29 =	simm.s32 $0x0;
	s3 =	sor.u32 s3, s31;
	[tilespmem:$0x7860] =	vst v4;
	s0 =	ssub.s32 s0, s4  }
0x552: {  	s8 =	simm.s32 $0x0;
	s11 =	simm.s32 $0x0;
	[tilespmem:$0x7870] =	vst v4;
	v6 =	vmov s3;
	s26 =	sadd.s32 s0, s2  }
.LBB2_91:
0x553: {  	s0 =	sshra.s32 s29, $0x2  }
0x554: {  	v8 =	vld [tilespmem:s0+$0x0];
	_ =	sdelay $0x4  }
0x555: {  	v7 =	vimm.s32 $0x0;
	vm2 =	vgt.s32 v8, v6;
	vm3 =	veq.s32 v8, v6  }
0x556: {  	v9 =	vsel vm2, $0x1, v0;
	v10 =	vsel vm3, $0x10000, v7  }
0x557: {  	v9 =	vor.u32 v9, v10  }
0x558: {  	(xrf0) =	vadd.scan.msk.s32 $0xffff, v9;
	_ =	sdelay $0x2  }
0x559: {  	s3 =	sadd.s32 s26, s8  }
0x55a: {  	v21 =	vmov s11;
	v22 =	vmov s3  }
0x55b: {  	v10 =	vadd.s32 $0xFFFFFFFF, v22;
	v9 =	vadd.s32 $0xFFFFFFFF, v21  }
0x55c: {  	v10 =	vbroadcast v10, $0x0;
	v9 =	vbroadcast v9, $0x0;
	v11, _, _ =	vpop (xrf0)  }
0x55d: {  	s2 =	simm.s32 $0x1;
	s4 =	sand.u32 $0x7E00, s29;
	v12 =	vand.u32 $0xFFFF, v11;
	v13 =	vshra.s32 v11, $0x10  }
0x55e: {  	s31 =	sand.u32 $0x40, s28;
	s2 =	simm.s32 @!p1 $0x0;
	s0 =	sadd.s32 $0x1400, s4;
	v9 =	vadd.s32 v9, v12;
	v10 =	vadd.s32 v10, v13  }
0x55f: {  	s2 =	sshll.u32 s2, $0x6;
	s3 =	sor.u32 s31, s0;
	v9 =	vsel vm2, v9, v10  }
0x560: {  	v23 =	vld [tilespmem:s3+$0x0];
	s30 =	sadd.s32 s2, s29;
	vm4 =	vlt.s32 v9, $0x1F4  }
0x561: {  	v24 =	vld [tilespmem:s3+$0x80];
	s2 =	sor.u32 $0x100, s30;
	vm3 =	vmand vm3, vm4  }
0x562: {  	s9 =	sor.u32 $0x180, s30;
	v25 =	vld [tilespmem:s2+$0x1400];
	vm2 =	vmor vm2, vm3  }
0x563: {  	v14 =	vld [tilespmem:s9+$0x1400];
	_ =	sdelay $0x3  }
0x564: {  	(v2sf) =	vpush v11, $0xF  }
0x565: {  	v26 =	vsub.f32 v25, v23;
	v15 =	vsub.f32 v14, v24;
	[tilespmem:v9+s17+$0x0] =	vst.idx.msk vm2, v8  }
0x566: {  	[tilespmem:v9+s18+$0x0] =	vst.idx.msk vm2, v23  }
0x567: {  	v27 =	vmax.f32 v15, $0.0e+00;
	v8 =	vmax.f32 v26, $0.0e+00;
	[tilespmem:v9+s19+$0x0] =	vst.idx.msk vm2, v24  }
0x568: {  	v8 =	vmul.f32 v27, v8;
	[tilespmem:v9+s20+$0x0] =	vst.idx.msk vm2, v25  }
0x569: {  	s3 =	sor.u32 $0x10, s31;
	s2 =	sand.u32 $0x1F80, s28;
	[tilespmem:v9+s21+$0x0] =	vst.idx.msk vm2, v14  }
0x56a: {  	s4 =	sor.u32 s3, s2;
	[tilespmem:v9+s22+$0x0] =	vst.idx.msk vm2, v8  }
0x56b: {  	v8 =	vld [tilespmem:s4+$0x0];
	_ =	sdelay $0x4  }
0x56c: {  	vm2 =	vgt.s32 v8, v6;
	vm3 =	veq.s32 v8, v6  }
0x56d: {  	v28 =	vsel vm2, $0x1, v0;
	v29 =	vsel vm3, $0x10000, v7  }
0x56e: {  	v9 =	vor.u32 v28, v29  }
0x56f: {  	s4 =	spop (v2sf);
	(xrf0) =	vadd.scan.msk.s32 $0xffff, v9  }
0x570: {  	s9 =	sshra.s32 s4, $0x10  }
0x571: {  	s4 =	sand.u32 $0xFFFF, s4;
	s8 =	sadd.s32 s8, s9  }
0x572: {  	s4 =	sadd.s32 s11, s4;
	s9 =	sadd.s32 s26, s8  }
0x573: {  	v30 =	vmov s4;
	v31 =	vmov s9  }
0x574: {  	v10 =	vadd.s32 $0xFFFFFFFF, v31;
	v9 =	vadd.s32 $0xFFFFFFFF, v30  }
0x575: {  	v10 =	vbroadcast v10, $0x0;
	v9 =	vbroadcast v9, $0x0;
	v32, _, _ =	vpop (xrf0)  }
0x576: {  	v33 =	vand.u32 $0xFFFF, v32;
	v34 =	vshra.s32 v32, $0x10  }
0x577: {  	v9 =	vadd.s32 v9, v33;
	v10 =	vadd.s32 v10, v34  }
0x578: {  	s3 =	sor.u32 s3, s0;
	v9 =	vsel vm2, v9, v10  }
0x579: {  	v35 =	vld [tilespmem:s3+$0x0];
	s9 =	sadd.s32 $0x10, s30;
	vm13 =	vlt.s32 v9, $0x1F4  }
0x57a: {  	v36 =	vld [tilespmem:s3+$0x80];
	s11 =	sor.u32 $0x100, s9;
	vm3 =	vmand vm3, vm13  }
0x57b: {  	s9 =	sor.u32 $0x180, s9;
	v37 =	vld [tilespmem:s11+$0x1400];
	vm2 =	vmor vm2, vm3  }
0x57c: {  	v14 =	vld [tilespmem:s9+$0x1400];
	_ =	sdelay $0x3  }
0x57d: {  	(v2sf) =	vpush v32, $0xF  }
0x57e: {  	v38 =	vsub.f32 v37, v35;
	v39 =	vsub.f32 v14, v36;
	[tilespmem:v9+s17+$0x0] =	vst.idx.msk vm2, v8  }
0x57f: {  	[tilespmem:v9+s18+$0x0] =	vst.idx.msk vm2, v35  }
0x580: {  	v40 =	vmax.f32 v39, $0.0e+00;
	v8 =	vmax.f32 v38, $0.0e+00;
	[tilespmem:v9+s19+$0x0] =	vst.idx.msk vm2, v36  }
0x581: {  	v8 =	vmul.f32 v40, v8;
	[tilespmem:v9+s20+$0x0] =	vst.idx.msk vm2, v37  }
0x582: {  	s3 =	sor.u32 $0x20, s31;
	[tilespmem:v9+s21+$0x0] =	vst.idx.msk vm2, v14  }
0x583: {  	s11 =	sor.u32 s3, s2;
	[tilespmem:v9+s22+$0x0] =	vst.idx.msk vm2, v8  }
0x584: {  	v8 =	vld [tilespmem:s11+$0x0];
	_ =	sdelay $0x4  }
0x585: {  	vm2 =	vgt.s32 v8, v6;
	vm3 =	veq.s32 v8, v6  }
0x586: {  	v41 =	vsel vm2, $0x1, v0;
	v42 =	vsel vm3, $0x10000, v7  }
0x587: {  	v9 =	vor.u32 v41, v42  }
0x588: {  	s9 =	spop (v2sf);
	(xrf0) =	vadd.scan.msk.s32 $0xffff, v9  }
0x589: {  	s11 =	sshra.s32 s9, $0x10  }
0x58a: {  	s9 =	sand.u32 $0xFFFF, s9;
	s8 =	sadd.s32 s8, s11  }
0x58b: {  	s4 =	sadd.s32 s4, s9;
	s11 =	sadd.s32 s26, s8  }
0x58c: {  	v43 =	vmov s4;
	v44 =	vmov s11  }
0x58d: {  	v10 =	vadd.s32 $0xFFFFFFFF, v44;
	v9 =	vadd.s32 $0xFFFFFFFF, v43  }
0x58e: {  	v10 =	vbroadcast v10, $0x0;
	v9 =	vbroadcast v9, $0x0;
	v45, _, _ =	vpop (xrf0)  }
0x58f: {  	v46 =	vand.u32 $0xFFFF, v45;
	v47 =	vshra.s32 v45, $0x10  }
0x590: {  	v9 =	vadd.s32 v9, v46;
	v10 =	vadd.s32 v10, v47  }
0x591: {  	s3 =	sor.u32 s3, s0;
	v9 =	vsel vm2, v9, v10  }
0x592: {  	v48 =	vld [tilespmem:s3+$0x0];
	s9 =	sadd.s32 $0x20, s30;
	vm14 =	vlt.s32 v9, $0x1F4  }
0x593: {  	v49 =	vld [tilespmem:s3+$0x80];
	s11 =	sor.u32 $0x100, s9;
	vm3 =	vmand vm3, vm14  }
0x594: {  	v50 =	vld [tilespmem:s11+$0x1400];
	s11 =	sor.u32 $0x180, s9;
	vm2 =	vmor vm2, vm3  }
0x595: {  	v14 =	vld [tilespmem:s11+$0x1400];
	_ =	sdelay $0x3  }
0x596: {  	v51 =	vsub.f32 v50, v48  }
0x597: {  	v16 =	vsub.f32 v14, v49;
	(v2sf) =	vpush v45, $0xF;
	[tilespmem:v9+s17+$0x0] =	vst.idx.msk vm2, v8  }
0x598: {  	[tilespmem:v9+s18+$0x0] =	vst.idx.msk vm2, v48  }
0x599: {  	v52 =	vmax.f32 v16, $0.0e+00;
	v8 =	vmax.f32 v51, $0.0e+00;
	[tilespmem:v9+s19+$0x0] =	vst.idx.msk vm2, v49  }
0x59a: {  	v8 =	vmul.f32 v52, v8;
	[tilespmem:v9+s20+$0x0] =	vst.idx.msk vm2, v50  }
0x59b: {  	s3 =	sor.u32 $0x30, s31;
	[tilespmem:v9+s21+$0x0] =	vst.idx.msk vm2, v14  }
0x59c: {  	s2 =	sor.u32 s3, s2;
	[tilespmem:v9+s22+$0x0] =	vst.idx.msk vm2, v8  }
0x59d: {  	v8 =	vld [tilespmem:s2+$0x0];
	_ =	sdelay $0x4  }
0x59e: {  	vm2 =	vgt.s32 v8, v6;
	vm3 =	veq.s32 v8, v6  }
0x59f: {  	v53 =	vsel vm2, $0x1, v0;
	v54 =	vsel vm3, $0x10000, v7  }
0x5a0: {  	v9 =	vor.u32 v53, v54  }
0x5a1: {  	(xrf0) =	vadd.scan.msk.s32 $0xffff, v9  }
0x5a2: {  	s9 =	spop (v2sf)  }
0x5a3: {  	s11 =	sshra.s32 s9, $0x10  }
0x5a4: {  	s2 =	sand.u32 $0xFFFF, s9;
	s8 =	sadd.s32 s8, s11  }
0x5a5: {  	s2 =	sadd.s32 s4, s2;
	s31 =	sadd.s32 s26, s8  }
0x5a6: {  	v55 =	vmov s2;
	v56 =	vmov s31  }
0x5a7: {  	v10 =	vadd.s32 $0xFFFFFFFF, v55;
	v11 =	vadd.s32 $0xFFFFFFFF, v56;
	v9, _, _ =	vpop (xrf0)  }
0x5a8: {  	v10 =	vbroadcast v10, $0x0;
	v11 =	vbroadcast v11, $0x0;
	(v2sf) =	vpush v9, $0xF  }
0x5a9: {  	v57 =	vand.u32 $0xFFFF, v9;
	v9 =	vshra.s32 v9, $0x10  }
0x5aa: {  	v10 =	vadd.s32 v10, v57;
	v9 =	vadd.s32 v11, v9  }
0x5ab: {  	s0 =	sor.u32 s3, s0;
	v9 =	vsel vm2, v10, v9  }
0x5ac: {  	v58 =	vld [tilespmem:s0+$0x0];
	s4 =	sadd.s32 $0x30, s30;
	vm15 =	vlt.s32 v9, $0x1F4  }
0x5ad: {  	v59 =	vld [tilespmem:s0+$0x80];
	s9 =	sor.u32 $0x100, s4;
	vm3 =	vmand vm3, vm15  }
0x5ae: {  	s11 =	sor.u32 $0x180, s4;
	v60 =	vld [tilespmem:s9+$0x1400];
	vm2 =	vmor vm2, vm3  }
0x5af: {  	v13 =	vld [tilespmem:s11+$0x1400];
	_ =	sdelay $0x4  }
0x5b0: {  	p2 =	sne.s32 s29, $0x4F00;
	v61 =	vsub.f32 v60, v58;
	v62 =	vsub.f32 v13, v59;
	[tilespmem:v9+s17+$0x0] =	vst.idx.msk vm2, v8  }
.Ltmp47:
0x5b1: {  	[tilespmem:v9+s18+$0x0] =	vst.idx.msk vm2, v58;
	(pc) =	sbr.rel @p2 .LBB2_91-.Ltmp47, $4  }
0x5b2: {  	v63 =	vmax.f32 v62, $0.0e+00;
	v8 =	vmax.f32 v61, $0.0e+00;
	[tilespmem:v9+s19+$0x0] =	vst.idx.msk vm2, v59  }
0x5b3: {  	p1 =	por !p1, !p1;
	v8 =	vmul.f32 v63, v8;
	[tilespmem:v9+s20+$0x0] =	vst.idx.msk vm2, v60;
	s30 =	spop (v2sf)  }
0x5b4: {  	s29 =	sadd.s32 $0x100, s29;
	[tilespmem:v9+s21+$0x0] =	vst.idx.msk vm2, v13;
	s31 =	sand.u32 $0xFFFF, s30;
	s0 =	sshra.s32 s30, $0x10  }
0x5b5: {  	s28 =	sadd.s32 $0x40, s28;
	[tilespmem:v9+s22+$0x0] =	vst.idx.msk vm2, v8;
	s11 =	sadd.s32 s2, s31;
	s8 =	sadd.s32 s8, s0  }
0x5b6: {  	s0 =	simm.s32 $0x6C20  }
0x5b7: {  	v6 =	vld [tilespmem:s0+$0xFFFFFFE0];
	_ =	sdelay $0x1  }
0x5b8: {  	v9 =	vld [tilespmem:s0+$0xFFFFFFF0];
	_ =	sdelay $0x1  }
0x5b9: {  	v10 =	vimm.f32 $-2.000000000e+00;
	v8 =	vld [tilespmem:s0+$0x0]  }
0x5ba: {  	vm2 =	vgt.f32 v6, v10  }
0x5bb: {  	v10 =	vsel vm2, v6, v10;
	v6 =	vld [tilespmem:s0+$0x10]  }
0x5bc: {  	s3 =	simm.s32 $0x1;
	s2 =	simm.s32 $0x6C60;
	v11 =	vsel vm2, s25, v7;
	vm2 =	vgt.f32 v9, v10  }
0x5bd: {  	s8 =	simm.s32 $0x8;
	s0 =	simm.s32 $0x4;
	v7 =	vld [tilespmem:s2+$0xFFFFFFE0];
	v10 =	vsel vm2, v9, v10;
	v9 =	vsel vm2, s3, v11  }
.LBB2_93:
0x5be: {  	p1 =	sne.s32 s8, $0x1C;
	s3 =	sadd.s32 $0x2, s25;
	vm2 =	vgt.f32 v8, v10  }
0x5bf: {  	v11 =	vld [tilespmem:s2+$0xFFFFFFF0];
	v10 =	vsel vm2, v8, v10;
	v9 =	vsel vm2, s3, v9  }
0x5c0: {  	s3 =	sadd.s32 $0x3, s25;
	s25 =	smov.u32 s0;
	s0 =	smov.u32 s8;
	vm2 =	vgt.f32 v6, v10  }
.Ltmp48:
0x5c1: {  	v8 =	vld [tilespmem:s2+$0x0];
	v6 =	vsel vm2, v6, v10;
	v9 =	vsel vm2, s3, v9;
	(pc) =	sbr.rel @p1 .LBB2_93-.Ltmp48, $4  }
0x5c2: {  	vm2 =	vgt.f32 v7, v6  }
0x5c3: {  	v10 =	vsel vm2, v7, v6;
	v9 =	vsel vm2, s25, v9;
	v6 =	vld [tilespmem:s2+$0x10]  }
0x5c4: {  	s3 =	sadd.s32 $0x1, s25;
	s2 =	sadd.s32 $0x40, s2;
	vm2 =	vgt.f32 v11, v10  }
0x5c5: {  	s8 =	sadd.s32 $0x4, s8;
	v7 =	vld [tilespmem:s2+$0xFFFFFFE0];
	v10 =	vsel vm2, v11, v10;
	v9 =	vsel vm2, s3, v9  }
0x5c6: {  	vm2 =	vgt.f32 v8, v10  }
0x5c7: {  	v11 =	vld [tilespmem:s2+$0xFFFFFFF0];
	v8 =	vsel vm2, v8, v10  }
0x5c8: {  	vm3 =	vgt.f32 v6, v8  }
0x5c9: {  	v63 =	vld [tilespmem:s2+$0x0];
	v6 =	vsel vm3, v6, v8  }
0x5ca: {  	vm4 =	vgt.f32 v7, v6  }
0x5cb: {  	s3 =	sadd.s32 $0x2, s25;
	v6 =	vsel vm4, v7, v6;
	v7 =	vld [tilespmem:s2+$0x10]  }
0x5cc: {  	s28 =	sadd.s32 $0x3, s25;
	v8 =	vsel vm2, s3, v9;
	vm2 =	vgt.f32 v11, v6  }
0x5cd: {  	v8 =	vsel vm3, s28, v8;
	v6 =	vsel vm2, v11, v6  }
0x5ce: {  	s29 =	sadd.s32 $0x1, s0;
	v8 =	vsel vm4, s0, v8;
	vm3 =	vgt.f32 v63, v6  }
0x5cf: {  	s30 =	sadd.s32 $0x2, s0;
	v8 =	vsel vm2, s29, v8;
	v6 =	vsel vm3, v63, v6  }
0x5d0: {  	s31 =	sadd.s32 $0x3, s0;
	v8 =	vsel vm3, s30, v8;
	vm2 =	vgt.f32 v7, v6  }
0x5d1: {  	s25 =	simm.s32 $0x0;
	s26 =	simm.s32 $0x0;
	v6 =	vsel vm2, v7, v6;
	v7 =	vsel vm2, s31, v8  }
.LBB2_95:
0x5d2: {  	(xrf0) =	vmax.scan.msk.f32 $0xffff, v6;
	_ =	sdelay $0x5  }
0x5d3: {  	v8, _, _ =	vpop (xrf0)  }
0x5d4: {  	v12 =	vbroadcast v8, $0xF  }
0x5d5: {  	v7 =	vshll.u32 v7, $0x4  }
0x5d6: {  	vm2 =	veq.f32 v6, v12;
	v6 =	vxor.u32 v5, v7  }
0x5d7: {  	v6 =	vnsel vm2, $0x800F4240, v6  }
0x5d8: {  	(xrf0) =	vmin.scan.msk.u32 $0xffff, v6;
	_ =	sdelay $0x5  }
0x5d9: {  	(v2sf) =	vpush v8, $0xF;
	v6, _, _ =	vpop (xrf0)  }
0x5da: {  	(v2sf) =	vpush v6, $0xF;
	_ =	sdelay $0xd  }
0x5db: {  	s0 =	spop (v2sf)  }
0x5dc: {  	s2 =	spop (v2sf)  }
0x5dd: {  	s2 =	sxor.u32 $0x80000000, s2  }
0x5de: {  	p1 =	sgt.f32 s0, $5.000000070e-02;
	v6 =	vmov s2  }
0x5df: {  	vm2 =	vmmov vm0  }
0x5e0: {  	vm2 =	vmneg @p1 vm2  }
0x5e1: {  	vm3 =	vmand vm2, vm1  }
0x5e2: {  	v13 =	vmov s26  }
0x5e3: {  	v9 =	vld.idx.msk [tilespmem:v6+s18+$0x0], $0xffff  }
0x5e4: {  	v7 =	vld.idx.msk [tilespmem:v6+s19+$0x0], $0xffff  }
0x5e5: {  	v10 =	vld.idx.msk [tilespmem:v6+s20+$0x0], $0xffff  }
0x5e6: {  	v8 =	vld.idx.msk [tilespmem:v6+s21+$0x0], $0xffff  }
0x5e7: {  	s0 =	simm.s32 $0x0;
	v11 =	vld.idx.msk [tilespmem:v6+s22+$0x0], $0xffff;
	[tilespmem:v13+s23+$0x0] =	vst.idx.msk vm3, v12  }
0x5e8: {  	v12 =	vld [tilespmem:s0+$0x7630]  }
0x5e9: {  	v13 =	vld [tilespmem:s0+$0x7620]  }
0x5ea: {  	v14 =	vld [tilespmem:s0+$0x7610]  }
0x5eb: {  	v15 =	vld [tilespmem:s0+$0x6E30]  }
0x5ec: {  	v16 =	vld [tilespmem:s0+$0x7230]  }
0x5ed: {  	v18 =	vld [tilespmem:s0+$0x7600]  }
0x5ee: {  	v19 =	vld [tilespmem:s0+$0x6E20]  }
0x5ef: {  	v21 =	vld [tilespmem:s0+$0x7220]  }
0x5f0: {  	v22 =	vld [tilespmem:s0+$0x7420]  }
0x5f1: {  	v23 =	vld [tilespmem:s0+$0x6E10]  }
0x5f2: {  	v24 =	vld [tilespmem:s0+$0x6E00]  }
0x5f3: {  	v25 =	vld [tilespmem:s0+$0x7200]  }
0x5f4: {  	s9 =	simm.s32 $0x20;
	v26 =	vld [tilespmem:s0+$0x7400]  }
0x5f5: {  	v27 =	vimm.f32 $-2.000000000e+00;
	v31 =	vor.u32 s9, v2;
	v29 =	vld [tilespmem:s0+$0x7000]  }
0x5f6: {  	v28 =	vor.u32 s25, v2;
	vm12 =	veq.s32 v6, v31;
	v30 =	vld [tilespmem:s0+$0x7210];
	v13 =	vadd.f32 v13, v11  }
0x5f7: {  	vm3 =	veq.s32 v6, v28;
	v20 =	vld [tilespmem:s0+$0x7020];
	v12 =	vadd.f32 v12, v11;
	v33 =	vadd.f32 v14, v11  }
0x5f8: {  	v32 =	vld [tilespmem:s0+$0x7410];
	v14 =	vmin.f32 v16, v10;
	v15 =	vmax.f32 v15, v9;
	v16 =	vadd.f32 v18, v11  }
0x5f9: {  	v18 =	vld [tilespmem:s0+$0x7010];
	v21 =	vmin.f32 v21, v10;
	v19 =	vmax.f32 v19, v9;
	v22 =	vmin.f32 v22, v8  }
0x5fa: {  	v25 =	vmin.f32 v25, v10;
	v24 =	vmax.f32 v24, v9;
	v26 =	vmin.f32 v26, v8  }
0x5fb: {  	v17 =	vld [tilespmem:s0+$0x7430];
	v29 =	vmax.f32 v29, v7;
	v30 =	vmin.f32 v30, v10;
	v23 =	vmax.f32 v23, v9  }
0x5fc: {  	v20 =	vmax.f32 v20, v7;
	v24 =	vsub.f32 v25, v24;
	v25 =	vsub.f32 v26, v29  }
0x5fd: {  	v34 =	vld [tilespmem:s0+$0x7030];
	v26 =	vmin.f32 v32, v8;
	v23 =	vsub.f32 v30, v23;
	v19 =	vsub.f32 v21, v19  }
0x5fe: {  	v24 =	vmax.f32 v24, $0.0e+00;
	v25 =	vmax.f32 v25, $0.0e+00;
	v18 =	vmax.f32 v18, v7  }
0x5ff: {  	s28 =	simm.s32 $0x40;
	v20 =	vsub.f32 v22, v20;
	v24 =	vmul.f32 v25, v24;
	v18 =	vsub.f32 v26, v18  }
0x600: {  	v61 =	vld [tilespmem:s28+$0x7630];
	v17 =	vmin.f32 v17, v8;
	v22 =	vmax.f32 v23, $0.0e+00;
	v19 =	vmax.f32 v19, $0.0e+00  }
0x601: {  	v62 =	vld [tilespmem:s28+$0x7610];
	v20 =	vmax.f32 v20, $0.0e+00;
	v16 =	vsub.f32 v16, v24;
	v18 =	vmax.f32 v18, $0.0e+00  }
0x602: {  	v35 =	vld [tilespmem:s28+$0x6E30];
	v25 =	vmax.f32 v34, v7;
	v19 =	vmul.f32 v20, v19;
	v18 =	vmul.f32 v18, v22  }
0x603: {  	v63 =	vld [tilespmem:s28+$0x7230];
	v15 =	vsub.f32 v14, v15;
	v17 =	vsub.f32 v17, v25;
	v16 =	vmax.f32 v16, $9.999999710e-10  }
0x604: {  	s3 =	simm.s32 $0x30;
	v21 =	vld [tilespmem:s28+$0x7620];
	v13 =	vsub.f32 v13, v19;
	v16 =	vmul.f32 $5.000000000e-01, v16;
	v20 =	vsub.f32 v33, v18  }
0x605: {  	v23 =	vmax.f32 v15, $0.0e+00;
	v26 =	vor.u32 s3, v2;
	v17 =	vmax.f32 v17, $0.0e+00;
	v22 =	vld [tilespmem:s0+$0x6C00]  }
0x606: {  	s11 =	simm.s32 $0x10;
	v14 =	vld [tilespmem:s28+$0x7030];
	v13 =	vmax.f32 v13, $9.999999710e-10;
	vm4 =	vgt.f32 v24, v16;
	v20 =	vmax.f32 v20, $9.999999710e-10  }
0x607: {  	v16 =	vmul.f32 v17, v23;
	v23 =	vld [tilespmem:s0+$0x6C10];
	v24 =	vor.u32 s11, v2;
	v20 =	vmul.f32 $5.000000000e-01, v20  }
0x608: {  	v15 =	vld [tilespmem:s28+$0x7430];
	v13 =	vmul.f32 $5.000000000e-01, v13;
	vm3 =	vmor vm3, vm4;
	vm11 =	veq.s32 v6, v24  }
0x609: {  	v24 =	vld [tilespmem:s0+$0x6C20];
	vm3 =	vmand vm2, vm3;
	v12 =	vsub.f32 v12, v16;
	vm5 =	vgt.f32 v18, v20  }
0x60a: {  	v17 =	vld [tilespmem:s28+$0x7600];
	vm13 =	vgt.f32 v19, v13;
	v22 =	vsel vm3, $0xBF800000, v22;
	vm3 =	vmor vm11, vm5  }
0x60b: {  	v19 =	vld [tilespmem:s0+$0x6C30];
	vm4 =	vmor vm12, vm13;
	v12 =	vmax.f32 v12, $9.999999710e-10;
	vm3 =	vmand vm2, vm3  }
0x60c: {  	v18 =	vld [tilespmem:s28+$0x6E20];
	[tilespmem:s0+$0x6C00] =	vst v22;
	v12 =	vmul.f32 $5.000000000e-01, v12;
	v13 =	vsel vm3, $0xBF800000, v23;
	vm3 =	vgt.f32 v22, v27  }
0x60d: {  	vm14 =	veq.s32 v6, v26;
	vm4 =	vmand vm2, vm4;
	v20 =	vld [tilespmem:s28+$0x7020];
	v22 =	vsel vm3, v22, v27  }
0x60e: {  	v25 =	vld [tilespmem:s28+$0x7220];
	vm6 =	vgt.f32 v16, v12;
	v12 =	vsel vm4, $0xBF800000, v24;
	[tilespmem:s0+$0x6C10] =	vst v13;
	vm7 =	vgt.f32 v13, v22  }
0x60f: {  	v16 =	vimm.s32 $0x0;
	vm15 =	vmor vm14, vm6;
	v26 =	vld [tilespmem:s28+$0x7420];
	v13 =	vsel vm7, v13, v22  }
0x610: {  	v16 =	vsel vm3, s25, v16;
	vm4 =	vmand vm2, vm15;
	v27 =	vld [tilespmem:s28+$0x6E10];
	[tilespmem:s0+$0x6C20] =	vst v12;
	vm3 =	vgt.f32 v12, v13  }
0x611: {  	s4 =	simm.s32 $0x1;
	v34 =	vmax.f32 v35, v9;
	v29 =	vld [tilespmem:s28+$0x7210];
	v12 =	vsel vm3, v12, v13;
	v13 =	vsel vm4, $0xBF800000, v19  }
0x612: {  	s8 =	simm.s32 $0x2;
	v33 =	vmin.f32 v63, v10;
	v24 =	vadd.f32 v62, v11;
	v16 =	vsel vm7, s4, v16;
	v28 =	vld [tilespmem:s28+$0x7410];
	[tilespmem:s0+$0x6C30] =	vst v13  }
0x613: {  	s31 =	simm.s32 $0x40;
	s9 =	simm.s32 $0x70;
	v23 =	vadd.f32 v61, v11;
	v22 =	vsel vm3, s8, v16;
	vm3 =	vgt.f32 v13, v12;
	v30 =	vld [tilespmem:s28+$0x6E00]  }
0x614: {  	s29 =	simm.s32 $0x1;
	s3 =	simm.s32 $0x3;
	s11 =	simm.s32 $0x60;
	v19 =	vor.u32 s31, v2;
	v16 =	vor.u32 s9, v2;
	v13 =	vsel vm3, v13, v12;
	v31 =	vld [tilespmem:s28+$0x7200]  }
0x615: {  	s30 =	simm.s32 $0x0;
	s29 =	simm.s32 @!p1 $0x0;
	s0 =	simm.s32 $0x200;
	v12 =	vsel vm3, s3, v22;
	v22 =	vadd.f32 v21, v11;
	v21 =	vor.u32 s11, v2;
	v32 =	vld [tilespmem:s28+$0x7400]  }
.LBB2_96:
0x616: {  	p2 =	sne.s32 s0, $0x700;
	v35 =	vld [tilespmem:s28+$0x7000];
	v17 =	vadd.f32 v17, v11;
	v15 =	vmin.f32 v15, v8;
	v14 =	vmax.f32 v14, v7  }
0x617: {  	v25 =	vmin.f32 v25, v10;
	v18 =	vmax.f32 v18, v9;
	v26 =	vmin.f32 v26, v8;
	v36 =	vld [tilespmem:s28+$0x7010]  }
0x618: {  	v29 =	vmin.f32 v29, v10;
	v27 =	vmax.f32 v27, v9;
	v20 =	vmax.f32 v20, v7  }
0x619: {  	v28 =	vmin.f32 v28, v8;
	v30 =	vmax.f32 v30, v9;
	v31 =	vmin.f32 v31, v10  }
0x61a: {  	v33 =	vsub.f32 v33, v34;
	v14 =	vsub.f32 v15, v14;
	v32 =	vmin.f32 v32, v8  }
0x61b: {  	v18 =	vsub.f32 v25, v18;
	v20 =	vsub.f32 v26, v20;
	v15 =	vmax.f32 v35, v7  }
0x61c: {  	v25 =	vsub.f32 v31, v30;
	v15 =	vsub.f32 v32, v15;
	v26 =	vmax.f32 v36, v7  }
0x61d: {  	s2 =	sshra.s32 s0, $0x2;
	v27 =	vsub.f32 v29, v27;
	v26 =	vsub.f32 v28, v26;
	v28 =	vmax.f32 v33, $0.0e+00  }
0x61e: {  	v14 =	vmax.f32 v14, $0.0e+00;
	v25 =	vmax.f32 v25, $0.0e+00;
	v32 =	vld [tilespmem:s2+$0x7630];
	v15 =	vmax.f32 v15, $0.0e+00  }
0x61f: {  	v33 =	vld [tilespmem:s2+$0x7620];
	v25 =	vmul.f32 v15, v25;
	v15 =	vmax.f32 v18, $0.0e+00;
	v18 =	vmax.f32 v20, $0.0e+00  }
0x620: {  	v20 =	vmax.f32 v27, $0.0e+00;
	v26 =	vmax.f32 v26, $0.0e+00;
	v27 =	vmul.f32 v14, v28;
	v34 =	vld [tilespmem:s2+$0x7610]  }
0x621: {  	s3 =	sadd.s32 $0x10, s31;
	v20 =	vmul.f32 v26, v20;
	v26 =	vmul.f32 v18, v15;
	v35 =	vld [tilespmem:s2+$0x6E30];
	v17 =	vsub.f32 v17, v25  }
0x622: {  	vm4 =	veq.s32 v6, v19;
	v18 =	vor.u32 s3, v2;
	v19 =	vsub.f32 v23, v27;
	v14 =	vld [tilespmem:s2+$0x7030]  }
0x623: {  	v22 =	vsub.f32 v22, v26;
	v36 =	vld [tilespmem:s2+$0x7230];
	v15 =	vmax.f32 v17, $9.999999710e-10;
	v17 =	vsub.f32 v24, v20  }
0x624: {  	vm5 =	veq.s32 v6, v21;
	vm3 =	veq.s32 v6, v16;
	v23 =	vmul.f32 $5.000000000e-01, v15;
	v24 =	vld [tilespmem:s28+$0x6C00]  }
0x625: {  	v21 =	vmax.f32 v22, $9.999999710e-10;
	v15 =	vld [tilespmem:s2+$0x7430];
	v16 =	vmax.f32 v17, $9.999999710e-10;
	v17 =	vmax.f32 v19, $9.999999710e-10  }
0x626: {  	vm6 =	vgt.f32 v25, v23;
	v16 =	vmul.f32 $5.000000000e-01, v16;
	v19 =	vld [tilespmem:s28+$0x6C10];
	v22 =	vmul.f32 $5.000000000e-01, v17  }
0x627: {  	v21 =	vmul.f32 $5.000000000e-01, v21;
	v17 =	vld [tilespmem:s2+$0x7600];
	vm4 =	vmor vm4, vm6;
	vm6 =	veq.s32 v6, v18  }
0x628: {  	vm4 =	vmand vm2, vm4;
	vm7 =	vgt.f32 v20, v16;
	v16 =	vld [tilespmem:s28+$0x6C20];
	vm8 =	vgt.f32 v27, v22  }
0x629: {  	v18 =	vld [tilespmem:s2+$0x6E20];
	v22 =	vsel vm4, $0xBF800000, v24;
	vm4 =	vmor vm6, vm7;
	vm6 =	vgt.f32 v26, v21  }
0x62a: {  	s30 =	sadd.s32 $0x4, s30;
	[tilespmem:s28+$0x6C00] =	vst v22;
	vm7 =	vgt.f32 v22, v13;
	vm4 =	vmand vm2, vm4;
	vm5 =	vmor vm5, vm6;
	v21 =	vld [tilespmem:s28+$0x6C30]  }
0x62b: {  	v20 =	vld [tilespmem:s2+$0x7020];
	v13 =	vsel vm7, v22, v13;
	v12 =	vsel vm7, s30, v12;
	v19 =	vsel vm4, $0xBF800000, v19  }
0x62c: {  	s3 =	sadd.s32 $0x1, s30;
	vm3 =	vmor vm3, vm8;
	vm5 =	vmand vm2, vm5;
	v25 =	vld [tilespmem:s2+$0x7220];
	[tilespmem:s28+$0x6C10] =	vst v19;
	vm4 =	vgt.f32 v19, v13  }
0x62d: {  	v26 =	vld [tilespmem:s2+$0x7420];
	v13 =	vsel vm4, v19, v13;
	v12 =	vsel vm4, s3, v12;
	v16 =	vsel vm5, $0xBF800000, v16  }
0x62e: {  	vm3 =	vmand vm2, vm3;
	s3 =	sadd.s32 $0x2, s30;
	v27 =	vld [tilespmem:s2+$0x6E10];
	[tilespmem:s28+$0x6C20] =	vst v16;
	vm4 =	vgt.f32 v16, v13  }
.Ltmp49:
0x62f: {  	s31 =	sadd.s32 $0x40, s31;
	v29 =	vld [tilespmem:s2+$0x7210];
	v13 =	vsel vm4, v16, v13;
	v12 =	vsel vm4, s3, v12;
	v21 =	vsel vm3, $0xBF800000, v21;
	(pc) =	sbr.rel @p2 .LBB2_96-.Ltmp49, $4  }
0x630: {  	s4 =	sadd.s32 $0x3, s30;
	v19 =	vor.u32 s31, v2;
	s3 =	sadd.s32 $0x30, s31;
	v28 =	vld [tilespmem:s2+$0x7410];
	[tilespmem:s28+$0x6C30] =	vst v21;
	vm3 =	vgt.f32 v21, v13;
	s28 =	smov.u32 s2  }
0x631: {  	s2 =	sadd.s32 $0x20, s31;
	v16 =	vor.u32 s3, v2;
	v30 =	vld [tilespmem:s28+$0x6E00];
	v13 =	vsel vm3, v21, v13;
	v12 =	vsel vm3, s4, v12  }
0x632: {  	v23 =	vadd.f32 v32, v11;
	v22 =	vadd.f32 v33, v11;
	v21 =	vor.u32 s2, v2;
	v31 =	vld [tilespmem:s28+$0x7200]  }
0x633: {  	s0 =	sadd.s32 $0x100, s0;
	v24 =	vadd.f32 v34, v11;
	v34 =	vmax.f32 v35, v9;
	v33 =	vmin.f32 v36, v10;
	v32 =	vld [tilespmem:s28+$0x7400]  }
0x634: {  	v35 =	vld [tilespmem:s28+$0x7000];
	v11 =	vadd.f32 v17, v11  }
0x635: {  	v15 =	vmin.f32 v15, v8;
	v14 =	vmax.f32 v14, v7;
	v41 =	vmin.f32 v25, v10;
	v42 =	vld [tilespmem:s28+$0x7010]  }
0x636: {  	v18 =	vmax.f32 v18, v9;
	v26 =	vmin.f32 v26, v8;
	v29 =	vmin.f32 v29, v10  }
0x637: {  	v27 =	vmax.f32 v27, v9;
	v46 =	vsub.f32 v33, v34;
	v20 =	vmax.f32 v20, v7  }
0x638: {  	v14 =	vsub.f32 v15, v14;
	v44 =	vmax.f32 v30, v9;
	v43 =	vmin.f32 v31, v10  }
0x639: {  	v45 =	vmin.f32 v32, v8;
	v9 =	vsub.f32 v43, v44;
	v47 =	vmax.f32 v35, v7  }
0x63a: {  	v8 =	vmin.f32 v28, v8;
	v7 =	vmax.f32 v42, v7;
	v48 =	vsub.f32 v45, v47  }
0x63b: {  	vm3 =	veq.s32 v6, v19;
	v50 =	vsub.f32 v29, v27;
	v7 =	vsub.f32 v8, v7  }
0x63c: {  	v49 =	vsub.f32 v41, v18;
	v9 =	vmax.f32 v9, $0.0e+00;
	v10 =	vmax.f32 v48, $0.0e+00  }
0x63d: {  	v17 =	vmax.f32 v50, $0.0e+00;
	v7 =	vmax.f32 v7, $0.0e+00;
	v8 =	vmul.f32 v10, v9  }
0x63e: {  	v51 =	vsub.f32 v26, v20;
	v52 =	vmax.f32 v46, $0.0e+00;
	v7 =	vmul.f32 v7, v17  }
0x63f: {  	v14 =	vmax.f32 v14, $0.0e+00;
	v15 =	vmax.f32 v49, $0.0e+00;
	v11 =	vsub.f32 v11, v8  }
0x640: {  	v9 =	vmax.f32 v51, $0.0e+00;
	v10 =	vmul.f32 v14, v52;
	v53 =	vsub.f32 v24, v7  }
0x641: {  	vm4 =	veq.s32 v6, v21;
	v9 =	vmul.f32 v9, v15;
	v11 =	vmax.f32 v11, $9.999999710e-10  }
0x642: {  	s0 =	sadd.s32 $0x10, s31;
	v54 =	vld [tilespmem:s28+$0x6C00];
	v56 =	vsub.f32 v23, v10;
	v14 =	vmax.f32 v53, $9.999999710e-10;
	v11 =	vmul.f32 $5.000000000e-01, v11  }
0x643: {  	v55 =	vor.u32 s0, v2;
	v57 =	vsub.f32 v22, v9;
	v58 =	vmul.f32 $5.000000000e-01, v14  }
0x644: {  	v59 =	vld [tilespmem:s28+$0x6C10];
	vm12 =	veq.s32 v6, v55;
	v18 =	vmax.f32 v56, $9.999999710e-10;
	vm5 =	vgt.f32 v8, v11  }
0x645: {  	v8 =	vmax.f32 v57, $9.999999710e-10;
	vm6 =	vgt.f32 v7, v58;
	vm3 =	vmor vm3, vm5  }
0x646: {  	v7 =	vld [tilespmem:s28+$0x6C20];
	v8 =	vmul.f32 $5.000000000e-01, v8;
	vm5 =	vmor vm12, vm6;
	vm3 =	vmand vm2, vm3  }
0x647: {  	vm5 =	vmand vm2, vm5;
	v60 =	vsel vm3, $0xBF800000, v54;
	vm3 =	veq.s32 v6, v16  }
0x648: {  	s26 =	sadd.s32 s29, s26;
	v6 =	vmul.f32 $5.000000000e-01, v18;
	vm13 =	vgt.f32 v9, v8;
	v8 =	vld [tilespmem:s28+$0x6C30];
	vm7 =	vgt.f32 v60, v13  }
0x649: {  	p2 =	slt.u32 @p1 s26, $0x64;
	v62 =	vsel vm5, $0xBF800000, v59;
	vm4 =	vmor vm4, vm13;
	v61 =	vsel vm7, v60, v13  }
0x64a: {  	p1 =	por !p1, !p2;
	vm14 =	vgt.f32 v10, v6;
	vm4 =	vmand vm2, vm4;
	vm15 =	vgt.f32 v62, v61  }
.Ltmp50:
0x64b: {  	s30 =	sadd.s32 $0x4, s30;
	vm3 =	vmor vm3, vm14;
	v7 =	vsel vm4, $0xBF800000, v7;
	v6 =	vsel vm15, v62, v61;
	(pc) =	sbr.rel @!p1 .LBB2_95-.Ltmp50, $4  }
0x64c: {  	s2 =	sadd.s32 $0x1, s30;
	[tilespmem:s28+$0x6C00] =	vst v60;
	v63 =	vsel vm7, s30, v12;
	vm2 =	vmand vm2, vm3;
	vm4 =	vgt.f32 v7, v6  }
0x64d: {  	s31 =	sadd.s32 $0x2, s30;
	[tilespmem:s28+$0x6C10] =	vst v62;
	v9 =	vsel vm15, s2, v63;
	v8 =	vsel vm2, $0xBF800000, v8;
	v6 =	vsel vm4, v7, v6  }
0x64e: {  	s0 =	sadd.s32 $0x3, s30;
	[tilespmem:s28+$0x6C20] =	vst v7;
	v7 =	vsel vm4, s31, v9;
	vm2 =	vgt.f32 v8, v6  }
0x64f: {  	[tilespmem:s28+$0x6C30] =	vst v8;
	v6 =	vsel vm2, v8, v6;
	v7 =	vsel vm2, s0, v7  }
.Ltmp51:
0x650: {  	s0 =	rddreg [dreg:$0x5];
	(pc) =	sbr.rel .LBB2_99-.Ltmp51, $4  }
0x651: {  	[hbm4b:s0+s1] =	stream.linear.scatter [tilespmem:s23], [sflag:$0x1], $0x80, $0x38;
	[tilespmem:$0x7880] =	vst v63  }
0x652: {  	_ =	swait.ge [sflag:s12], $0x80  }
0x653: {  	[sflag:s12] =	ssyncset.done $0x0  }
0x654: {  	[sflag:s12] =	ssyncadd.s32 $0xFFFFFF80  }
.LBB2_100:
0x655: {  	_ =	sfence.sel $0x180000  }
0x656: {  	[bflag:$0x0] =	sbarrier.arrive $0xFFFF  }
0x657: {  	_ =	strace $0x90000047  }
0x658: {  	s0 =	stileid.u32;
	[bflag:$0x2] =	sbarrier.arrive $0xFFFF  }
0x659: {  	p0 =	sne.s32 s0, $0x0;
	s0 =	rddreg [dreg:$0x1]  }
0x65a: {  	s0 =	sadd.s32 @!p0 $0x100000, s0  }
0x65b: {  	[sflag:s0] =	ssyncadd.tile.s32 @!p0 $0x1;
	_ =	shalt  }
.Lfunc_end2:
_tile_overlayer_lowered:
.L_overlay_start_2:
0x65c: {  	(tag) =	ssettag $0x2  }
0x65d: {  	s0 =	rddreg [dreg:$0x0];
	s2 =	stileid.u32  }
0x65e: {  	s1 =	rddreg [dreg:$0x1];
	p0 =	sne.s32 s2, $0x0  }
0x65f: {  	s3 =	rddreg [dreg:$0x2];
	[bflag:$0x3] =	sbarrier.arrive $0xFFFF;
	s2 =	simm.s32 @!p0 $0x1C01  }
0x660: {  	[timem:s3], [sflag:s2] =	dma.local @!p0 [hbm:s0], s1  }
0x661: {  	s0 =	simm.s32 @!p0 $0x1  }
0x662: {  	_ =	swait.ge @!p0 [sflag:s0], s1  }
0x663: {  	s1 =	ssub.s32 @!p0 $0x0, s1;
	[sflag:s0] =	ssyncset.done @!p0 $0x0  }
0x664: {  	[sflag:s0] =	ssyncadd.s32 @!p0 s1  }
0x665: {  	[bflag:$0x3] =	sbarrier.arrive $0xFFFF  }
0x666: {  	_ =	shalt  }

// kernel: kernel.8.cloned.1.call-start
scs
__scs_entry_jumppad:
0x0: {  	(pc) =	sbr.rel $0x88, $3  }
0x1: {  	(tag) =	ssettag $0x0;
	lr =	simm.s32 $0x1  }
0x2: {  	[smem:$0x3F9F] =	sst lr;
	_ =	strace $0xD0000000  }
0x3: {  	_ = 	snop  }
0x4: {  	_ = 	snop  }
0x5: {  	_ = 	snop  }
0x6: {  	_ = 	snop  }
0x7: {  	_ = 	snop  }
__scs_overlays_trampoline_lowered:
0x8: {  	[smem:$0x3FAE] =	sst s0  }
0x9: {  	[smem:$0x3FAF] =	sst s1  }
0xa: {  	[smem:$0x3FB0] =	sst s2  }
0xb: {  	[smem:$0x3FB1] =	sst s3  }
0xc: {  	[smem:$0x3FB2] =	sst s4  }
0xd: {  	[smem:$0x3FB3] =	sst s5  }
0xe: {  	[smem:$0x3FB4] =	sst s6  }
0xf: {  	[smem:$0x3FB5] =	sst s7  }
0x10: {  	[smem:$0x3FB6] =	sst s8  }
0x11: {  	[smem:$0x3FB7] =	sst s9;
	s0 =	simm.s32 @!p0 $0x0  }
0x12: {  	s1 =	sld [smem:$0x3F9D];
	s0 =	simm.s32 @p0 $0x1  }
0x13: {  	[smem:$0x3FB8] =	sst s0;
	s0 =	simm.s32 @!p1 $0x0  }
0x14: {  	s2 =	sld [smem:$0x3F9C];
	s0 =	simm.s32 @p1 $0x1  }
0x15: {  	[smem:$0x3FB9] =	sst s0;
	s0 =	simm.s32 @!p2 $0x0  }
0x16: {  	s3 =	sld [smem:$0x3FDB];
	s0 =	simm.s32 @p2 $0x1  }
0x17: {  	s4 =	simm.s32 $0x1BF5;
	[smem:$0x3FBB] =	sst s0  }
0x18: {  	s0 =	sld [smem:$0x3F9E];
	_ =	swait.ge [sflag:s4], $0x0  }
0x19: {  	s7 =	sld [smem:$0x3F9F]  }
0x1a: {  	s8 =	sadd.s32 $0xFFFFE003, lr  }
0x1b: {  	s9 =	sadd.s32 $0xFFFFFEF7, lr;
	s5 =	simm.s32 $0xFFFFFFFF;
	p2 =	slt.u32 s8, $0xFFFFF086  }
0x1c: {  	p1 =	slt.u32 s9, $0xF7A;
	s5 =	simm.s32 @!p2 $0x0  }
0x1d: {  	s5 =	simm.s32 @p1 $0x1;
	p0 =	seq.s32 s7, s2  }
0x1e: {  	s7 =	smul.u32 @!p0 $0xF7A, s2;
	p2 =	seq.s32 @!p0 s5, $0x0  }
0x1f: {  	s9 =	smul.u32 $0xF7A, s1;
	s8 =	simm.s32 @!p0 $0x1BF5;
	p2 =	por !p2, p0  }
0x20: {  	[sflag:s8] =	ssyncset.s32 @!p0 $0xFFFFF086;
	s6 =	sadd.s32 @!p0 s3, s7;
	s7 =	simm.s32 @!p0 $0x108  }
0x21: {  	s3 =	sadd.s32 s3, s9;
	s6 =	sadd.s32 @!p0 $0x88, s6;
	s7 =	simm.s32 @p2 $0x1082  }
0x22: {  	[simem:s7], [sflag:s8] =	dma.local @!p0 [hbm:s6], $0xF7A  }
0x23: {  	s9 =	sor.u32 $0xD0000000, s2;
	s6 =	simm.s32 $0x108;
	_ =	swait.ge @!p0 [sflag:s8], $0x0  }
0x24: {  	s3 =	sadd.s32 $0x88, s3;
	s6 =	simm.s32 @!p1 $0x1082;
	[sflag:s4] =	ssyncset.s32 $0xFFFFF086  }
0x25: {  	[simem:s6], [sflag:s4] =	dma.local [hbm:s3], $0xF7A  }
0x26: {  	[smem:$0x3F9F] =	sst s1;
	(tag) =	ssettag s2;
	_ =	strace s9  }
0x27: {  	s1 =	sld [smem:$0x3FAF]  }
0x28: {  	s2 =	sld [smem:$0x3FB0]  }
0x29: {  	s4 =	sld [smem:$0x3FB2]  }
0x2a: {  	p0 =	seq.s32 s5, $0x0;
	s5 =	sld [smem:$0x3FB3]  }
0x2b: {  	s6 =	sld [smem:$0x3FB4]  }
0x2c: {  	s7 =	sld [smem:$0x3FB5]  }
0x2d: {  	s3 =	simm.s32 $0x108;
	s8 =	sld [smem:$0x3FB6]  }
0x2e: {  	s3 =	simm.s32 @!p0 $0x1082;
	s9 =	sld [smem:$0x3FB7]  }
0x2f: {  	lr =	sadd.s32 s0, s3;
	s0 =	sld [smem:$0x3FAE]  }
0x30: {  	s3 =	sld [smem:$0x3FB1]  }
0x31: {  	[smem:$0x3FBA] =	sst s10  }
0x32: {  	s10 =	sld [smem:$0x3FB8];
	_ =	sdelay $0x3  }
0x33: {  	p0 =	seq.s32 s10, $0x1;
	s10 =	sld [smem:$0x3FBA];
	_ =	sdelay $0x3  }
0x34: {  	[smem:$0x3FBA] =	sst s10  }
0x35: {  	s10 =	sld [smem:$0x3FB9];
	_ =	sdelay $0x3  }
0x36: {  	p1 =	seq.s32 s10, $0x1;
	s10 =	sld [smem:$0x3FBA];
	_ =	sdelay $0x3  }
0x37: {  	[smem:$0x3FBA] =	sst s10  }
0x38: {  	s10 =	sld [smem:$0x3FBB]  }
0x39: {  	_ = 	snop;
	(pc) =	sbr.ind lr, $3  }
0x3a: {  	_ = 	snop  }
0x3b: {  	_ = 	snop  }
0x3c: {  	p2 =	seq.s32 s10, $0x1;
	s10 =	sld [smem:$0x3FBA]  }
0x3d: {  	_ =	shalt  }
0x3e: {  	_ =	shalt  }
0x3f: {  	_ =	shalt  }
0x40: {  	_ =	shalt  }
0x41: {  	_ =	shalt  }
0x42: {  	_ =	shalt  }
0x43: {  	_ =	shalt  }
0x44: {  	_ =	shalt  }
0x45: {  	_ =	shalt  }
0x46: {  	_ =	shalt  }
0x47: {  	_ =	shalt  }
0x48: {  	_ =	shalt  }
0x49: {  	_ =	shalt  }
0x4a: {  	_ =	shalt  }
0x4b: {  	_ =	shalt  }
0x4c: {  	_ =	shalt  }
0x4d: {  	_ =	shalt  }
0x4e: {  	_ =	shalt  }
0x4f: {  	_ =	shalt  }
0x50: {  	_ =	shalt  }
0x51: {  	_ =	shalt  }
0x52: {  	_ =	shalt  }
0x53: {  	_ =	shalt  }
0x54: {  	_ =	shalt  }
0x55: {  	_ =	shalt  }
0x56: {  	_ =	shalt  }
0x57: {  	_ =	shalt  }
0x58: {  	_ =	shalt  }
0x59: {  	_ =	shalt  }
0x5a: {  	_ =	shalt  }
0x5b: {  	_ =	shalt  }
0x5c: {  	_ =	shalt  }
0x5d: {  	_ =	shalt  }
0x5e: {  	_ =	shalt  }
0x5f: {  	_ =	shalt  }
0x60: {  	_ =	shalt  }
0x61: {  	_ =	shalt  }
0x62: {  	_ =	shalt  }
0x63: {  	_ =	shalt  }
0x64: {  	_ =	shalt  }
0x65: {  	_ =	shalt  }
0x66: {  	_ =	shalt  }
0x67: {  	_ =	shalt  }
0x68: {  	_ =	shalt  }
0x69: {  	_ =	shalt  }
0x6a: {  	_ =	shalt  }
0x6b: {  	_ =	shalt  }
0x6c: {  	_ =	shalt  }
0x6d: {  	_ =	shalt  }
0x6e: {  	_ =	shalt  }
0x6f: {  	_ =	shalt  }
0x70: {  	_ =	shalt  }
0x71: {  	_ =	shalt  }
0x72: {  	_ =	shalt  }
0x73: {  	_ =	shalt  }
0x74: {  	_ =	shalt  }
0x75: {  	_ =	shalt  }
0x76: {  	_ =	shalt  }
0x77: {  	_ =	shalt  }
0x78: {  	_ =	shalt  }
0x79: {  	_ =	shalt  }
0x7a: {  	_ =	shalt  }
0x7b: {  	_ =	shalt  }
0x7c: {  	_ =	shalt  }
0x7d: {  	_ =	shalt  }
0x7e: {  	_ =	shalt  }
0x7f: {  	_ =	shalt  }
0x80: {  	_ =	shalt  }
0x81: {  	_ =	shalt  }
0x82: {  	_ =	shalt  }
0x83: {  	_ =	shalt  }
0x84: {  	_ =	shalt  }
0x85: {  	_ =	shalt  }
0x86: {  	_ =	shalt  }
0x87: {  	_ =	shalt  }
.Lfunc_end0:
.L_simem_size_0:
called_computation.1_lowered:
.L_overlay_start_0:
0x88: {  	s2 =	sld [smem:$0x3FD9]  }
0x89: {  	s3 =	sld [smem:$0x3FFE];
	_ =	sdelay $0x1  }
0x8a: {  	s1 =	srdreg.scid  }
0x8b: {  	s0 =	sand.u32 $0x1, s1  }
0x8c: {  	s17 =	sshll.u32 s0, $0xA;
	s2 =	sadd.s32 s3, s2  }
0x8d: {  	s2 =	sadd.s32 s2, s17  }
0x8e: {  	[smem:$0x3FC6] =	sst s2  }
0x8f: {  	_ = 	snop  }
0x90: {  	s2 =	sld [smem:$0x3FD0];
	(tm) =	ssettm $0x1  }
0x91: {  	s18 =	sld [smem:$0x3FFB];
	_ =	sdelay $0x3  }
0x92: {  	_ =	strace s18  }
0x93: {  	s3 =	sld [smem:$0x3FFC];
	_ =	sdelay $0x3  }
0x94: {  	_ =	strace s3  }
0x95: {  	s3 =	sld [smem:$0x3FFD];
	_ =	sdelay $0x3  }
0x96: {  	_ =	strace s3  }
0x97: {  	_ =	strace $0x8FFFFFFF  }
0x98: {  	s19 =	sld [smem:$0x3FDB];
	_ =	sdelay $0x1  }
0x99: {  	s4 =	simm.s32 $_scs_section_size  }
0x9a: {  	s5 =	simm.s32 $_size__tile_overlayer_lowered;
	s6 =	simm.s32 $_tile_overlayer_lowered  }
0x9b: {  	s22 =	simm.s32 $0x1BFF;
	s21 =	sshll.u32 s6, $0x1;
	s3 =	sadd.s32 s4, s19  }
0x9c: {  	s7 =	simm.s32 $0x0;
	s20 =	sshll.u32 s5, $0x1;
	s5 =	sadd.s32 s21, s3  }
0x9d: {  	[timem:s7], [sflag:s22] =	dma.local [hbm:s5], s20  }
0x9e: {  	_ =	swait.ge [sflag:s22], s20  }
0x9f: {  	s4 =	ssub.s32 $0x0, s20;
	[sflag:s22] =	ssyncset.done $0x0  }
0xa0: {  	[sflag:s22] =	ssyncadd.s32 s4;
	_ =	sdelay $0x1  }
0xa1: {  	s23 =	simm.s32 $0x1B8B  }
0xa2: {  	_ =	swait.ge [sflag:s23], $0x1  }
0xa3: {  	[sflag:s23] =	ssyncset.done $0x0  }
0xa4: {  	s25 =	simm.s32 $0x1B8E;
	s24 =	sld [smem:$0x3FFE];
	[sflag:s23] =	ssyncadd.s32 $0xFFFFFFFF  }
0xa5: {  	s26 =	simm.s32 $execute0_lowered;
	[smem:$0x3FD2] =	sst s25  }
0xa6: {  	s5 =	sshll.u32 s26, $0x1;
	_ =	strace $0x80000049;
	[dreg:$0x1] =	wrdreg $0xFFFFFFFF  }
0xa7: {  	s28 =	simm.s32 $_size_execute0_lowered;
	s3 =	sadd.s32 s3, s5;
	[dreg:$0x0] =	wrdreg $0x0  }
0xa8: {  	s5 =	sshll.u32 s28, $0x1;
	[dreg:$0x2] =	wrdreg s3  }
0xa9: {  	[dreg:$0x3] =	wrdreg s5  }
0xaa: {  	[dreg:$0x4] =	wrdreg $0xC0  }
0xab: {  	_ =	task [dreg:s7], $0x5FFFF  }
0xac: {  	[dreg:$0x1] =	wrdreg $0xFFFFFFFF  }
0xad: {  	[dreg:$0x0] =	wrdreg $0x60  }
0xae: {  	[dreg:$0x2] =	wrdreg s24  }
0xaf: {  	[dreg:$0x3] =	wrdreg s2  }
0xb0: {  	[dreg:$0x4] =	wrdreg $0x9  }
0xb1: {  	_ =	task.clear_ibuf [dreg:s7], $0x5FFFF;
	_ =	strace $0x90000049  }
0xb2: {  	s29 =	simm.s32 $0x9;
	_ =	strace $0x8000004B  }
0xb3: {  	_ =	swait.ge [sflag:s29], $0x1  }
0xb4: {  	[sflag:s29] =	ssyncadd.s32 $0xFFFFFFFF  }
0xb5: {  	_ =	strace $0x9000004B  }
0xb6: {  	_ =	sfence  }
0xb7: {  	s30 =	sld [smem:$0x0];
	_ =	sdelay $0x2  }
0xb8: {  	s31 =	sshll.u32 s1, $0xD;
	s1 =	sshrl.u32 s1, $0x2  }
0xb9: {  	s3 =	sand.u32 $0x4000, s31;
	s1 =	sadd.s32 s1, s30  }
0xba: {  	s0 =	sor.u32 s3, s0;
	s1 =	sshll.u32 s1, $0x11  }
0xbb: {  	s0 =	sor.u32 s1, s0  }
0xbc: {  	s0 =	sadd.s32 $0x8F2B, s0  }
0xbd: {  	[sflag:s0] =	ssyncadd.remote.s32 $0x1  }
0xbe: {  	_ =	sfence.sel $0xFFFF  }
0xbf: {  	[dreg:$0x0] =	wrdreg $0xFFFFFFFF;
	(pc) =	sbr.abs _section_cstart, $3  }
0xc0: {  	[dreg:$0x1] =	wrdreg $0xFFFFFFFF  }
0xc1: {  	_ =	task.clear_ibuf [dreg:s7], $0x2FFFF;
	_ =	strace $0x9FFFFFFF  }
0xc2: {  	(tm) =	ssettm $0x7FFFFFFF  }
0xc3: {  	_ =	shalt  }
tec
execute0_lowered:
.L_overlay_start_1:
0x0: {  	(tag) =	ssettag $0x1  }
0x1: {  	s0 =	srdreg.scid  }
0x2: {  	s4 =	sand.u32 $0x1, s0;
	s0 =	stileid.u32  }
0x3: {  	s5 =	sshll.u32 s0, $0x1;
	s6 =	ssub.s32 $0x0, s4  }
0x4: {  	p0 =	sne.s32 s5, s6  }
.Ltmp0:
0x5: {  	_ = 	snop;
	(pc) =	sbr.rel @p0 .LBB2_5-.Ltmp0, $4  }
0x6: {  	_ = 	snop  }
0x7: {  	s3 =	rddreg [dreg:$0x0]  }
0x8: {  	s2 =	rddreg [dreg:$0x1]  }
0x9: {  	s1 =	rddreg [dreg:$0x2];
	_ =	strace $0x8000004A  }
0xa: {  	v0 =	vlaneseq.u32  }
0xb: {  	v1 =	vmul.u32 $0x80, v0;
	v6 =	vor.u32 $0x80000040, v0  }
0xc: {  	s4 =	ssub.s32 $0x2, s4;
	v7 =	vor.u32 $0x80000030, v0;
	v8 =	vor.u32 $0x80000020, v0;
	v9 =	vor.u32 $0x80000010, v0  }
0xd: {  	s3 =	sadd.s32 $0xDE00, s3;
	s5 =	sshrl.u32 s4, $0x1;
	v10 =	vor.u32 $0x80000000, v0;
	v11 =	vor.u32 $0x10, v0;
	v12 =	vor.u32 $0x20, v0  }
0xe: {  	s6 =	simm.s32 $0x1;
	s7 =	simm.s32 $0x2800;
	v13 =	vor.u32 $0x30, v0;
	v14 =	vor.u32 $0x40, v0;
	s4 =	ssub.s32 s4, s5;
	v2 =	vor.u32 $0x800, v1  }
0xf: {  	s8 =	simm.s32 $0x0;
	s5 =	simm.s32 $0x0;
	v3 =	vor.u32 $0x1000, v1;
	v4 =	vor.u32 $0x1800, v1;
	v5 =	vor.u32 $0x2000, v1;
	s4 =	smax.u32 s4, $0x1  }
.LBB2_2:
0x10: {  	[tilespmem:s5], [sflag:$0x1] =	stream.linear.gather [hbm4b:s3+s5], $0x2800, $0x38;
	[tilespmem:$0x2A00] =	vst v63  }
0x11: {  	v15 =	vimm.s32 $0x0;
	_ =	swait.ge [sflag:s6], $0x2800  }
0x12: {  	v16 =	vimm.s32 $0x0;
	v17 =	vimm.s32 $0x0;
	v20 =	vadd.s32 v2, v15;
	[sflag:s6] =	ssyncset.done $0x0  }
0x13: {  	s10 =	simm.s32 $0x1;
	s9 =	simm.s32 $0x0;
	v18 =	vimm.s32 $0x0;
	v19 =	vimm.s32 $0x0;
	v21 =	vadd.s32 v1, v15;
	[sflag:s6] =	ssyncadd.s32 $0xFFFFD800  }
.LBB2_3:
0x14: {  	p0 =	sne.s32 s10, $0x12B;
	v22 =	vadd.s32 v3, v15  }
0x15: {  	v23 =	vadd.s32 v4, v16  }
0x16: {  	v24 =	vadd.s32 v5, v17  }
0x17: {  	v20 =	vld.idx.msk [tilespmem:v20+s5+$0x0], $0xffff  }
0x18: {  	v21 =	vld.idx.msk [tilespmem:v21+s5+$0x0], $0xffff  }
0x19: {  	v22 =	vld.idx.msk [tilespmem:v22+s5+$0x0], $0xffff  }
0x1a: {  	v23 =	vld.idx.msk [tilespmem:v23+s5+$0x0], $0xffff  }
0x1b: {  	v24 =	vld.idx.msk [tilespmem:v24+s5+$0x0], $0xffff;
	_ =	sdelay $0x2  }
0x1c: {  	v25 =	vmax.f32 v21, v20  }
0x1d: {  	v25 =	vmax.f32 v25, v22  }
0x1e: {  	v25 =	vmax.f32 v25, v23  }
0x1f: {  	v25 =	vmax.f32 v25, v24  }
0x20: {  	(xrf0) =	vmax.scan.msk.f32 $0xffff, v25;
	_ =	sdelay $0x3  }
0x21: {  	v25 =	vmov s9;
	s9 =	smov.u32 s10;
	_ =	sdelay $0x1  }
0x22: {  	v26, _, _ =	vpop (xrf0)  }
0x23: {  	v26 =	vbroadcast v26, $0xF;
	_ =	sdelay $0x1  }
0x24: {  	vm0 =	veq.f32 v24, v26;
	[tilespmem:v25+s7+$0x0] =	vst.idx.msk $0x1, v26  }
0x25: {  	vm1 =	veq.f32 v23, v26;
	v23 =	vnsel vm0, $0x800F4240, v6  }
0x26: {  	vm0 =	veq.f32 v22, v26;
	v22 =	vsel vm1, v7, v23  }
0x27: {  	vm1 =	veq.f32 v20, v26;
	v20 =	vsel vm0, v8, v22  }
0x28: {  	vm0 =	veq.f32 v21, v26;
	v20 =	vsel vm1, v9, v20  }
0x29: {  	v20 =	vsel vm0, v10, v20  }
0x2a: {  	(xrf0) =	vmin.scan.msk.u32 $0xffff, v20;
	_ =	sdelay $0x5  }
0x2b: {  	v20, _, _ =	vpop (xrf0)  }
0x2c: {  	(v2sf) =	vpush v20, $0xF;
	_ =	sdelay $0xb  }
0x2d: {  	v21 =	vadd.s32 $0x1, v17;
	v20 =	vadd.s32 $0x1, v16  }
0x2e: {  	vm1 =	vlt.s32 v21, $0x7F;
	vm0 =	vlt.s32 v20, $0x7F  }
0x2f: {  	v22 =	vadd.s32 $0x1, v15;
	v24 =	vnsel vm1, $0x7F, v21;
	v23 =	vnsel vm0, $0x7F, v20  }
0x30: {  	v21 =	vadd.s32 $0x1, v19;
	v20 =	vadd.s32 $0x1, v18;
	vm0 =	vlt.s32 v22, $0x7F;
	s11 =	spop (v2sf)  }
0x31: {  	vm2 =	vlt.s32 v21, $0x7F;
	vm1 =	vlt.s32 v20, $0x7F;
	v22 =	vnsel vm0, $0x7F, v22;
	s11 =	sxor.u32 $0x80000000, s11  }
.Ltmp1:
0x32: {  	v21 =	vnsel vm2, $0x7F, v21;
	v20 =	vnsel vm1, $0x7F, v20;
	v25 =	vmov s11;
	(pc) =	sbr.rel @p0 .LBB2_3-.Ltmp1, $4  }
0x33: {  	vm0 =	veq.s32 v25, v0;
	vm1 =	veq.s32 v25, v11;
	vm2 =	veq.s32 v25, v12  }
0x34: {  	v18 =	vsel vm0, v20, v18;
	v19 =	vsel vm1, v21, v19;
	v15 =	vsel vm2, v22, v15  }
0x35: {  	vm0 =	veq.s32 v25, v13;
	vm1 =	veq.s32 v25, v14;
	v20 =	vadd.s32 v2, v19  }
0x36: {  	s10 =	sadd.s32 $0x1, s10;
	v21 =	vadd.s32 v1, v18;
	v16 =	vsel vm0, v23, v16;
	v17 =	vsel vm1, v24, v17  }
0x37: {  	_ = 	snop  }
0x38: {  	v15 =	vadd.s32 v3, v15  }
0x39: {  	v16 =	vadd.s32 v4, v16  }
0x3a: {  	v17 =	vadd.s32 v5, v17  }
0x3b: {  	v18 =	vld.idx.msk [tilespmem:v20+s5+$0x0], $0xffff  }
0x3c: {  	v19 =	vld.idx.msk [tilespmem:v21+s5+$0x0], $0xffff  }
0x3d: {  	v15 =	vld.idx.msk [tilespmem:v15+s5+$0x0], $0xffff  }
0x3e: {  	v16 =	vld.idx.msk [tilespmem:v16+s5+$0x0], $0xffff  }
0x3f: {  	v17 =	vld.idx.msk [tilespmem:v17+s5+$0x0], $0xffff;
	_ =	sdelay $0x1  }
0x40: {  	v20 =	vmax.f32 v19, v18  }
0x41: {  	v20 =	vmax.f32 v20, v15  }
0x42: {  	v20 =	vmax.f32 v20, v16  }
0x43: {  	v20 =	vmax.f32 v20, v17  }
0x44: {  	(xrf0) =	vmax.scan.msk.f32 $0xffff, v20;
	_ =	sdelay $0x5  }
0x45: {  	v20, _, _ =	vpop (xrf0)  }
0x46: {  	v20 =	vbroadcast v20, $0xF;
	_ =	sdelay $0x1  }
0x47: {  	vm0 =	veq.f32 v17, v20  }
0x48: {  	vm1 =	veq.f32 v16, v20;
	v63 =	vnsel vm0, $0x800F4240, v6  }
0x49: {  	vm13 =	veq.f32 v15, v20;
	v15 =	vsel vm1, v7, v63  }
0x4a: {  	vm14 =	veq.f32 v18, v20;
	v15 =	vsel vm13, v8, v15  }
0x4b: {  	vm15 =	veq.f32 v19, v20;
	v15 =	vsel vm14, v9, v15  }
0x4c: {  	v15 =	vsel vm15, v10, v15  }
0x4d: {  	(xrf0) =	vmin.scan.msk.u32 $0xffff, v15;
	_ =	sdelay $0x5  }
0x4e: {  	v15, _, _ =	vpop (xrf0)  }
0x4f: {  	(v2sf) =	vpush v15, $0xF;
	_ =	sdelay $0x6  }
0x50: {  	v15 =	vmov s9;
	_ =	sdelay $0x3  }
0x51: {  	s8 =	sadd.s32 $0x1, s8  }
0x52: {  	p0 =	sne.s32 s8, s4;
	[tilespmem:v15+s7+$0x0] =	vst.idx.msk $0x1, v20  }
0x53: {  	[hbm4b:s2+s5] =	stream.linear.scatter [tilespmem:s7], [sflag:$0x1], $0x200, $0x38;
	[tilespmem:$0x2A00] =	vst v63  }
.Ltmp2:
0x54: {  	_ = 	snop;
	(pc) =	sbr.rel @p0 .LBB2_2-.Ltmp2, $4  }
0x55: {  	s31 =	spop (v2sf)  }
0x56: {  	_ =	swait.ge [sflag:s6], $0x200  }
0x57: {  	[sflag:s6] =	ssyncset.done $0x0  }
0x58: {  	[sflag:s6] =	ssyncadd.s32 $0xFFFFFE00  }
.LBB2_5:
0x59: {  	_ =	sfence.sel $0x180000  }
0x5a: {  	[bflag:$0x0] =	sbarrier.arrive $0xFFFF  }
0x5b: {  	p0 =	sne.s32 s0, $0x0;
	_ =	strace $0x9000004A  }
0x5c: {  	s0 =	sadd.s32 @!p0 $0x100000, s1;
	[bflag:$0x2] =	sbarrier.arrive $0xFFFF  }
0x5d: {  	[sflag:s0] =	ssyncadd.tile.s32 @!p0 $0x1;
	_ =	shalt  }
.Lfunc_end2:
_tile_overlayer_lowered:
.L_overlay_start_2:
0x5e: {  	(tag) =	ssettag $0x2  }
0x5f: {  	s0 =	rddreg [dreg:$0x0];
	s2 =	stileid.u32  }
0x60: {  	s1 =	rddreg [dreg:$0x1];
	p0 =	sne.s32 s2, $0x0  }
0x61: {  	s3 =	rddreg [dreg:$0x2];
	[bflag:$0x3] =	sbarrier.arrive $0xFFFF;
	s2 =	simm.s32 @!p0 $0x1C01  }
0x62: {  	[timem:s3], [sflag:s2] =	dma.local @!p0 [hbm:s0], s1  }
0x63: {  	s0 =	simm.s32 @!p0 $0x1  }
0x64: {  	_ =	swait.ge @!p0 [sflag:s0], s1  }
0x65: {  	s1 =	ssub.s32 @!p0 $0x0, s1;
	[sflag:s0] =	ssyncset.done @!p0 $0x0  }
0x66: {  	[sflag:s0] =	ssyncadd.s32 @!p0 s1  }
0x67: {  	[bflag:$0x3] =	sbarrier.arrive $0xFFFF  }
0x68: {  	_ =	shalt  }

</sc_bundles>
